<compile_context>
chip_gen: v7x
topology: tpu7x:2x2x1
jax: 0.10.2.dev20260603
libtpu: 0.0.44.dev20260713+nightly
codegen_flags: <defaults>
</compile_context>

<pallas_src>
import functools

import jax
import jax.numpy as jnp
import numpy as np
from jax import lax
from jax.experimental import pallas as pl
from jax.experimental.pallas import tpu as pltpu
from jax.experimental.pallas import tpu_sc as plsc

N = 10000
E = 320000
D = 128

NC = 2
NS = 16
NW = NC * NS

CL = 64
EPW = 10240
CHUNKS = EPW // CL
EPAD = EPW * NW
NB = 4
NSTAGE = 4
HC = CHUNKS // NSTAGE
NPAD = 10240
ZROWS = NPAD // NS

_PAD = EPAD - E
_SRC_PAD = np.arange(_PAD, dtype=np.int32) % N
_DST_PAD = (N + np.arange(_PAD, dtype=np.int32) % (NPAD - N)).astype(np.int32)
_EDGE_PAD = np.stack([_SRC_PAD, _DST_PAD])

_sc_mesh = plsc.VectorSubcoreMesh(core_axis_name="c", subcore_axis_name="s")


@functools.partial(
    pl.kernel,
    out_type=jax.ShapeDtypeStruct((NC, NPAD, D), jnp.float32),
    mesh=_sc_mesh,
    scratch_types=[
        pltpu.VMEM((HC * CL,), jnp.int32),
        pltpu.VMEM((HC * CL,), jnp.int32),
        [pltpu.VMEM((CL, D), jnp.float32)] * NB,
        [pltpu.SemaphoreType.DMA] * NB,
        [pltpu.SemaphoreType.DMA] * NB,
        pltpu.VMEM_SHARED((NPAD, D), jnp.float32),
    ],
)
def _sc_agg(edges_hbm, x_hbm, out_hbm,
            src_v, dst_v, bufs, gsems, ssems, agg_sh):
    cid = lax.axis_index("c")
    sid = lax.axis_index("s")
    wid = sid * NC + cid

    def zbody(i, carry):
        bufs[0][i // 8, pl.ds((i % 8) * 16, 16)] = jnp.zeros(
            (16,), jnp.float32)
        return carry

    lax.fori_loop(0, CL * 8, zbody, 0)
    for t in range(ZROWS // CL):
        pltpu.sync_copy(bufs[0], agg_sh.at[pl.ds(sid * ZROWS + t * CL, CL)])
    plsc.subcore_barrier()

    def _scat(buf, j, sem):
        for m in range(CL // 16):
            idxv = dst_v[pl.ds(j * CL + m * 16, 16)]
            pltpu.async_copy(buf.at[pl.ds(m * 16, 16)], agg_sh.at[idxv],
                             sem, add=True)

    def _scat_wait(buf, sem):
        dummy = dst_v[pl.ds(0, 16)]
        for m in range(CL // 16):
            pltpu.make_async_copy(buf.at[pl.ds(m * 16, 16)],
                                  agg_sh.at[dummy], sem).wait()

    for h in range(NSTAGE):
        pltpu.sync_copy(
            edges_hbm.at[0, pl.ds(wid * EPW + h * HC * CL, HC * CL)], src_v)
        pltpu.sync_copy(
            edges_hbm.at[1, pl.ds(wid * EPW + h * HC * CL, HC * CL)], dst_v)
        for k in range(NB - 1):
            pltpu.async_copy(x_hbm.at[src_v.at[pl.ds(k * CL, CL)]],
                             bufs[k], gsems[k])

        def body(i, carry):
            j0 = NB * i
            for k in range(NB):
                j = j0 + k
                kf = (k + NB - 1) % NB

                @pl.when(j + NB - 1 < HC)
                def _():
                    @pl.when(j >= 1)
                    def _():
                        _scat_wait(bufs[kf], ssems[kf])
                    pltpu.async_copy(
                        x_hbm.at[src_v.at[pl.ds((j + NB - 1) * CL, CL)]],
                        bufs[kf], gsems[kf])

                pltpu.make_async_copy(
                    x_hbm.at[src_v.at[pl.ds(j * CL, CL)]], bufs[k],
                    gsems[k]).wait()
                _scat(bufs[k], j, ssems[k])
            return carry

        lax.fori_loop(0, HC // NB, body, 0)
        for k in range(NB):
            _scat_wait(bufs[k], ssems[k])

    plsc.subcore_barrier()

    pltpu.sync_copy(agg_sh.at[pl.ds(sid * ZROWS, ZROWS)],
                    out_hbm.at[cid, pl.ds(sid * ZROWS, ZROWS)])


def _tc_body(x_ref, p_ref, w1_ref, b1_ref, w2_ref, b2_ref, g_ref, bt_ref,
             out_ref):
    x = x_ref[...]
    h0 = x + p_ref[0, :N] + p_ref[1, :N]
    h1 = jnp.dot(h0, w1_ref[...], preferred_element_type=jnp.float32)
    h1 = jnp.maximum(h1 + b1_ref[...], 0.0)
    h2 = jnp.dot(h1, w2_ref[...], preferred_element_type=jnp.float32)
    h2 = h2 + b2_ref[...]
    mean = jnp.mean(h2, axis=0, keepdims=True)
    var = jnp.mean((h2 - mean) ** 2, axis=0, keepdims=True)
    out_ref[...] = ((h2 - mean) * lax.rsqrt(var + 1e-5) * g_ref[...]
                    + bt_ref[...] + x)


_tc_mlp = pl.pallas_call(
    _tc_body,
    out_shape=jax.ShapeDtypeStruct((N, D), jnp.float32),
)


def kernel(x, edge_index, W1, b1, W2, b2, gamma, beta):
    edges = jnp.concatenate(
        [edge_index.astype(jnp.int32), jnp.asarray(_EDGE_PAD)], axis=1)

    partial = _sc_agg(edges, x)
    return _tc_mlp(x, partial, W1, b1.reshape(1, D), W2, b2.reshape(1, D),
                   gamma.reshape(1, D), beta.reshape(1, D))

# --- scband reference (transcript-rebuilt; emitter-appended) ---
"""Pipeline reference for scband-ginlayer-59459527246446 (READ-ONLY COPY).

The authoritative reference and input builder live on the scoring server;
editing this copy changes nothing except your own understanding.
"""

import jax, jax.numpy as jnp
import numpy as np

N = 10000
E = 320000
D = 128
H = 128

def setup_inputs(seed: int = 0) -> dict:
    key = jax.random.key(seed)
    ks = jax.random.split(key, 8)
    x = jax.random.normal(ks[0], (N, D), dtype=jnp.float32)
    edge_index = jax.random.randint(ks[1], (2, E), 0, N, dtype=jnp.int64)
    W1 = jax.random.normal(ks[2], (D, H), dtype=jnp.float32) * (1.0 / np.sqrt(D))
    b1 = jnp.zeros((H,), dtype=jnp.float32)
    W2 = jax.random.normal(ks[3], (H, D), dtype=jnp.float32) * (1.0 / np.sqrt(H))
    b2 = jnp.zeros((D,), dtype=jnp.float32)
    gamma = jnp.ones((D,), dtype=jnp.float32)
    beta = jnp.zeros((D,), dtype=jnp.float32)
    return {"x": x, "edge_index": edge_index, "W1": W1, "b1": b1, "W2": W2, "b2": b2, "gamma": gamma, "beta": beta}

def reference(x, edge_index, W1, b1, W2, b2, gamma, beta):
    # GINConv with eps=0 (train_eps=False): out_i = MLP((1+eps)*x_i + sum_{j in N(i)} x_j)
    src = edge_index[0]
    dst = edge_index[1]
    msgs = jnp.take(x, src, axis=0)                       # gather source features [E, D]
    agg = jax.ops.segment_sum(msgs, dst, num_segments=N)  # scatter-add to dst [N, D]
    h = x + agg                                           # (1 + 0) * x + aggregated
    # MLP: Linear -> ReLU -> Linear
    h = jnp.maximum(h @ W1 + b1, 0.0)
    h = h @ W2 + b2
    # BatchNorm1d (training mode: batch statistics, eps=1e-5)
    mean = jnp.mean(h, axis=0)
    var = jnp.var(h, axis=0)
    h = (h - mean) / jnp.sqrt(var + 1e-5) * gamma + beta
    # residual
    h = h + x
    return h

if __name__ == "__main__":
    import jax
    _d = setup_inputs()
    print(jax.jit(kernel)(*tuple(_d.values())))

</pallas_src>

<mosaic_0001>
#map = affine_map<(d0, d1) -> (0, 0)>
#map1 = affine_map<(d0, d1) -> (0, 0, 0)>
module attributes {stable_mosaic.version = 14 : i64} {
  func.func @_sc_agg(%arg0: i32, %arg1: i32, %arg2: memref<2x327680xi32, #tpu.memory_space<hbm>>, %arg3: memref<10000x128xf32, #tpu.memory_space<hbm>>, %arg4: memref<2x10240x128xf32, #tpu.memory_space<hbm>>, %arg5: memref<2560xi32, #tpu.memory_space<vmem>>, %arg6: memref<2560xi32, #tpu.memory_space<vmem>>, %arg7: memref<64x128xf32, #tpu.memory_space<vmem>>, %arg8: memref<64x128xf32, #tpu.memory_space<vmem>>, %arg9: memref<64x128xf32, #tpu.memory_space<vmem>>, %arg10: memref<64x128xf32, #tpu.memory_space<vmem>>, %arg11: memref<!tpu.dma_semaphore, #tpu.memory_space<semaphore_mem>>, %arg12: memref<!tpu.dma_semaphore, #tpu.memory_space<semaphore_mem>>, %arg13: memref<!tpu.dma_semaphore, #tpu.memory_space<semaphore_mem>>, %arg14: memref<!tpu.dma_semaphore, #tpu.memory_space<semaphore_mem>>, %arg15: memref<!tpu.dma_semaphore, #tpu.memory_space<semaphore_mem>>, %arg16: memref<!tpu.dma_semaphore, #tpu.memory_space<semaphore_mem>>, %arg17: memref<!tpu.dma_semaphore, #tpu.memory_space<semaphore_mem>>, %arg18: memref<!tpu.dma_semaphore, #tpu.memory_space<semaphore_mem>>, %arg19: memref<10240x128xf32, #tpu.memory_space<vmem_shared>>) attributes {dimension_semantics = [#tpu.dimension_semantics<core_parallel>, #tpu.dimension_semantics<subcore_parallel>], iteration_bounds = array<i64: 2, 16>, scalar_prefetch = 0 : i64, scratch_operands = 15 : i64, tpu.core_type = #tpu.core_type<sc_vector_subcore>, window_params = [{transform_indices = #map}, {transform_indices = #map}, {transform_indices = #map1}]} {
    %mul3A = arith.constant 2 : i32
    %mul3A_0 = arith.muli %arg1, %mul3A : i32
    %add3A = arith.addi %mul3A_0, %arg0 : i32
    %scan3A = arith.constant 0 : i32
    %scan3A_1 = arith.constant 0 : i32
    %scan3A_2 = arith.constant 512 : i32
    %scan3A_3 = arith.addi %scan3A_1, %scan3A_2 : i32
    %scan3A_4 = arith.constant 1 : i32
    scf.for %scan3A_603 = %scan3A_1 to %scan3A_3 step %scan3A_4  : i32 {
      %broadcast_in_dim3A = arith.constant 0.000000e+00 : f32
      %broadcast_in_dim3A_604 = vector.broadcast %broadcast_in_dim3A : f32 to vector<16xf32>
      %jit3A = arith.constant 8 : i32
      %div3A = arith.divsi %scan3A_603, %jit3A : i32
      %sign3A = arith.constant 0 : i32
      %sign3A_605 = arith.cmpi sgt, %scan3A_603, %sign3A : i32
      %sign3A_606 = arith.extui %sign3A_605 : i1 to i32
      %sign3A_607 = arith.constant 0 : i32
      %sign3A_608 = arith.cmpi slt, %scan3A_603, %sign3A_607 : i32
      %sign3A_609 = arith.extui %sign3A_608 : i1 to i32
      %sign3A_610 = arith.subi %sign3A_606, %sign3A_609 : i32
      %sign3A_611 = arith.constant 0 : i32
      %sign3A_612 = arith.cmpi sgt, %jit3A, %sign3A_611 : i32
      %sign3A_613 = arith.extui %sign3A_612 : i1 to i32
      %sign3A_614 = arith.constant 0 : i32
      %sign3A_615 = arith.cmpi slt, %jit3A, %sign3A_614 : i32
      %sign3A_616 = arith.extui %sign3A_615 : i1 to i32
      %sign3A_617 = arith.subi %sign3A_613, %sign3A_616 : i32
      %ne3A = arith.cmpi ne, %sign3A_610, %sign3A_617 : i32
      %rem3A = arith.remsi %scan3A_603, %jit3A : i32
      %ne3A_618 = arith.constant 0 : i32
      %ne3A_619 = arith.cmpi ne, %rem3A, %ne3A_618 : i32
      %and3A = arith.andi %ne3A, %ne3A_619 : i1
      %sub3A = arith.constant 1 : i32
      %sub3A_620 = arith.subi %div3A, %sub3A : i32
      %select_n3A = arith.select %and3A, %sub3A_620, %div3A : i32
      %jit3A_621 = arith.constant 8 : i32
      %eq3A = arith.constant 0 : i32
      %eq3A_622 = arith.cmpi eq, %jit3A_621, %eq3A : i32
      %jit3A_623 = arith.constant 1 : i32
      %select_n3A_624 = arith.select %eq3A_622, %jit3A_623, %jit3A_621 : i32
      %rem3A_625 = arith.remsi %scan3A_603, %select_n3A_624 : i32
      %ne3A_626 = arith.constant 0 : i32
      %ne3A_627 = arith.cmpi ne, %rem3A_625, %ne3A_626 : i32
      %lt3A = arith.constant 0 : i32
      %lt3A_628 = arith.cmpi slt, %rem3A_625, %lt3A : i32
      %lt3A_629 = arith.constant 0 : i32
      %lt3A_630 = arith.cmpi slt, %select_n3A_624, %lt3A_629 : i32
      %ne3A_631 = arith.xori %lt3A_628, %lt3A_630 : i1
      %and3A_632 = arith.andi %ne3A_631, %ne3A_627 : i1
      %add3A_633 = arith.addi %rem3A_625, %select_n3A_624 : i32
      %select_n3A_634 = arith.select %and3A_632, %add3A_633, %rem3A_625 : i32
      %mul3A_635 = arith.constant 16 : i32
      %mul3A_636 = arith.muli %select_n3A_634, %mul3A_635 : i32
      %swap3A = arith.index_cast %select_n3A : i32 to index
      %swap3A_637 = arith.index_cast %mul3A_636 : i32 to index
      %swap3A_638 = tpu.vector_load %arg7[%swap3A, %swap3A_637] {strides = array<i32>} : memref<64x128xf32, #tpu.memory_space<vmem>>, vector<1x16xf32>,
      %swap3A_639 = vector.shape_cast %swap3A_638 : vector<1x16xf32> to vector<16xf32>
      %swap3A_640 = vector.shape_cast %broadcast_in_dim3A_604 : vector<16xf32> to vector<1x16xf32>
      tpu.vector_store %arg7[%swap3A, %swap3A_637], %swap3A_640 {strides = array<i32>} : memref<64x128xf32, #tpu.memory_space<vmem>>, vector<1x16xf32>,
    }
    %scan3A_5 = arith.constant 512 : i32
    %mul3A_6 = arith.constant 640 : i32
    %mul3A_7 = arith.muli %arg1, %mul3A_6 : i32
    %add3A_8 = arith.constant 0 : i32
    %add3A_9 = arith.addi %mul3A_7, %add3A_8 : i32
    "tpu.region"() ({
      %run_scoped3A_603 = tpu.sem_alloc : memref<!tpu.dma_semaphore, #tpu.memory_space<semaphore_mem>>
      %dma_start3A_604 = arith.constant 0 : i32
      %dma_start3A_605 = tpu.memref_slice %arg19[%add3A_9, %dma_start3A_604] : memref<10240x128xf32, #tpu.memory_space<vmem_shared>> -> memref<64x128xf32, #tpu.memory_space<vmem_shared>>
      %dma_start3A_606 = arith.constant 0 : i32
      %dma_start3A_607 = tpu.memref_slice %arg19[%add3A_9, %dma_start3A_606] : memref<10240x128xf32, #tpu.memory_space<vmem_shared>> -> memref<64x128xf32, #tpu.memory_space<vmem_shared>>
      tpu.enqueue_dma source(%arg7 : memref<64x128xf32, #tpu.memory_space<vmem>>) target(%dma_start3A_607 : memref<64x128xf32, #tpu.memory_space<vmem_shared>>) target_semaphore(%run_scoped3A_603 : memref<!tpu.dma_semaphore, #tpu.memory_space<semaphore_mem>>)
      %dma_wait3A_608 = arith.constant 0 : i32
      %dma_wait3A_609 = tpu.memref_slice %arg19[%add3A_9, %dma_wait3A_608] : memref<10240x128xf32, #tpu.memory_space<vmem_shared>> -> memref<64x128xf32, #tpu.memory_space<vmem_shared>>
      %dma_wait3A_610 = arith.constant 0 : i32
      %dma_wait3A_611 = tpu.memref_slice %arg19[%add3A_9, %dma_wait3A_610] : memref<10240x128xf32, #tpu.memory_space<vmem_shared>> -> memref<64x128xf32, #tpu.memory_space<vmem_shared>>
      tpu.wait_dma2 semaphore(%run_scoped3A_603 : memref<!tpu.dma_semaphore, #tpu.memory_space<semaphore_mem>>) src(%arg7 : memref<64x128xf32, #tpu.memory_space<vmem>>) dst(%dma_wait3A_611 : memref<64x128xf32, #tpu.memory_space<vmem_shared>>)
      tpu.yield
    }) : () -> ()
    %mul3A_10 = arith.constant 640 : i32
    %mul3A_11 = arith.muli %arg1, %mul3A_10 : i32
    %add3A_12 = arith.constant 64 : i32
    %add3A_13 = arith.addi %mul3A_11, %add3A_12 : i32
    "tpu.region"() ({
      %run_scoped3A_603 = tpu.sem_alloc : memref<!tpu.dma_semaphore, #tpu.memory_space<semaphore_mem>>
      %dma_start3A_604 = arith.constant 0 : i32
      %dma_start3A_605 = tpu.memref_slice %arg19[%add3A_13, %dma_start3A_604] : memref<10240x128xf32, #tpu.memory_space<vmem_shared>> -> memref<64x128xf32, #tpu.memory_space<vmem_shared>>
      %dma_start3A_606 = arith.constant 0 : i32
      %dma_start3A_607 = tpu.memref_slice %arg19[%add3A_13, %dma_start3A_606] : memref<10240x128xf32, #tpu.memory_space<vmem_shared>> -> memref<64x128xf32, #tpu.memory_space<vmem_shared>>
      tpu.enqueue_dma source(%arg7 : memref<64x128xf32, #tpu.memory_space<vmem>>) target(%dma_start3A_607 : memref<64x128xf32, #tpu.memory_space<vmem_shared>>) target_semaphore(%run_scoped3A_603 : memref<!tpu.dma_semaphore, #tpu.memory_space<semaphore_mem>>)
      %dma_wait3A_608 = arith.constant 0 : i32
      %dma_wait3A_609 = tpu.memref_slice %arg19[%add3A_13, %dma_wait3A_608] : memref<10240x128xf32, #tpu.memory_space<vmem_shared>> -> memref<64x128xf32, #tpu.memory_space<vmem_shared>>
      %dma_wait3A_610 = arith.constant 0 : i32
      %dma_wait3A_611 = tpu.memref_slice %arg19[%add3A_13, %dma_wait3A_610] : memref<10240x128xf32, #tpu.memory_space<vmem_shared>> -> memref<64x128xf32, #tpu.memory_space<vmem_shared>>
      tpu.wait_dma2 semaphore(%run_scoped3A_603 : memref<!tpu.dma_semaphore, #tpu.memory_space<semaphore_mem>>) src(%arg7 : memref<64x128xf32, #tpu.memory_space<vmem>>) dst(%dma_wait3A_611 : memref<64x128xf32, #tpu.memory_space<vmem_shared>>)
      tpu.yield
    }) : () -> ()
    %mul3A_14 = arith.constant 640 : i32
    %mul3A_15 = arith.muli %arg1, %mul3A_14 : i32
    %add3A_16 = arith.constant 128 : i32
    %add3A_17 = arith.addi %mul3A_15, %add3A_16 : i32
    "tpu.region"() ({
      %run_scoped3A_603 = tpu.sem_alloc : memref<!tpu.dma_semaphore, #tpu.memory_space<semaphore_mem>>
      %dma_start3A_604 = arith.constant 0 : i32
      %dma_start3A_605 = tpu.memref_slice %arg19[%add3A_17, %dma_start3A_604] : memref<10240x128xf32, #tpu.memory_space<vmem_shared>> -> memref<64x128xf32, #tpu.memory_space<vmem_shared>>
      %dma_start3A_606 = arith.constant 0 : i32
      %dma_start3A_607 = tpu.memref_slice %arg19[%add3A_17, %dma_start3A_606] : memref<10240x128xf32, #tpu.memory_space<vmem_shared>> -> memref<64x128xf32, #tpu.memory_space<vmem_shared>>
      tpu.enqueue_dma source(%arg7 : memref<64x128xf32, #tpu.memory_space<vmem>>) target(%dma_start3A_607 : memref<64x128xf32, #tpu.memory_space<vmem_shared>>) target_semaphore(%run_scoped3A_603 : memref<!tpu.dma_semaphore, #tpu.memory_space<semaphore_mem>>)
      %dma_wait3A_608 = arith.constant 0 : i32
      %dma_wait3A_609 = tpu.memref_slice %arg19[%add3A_17, %dma_wait3A_608] : memref<10240x128xf32, #tpu.memory_space<vmem_shared>> -> memref<64x128xf32, #tpu.memory_space<vmem_shared>>
      %dma_wait3A_610 = arith.constant 0 : i32
      %dma_wait3A_611 = tpu.memref_slice %arg19[%add3A_17, %dma_wait3A_610] : memref<10240x128xf32, #tpu.memory_space<vmem_shared>> -> memref<64x128xf32, #tpu.memory_space<vmem_shared>>
      tpu.wait_dma2 semaphore(%run_scoped3A_603 : memref<!tpu.dma_semaphore, #tpu.memory_space<semaphore_mem>>) src(%arg7 : memref<64x128xf32, #tpu.memory_space<vmem>>) dst(%dma_wait3A_611 : memref<64x128xf32, #tpu.memory_space<vmem_shared>>)
      tpu.yield
    }) : () -> ()
    %mul3A_18 = arith.constant 640 : i32
    %mul3A_19 = arith.muli %arg1, %mul3A_18 : i32
    %add3A_20 = arith.constant 192 : i32
    %add3A_21 = arith.addi %mul3A_19, %add3A_20 : i32
    "tpu.region"() ({
      %run_scoped3A_603 = tpu.sem_alloc : memref<!tpu.dma_semaphore, #tpu.memory_space<semaphore_mem>>
      %dma_start3A_604 = arith.constant 0 : i32
      %dma_start3A_605 = tpu.memref_slice %arg19[%add3A_21, %dma_start3A_604] : memref<10240x128xf32, #tpu.memory_space<vmem_shared>> -> memref<64x128xf32, #tpu.memory_space<vmem_shared>>
      %dma_start3A_606 = arith.constant 0 : i32
      %dma_start3A_607 = tpu.memref_slice %arg19[%add3A_21, %dma_start3A_606] : memref<10240x128xf32, #tpu.memory_space<vmem_shared>> -> memref<64x128xf32, #tpu.memory_space<vmem_shared>>
      tpu.enqueue_dma source(%arg7 : memref<64x128xf32, #tpu.memory_space<vmem>>) target(%dma_start3A_607 : memref<64x128xf32, #tpu.memory_space<vmem_shared>>) target_semaphore(%run_scoped3A_603 : memref<!tpu.dma_semaphore, #tpu.memory_space<semaphore_mem>>)
      %dma_wait3A_608 = arith.constant 0 : i32
      %dma_wait3A_609 = tpu.memref_slice %arg19[%add3A_21, %dma_wait3A_608] : memref<10240x128xf32, #tpu.memory_space<vmem_shared>> -> memref<64x128xf32, #tpu.memory_space<vmem_shared>>
      %dma_wait3A_610 = arith.constant 0 : i32
      %dma_wait3A_611 = tpu.memref_slice %arg19[%add3A_21, %dma_wait3A_610] : memref<10240x128xf32, #tpu.memory_space<vmem_shared>> -> memref<64x128xf32, #tpu.memory_space<vmem_shared>>
      tpu.wait_dma2 semaphore(%run_scoped3A_603 : memref<!tpu.dma_semaphore, #tpu.memory_space<semaphore_mem>>) src(%arg7 : memref<64x128xf32, #tpu.memory_space<vmem>>) dst(%dma_wait3A_611 : memref<64x128xf32, #tpu.memory_space<vmem_shared>>)
      tpu.yield
    }) : () -> ()
    %mul3A_22 = arith.constant 640 : i32
    %mul3A_23 = arith.muli %arg1, %mul3A_22 : i32
    %add3A_24 = arith.constant 256 : i32
    %add3A_25 = arith.addi %mul3A_23, %add3A_24 : i32
    "tpu.region"() ({
      %run_scoped3A_603 = tpu.sem_alloc : memref<!tpu.dma_semaphore, #tpu.memory_space<semaphore_mem>>
      %dma_start3A_604 = arith.constant 0 : i32
      %dma_start3A_605 = tpu.memref_slice %arg19[%add3A_25, %dma_start3A_604] : memref<10240x128xf32, #tpu.memory_space<vmem_shared>> -> memref<64x128xf32, #tpu.memory_space<vmem_shared>>
      %dma_start3A_606 = arith.constant 0 : i32
      %dma_start3A_607 = tpu.memref_slice %arg19[%add3A_25, %dma_start3A_606] : memref<10240x128xf32, #tpu.memory_space<vmem_shared>> -> memref<64x128xf32, #tpu.memory_space<vmem_shared>>
      tpu.enqueue_dma source(%arg7 : memref<64x128xf32, #tpu.memory_space<vmem>>) target(%dma_start3A_607 : memref<64x128xf32, #tpu.memory_space<vmem_shared>>) target_semaphore(%run_scoped3A_603 : memref<!tpu.dma_semaphore, #tpu.memory_space<semaphore_mem>>)
      %dma_wait3A_608 = arith.constant 0 : i32
      %dma_wait3A_609 = tpu.memref_slice %arg19[%add3A_25, %dma_wait3A_608] : memref<10240x128xf32, #tpu.memory_space<vmem_shared>> -> memref<64x128xf32, #tpu.memory_space<vmem_shared>>
      %dma_wait3A_610 = arith.constant 0 : i32
      %dma_wait3A_611 = tpu.memref_slice %arg19[%add3A_25, %dma_wait3A_610] : memref<10240x128xf32, #tpu.memory_space<vmem_shared>> -> memref<64x128xf32, #tpu.memory_space<vmem_shared>>
      tpu.wait_dma2 semaphore(%run_scoped3A_603 : memref<!tpu.dma_semaphore, #tpu.memory_space<semaphore_mem>>) src(%arg7 : memref<64x128xf32, #tpu.memory_space<vmem>>) dst(%dma_wait3A_611 : memref<64x128xf32, #tpu.memory_space<vmem_shared>>)
      tpu.yield
    }) : () -> ()
    %mul3A_26 = arith.constant 640 : i32
    %mul3A_27 = arith.muli %arg1, %mul3A_26 : i32
    %add3A_28 = arith.constant 320 : i32
    %add3A_29 = arith.addi %mul3A_27, %add3A_28 : i32
    "tpu.region"() ({
      %run_scoped3A_603 = tpu.sem_alloc : memref<!tpu.dma_semaphore, #tpu.memory_space<semaphore_mem>>
      %dma_start3A_604 = arith.constant 0 : i32
      %dma_start3A_605 = tpu.memref_slice %arg19[%add3A_29, %dma_start3A_604] : memref<10240x128xf32, #tpu.memory_space<vmem_shared>> -> memref<64x128xf32, #tpu.memory_space<vmem_shared>>
      %dma_start3A_606 = arith.constant 0 : i32
      %dma_start3A_607 = tpu.memref_slice %arg19[%add3A_29, %dma_start3A_606] : memref<10240x128xf32, #tpu.memory_space<vmem_shared>> -> memref<64x128xf32, #tpu.memory_space<vmem_shared>>
      tpu.enqueue_dma source(%arg7 : memref<64x128xf32, #tpu.memory_space<vmem>>) target(%dma_start3A_607 : memref<64x128xf32, #tpu.memory_space<vmem_shared>>) target_semaphore(%run_scoped3A_603 : memref<!tpu.dma_semaphore, #tpu.memory_space<semaphore_mem>>)
      %dma_wait3A_608 = arith.constant 0 : i32
      %dma_wait3A_609 = tpu.memref_slice %arg19[%add3A_29, %dma_wait3A_608] : memref<10240x128xf32, #tpu.memory_space<vmem_shared>> -> memref<64x128xf32, #tpu.memory_space<vmem_shared>>
      %dma_wait3A_610 = arith.constant 0 : i32
      %dma_wait3A_611 = tpu.memref_slice %arg19[%add3A_29, %dma_wait3A_610] : memref<10240x128xf32, #tpu.memory_space<vmem_shared>> -> memref<64x128xf32, #tpu.memory_space<vmem_shared>>
      tpu.wait_dma2 semaphore(%run_scoped3A_603 : memref<!tpu.dma_semaphore, #tpu.memory_space<semaphore_mem>>) src(%arg7 : memref<64x128xf32, #tpu.memory_space<vmem>>) dst(%dma_wait3A_611 : memref<64x128xf32, #tpu.memory_space<vmem_shared>>)
      tpu.yield
    }) : () -> ()
    %mul3A_30 = arith.constant 640 : i32
    %mul3A_31 = arith.muli %arg1, %mul3A_30 : i32
    %add3A_32 = arith.constant 384 : i32
    %add3A_33 = arith.addi %mul3A_31, %add3A_32 : i32
    "tpu.region"() ({
      %run_scoped3A_603 = tpu.sem_alloc : memref<!tpu.dma_semaphore, #tpu.memory_space<semaphore_mem>>
      %dma_start3A_604 = arith.constant 0 : i32
      %dma_start3A_605 = tpu.memref_slice %arg19[%add3A_33, %dma_start3A_604] : memref<10240x128xf32, #tpu.memory_space<vmem_shared>> -> memref<64x128xf32, #tpu.memory_space<vmem_shared>>
      %dma_start3A_606 = arith.constant 0 : i32
      %dma_start3A_607 = tpu.memref_slice %arg19[%add3A_33, %dma_start3A_606] : memref<10240x128xf32, #tpu.memory_space<vmem_shared>> -> memref<64x128xf32, #tpu.memory_space<vmem_shared>>
      tpu.enqueue_dma source(%arg7 : memref<64x128xf32, #tpu.memory_space<vmem>>) target(%dma_start3A_607 : memref<64x128xf32, #tpu.memory_space<vmem_shared>>) target_semaphore(%run_scoped3A_603 : memref<!tpu.dma_semaphore, #tpu.memory_space<semaphore_mem>>)
      %dma_wait3A_608 = arith.constant 0 : i32
      %dma_wait3A_609 = tpu.memref_slice %arg19[%add3A_33, %dma_wait3A_608] : memref<10240x128xf32, #tpu.memory_space<vmem_shared>> -> memref<64x128xf32, #tpu.memory_space<vmem_shared>>
      %dma_wait3A_610 = arith.constant 0 : i32
      %dma_wait3A_611 = tpu.memref_slice %arg19[%add3A_33, %dma_wait3A_610] : memref<10240x128xf32, #tpu.memory_space<vmem_shared>> -> memref<64x128xf32, #tpu.memory_space<vmem_shared>>
      tpu.wait_dma2 semaphore(%run_scoped3A_603 : memref<!tpu.dma_semaphore, #tpu.memory_space<semaphore_mem>>) src(%arg7 : memref<64x128xf32, #tpu.memory_space<vmem>>) dst(%dma_wait3A_611 : memref<64x128xf32, #tpu.memory_space<vmem_shared>>)
      tpu.yield
    }) : () -> ()
    %mul3A_34 = arith.constant 640 : i32
    %mul3A_35 = arith.muli %arg1, %mul3A_34 : i32
    %add3A_36 = arith.constant 448 : i32
    %add3A_37 = arith.addi %mul3A_35, %add3A_36 : i32
    "tpu.region"() ({
      %run_scoped3A_603 = tpu.sem_alloc : memref<!tpu.dma_semaphore, #tpu.memory_space<semaphore_mem>>
      %dma_start3A_604 = arith.constant 0 : i32
      %dma_start3A_605 = tpu.memref_slice %arg19[%add3A_37, %dma_start3A_604] : memref<10240x128xf32, #tpu.memory_space<vmem_shared>> -> memref<64x128xf32, #tpu.memory_space<vmem_shared>>
      %dma_start3A_606 = arith.constant 0 : i32
      %dma_start3A_607 = tpu.memref_slice %arg19[%add3A_37, %dma_start3A_606] : memref<10240x128xf32, #tpu.memory_space<vmem_shared>> -> memref<64x128xf32, #tpu.memory_space<vmem_shared>>
      tpu.enqueue_dma source(%arg7 : memref<64x128xf32, #tpu.memory_space<vmem>>) target(%dma_start3A_607 : memref<64x128xf32, #tpu.memory_space<vmem_shared>>) target_semaphore(%run_scoped3A_603 : memref<!tpu.dma_semaphore, #tpu.memory_space<semaphore_mem>>)
      %dma_wait3A_608 = arith.constant 0 : i32
      %dma_wait3A_609 = tpu.memref_slice %arg19[%add3A_37, %dma_wait3A_608] : memref<10240x128xf32, #tpu.memory_space<vmem_shared>> -> memref<64x128xf32, #tpu.memory_space<vmem_shared>>
      %dma_wait3A_610 = arith.constant 0 : i32
      %dma_wait3A_611 = tpu.memref_slice %arg19[%add3A_37, %dma_wait3A_610] : memref<10240x128xf32, #tpu.memory_space<vmem_shared>> -> memref<64x128xf32, #tpu.memory_space<vmem_shared>>
      tpu.wait_dma2 semaphore(%run_scoped3A_603 : memref<!tpu.dma_semaphore, #tpu.memory_space<semaphore_mem>>) src(%arg7 : memref<64x128xf32, #tpu.memory_space<vmem>>) dst(%dma_wait3A_611 : memref<64x128xf32, #tpu.memory_space<vmem_shared>>)
      tpu.yield
    }) : () -> ()
    %mul3A_38 = arith.constant 640 : i32
    %mul3A_39 = arith.muli %arg1, %mul3A_38 : i32
    %add3A_40 = arith.constant 512 : i32
    %add3A_41 = arith.addi %mul3A_39, %add3A_40 : i32
    "tpu.region"() ({
      %run_scoped3A_603 = tpu.sem_alloc : memref<!tpu.dma_semaphore, #tpu.memory_space<semaphore_mem>>
      %dma_start3A_604 = arith.constant 0 : i32
      %dma_start3A_605 = tpu.memref_slice %arg19[%add3A_41, %dma_start3A_604] : memref<10240x128xf32, #tpu.memory_space<vmem_shared>> -> memref<64x128xf32, #tpu.memory_space<vmem_shared>>
      %dma_start3A_606 = arith.constant 0 : i32
      %dma_start3A_607 = tpu.memref_slice %arg19[%add3A_41, %dma_start3A_606] : memref<10240x128xf32, #tpu.memory_space<vmem_shared>> -> memref<64x128xf32, #tpu.memory_space<vmem_shared>>
      tpu.enqueue_dma source(%arg7 : memref<64x128xf32, #tpu.memory_space<vmem>>) target(%dma_start3A_607 : memref<64x128xf32, #tpu.memory_space<vmem_shared>>) target_semaphore(%run_scoped3A_603 : memref<!tpu.dma_semaphore, #tpu.memory_space<semaphore_mem>>)
      %dma_wait3A_608 = arith.constant 0 : i32
      %dma_wait3A_609 = tpu.memref_slice %arg19[%add3A_41, %dma_wait3A_608] : memref<10240x128xf32, #tpu.memory_space<vmem_shared>> -> memref<64x128xf32, #tpu.memory_space<vmem_shared>>
      %dma_wait3A_610 = arith.constant 0 : i32
      %dma_wait3A_611 = tpu.memref_slice %arg19[%add3A_41, %dma_wait3A_610] : memref<10240x128xf32, #tpu.memory_space<vmem_shared>> -> memref<64x128xf32, #tpu.memory_space<vmem_shared>>
      tpu.wait_dma2 semaphore(%run_scoped3A_603 : memref<!tpu.dma_semaphore, #tpu.memory_space<semaphore_mem>>) src(%arg7 : memref<64x128xf32, #tpu.memory_space<vmem>>) dst(%dma_wait3A_611 : memref<64x128xf32, #tpu.memory_space<vmem_shared>>)
      tpu.yield
    }) : () -> ()
    %mul3A_42 = arith.constant 640 : i32
    %mul3A_43 = arith.muli %arg1, %mul3A_42 : i32
    %add3A_44 = arith.constant 576 : i32
    %add3A_45 = arith.addi %mul3A_43, %add3A_44 : i32
    "tpu.region"() ({
      %run_scoped3A_603 = tpu.sem_alloc : memref<!tpu.dma_semaphore, #tpu.memory_space<semaphore_mem>>
      %dma_start3A_604 = arith.constant 0 : i32
      %dma_start3A_605 = tpu.memref_slice %arg19[%add3A_45, %dma_start3A_604] : memref<10240x128xf32, #tpu.memory_space<vmem_shared>> -> memref<64x128xf32, #tpu.memory_space<vmem_shared>>
      %dma_start3A_606 = arith.constant 0 : i32
      %dma_start3A_607 = tpu.memref_slice %arg19[%add3A_45, %dma_start3A_606] : memref<10240x128xf32, #tpu.memory_space<vmem_shared>> -> memref<64x128xf32, #tpu.memory_space<vmem_shared>>
      tpu.enqueue_dma source(%arg7 : memref<64x128xf32, #tpu.memory_space<vmem>>) target(%dma_start3A_607 : memref<64x128xf32, #tpu.memory_space<vmem_shared>>) target_semaphore(%run_scoped3A_603 : memref<!tpu.dma_semaphore, #tpu.memory_space<semaphore_mem>>)
      %dma_wait3A_608 = arith.constant 0 : i32
      %dma_wait3A_609 = tpu.memref_slice %arg19[%add3A_45, %dma_wait3A_608] : memref<10240x128xf32, #tpu.memory_space<vmem_shared>> -> memref<64x128xf32, #tpu.memory_space<vmem_shared>>
      %dma_wait3A_610 = arith.constant 0 : i32
      %dma_wait3A_611 = tpu.memref_slice %arg19[%add3A_45, %dma_wait3A_610] : memref<10240x128xf32, #tpu.memory_space<vmem_shared>> -> memref<64x128xf32, #tpu.memory_space<vmem_shared>>
      tpu.wait_dma2 semaphore(%run_scoped3A_603 : memref<!tpu.dma_semaphore, #tpu.memory_space<semaphore_mem>>) src(%arg7 : memref<64x128xf32, #tpu.memory_space<vmem>>) dst(%dma_wait3A_611 : memref<64x128xf32, #tpu.memory_space<vmem_shared>>)
      tpu.yield
    }) : () -> ()
    %barrier3A = arith.constant 0 : index
    tpu.barrier barrier_id(%barrier3A)
    %mul3A_46 = arith.constant 10240 : i32
    %mul3A_47 = arith.muli %add3A, %mul3A_46 : i32
    %add3A_48 = arith.constant 0 : i32
    %add3A_49 = arith.addi %mul3A_47, %add3A_48 : i32
    %run_scoped3A = arith.constant 0 : i32
    "tpu.region"() ({
      %run_scoped3A_603 = tpu.sem_alloc : memref<!tpu.dma_semaphore, #tpu.memory_space<semaphore_mem>>
      %dma_start3A_604 = tpu.memref_slice %arg2[%run_scoped3A, %add3A_49] : memref<2x327680xi32, #tpu.memory_space<hbm>> -> memref<1x2560xi32, #tpu.memory_space<hbm>>
      %dma_start3A_605 = tpu.memref_squeeze %dma_start3A_604 : memref<1x2560xi32, #tpu.memory_space<hbm>> -> memref<2560xi32, #tpu.memory_space<hbm>>
      %dma_start3A_606 = tpu.memref_slice %arg2[%run_scoped3A, %add3A_49] : memref<2x327680xi32, #tpu.memory_space<hbm>> -> memref<1x2560xi32, #tpu.memory_space<hbm>>
      %dma_start3A_607 = tpu.memref_squeeze %dma_start3A_606 : memref<1x2560xi32, #tpu.memory_space<hbm>> -> memref<2560xi32, #tpu.memory_space<hbm>>
      tpu.enqueue_dma source(%dma_start3A_607 : memref<2560xi32, #tpu.memory_space<hbm>>) target(%arg5 : memref<2560xi32, #tpu.memory_space<vmem>>) target_semaphore(%run_scoped3A_603 : memref<!tpu.dma_semaphore, #tpu.memory_space<semaphore_mem>>)
      %dma_wait3A_608 = tpu.memref_slice %arg2[%run_scoped3A, %add3A_49] : memref<2x327680xi32, #tpu.memory_space<hbm>> -> memref<1x2560xi32, #tpu.memory_space<hbm>>
      %dma_wait3A_609 = tpu.memref_squeeze %dma_wait3A_608 : memref<1x2560xi32, #tpu.memory_space<hbm>> -> memref<2560xi32, #tpu.memory_space<hbm>>
      %dma_wait3A_610 = tpu.memref_slice %arg2[%run_scoped3A, %add3A_49] : memref<2x327680xi32, #tpu.memory_space<hbm>> -> memref<1x2560xi32, #tpu.memory_space<hbm>>
      %dma_wait3A_611 = tpu.memref_squeeze %dma_wait3A_610 : memref<1x2560xi32, #tpu.memory_space<hbm>> -> memref<2560xi32, #tpu.memory_space<hbm>>
      tpu.wait_dma2 semaphore(%run_scoped3A_603 : memref<!tpu.dma_semaphore, #tpu.memory_space<semaphore_mem>>) src(%dma_wait3A_611 : memref<2560xi32, #tpu.memory_space<hbm>>) dst(%arg5 : memref<2560xi32, #tpu.memory_space<vmem>>)
      tpu.yield
    }) : () -> ()
    %mul3A_50 = arith.constant 10240 : i32
    %mul3A_51 = arith.muli %add3A, %mul3A_50 : i32
    %add3A_52 = arith.constant 0 : i32
    %add3A_53 = arith.addi %mul3A_51, %add3A_52 : i32
    %run_scoped3A_54 = arith.constant 1 : i32
    "tpu.region"() ({
      %run_scoped3A_603 = tpu.sem_alloc : memref<!tpu.dma_semaphore, #tpu.memory_space<semaphore_mem>>
      %dma_start3A_604 = tpu.memref_slice %arg2[%run_scoped3A_54, %add3A_53] : memref<2x327680xi32, #tpu.memory_space<hbm>> -> memref<1x2560xi32, #tpu.memory_space<hbm>>
      %dma_start3A_605 = tpu.memref_squeeze %dma_start3A_604 : memref<1x2560xi32, #tpu.memory_space<hbm>> -> memref<2560xi32, #tpu.memory_space<hbm>>
      %dma_start3A_606 = tpu.memref_slice %arg2[%run_scoped3A_54, %add3A_53] : memref<2x327680xi32, #tpu.memory_space<hbm>> -> memref<1x2560xi32, #tpu.memory_space<hbm>>
      %dma_start3A_607 = tpu.memref_squeeze %dma_start3A_606 : memref<1x2560xi32, #tpu.memory_space<hbm>> -> memref<2560xi32, #tpu.memory_space<hbm>>
      tpu.enqueue_dma source(%dma_start3A_607 : memref<2560xi32, #tpu.memory_space<hbm>>) target(%arg6 : memref<2560xi32, #tpu.memory_space<vmem>>) target_semaphore(%run_scoped3A_603 : memref<!tpu.dma_semaphore, #tpu.memory_space<semaphore_mem>>)
      %dma_wait3A_608 = tpu.memref_slice %arg2[%run_scoped3A_54, %add3A_53] : memref<2x327680xi32, #tpu.memory_space<hbm>> -> memref<1x2560xi32, #tpu.memory_space<hbm>>
      %dma_wait3A_609 = tpu.memref_squeeze %dma_wait3A_608 : memref<1x2560xi32, #tpu.memory_space<hbm>> -> memref<2560xi32, #tpu.memory_space<hbm>>
      %dma_wait3A_610 = tpu.memref_slice %arg2[%run_scoped3A_54, %add3A_53] : memref<2x327680xi32, #tpu.memory_space<hbm>> -> memref<1x2560xi32, #tpu.memory_space<hbm>>
      %dma_wait3A_611 = tpu.memref_squeeze %dma_wait3A_610 : memref<1x2560xi32, #tpu.memory_space<hbm>> -> memref<2560xi32, #tpu.memory_space<hbm>>
      tpu.wait_dma2 semaphore(%run_scoped3A_603 : memref<!tpu.dma_semaphore, #tpu.memory_space<semaphore_mem>>) src(%dma_wait3A_611 : memref<2560xi32, #tpu.memory_space<hbm>>) dst(%arg6 : memref<2560xi32, #tpu.memory_space<vmem>>)
      tpu.yield
    }) : () -> ()
    %dma_start3A = arith.constant 0 : i32
    %dma_start3A_55 = tpu.memref_slice %arg5[%dma_start3A] : memref<2560xi32, #tpu.memory_space<vmem>> -> memref<64xi32, #tpu.memory_space<vmem>>
    %dma_start3A_56 = arith.constant 0 : i32
    %dma_start3A_57 = arith.constant 0 : i32
    %dma_start3A_58 = tpu.memref_slice %arg3[%dma_start3A_56, %dma_start3A_57] : memref<10000x128xf32, #tpu.memory_space<hbm>> -> memref<10000x128xf32, #tpu.memory_space<hbm>>
    tpu.enqueue_indirect_dma source(%dma_start3A_58 : memref<10000x128xf32, #tpu.memory_space<hbm>>) target(%arg7 : memref<64x128xf32, #tpu.memory_space<vmem>>) offsets(%dma_start3A_55 : memref<64xi32, #tpu.memory_space<vmem>>) semaphore(%arg11 : memref<!tpu.dma_semaphore, #tpu.memory_space<semaphore_mem>>)
    %dma_start3A_59 = arith.constant 64 : i32
    %dma_start3A_60 = tpu.memref_slice %arg5[%dma_start3A_59] : memref<2560xi32, #tpu.memory_space<vmem>> -> memref<64xi32, #tpu.memory_space<vmem>>
    %dma_start3A_61 = arith.constant 0 : i32
    %dma_start3A_62 = arith.constant 0 : i32
    %dma_start3A_63 = tpu.memref_slice %arg3[%dma_start3A_61, %dma_start3A_62] : memref<10000x128xf32, #tpu.memory_space<hbm>> -> memref<10000x128xf32, #tpu.memory_space<hbm>>
    tpu.enqueue_indirect_dma source(%dma_start3A_63 : memref<10000x128xf32, #tpu.memory_space<hbm>>) target(%arg8 : memref<64x128xf32, #tpu.memory_space<vmem>>) offsets(%dma_start3A_60 : memref<64xi32, #tpu.memory_space<vmem>>) semaphore(%arg12 : memref<!tpu.dma_semaphore, #tpu.memory_space<semaphore_mem>>)
    %dma_start3A_64 = arith.constant 128 : i32
    %dma_start3A_65 = tpu.memref_slice %arg5[%dma_start3A_64] : memref<2560xi32, #tpu.memory_space<vmem>> -> memref<64xi32, #tpu.memory_space<vmem>>
    %dma_start3A_66 = arith.constant 0 : i32
    %dma_start3A_67 = arith.constant 0 : i32
    %dma_start3A_68 = tpu.memref_slice %arg3[%dma_start3A_66, %dma_start3A_67] : memref<10000x128xf32, #tpu.memory_space<hbm>> -> memref<10000x128xf32, #tpu.memory_space<hbm>>
    tpu.enqueue_indirect_dma source(%dma_start3A_68 : memref<10000x128xf32, #tpu.memory_space<hbm>>) target(%arg9 : memref<64x128xf32, #tpu.memory_space<vmem>>) offsets(%dma_start3A_65 : memref<64xi32, #tpu.memory_space<vmem>>) semaphore(%arg13 : memref<!tpu.dma_semaphore, #tpu.memory_space<semaphore_mem>>)
    %scan3A_69 = arith.constant 0 : i32
    %scan3A_70 = arith.constant 0 : i32
    %scan3A_71 = arith.constant 10 : i32
    %scan3A_72 = arith.addi %scan3A_70, %scan3A_71 : i32
    %scan3A_73 = arith.constant 1 : i32
    scf.for %scan3A_603 = %scan3A_70 to %scan3A_72 step %scan3A_73  : i32 {
      %mul3A_604 = arith.constant 4 : i32
      %mul3A_605 = arith.muli %mul3A_604, %scan3A_603 : i32
      %add3A_606 = arith.constant 0 : i32
      %add3A_607 = arith.addi %mul3A_605, %add3A_606 : i32
      %add3A_608 = arith.constant 4 : i32
      %add3A_609 = arith.addi %add3A_607, %add3A_608 : i32
      %sub3A = arith.constant 1 : i32
      %sub3A_610 = arith.subi %add3A_609, %sub3A : i32
      %lt3A = arith.constant 40 : i32
      %lt3A_611 = arith.cmpi slt, %sub3A_610, %lt3A : i32
      %convert_element_type3A = arith.extui %lt3A_611 : i1 to i32
      %cond3A = arith.constant 0 : i32
      %cond3A_612 = arith.cmpi ne, %convert_element_type3A, %cond3A : i32
      scf.if %cond3A_612 {
        %ge3A = arith.constant 1 : i32
        %ge3A_878 = arith.cmpi sge, %add3A_607, %ge3A : i32
        %convert_element_type3A_879 = arith.extui %ge3A_878 : i1 to i32
        %cond3A_880 = arith.constant 0 : i32
        %cond3A_881 = arith.cmpi ne, %convert_element_type3A_879, %cond3A_880 : i32
        scf.if %cond3A_881 {
          %get3A_892 = arith.constant 0 : index
          %get3A_893 = tpu.vector_load %arg6[%get3A_892] {strides = array<i32>} : memref<2560xi32, #tpu.memory_space<vmem>>, vector<16xi32>,
          %get3A_894 = vector.shape_cast %get3A_893 : vector<16xi32> to vector<16xi32>
          %dma_wait3A_895 = arith.constant 0 : i32
          %dma_wait3A_896 = arith.constant 0 : i32
          %dma_wait3A_897 = tpu.memref_slice %arg10[%dma_wait3A_895, %dma_wait3A_896] : memref<64x128xf32, #tpu.memory_space<vmem>> -> memref<16x128xf32, #tpu.memory_space<vmem>>
          %dma_wait3A_898 = arith.constant 0 : i32
          %dma_wait3A_899 = arith.constant 0 : i32
          %dma_wait3A_900 = tpu.memref_slice %arg19[%dma_wait3A_898, %dma_wait3A_899] : memref<10240x128xf32, #tpu.memory_space<vmem_shared>> -> memref<10240x128xf32, #tpu.memory_space<vmem_shared>>
          tpu.wait_indirect_dma semaphore(%arg18 : memref<!tpu.dma_semaphore, #tpu.memory_space<semaphore_mem>>) src(%dma_wait3A_897 : memref<16x128xf32, #tpu.memory_space<vmem>>) dst(%dma_wait3A_900 : memref<10240x128xf32, #tpu.memory_space<vmem_shared>>)
          %dma_wait3A_901 = arith.constant 16 : i32
          %dma_wait3A_902 = arith.constant 0 : i32
          %dma_wait3A_903 = tpu.memref_slice %arg10[%dma_wait3A_901, %dma_wait3A_902] : memref<64x128xf32, #tpu.memory_space<vmem>> -> memref<16x128xf32, #tpu.memory_space<vmem>>
          %dma_wait3A_904 = arith.constant 0 : i32
          %dma_wait3A_905 = arith.constant 0 : i32
          %dma_wait3A_906 = tpu.memref_slice %arg19[%dma_wait3A_904, %dma_wait3A_905] : memref<10240x128xf32, #tpu.memory_space<vmem_shared>> -> memref<10240x128xf32, #tpu.memory_space<vmem_shared>>
          tpu.wait_indirect_dma semaphore(%arg18 : memref<!tpu.dma_semaphore, #tpu.memory_space<semaphore_mem>>) src(%dma_wait3A_903 : memref<16x128xf32, #tpu.memory_space<vmem>>) dst(%dma_wait3A_906 : memref<10240x128xf32, #tpu.memory_space<vmem_shared>>)
          %dma_wait3A_907 = arith.constant 32 : i32
          %dma_wait3A_908 = arith.constant 0 : i32
          %dma_wait3A_909 = tpu.memref_slice %arg10[%dma_wait3A_907, %dma_wait3A_908] : memref<64x128xf32, #tpu.memory_space<vmem>> -> memref<16x128xf32, #tpu.memory_space<vmem>>
          %dma_wait3A_910 = arith.constant 0 : i32
          %dma_wait3A_911 = arith.constant 0 : i32
          %dma_wait3A_912 = tpu.memref_slice %arg19[%dma_wait3A_910, %dma_wait3A_911] : memref<10240x128xf32, #tpu.memory_space<vmem_shared>> -> memref<10240x128xf32, #tpu.memory_space<vmem_shared>>
          tpu.wait_indirect_dma semaphore(%arg18 : memref<!tpu.dma_semaphore, #tpu.memory_space<semaphore_mem>>) src(%dma_wait3A_909 : memref<16x128xf32, #tpu.memory_space<vmem>>) dst(%dma_wait3A_912 : memref<10240x128xf32, #tpu.memory_space<vmem_shared>>)
          %dma_wait3A_913 = arith.constant 48 : i32
          %dma_wait3A_914 = arith.constant 0 : i32
          %dma_wait3A_915 = tpu.memref_slice %arg10[%dma_wait3A_913, %dma_wait3A_914] : memref<64x128xf32, #tpu.memory_space<vmem>> -> memref<16x128xf32, #tpu.memory_space<vmem>>
          %dma_wait3A_916 = arith.constant 0 : i32
          %dma_wait3A_917 = arith.constant 0 : i32
          %dma_wait3A_918 = tpu.memref_slice %arg19[%dma_wait3A_916, %dma_wait3A_917] : memref<10240x128xf32, #tpu.memory_space<vmem_shared>> -> memref<10240x128xf32, #tpu.memory_space<vmem_shared>>
          tpu.wait_indirect_dma semaphore(%arg18 : memref<!tpu.dma_semaphore, #tpu.memory_space<semaphore_mem>>) src(%dma_wait3A_915 : memref<16x128xf32, #tpu.memory_space<vmem>>) dst(%dma_wait3A_918 : memref<10240x128xf32, #tpu.memory_space<vmem_shared>>)
        } else {
        }
        %add3A_882 = arith.constant 4 : i32
        %add3A_883 = arith.addi %add3A_607, %add3A_882 : i32
        %sub3A_884 = arith.constant 1 : i32
        %sub3A_885 = arith.subi %add3A_883, %sub3A_884 : i32
        %mul3A_886 = arith.constant 64 : i32
        %mul3A_887 = arith.muli %sub3A_885, %mul3A_886 : i32
        %dma_start3A_888 = tpu.memref_slice %arg5[%mul3A_887] : memref<2560xi32, #tpu.memory_space<vmem>> -> memref<64xi32, #tpu.memory_space<vmem>>
        %dma_start3A_889 = arith.constant 0 : i32
        %dma_start3A_890 = arith.constant 0 : i32
        %dma_start3A_891 = tpu.memref_slice %arg3[%dma_start3A_889, %dma_start3A_890] : memref<10000x128xf32, #tpu.memory_space<hbm>> -> memref<10000x128xf32, #tpu.memory_space<hbm>>
        tpu.enqueue_indirect_dma source(%dma_start3A_891 : memref<10000x128xf32, #tpu.memory_space<hbm>>) target(%arg10 : memref<64x128xf32, #tpu.memory_space<vmem>>) offsets(%dma_start3A_888 : memref<64xi32, #tpu.memory_space<vmem>>) semaphore(%arg14 : memref<!tpu.dma_semaphore, #tpu.memory_space<semaphore_mem>>)
      } else {
      }
      %mul3A_613 = arith.constant 64 : i32
      %mul3A_614 = arith.muli %add3A_607, %mul3A_613 : i32
      %dma_wait3A_615 = tpu.memref_slice %arg5[%mul3A_614] : memref<2560xi32, #tpu.memory_space<vmem>> -> memref<64xi32, #tpu.memory_space<vmem>>
      %dma_wait3A_616 = arith.constant 0 : i32
      %dma_wait3A_617 = arith.constant 0 : i32
      %dma_wait3A_618 = tpu.memref_slice %arg3[%dma_wait3A_616, %dma_wait3A_617] : memref<10000x128xf32, #tpu.memory_space<hbm>> -> memref<10000x128xf32, #tpu.memory_space<hbm>>
      tpu.wait_indirect_dma semaphore(%arg11 : memref<!tpu.dma_semaphore, #tpu.memory_space<semaphore_mem>>) src(%dma_wait3A_618 : memref<10000x128xf32, #tpu.memory_space<hbm>>) dst(%arg7 : memref<64x128xf32, #tpu.memory_space<vmem>>)
      %mul3A_619 = arith.constant 64 : i32
      %mul3A_620 = arith.muli %add3A_607, %mul3A_619 : i32
      %add3A_621 = arith.constant 0 : i32
      %add3A_622 = arith.addi %mul3A_620, %add3A_621 : i32
      %get3A_623 = arith.index_cast %add3A_622 : i32 to index
      %get3A_624 = tpu.vector_load %arg6[%get3A_623] {strides = array<i32>} : memref<2560xi32, #tpu.memory_space<vmem>>, vector<16xi32>,
      %get3A_625 = vector.shape_cast %get3A_624 : vector<16xi32> to vector<16xi32>
      %dma_start3A_626 = arith.constant 0 : i32
      %dma_start3A_627 = arith.constant 0 : i32
      %dma_start3A_628 = tpu.memref_slice %arg7[%dma_start3A_626, %dma_start3A_627] : memref<64x128xf32, #tpu.memory_space<vmem>> -> memref<16x128xf32, #tpu.memory_space<vmem>>
      %dma_start3A_629 = arith.constant 0 : i32
      %dma_start3A_630 = arith.constant 0 : i32
      %dma_start3A_631 = tpu.memref_slice %arg19[%dma_start3A_629, %dma_start3A_630] : memref<10240x128xf32, #tpu.memory_space<vmem_shared>> -> memref<10240x128xf32, #tpu.memory_space<vmem_shared>>
      tpu.enqueue_indirect_dma source(%dma_start3A_628 : memref<16x128xf32, #tpu.memory_space<vmem>>) target(%dma_start3A_631 : memref<10240x128xf32, #tpu.memory_space<vmem_shared>>) offsets(%get3A_625 : vector<16xi32>) semaphore(%arg15 : memref<!tpu.dma_semaphore, #tpu.memory_space<semaphore_mem>>) {add = true}
      %mul3A_632 = arith.constant 64 : i32
      %mul3A_633 = arith.muli %add3A_607, %mul3A_632 : i32
      %add3A_634 = arith.constant 16 : i32
      %add3A_635 = arith.addi %mul3A_633, %add3A_634 : i32
      %get3A_636 = arith.index_cast %add3A_635 : i32 to index
      %get3A_637 = tpu.vector_load %arg6[%get3A_636] {strides = array<i32>} : memref<2560xi32, #tpu.memory_space<vmem>>, vector<16xi32>,
      %get3A_638 = vector.shape_cast %get3A_637 : vector<16xi32> to vector<16xi32>
      %dma_start3A_639 = arith.constant 16 : i32
      %dma_start3A_640 = arith.constant 0 : i32
      %dma_start3A_641 = tpu.memref_slice %arg7[%dma_start3A_639, %dma_start3A_640] : memref<64x128xf32, #tpu.memory_space<vmem>> -> memref<16x128xf32, #tpu.memory_space<vmem>>
      %dma_start3A_642 = arith.constant 0 : i32
      %dma_start3A_643 = arith.constant 0 : i32
      %dma_start3A_644 = tpu.memref_slice %arg19[%dma_start3A_642, %dma_start3A_643] : memref<10240x128xf32, #tpu.memory_space<vmem_shared>> -> memref<10240x128xf32, #tpu.memory_space<vmem_shared>>
      tpu.enqueue_indirect_dma source(%dma_start3A_641 : memref<16x128xf32, #tpu.memory_space<vmem>>) target(%dma_start3A_644 : memref<10240x128xf32, #tpu.memory_space<vmem_shared>>) offsets(%get3A_638 : vector<16xi32>) semaphore(%arg15 : memref<!tpu.dma_semaphore, #tpu.memory_space<semaphore_mem>>) {add = true}
      %mul3A_645 = arith.constant 64 : i32
      %mul3A_646 = arith.muli %add3A_607, %mul3A_645 : i32
      %add3A_647 = arith.constant 32 : i32
      %add3A_648 = arith.addi %mul3A_646, %add3A_647 : i32
      %get3A_649 = arith.index_cast %add3A_648 : i32 to index
      %get3A_650 = tpu.vector_load %arg6[%get3A_649] {strides = array<i32>} : memref<2560xi32, #tpu.memory_space<vmem>>, vector<16xi32>,
      %get3A_651 = vector.shape_cast %get3A_650 : vector<16xi32> to vector<16xi32>
      %dma_start3A_652 = arith.constant 32 : i32
      %dma_start3A_653 = arith.constant 0 : i32
      %dma_start3A_654 = tpu.memref_slice %arg7[%dma_start3A_652, %dma_start3A_653] : memref<64x128xf32, #tpu.memory_space<vmem>> -> memref<16x128xf32, #tpu.memory_space<vmem>>
      %dma_start3A_655 = arith.constant 0 : i32
      %dma_start3A_656 = arith.constant 0 : i32
      %dma_start3A_657 = tpu.memref_slice %arg19[%dma_start3A_655, %dma_start3A_656] : memref<10240x128xf32, #tpu.memory_space<vmem_shared>> -> memref<10240x128xf32, #tpu.memory_space<vmem_shared>>
      tpu.enqueue_indirect_dma source(%dma_start3A_654 : memref<16x128xf32, #tpu.memory_space<vmem>>) target(%dma_start3A_657 : memref<10240x128xf32, #tpu.memory_space<vmem_shared>>) offsets(%get3A_651 : vector<16xi32>) semaphore(%arg15 : memref<!tpu.dma_semaphore, #tpu.memory_space<semaphore_mem>>) {add = true}
      %mul3A_658 = arith.constant 64 : i32
      %mul3A_659 = arith.muli %add3A_607, %mul3A_658 : i32
      %add3A_660 = arith.constant 48 : i32
      %add3A_661 = arith.addi %mul3A_659, %add3A_660 : i32
      %get3A_662 = arith.index_cast %add3A_661 : i32 to index
      %get3A_663 = tpu.vector_load %arg6[%get3A_662] {strides = array<i32>} : memref<2560xi32, #tpu.memory_space<vmem>>, vector<16xi32>,
      %get3A_664 = vector.shape_cast %get3A_663 : vector<16xi32> to vector<16xi32>
      %dma_start3A_665 = arith.constant 48 : i32
      %dma_start3A_666 = arith.constant 0 : i32
      %dma_start3A_667 = tpu.memref_slice %arg7[%dma_start3A_665, %dma_start3A_666] : memref<64x128xf32, #tpu.memory_space<vmem>> -> memref<16x128xf32, #tpu.memory_space<vmem>>
      %dma_start3A_668 = arith.constant 0 : i32
      %dma_start3A_669 = arith.constant 0 : i32
      %dma_start3A_670 = tpu.memref_slice %arg19[%dma_start3A_668, %dma_start3A_669] : memref<10240x128xf32, #tpu.memory_space<vmem_shared>> -> memref<10240x128xf32, #tpu.memory_space<vmem_shared>>
      tpu.enqueue_indirect_dma source(%dma_start3A_667 : memref<16x128xf32, #tpu.memory_space<vmem>>) target(%dma_start3A_670 : memref<10240x128xf32, #tpu.memory_space<vmem_shared>>) offsets(%get3A_664 : vector<16xi32>) semaphore(%arg15 : memref<!tpu.dma_semaphore, #tpu.memory_space<semaphore_mem>>) {add = true}
      %add3A_671 = arith.constant 1 : i32
      %add3A_672 = arith.addi %mul3A_605, %add3A_671 : i32
      %add3A_673 = arith.constant 4 : i32
      %add3A_674 = arith.addi %add3A_672, %add3A_673 : i32
      %sub3A_675 = arith.constant 1 : i32
      %sub3A_676 = arith.subi %add3A_674, %sub3A_675 : i32
      %lt3A_677 = arith.constant 40 : i32
      %lt3A_678 = arith.cmpi slt, %sub3A_676, %lt3A_677 : i32
      %convert_element_type3A_679 = arith.extui %lt3A_678 : i1 to i32
      %cond3A_680 = arith.constant 0 : i32
      %cond3A_681 = arith.cmpi ne, %convert_element_type3A_679, %cond3A_680 : i32
      scf.if %cond3A_681 {
        %ge3A = arith.constant 1 : i32
        %ge3A_878 = arith.cmpi sge, %add3A_672, %ge3A : i32
        %convert_element_type3A_879 = arith.extui %ge3A_878 : i1 to i32
        %cond3A_880 = arith.constant 0 : i32
        %cond3A_881 = arith.cmpi ne, %convert_element_type3A_879, %cond3A_880 : i32
        scf.if %cond3A_881 {
          %get3A_892 = arith.constant 0 : index
          %get3A_893 = tpu.vector_load %arg6[%get3A_892] {strides = array<i32>} : memref<2560xi32, #tpu.memory_space<vmem>>, vector<16xi32>,
          %get3A_894 = vector.shape_cast %get3A_893 : vector<16xi32> to vector<16xi32>
          %dma_wait3A_895 = arith.constant 0 : i32
          %dma_wait3A_896 = arith.constant 0 : i32
          %dma_wait3A_897 = tpu.memref_slice %arg7[%dma_wait3A_895, %dma_wait3A_896] : memref<64x128xf32, #tpu.memory_space<vmem>> -> memref<16x128xf32, #tpu.memory_space<vmem>>
          %dma_wait3A_898 = arith.constant 0 : i32
          %dma_wait3A_899 = arith.constant 0 : i32
          %dma_wait3A_900 = tpu.memref_slice %arg19[%dma_wait3A_898, %dma_wait3A_899] : memref<10240x128xf32, #tpu.memory_space<vmem_shared>> -> memref<10240x128xf32, #tpu.memory_space<vmem_shared>>
          tpu.wait_indirect_dma semaphore(%arg15 : memref<!tpu.dma_semaphore, #tpu.memory_space<semaphore_mem>>) src(%dma_wait3A_897 : memref<16x128xf32, #tpu.memory_space<vmem>>) dst(%dma_wait3A_900 : memref<10240x128xf32, #tpu.memory_space<vmem_shared>>)
          %dma_wait3A_901 = arith.constant 16 : i32
          %dma_wait3A_902 = arith.constant 0 : i32
          %dma_wait3A_903 = tpu.memref_slice %arg7[%dma_wait3A_901, %dma_wait3A_902] : memref<64x128xf32, #tpu.memory_space<vmem>> -> memref<16x128xf32, #tpu.memory_space<vmem>>
          %dma_wait3A_904 = arith.constant 0 : i32
          %dma_wait3A_905 = arith.constant 0 : i32
          %dma_wait3A_906 = tpu.memref_slice %arg19[%dma_wait3A_904, %dma_wait3A_905] : memref<10240x128xf32, #tpu.memory_space<vmem_shared>> -> memref<10240x128xf32, #tpu.memory_space<vmem_shared>>
          tpu.wait_indirect_dma semaphore(%arg15 : memref<!tpu.dma_semaphore, #tpu.memory_space<semaphore_mem>>) src(%dma_wait3A_903 : memref<16x128xf32, #tpu.memory_space<vmem>>) dst(%dma_wait3A_906 : memref<10240x128xf32, #tpu.memory_space<vmem_shared>>)
          %dma_wait3A_907 = arith.constant 32 : i32
          %dma_wait3A_908 = arith.constant 0 : i32
          %dma_wait3A_909 = tpu.memref_slice %arg7[%dma_wait3A_907, %dma_wait3A_908] : memref<64x128xf32, #tpu.memory_space<vmem>> -> memref<16x128xf32, #tpu.memory_space<vmem>>
          %dma_wait3A_910 = arith.constant 0 : i32
          %dma_wait3A_911 = arith.constant 0 : i32
          %dma_wait3A_912 = tpu.memref_slice %arg19[%dma_wait3A_910, %dma_wait3A_911] : memref<10240x128xf32, #tpu.memory_space<vmem_shared>> -> memref<10240x128xf32, #tpu.memory_space<vmem_shared>>
          tpu.wait_indirect_dma semaphore(%arg15 : memref<!tpu.dma_semaphore, #tpu.memory_space<semaphore_mem>>) src(%dma_wait3A_909 : memref<16x128xf32, #tpu.memory_space<vmem>>) dst(%dma_wait3A_912 : memref<10240x128xf32, #tpu.memory_space<vmem_shared>>)
          %dma_wait3A_913 = arith.constant 48 : i32
          %dma_wait3A_914 = arith.constant 0 : i32
          %dma_wait3A_915 = tpu.memref_slice %arg7[%dma_wait3A_913, %dma_wait3A_914] : memref<64x128xf32, #tpu.memory_space<vmem>> -> memref<16x128xf32, #tpu.memory_space<vmem>>
          %dma_wait3A_916 = arith.constant 0 : i32
          %dma_wait3A_917 = arith.constant 0 : i32
          %dma_wait3A_918 = tpu.memref_slice %arg19[%dma_wait3A_916, %dma_wait3A_917] : memref<10240x128xf32, #tpu.memory_space<vmem_shared>> -> memref<10240x128xf32, #tpu.memory_space<vmem_shared>>
          tpu.wait_indirect_dma semaphore(%arg15 : memref<!tpu.dma_semaphore, #tpu.memory_space<semaphore_mem>>) src(%dma_wait3A_915 : memref<16x128xf32, #tpu.memory_space<vmem>>) dst(%dma_wait3A_918 : memref<10240x128xf32, #tpu.memory_space<vmem_shared>>)
        } else {
        }
        %add3A_882 = arith.constant 4 : i32
        %add3A_883 = arith.addi %add3A_672, %add3A_882 : i32
        %sub3A_884 = arith.constant 1 : i32
        %sub3A_885 = arith.subi %add3A_883, %sub3A_884 : i32
        %mul3A_886 = arith.constant 64 : i32
        %mul3A_887 = arith.muli %sub3A_885, %mul3A_886 : i32
        %dma_start3A_888 = tpu.memref_slice %arg5[%mul3A_887] : memref<2560xi32, #tpu.memory_space<vmem>> -> memref<64xi32, #tpu.memory_space<vmem>>
        %dma_start3A_889 = arith.constant 0 : i32
        %dma_start3A_890 = arith.constant 0 : i32
        %dma_start3A_891 = tpu.memref_slice %arg3[%dma_start3A_889, %dma_start3A_890] : memref<10000x128xf32, #tpu.memory_space<hbm>> -> memref<10000x128xf32, #tpu.memory_space<hbm>>
        tpu.enqueue_indirect_dma source(%dma_start3A_891 : memref<10000x128xf32, #tpu.memory_space<hbm>>) target(%arg7 : memref<64x128xf32, #tpu.memory_space<vmem>>) offsets(%dma_start3A_888 : memref<64xi32, #tpu.memory_space<vmem>>) semaphore(%arg11 : memref<!tpu.dma_semaphore, #tpu.memory_space<semaphore_mem>>)
      } else {
      }
      %mul3A_682 = arith.constant 64 : i32
      %mul3A_683 = arith.muli %add3A_672, %mul3A_682 : i32
      %dma_wait3A_684 = tpu.memref_slice %arg5[%mul3A_683] : memref<2560xi32, #tpu.memory_space<vmem>> -> memref<64xi32, #tpu.memory_space<vmem>>
      %dma_wait3A_685 = arith.constant 0 : i32
      %dma_wait3A_686 = arith.constant 0 : i32
      %dma_wait3A_687 = tpu.memref_slice %arg3[%dma_wait3A_685, %dma_wait3A_686] : memref<10000x128xf32, #tpu.memory_space<hbm>> -> memref<10000x128xf32, #tpu.memory_space<hbm>>
      tpu.wait_indirect_dma semaphore(%arg12 : memref<!tpu.dma_semaphore, #tpu.memory_space<semaphore_mem>>) src(%dma_wait3A_687 : memref<10000x128xf32, #tpu.memory_space<hbm>>) dst(%arg8 : memref<64x128xf32, #tpu.memory_space<vmem>>)
      %mul3A_688 = arith.constant 64 : i32
      %mul3A_689 = arith.muli %add3A_672, %mul3A_688 : i32
      %add3A_690 = arith.constant 0 : i32
      %add3A_691 = arith.addi %mul3A_689, %add3A_690 : i32
      %get3A_692 = arith.index_cast %add3A_691 : i32 to index
      %get3A_693 = tpu.vector_load %arg6[%get3A_692] {strides = array<i32>} : memref<2560xi32, #tpu.memory_space<vmem>>, vector<16xi32>,
      %get3A_694 = vector.shape_cast %get3A_693 : vector<16xi32> to vector<16xi32>
      %dma_start3A_695 = arith.constant 0 : i32
      %dma_start3A_696 = arith.constant 0 : i32
      %dma_start3A_697 = tpu.memref_slice %arg8[%dma_start3A_695, %dma_start3A_696] : memref<64x128xf32, #tpu.memory_space<vmem>> -> memref<16x128xf32, #tpu.memory_space<vmem>>
      %dma_start3A_698 = arith.constant 0 : i32
      %dma_start3A_699 = arith.constant 0 : i32
      %dma_start3A_700 = tpu.memref_slice %arg19[%dma_start3A_698, %dma_start3A_699] : memref<10240x128xf32, #tpu.memory_space<vmem_shared>> -> memref<10240x128xf32, #tpu.memory_space<vmem_shared>>
      tpu.enqueue_indirect_dma source(%dma_start3A_697 : memref<16x128xf32, #tpu.memory_space<vmem>>) target(%dma_start3A_700 : memref<10240x128xf32, #tpu.memory_space<vmem_shared>>) offsets(%get3A_694 : vector<16xi32>) semaphore(%arg16 : memref<!tpu.dma_semaphore, #tpu.memory_space<semaphore_mem>>) {add = true}
      %mul3A_701 = arith.constant 64 : i32
      %mul3A_702 = arith.muli %add3A_672, %mul3A_701 : i32
      %add3A_703 = arith.constant 16 : i32
      %add3A_704 = arith.addi %mul3A_702, %add3A_703 : i32
      %get3A_705 = arith.index_cast %add3A_704 : i32 to index
      %get3A_706 = tpu.vector_load %arg6[%get3A_705] {strides = array<i32>} : memref<2560xi32, #tpu.memory_space<vmem>>, vector<16xi32>,
      %get3A_707 = vector.shape_cast %get3A_706 : vector<16xi32> to vector<16xi32>
      %dma_start3A_708 = arith.constant 16 : i32
      %dma_start3A_709 = arith.constant 0 : i32
      %dma_start3A_710 = tpu.memref_slice %arg8[%dma_start3A_708, %dma_start3A_709] : memref<64x128xf32, #tpu.memory_space<vmem>> -> memref<16x128xf32, #tpu.memory_space<vmem>>
      %dma_start3A_711 = arith.constant 0 : i32
      %dma_start3A_712 = arith.constant 0 : i32
      %dma_start3A_713 = tpu.memref_slice %arg19[%dma_start3A_711, %dma_start3A_712] : memref<10240x128xf32, #tpu.memory_space<vmem_shared>> -> memref<10240x128xf32, #tpu.memory_space<vmem_shared>>
      tpu.enqueue_indirect_dma source(%dma_start3A_710 : memref<16x128xf32, #tpu.memory_space<vmem>>) target(%dma_start3A_713 : memref<10240x128xf32, #tpu.memory_space<vmem_shared>>) offsets(%get3A_707 : vector<16xi32>) semaphore(%arg16 : memref<!tpu.dma_semaphore, #tpu.memory_space<semaphore_mem>>) {add = true}
      %mul3A_714 = arith.constant 64 : i32
      %mul3A_715 = arith.muli %add3A_672, %mul3A_714 : i32
      %add3A_716 = arith.constant 32 : i32
      %add3A_717 = arith.addi %mul3A_715, %add3A_716 : i32
      %get3A_718 = arith.index_cast %add3A_717 : i32 to index
      %get3A_719 = tpu.vector_load %arg6[%get3A_718] {strides = array<i32>} : memref<2560xi32, #tpu.memory_space<vmem>>, vector<16xi32>,
      %get3A_720 = vector.shape_cast %get3A_719 : vector<16xi32> to vector<16xi32>
      %dma_start3A_721 = arith.constant 32 : i32
      %dma_start3A_722 = arith.constant 0 : i32
      %dma_start3A_723 = tpu.memref_slice %arg8[%dma_start3A_721, %dma_start3A_722] : memref<64x128xf32, #tpu.memory_space<vmem>> -> memref<16x128xf32, #tpu.memory_space<vmem>>
      %dma_start3A_724 = arith.constant 0 : i32
      %dma_start3A_725 = arith.constant 0 : i32
      %dma_start3A_726 = tpu.memref_slice %arg19[%dma_start3A_724, %dma_start3A_725] : memref<10240x128xf32, #tpu.memory_space<vmem_shared>> -> memref<10240x128xf32, #tpu.memory_space<vmem_shared>>
      tpu.enqueue_indirect_dma source(%dma_start3A_723 : memref<16x128xf32, #tpu.memory_space<vmem>>) target(%dma_start3A_726 : memref<10240x128xf32, #tpu.memory_space<vmem_shared>>) offsets(%get3A_720 : vector<16xi32>) semaphore(%arg16 : memref<!tpu.dma_semaphore, #tpu.memory_space<semaphore_mem>>) {add = true}
      %mul3A_727 = arith.constant 64 : i32
      %mul3A_728 = arith.muli %add3A_672, %mul3A_727 : i32
      %add3A_729 = arith.constant 48 : i32
      %add3A_730 = arith.addi %mul3A_728, %add3A_729 : i32
      %get3A_731 = arith.index_cast %add3A_730 : i32 to index
      %get3A_732 = tpu.vector_load %arg6[%get3A_731] {strides = array<i32>} : memref<2560xi32, #tpu.memory_space<vmem>>, vector<16xi32>,
      %get3A_733 = vector.shape_cast %get3A_732 : vector<16xi32> to vector<16xi32>
      %dma_start3A_734 = arith.constant 48 : i32
      %dma_start3A_735 = arith.constant 0 : i32
      %dma_start3A_736 = tpu.memref_slice %arg8[%dma_start3A_734, %dma_start3A_735] : memref<64x128xf32, #tpu.memory_space<vmem>> -> memref<16x128xf32, #tpu.memory_space<vmem>>
      %dma_start3A_737 = arith.constant 0 : i32
      %dma_start3A_738 = arith.constant 0 : i32
      %dma_start3A_739 = tpu.memref_slice %arg19[%dma_start3A_737, %dma_start3A_738] : memref<10240x128xf32, #tpu.memory_space<vmem_shared>> -> memref<10240x128xf32, #tpu.memory_space<vmem_shared>>
      tpu.enqueue_indirect_dma source(%dma_start3A_736 : memref<16x128xf32, #tpu.memory_space<vmem>>) target(%dma_start3A_739 : memref<10240x128xf32, #tpu.memory_space<vmem_shared>>) offsets(%get3A_733 : vector<16xi32>) semaphore(%arg16 : memref<!tpu.dma_semaphore, #tpu.memory_space<semaphore_mem>>) {add = true}
      %add3A_740 = arith.constant 2 : i32
      %add3A_741 = arith.addi %mul3A_605, %add3A_740 : i32
      %add3A_742 = arith.constant 4 : i32
      %add3A_743 = arith.addi %add3A_741, %add3A_742 : i32
      %sub3A_744 = arith.constant 1 : i32
      %sub3A_745 = arith.subi %add3A_743, %sub3A_744 : i32
      %lt3A_746 = arith.constant 40 : i32
      %lt3A_747 = arith.cmpi slt, %sub3A_745, %lt3A_746 : i32
      %convert_element_type3A_748 = arith.extui %lt3A_747 : i1 to i32
      %cond3A_749 = arith.constant 0 : i32
      %cond3A_750 = arith.cmpi ne, %convert_element_type3A_748, %cond3A_749 : i32
      scf.if %cond3A_750 {
        %ge3A = arith.constant 1 : i32
        %ge3A_878 = arith.cmpi sge, %add3A_741, %ge3A : i32
        %convert_element_type3A_879 = arith.extui %ge3A_878 : i1 to i32
        %cond3A_880 = arith.constant 0 : i32
        %cond3A_881 = arith.cmpi ne, %convert_element_type3A_879, %cond3A_880 : i32
        scf.if %cond3A_881 {
          %get3A_892 = arith.constant 0 : index
          %get3A_893 = tpu.vector_load %arg6[%get3A_892] {strides = array<i32>} : memref<2560xi32, #tpu.memory_space<vmem>>, vector<16xi32>,
          %get3A_894 = vector.shape_cast %get3A_893 : vector<16xi32> to vector<16xi32>
          %dma_wait3A_895 = arith.constant 0 : i32
          %dma_wait3A_896 = arith.constant 0 : i32
          %dma_wait3A_897 = tpu.memref_slice %arg8[%dma_wait3A_895, %dma_wait3A_896] : memref<64x128xf32, #tpu.memory_space<vmem>> -> memref<16x128xf32, #tpu.memory_space<vmem>>
          %dma_wait3A_898 = arith.constant 0 : i32
          %dma_wait3A_899 = arith.constant 0 : i32
          %dma_wait3A_900 = tpu.memref_slice %arg19[%dma_wait3A_898, %dma_wait3A_899] : memref<10240x128xf32, #tpu.memory_space<vmem_shared>> -> memref<10240x128xf32, #tpu.memory_space<vmem_shared>>
          tpu.wait_indirect_dma semaphore(%arg16 : memref<!tpu.dma_semaphore, #tpu.memory_space<semaphore_mem>>) src(%dma_wait3A_897 : memref<16x128xf32, #tpu.memory_space<vmem>>) dst(%dma_wait3A_900 : memref<10240x128xf32, #tpu.memory_space<vmem_shared>>)
          %dma_wait3A_901 = arith.constant 16 : i32
          %dma_wait3A_902 = arith.constant 0 : i32
          %dma_wait3A_903 = tpu.memref_slice %arg8[%dma_wait3A_901, %dma_wait3A_902] : memref<64x128xf32, #tpu.memory_space<vmem>> -> memref<16x128xf32, #tpu.memory_space<vmem>>
          %dma_wait3A_904 = arith.constant 0 : i32
          %dma_wait3A_905 = arith.constant 0 : i32
          %dma_wait3A_906 = tpu.memref_slice %arg19[%dma_wait3A_904, %dma_wait3A_905] : memref<10240x128xf32, #tpu.memory_space<vmem_shared>> -> memref<10240x128xf32, #tpu.memory_space<vmem_shared>>
          tpu.wait_indirect_dma semaphore(%arg16 : memref<!tpu.dma_semaphore, #tpu.memory_space<semaphore_mem>>) src(%dma_wait3A_903 : memref<16x128xf32, #tpu.memory_space<vmem>>) dst(%dma_wait3A_906 : memref<10240x128xf32, #tpu.memory_space<vmem_shared>>)
          %dma_wait3A_907 = arith.constant 32 : i32
          %dma_wait3A_908 = arith.constant 0 : i32
          %dma_wait3A_909 = tpu.memref_slice %arg8[%dma_wait3A_907, %dma_wait3A_908] : memref<64x128xf32, #tpu.memory_space<vmem>> -> memref<16x128xf32, #tpu.memory_space<vmem>>
          %dma_wait3A_910 = arith.constant 0 : i32
          %dma_wait3A_911 = arith.constant 0 : i32
          %dma_wait3A_912 = tpu.memref_slice %arg19[%dma_wait3A_910, %dma_wait3A_911] : memref<10240x128xf32, #tpu.memory_space<vmem_shared>> -> memref<10240x128xf32, #tpu.memory_space<vmem_shared>>
          tpu.wait_indirect_dma semaphore(%arg16 : memref<!tpu.dma_semaphore, #tpu.memory_space<semaphore_mem>>) src(%dma_wait3A_909 : memref<16x128xf32, #tpu.memory_space<vmem>>) dst(%dma_wait3A_912 : memref<10240x128xf32, #tpu.memory_space<vmem_shared>>)
          %dma_wait3A_913 = arith.constant 48 : i32
          %dma_wait3A_914 = arith.constant 0 : i32
          %dma_wait3A_915 = tpu.memref_slice %arg8[%dma_wait3A_913, %dma_wait3A_914] : memref<64x128xf32, #tpu.memory_space<vmem>> -> memref<16x128xf32, #tpu.memory_space<vmem>>
          %dma_wait3A_916 = arith.constant 0 : i32
          %dma_wait3A_917 = arith.constant 0 : i32
          %dma_wait3A_918 = tpu.memref_slice %arg19[%dma_wait3A_916, %dma_wait3A_917] : memref<10240x128xf32, #tpu.memory_space<vmem_shared>> -> memref<10240x128xf32, #tpu.memory_space<vmem_shared>>
          tpu.wait_indirect_dma semaphore(%arg16 : memref<!tpu.dma_semaphore, #tpu.memory_space<semaphore_mem>>) src(%dma_wait3A_915 : memref<16x128xf32, #tpu.memory_space<vmem>>) dst(%dma_wait3A_918 : memref<10240x128xf32, #tpu.memory_space<vmem_shared>>)
        } else {
        }
        %add3A_882 = arith.constant 4 : i32
        %add3A_883 = arith.addi %add3A_741, %add3A_882 : i32
        %sub3A_884 = arith.constant 1 : i32
        %sub3A_885 = arith.subi %add3A_883, %sub3A_884 : i32
        %mul3A_886 = arith.constant 64 : i32
        %mul3A_887 = arith.muli %sub3A_885, %mul3A_886 : i32
        %dma_start3A_888 = tpu.memref_slice %arg5[%mul3A_887] : memref<2560xi32, #tpu.memory_space<vmem>> -> memref<64xi32, #tpu.memory_space<vmem>>
        %dma_start3A_889 = arith.constant 0 : i32
        %dma_start3A_890 = arith.constant 0 : i32
        %dma_start3A_891 = tpu.memref_slice %arg3[%dma_start3A_889, %dma_start3A_890] : memref<10000x128xf32, #tpu.memory_space<hbm>> -> memref<10000x128xf32, #tpu.memory_space<hbm>>
        tpu.enqueue_indirect_dma source(%dma_start3A_891 : memref<10000x128xf32, #tpu.memory_space<hbm>>) target(%arg8 : memref<64x128xf32, #tpu.memory_space<vmem>>) offsets(%dma_start3A_888 : memref<64xi32, #tpu.memory_space<vmem>>) semaphore(%arg12 : memref<!tpu.dma_semaphore, #tpu.memory_space<semaphore_mem>>)
      } else {
      }
      %mul3A_751 = arith.constant 64 : i32
      %mul3A_752 = arith.muli %add3A_741, %mul3A_751 : i32
      %dma_wait3A_753 = tpu.memref_slice %arg5[%mul3A_752] : memref<2560xi32, #tpu.memory_space<vmem>> -> memref<64xi32, #tpu.memory_space<vmem>>
      %dma_wait3A_754 = arith.constant 0 : i32
      %dma_wait3A_755 = arith.constant 0 : i32
      %dma_wait3A_756 = tpu.memref_slice %arg3[%dma_wait3A_754, %dma_wait3A_755] : memref<10000x128xf32, #tpu.memory_space<hbm>> -> memref<10000x128xf32, #tpu.memory_space<hbm>>
      tpu.wait_indirect_dma semaphore(%arg13 : memref<!tpu.dma_semaphore, #tpu.memory_space<semaphore_mem>>) src(%dma_wait3A_756 : memref<10000x128xf32, #tpu.memory_space<hbm>>) dst(%arg9 : memref<64x128xf32, #tpu.memory_space<vmem>>)
      %mul3A_757 = arith.constant 64 : i32
      %mul3A_758 = arith.muli %add3A_741, %mul3A_757 : i32
      %add3A_759 = arith.constant 0 : i32
      %add3A_760 = arith.addi %mul3A_758, %add3A_759 : i32
      %get3A_761 = arith.index_cast %add3A_760 : i32 to index
      %get3A_762 = tpu.vector_load %arg6[%get3A_761] {strides = array<i32>} : memref<2560xi32, #tpu.memory_space<vmem>>, vector<16xi32>,
      %get3A_763 = vector.shape_cast %get3A_762 : vector<16xi32> to vector<16xi32>
      %dma_start3A_764 = arith.constant 0 : i32
      %dma_start3A_765 = arith.constant 0 : i32
      %dma_start3A_766 = tpu.memref_slice %arg9[%dma_start3A_764, %dma_start3A_765] : memref<64x128xf32, #tpu.memory_space<vmem>> -> memref<16x128xf32, #tpu.memory_space<vmem>>
      %dma_start3A_767 = arith.constant 0 : i32
      %dma_start3A_768 = arith.constant 0 : i32
      %dma_start3A_769 = tpu.memref_slice %arg19[%dma_start3A_767, %dma_start3A_768] : memref<10240x128xf32, #tpu.memory_space<vmem_shared>> -> memref<10240x128xf32, #tpu.memory_space<vmem_shared>>
      tpu.enqueue_indirect_dma source(%dma_start3A_766 : memref<16x128xf32, #tpu.memory_space<vmem>>) target(%dma_start3A_769 : memref<10240x128xf32, #tpu.memory_space<vmem_shared>>) offsets(%get3A_763 : vector<16xi32>) semaphore(%arg17 : memref<!tpu.dma_semaphore, #tpu.memory_space<semaphore_mem>>) {add = true}
      %mul3A_770 = arith.constant 64 : i32
      %mul3A_771 = arith.muli %add3A_741, %mul3A_770 : i32
      %add3A_772 = arith.constant 16 : i32
      %add3A_773 = arith.addi %mul3A_771, %add3A_772 : i32
      %get3A_774 = arith.index_cast %add3A_773 : i32 to index
      %get3A_775 = tpu.vector_load %arg6[%get3A_774] {strides = array<i32>} : memref<2560xi32, #tpu.memory_space<vmem>>, vector<16xi32>,
      %get3A_776 = vector.shape_cast %get3A_775 : vector<16xi32> to vector<16xi32>
      %dma_start3A_777 = arith.constant 16 : i32
      %dma_start3A_778 = arith.constant 0 : i32
      %dma_start3A_779 = tpu.memref_slice %arg9[%dma_start3A_777, %dma_start3A_778] : memref<64x128xf32, #tpu.memory_space<vmem>> -> memref<16x128xf32, #tpu.memory_space<vmem>>
      %dma_start3A_780 = arith.constant 0 : i32
      %dma_start3A_781 = arith.constant 0 : i32
      %dma_start3A_782 = tpu.memref_slice %arg19[%dma_start3A_780, %dma_start3A_781] : memref<10240x128xf32, #tpu.memory_space<vmem_shared>> -> memref<10240x128xf32, #tpu.memory_space<vmem_shared>>
      tpu.enqueue_indirect_dma source(%dma_start3A_779 : memref<16x128xf32, #tpu.memory_space<vmem>>) target(%dma_start3A_782 : memref<10240x128xf32, #tpu.memory_space<vmem_shared>>) offsets(%get3A_776 : vector<16xi32>) semaphore(%arg17 : memref<!tpu.dma_semaphore, #tpu.memory_space<semaphore_mem>>) {add = true}
      %mul3A_783 = arith.constant 64 : i32
      %mul3A_784 = arith.muli %add3A_741, %mul3A_783 : i32
      %add3A_785 = arith.constant 32 : i32
      %add3A_786 = arith.addi %mul3A_784, %add3A_785 : i32
      %get3A_787 = arith.index_cast %add3A_786 : i32 to index
      %get3A_788 = tpu.vector_load %arg6[%get3A_787] {strides = array<i32>} : memref<2560xi32, #tpu.memory_space<vmem>>, vector<16xi32>,
      %get3A_789 = vector.shape_cast %get3A_788 : vector<16xi32> to vector<16xi32>
      %dma_start3A_790 = arith.constant 32 : i32
      %dma_start3A_791 = arith.constant 0 : i32
      %dma_start3A_792 = tpu.memref_slice %arg9[%dma_start3A_790, %dma_start3A_791] : memref<64x128xf32, #tpu.memory_space<vmem>> -> memref<16x128xf32, #tpu.memory_space<vmem>>
      %dma_start3A_793 = arith.constant 0 : i32
      %dma_start3A_794 = arith.constant 0 : i32
      %dma_start3A_795 = tpu.memref_slice %arg19[%dma_start3A_793, %dma_start3A_794] : memref<10240x128xf32, #tpu.memory_space<vmem_shared>> -> memref<10240x128xf32, #tpu.memory_space<vmem_shared>>
      tpu.enqueue_indirect_dma source(%dma_start3A_792 : memref<16x128xf32, #tpu.memory_space<vmem>>) target(%dma_start3A_795 : memref<10240x128xf32, #tpu.memory_space<vmem_shared>>) offsets(%get3A_789 : vector<16xi32>) semaphore(%arg17 : memref<!tpu.dma_semaphore, #tpu.memory_space<semaphore_mem>>) {add = true}
      %mul3A_796 = arith.constant 64 : i32
      %mul3A_797 = arith.muli %add3A_741, %mul3A_796 : i32
      %add3A_798 = arith.constant 48 : i32
      %add3A_799 = arith.addi %mul3A_797, %add3A_798 : i32
      %get3A_800 = arith.index_cast %add3A_799 : i32 to index
      %get3A_801 = tpu.vector_load %arg6[%get3A_800] {strides = array<i32>} : memref<2560xi32, #tpu.memory_space<vmem>>, vector<16xi32>,
      %get3A_802 = vector.shape_cast %get3A_801 : vector<16xi32> to vector<16xi32>
      %dma_start3A_803 = arith.constant 48 : i32
      %dma_start3A_804 = arith.constant 0 : i32
      %dma_start3A_805 = tpu.memref_slice %arg9[%dma_start3A_803, %dma_start3A_804] : memref<64x128xf32, #tpu.memory_space<vmem>> -> memref<16x128xf32, #tpu.memory_space<vmem>>
      %dma_start3A_806 = arith.constant 0 : i32
      %dma_start3A_807 = arith.constant 0 : i32
      %dma_start3A_808 = tpu.memref_slice %arg19[%dma_start3A_806, %dma_start3A_807] : memref<10240x128xf32, #tpu.memory_space<vmem_shared>> -> memref<10240x128xf32, #tpu.memory_space<vmem_shared>>
      tpu.enqueue_indirect_dma source(%dma_start3A_805 : memref<16x128xf32, #tpu.memory_space<vmem>>) target(%dma_start3A_808 : memref<10240x128xf32, #tpu.memory_space<vmem_shared>>) offsets(%get3A_802 : vector<16xi32>) semaphore(%arg17 : memref<!tpu.dma_semaphore, #tpu.memory_space<semaphore_mem>>) {add = true}
      %add3A_809 = arith.constant 3 : i32
      %add3A_810 = arith.addi %mul3A_605, %add3A_809 : i32
      %add3A_811 = arith.constant 4 : i32
      %add3A_812 = arith.addi %add3A_810, %add3A_811 : i32
      %sub3A_813 = arith.constant 1 : i32
      %sub3A_814 = arith.subi %add3A_812, %sub3A_813 : i32
      %lt3A_815 = arith.constant 40 : i32
      %lt3A_816 = arith.cmpi slt, %sub3A_814, %lt3A_815 : i32
      %convert_element_type3A_817 = arith.extui %lt3A_816 : i1 to i32
      %cond3A_818 = arith.constant 0 : i32
      %cond3A_819 = arith.cmpi ne, %convert_element_type3A_817, %cond3A_818 : i32
      scf.if %cond3A_819 {
        %ge3A = arith.constant 1 : i32
        %ge3A_878 = arith.cmpi sge, %add3A_810, %ge3A : i32
        %convert_element_type3A_879 = arith.extui %ge3A_878 : i1 to i32
        %cond3A_880 = arith.constant 0 : i32
        %cond3A_881 = arith.cmpi ne, %convert_element_type3A_879, %cond3A_880 : i32
        scf.if %cond3A_881 {
          %get3A_892 = arith.constant 0 : index
          %get3A_893 = tpu.vector_load %arg6[%get3A_892] {strides = array<i32>} : memref<2560xi32, #tpu.memory_space<vmem>>, vector<16xi32>,
          %get3A_894 = vector.shape_cast %get3A_893 : vector<16xi32> to vector<16xi32>
          %dma_wait3A_895 = arith.constant 0 : i32
          %dma_wait3A_896 = arith.constant 0 : i32
          %dma_wait3A_897 = tpu.memref_slice %arg9[%dma_wait3A_895, %dma_wait3A_896] : memref<64x128xf32, #tpu.memory_space<vmem>> -> memref<16x128xf32, #tpu.memory_space<vmem>>
          %dma_wait3A_898 = arith.constant 0 : i32
          %dma_wait3A_899 = arith.constant 0 : i32
          %dma_wait3A_900 = tpu.memref_slice %arg19[%dma_wait3A_898, %dma_wait3A_899] : memref<10240x128xf32, #tpu.memory_space<vmem_shared>> -> memref<10240x128xf32, #tpu.memory_space<vmem_shared>>
          tpu.wait_indirect_dma semaphore(%arg17 : memref<!tpu.dma_semaphore, #tpu.memory_space<semaphore_mem>>) src(%dma_wait3A_897 : memref<16x128xf32, #tpu.memory_space<vmem>>) dst(%dma_wait3A_900 : memref<10240x128xf32, #tpu.memory_space<vmem_shared>>)
          %dma_wait3A_901 = arith.constant 16 : i32
          %dma_wait3A_902 = arith.constant 0 : i32
          %dma_wait3A_903 = tpu.memref_slice %arg9[%dma_wait3A_901, %dma_wait3A_902] : memref<64x128xf32, #tpu.memory_space<vmem>> -> memref<16x128xf32, #tpu.memory_space<vmem>>
          %dma_wait3A_904 = arith.constant 0 : i32
          %dma_wait3A_905 = arith.constant 0 : i32
          %dma_wait3A_906 = tpu.memref_slice %arg19[%dma_wait3A_904, %dma_wait3A_905] : memref<10240x128xf32, #tpu.memory_space<vmem_shared>> -> memref<10240x128xf32, #tpu.memory_space<vmem_shared>>
          tpu.wait_indirect_dma semaphore(%arg17 : memref<!tpu.dma_semaphore, #tpu.memory_space<semaphore_mem>>) src(%dma_wait3A_903 : memref<16x128xf32, #tpu.memory_space<vmem>>) dst(%dma_wait3A_906 : memref<10240x128xf32, #tpu.memory_space<vmem_shared>>)
          %dma_wait3A_907 = arith.constant 32 : i32
          %dma_wait3A_908 = arith.constant 0 : i32
          %dma_wait3A_909 = tpu.memref_slice %arg9[%dma_wait3A_907, %dma_wait3A_908] : memref<64x128xf32, #tpu.memory_space<vmem>> -> memref<16x128xf32, #tpu.memory_space<vmem>>
          %dma_wait3A_910 = arith.constant 0 : i32
          %dma_wait3A_911 = arith.constant 0 : i32
          %dma_wait3A_912 = tpu.memref_slice %arg19[%dma_wait3A_910, %dma_wait3A_911] : memref<10240x128xf32, #tpu.memory_space<vmem_shared>> -> memref<10240x128xf32, #tpu.memory_space<vmem_shared>>
          tpu.wait_indirect_dma semaphore(%arg17 : memref<!tpu.dma_semaphore, #tpu.memory_space<semaphore_mem>>) src(%dma_wait3A_909 : memref<16x128xf32, #tpu.memory_space<vmem>>) dst(%dma_wait3A_912 : memref<10240x128xf32, #tpu.memory_space<vmem_shared>>)
          %dma_wait3A_913 = arith.constant 48 : i32
          %dma_wait3A_914 = arith.constant 0 : i32
          %dma_wait3A_915 = tpu.memref_slice %arg9[%dma_wait3A_913, %dma_wait3A_914] : memref<64x128xf32, #tpu.memory_space<vmem>> -> memref<16x128xf32, #tpu.memory_space<vmem>>
          %dma_wait3A_916 = arith.constant 0 : i32
          %dma_wait3A_917 = arith.constant 0 : i32
          %dma_wait3A_918 = tpu.memref_slice %arg19[%dma_wait3A_916, %dma_wait3A_917] : memref<10240x128xf32, #tpu.memory_space<vmem_shared>> -> memref<10240x128xf32, #tpu.memory_space<vmem_shared>>
          tpu.wait_indirect_dma semaphore(%arg17 : memref<!tpu.dma_semaphore, #tpu.memory_space<semaphore_mem>>) src(%dma_wait3A_915 : memref<16x128xf32, #tpu.memory_space<vmem>>) dst(%dma_wait3A_918 : memref<10240x128xf32, #tpu.memory_space<vmem_shared>>)
        } else {
        }
        %add3A_882 = arith.constant 4 : i32
        %add3A_883 = arith.addi %add3A_810, %add3A_882 : i32
        %sub3A_884 = arith.constant 1 : i32
        %sub3A_885 = arith.subi %add3A_883, %sub3A_884 : i32
        %mul3A_886 = arith.constant 64 : i32
        %mul3A_887 = arith.muli %sub3A_885, %mul3A_886 : i32
        %dma_start3A_888 = tpu.memref_slice %arg5[%mul3A_887] : memref<2560xi32, #tpu.memory_space<vmem>> -> memref<64xi32, #tpu.memory_space<vmem>>
        %dma_start3A_889 = arith.constant 0 : i32
        %dma_start3A_890 = arith.constant 0 : i32
        %dma_start3A_891 = tpu.memref_slice %arg3[%dma_start3A_889, %dma_start3A_890] : memref<10000x128xf32, #tpu.memory_space<hbm>> -> memref<10000x128xf32, #tpu.memory_space<hbm>>
        tpu.enqueue_indirect_dma source(%dma_start3A_891 : memref<10000x128xf32, #tpu.memory_space<hbm>>) target(%arg9 : memref<64x128xf32, #tpu.memory_space<vmem>>) offsets(%dma_start3A_888 : memref<64xi32, #tpu.memory_space<vmem>>) semaphore(%arg13 : memref<!tpu.dma_semaphore, #tpu.memory_space<semaphore_mem>>)
      } else {
      }
      %mul3A_820 = arith.constant 64 : i32
      %mul3A_821 = arith.muli %add3A_810, %mul3A_820 : i32
      %dma_wait3A_822 = tpu.memref_slice %arg5[%mul3A_821] : memref<2560xi32, #tpu.memory_space<vmem>> -> memref<64xi32, #tpu.memory_space<vmem>>
      %dma_wait3A_823 = arith.constant 0 : i32
      %dma_wait3A_824 = arith.constant 0 : i32
      %dma_wait3A_825 = tpu.memref_slice %arg3[%dma_wait3A_823, %dma_wait3A_824] : memref<10000x128xf32, #tpu.memory_space<hbm>> -> memref<10000x128xf32, #tpu.memory_space<hbm>>
      tpu.wait_indirect_dma semaphore(%arg14 : memref<!tpu.dma_semaphore, #tpu.memory_space<semaphore_mem>>) src(%dma_wait3A_825 : memref<10000x128xf32, #tpu.memory_space<hbm>>) dst(%arg10 : memref<64x128xf32, #tpu.memory_space<vmem>>)
      %mul3A_826 = arith.constant 64 : i32
      %mul3A_827 = arith.muli %add3A_810, %mul3A_826 : i32
      %add3A_828 = arith.constant 0 : i32
      %add3A_829 = arith.addi %mul3A_827, %add3A_828 : i32
      %get3A_830 = arith.index_cast %add3A_829 : i32 to index
      %get3A_831 = tpu.vector_load %arg6[%get3A_830] {strides = array<i32>} : memref<2560xi32, #tpu.memory_space<vmem>>, vector<16xi32>,
      %get3A_832 = vector.shape_cast %get3A_831 : vector<16xi32> to vector<16xi32>
      %dma_start3A_833 = arith.constant 0 : i32
      %dma_start3A_834 = arith.constant 0 : i32
      %dma_start3A_835 = tpu.memref_slice %arg10[%dma_start3A_833, %dma_start3A_834] : memref<64x128xf32, #tpu.memory_space<vmem>> -> memref<16x128xf32, #tpu.memory_space<vmem>>
      %dma_start3A_836 = arith.constant 0 : i32
      %dma_start3A_837 = arith.constant 0 : i32
      %dma_start3A_838 = tpu.memref_slice %arg19[%dma_start3A_836, %dma_start3A_837] : memref<10240x128xf32, #tpu.memory_space<vmem_shared>> -> memref<10240x128xf32, #tpu.memory_space<vmem_shared>>
      tpu.enqueue_indirect_dma source(%dma_start3A_835 : memref<16x128xf32, #tpu.memory_space<vmem>>) target(%dma_start3A_838 : memref<10240x128xf32, #tpu.memory_space<vmem_shared>>) offsets(%get3A_832 : vector<16xi32>) semaphore(%arg18 : memref<!tpu.dma_semaphore, #tpu.memory_space<semaphore_mem>>) {add = true}
      %mul3A_839 = arith.constant 64 : i32
      %mul3A_840 = arith.muli %add3A_810, %mul3A_839 : i32
      %add3A_841 = arith.constant 16 : i32
      %add3A_842 = arith.addi %mul3A_840, %add3A_841 : i32
      %get3A_843 = arith.index_cast %add3A_842 : i32 to index
      %get3A_844 = tpu.vector_load %arg6[%get3A_843] {strides = array<i32>} : memref<2560xi32, #tpu.memory_space<vmem>>, vector<16xi32>,
      %get3A_845 = vector.shape_cast %get3A_844 : vector<16xi32> to vector<16xi32>
      %dma_start3A_846 = arith.constant 16 : i32
      %dma_start3A_847 = arith.constant 0 : i32
      %dma_start3A_848 = tpu.memref_slice %arg10[%dma_start3A_846, %dma_start3A_847] : memref<64x128xf32, #tpu.memory_space<vmem>> -> memref<16x128xf32, #tpu.memory_space<vmem>>
      %dma_start3A_849 = arith.constant 0 : i32
      %dma_start3A_850 = arith.constant 0 : i32
      %dma_start3A_851 = tpu.memref_slice %arg19[%dma_start3A_849, %dma_start3A_850] : memref<10240x128xf32, #tpu.memory_space<vmem_shared>> -> memref<10240x128xf32, #tpu.memory_space<vmem_shared>>
      tpu.enqueue_indirect_dma source(%dma_start3A_848 : memref<16x128xf32, #tpu.memory_space<vmem>>) target(%dma_start3A_851 : memref<10240x128xf32, #tpu.memory_space<vmem_shared>>) offsets(%get3A_845 : vector<16xi32>) semaphore(%arg18 : memref<!tpu.dma_semaphore, #tpu.memory_space<semaphore_mem>>) {add = true}
      %mul3A_852 = arith.constant 64 : i32
      %mul3A_853 = arith.muli %add3A_810, %mul3A_852 : i32
      %add3A_854 = arith.constant 32 : i32
      %add3A_855 = arith.addi %mul3A_853, %add3A_854 : i32
      %get3A_856 = arith.index_cast %add3A_855 : i32 to index
      %get3A_857 = tpu.vector_load %arg6[%get3A_856] {strides = array<i32>} : memref<2560xi32, #tpu.memory_space<vmem>>, vector<16xi32>,
      %get3A_858 = vector.shape_cast %get3A_857 : vector<16xi32> to vector<16xi32>
      %dma_start3A_859 = arith.constant 32 : i32
      %dma_start3A_860 = arith.constant 0 : i32
      %dma_start3A_861 = tpu.memref_slice %arg10[%dma_start3A_859, %dma_start3A_860] : memref<64x128xf32, #tpu.memory_space<vmem>> -> memref<16x128xf32, #tpu.memory_space<vmem>>
      %dma_start3A_862 = arith.constant 0 : i32
      %dma_start3A_863 = arith.constant 0 : i32
      %dma_start3A_864 = tpu.memref_slice %arg19[%dma_start3A_862, %dma_start3A_863] : memref<10240x128xf32, #tpu.memory_space<vmem_shared>> -> memref<10240x128xf32, #tpu.memory_space<vmem_shared>>
      tpu.enqueue_indirect_dma source(%dma_start3A_861 : memref<16x128xf32, #tpu.memory_space<vmem>>) target(%dma_start3A_864 : memref<10240x128xf32, #tpu.memory_space<vmem_shared>>) offsets(%get3A_858 : vector<16xi32>) semaphore(%arg18 : memref<!tpu.dma_semaphore, #tpu.memory_space<semaphore_mem>>) {add = true}
      %mul3A_865 = arith.constant 64 : i32
      %mul3A_866 = arith.muli %add3A_810, %mul3A_865 : i32
      %add3A_867 = arith.constant 48 : i32
      %add3A_868 = arith.addi %mul3A_866, %add3A_867 : i32
      %get3A_869 = arith.index_cast %add3A_868 : i32 to index
      %get3A_870 = tpu.vector_load %arg6[%get3A_869] {strides = array<i32>} : memref<2560xi32, #tpu.memory_space<vmem>>, vector<16xi32>,
      %get3A_871 = vector.shape_cast %get3A_870 : vector<16xi32> to vector<16xi32>
      %dma_start3A_872 = arith.constant 48 : i32
      %dma_start3A_873 = arith.constant 0 : i32
      %dma_start3A_874 = tpu.memref_slice %arg10[%dma_start3A_872, %dma_start3A_873] : memref<64x128xf32, #tpu.memory_space<vmem>> -> memref<16x128xf32, #tpu.memory_space<vmem>>
      %dma_start3A_875 = arith.constant 0 : i32
      %dma_start3A_876 = arith.constant 0 : i32
      %dma_start3A_877 = tpu.memref_slice %arg19[%dma_start3A_875, %dma_start3A_876] : memref<10240x128xf32, #tpu.memory_space<vmem_shared>> -> memref<10240x128xf32, #tpu.memory_space<vmem_shared>>
      tpu.enqueue_indirect_dma source(%dma_start3A_874 : memref<16x128xf32, #tpu.memory_space<vmem>>) target(%dma_start3A_877 : memref<10240x128xf32, #tpu.memory_space<vmem_shared>>) offsets(%get3A_871 : vector<16xi32>) semaphore(%arg18 : memref<!tpu.dma_semaphore, #tpu.memory_space<semaphore_mem>>) {add = true}
    }
    %scan3A_74 = arith.constant 10 : i32
    %get3A = arith.constant 0 : index
    %get3A_75 = tpu.vector_load %arg6[%get3A] {strides = array<i32>} : memref<2560xi32, #tpu.memory_space<vmem>>, vector<16xi32>,
    %get3A_76 = vector.shape_cast %get3A_75 : vector<16xi32> to vector<16xi32>
    %dma_wait3A = arith.constant 0 : i32
    %dma_wait3A_77 = arith.constant 0 : i32
    %dma_wait3A_78 = tpu.memref_slice %arg7[%dma_wait3A, %dma_wait3A_77] : memref<64x128xf32, #tpu.memory_space<vmem>> -> memref<16x128xf32, #tpu.memory_space<vmem>>
    %dma_wait3A_79 = arith.constant 0 : i32
    %dma_wait3A_80 = arith.constant 0 : i32
    %dma_wait3A_81 = tpu.memref_slice %arg19[%dma_wait3A_79, %dma_wait3A_80] : memref<10240x128xf32, #tpu.memory_space<vmem_shared>> -> memref<10240x128xf32, #tpu.memory_space<vmem_shared>>
    tpu.wait_indirect_dma semaphore(%arg15 : memref<!tpu.dma_semaphore, #tpu.memory_space<semaphore_mem>>) src(%dma_wait3A_78 : memref<16x128xf32, #tpu.memory_space<vmem>>) dst(%dma_wait3A_81 : memref<10240x128xf32, #tpu.memory_space<vmem_shared>>)
    %dma_wait3A_82 = arith.constant 16 : i32
    %dma_wait3A_83 = arith.constant 0 : i32
    %dma_wait3A_84 = tpu.memref_slice %arg7[%dma_wait3A_82, %dma_wait3A_83] : memref<64x128xf32, #tpu.memory_space<vmem>> -> memref<16x128xf32, #tpu.memory_space<vmem>>
    %dma_wait3A_85 = arith.constant 0 : i32
    %dma_wait3A_86 = arith.constant 0 : i32
    %dma_wait3A_87 = tpu.memref_slice %arg19[%dma_wait3A_85, %dma_wait3A_86] : memref<10240x128xf32, #tpu.memory_space<vmem_shared>> -> memref<10240x128xf32, #tpu.memory_space<vmem_shared>>
    tpu.wait_indirect_dma semaphore(%arg15 : memref<!tpu.dma_semaphore, #tpu.memory_space<semaphore_mem>>) src(%dma_wait3A_84 : memref<16x128xf32, #tpu.memory_space<vmem>>) dst(%dma_wait3A_87 : memref<10240x128xf32, #tpu.memory_space<vmem_shared>>)
    %dma_wait3A_88 = arith.constant 32 : i32
    %dma_wait3A_89 = arith.constant 0 : i32
    %dma_wait3A_90 = tpu.memref_slice %arg7[%dma_wait3A_88, %dma_wait3A_89] : memref<64x128xf32, #tpu.memory_space<vmem>> -> memref<16x128xf32, #tpu.memory_space<vmem>>
    %dma_wait3A_91 = arith.constant 0 : i32
    %dma_wait3A_92 = arith.constant 0 : i32
    %dma_wait3A_93 = tpu.memref_slice %arg19[%dma_wait3A_91, %dma_wait3A_92] : memref<10240x128xf32, #tpu.memory_space<vmem_shared>> -> memref<10240x128xf32, #tpu.memory_space<vmem_shared>>
    tpu.wait_indirect_dma semaphore(%arg15 : memref<!tpu.dma_semaphore, #tpu.memory_space<semaphore_mem>>) src(%dma_wait3A_90 : memref<16x128xf32, #tpu.memory_space<vmem>>) dst(%dma_wait3A_93 : memref<10240x128xf32, #tpu.memory_space<vmem_shared>>)
    %dma_wait3A_94 = arith.constant 48 : i32
    %dma_wait3A_95 = arith.constant 0 : i32
    %dma_wait3A_96 = tpu.memref_slice %arg7[%dma_wait3A_94, %dma_wait3A_95] : memref<64x128xf32, #tpu.memory_space<vmem>> -> memref<16x128xf32, #tpu.memory_space<vmem>>
    %dma_wait3A_97 = arith.constant 0 : i32
    %dma_wait3A_98 = arith.constant 0 : i32
    %dma_wait3A_99 = tpu.memref_slice %arg19[%dma_wait3A_97, %dma_wait3A_98] : memref<10240x128xf32, #tpu.memory_space<vmem_shared>> -> memref<10240x128xf32, #tpu.memory_space<vmem_shared>>
    tpu.wait_indirect_dma semaphore(%arg15 : memref<!tpu.dma_semaphore, #tpu.memory_space<semaphore_mem>>) src(%dma_wait3A_96 : memref<16x128xf32, #tpu.memory_space<vmem>>) dst(%dma_wait3A_99 : memref<10240x128xf32, #tpu.memory_space<vmem_shared>>)
    %get3A_100 = arith.constant 0 : index
    %get3A_101 = tpu.vector_load %arg6[%get3A_100] {strides = array<i32>} : memref<2560xi32, #tpu.memory_space<vmem>>, vector<16xi32>,
    %get3A_102 = vector.shape_cast %get3A_101 : vector<16xi32> to vector<16xi32>
    %dma_wait3A_103 = arith.constant 0 : i32
    %dma_wait3A_104 = arith.constant 0 : i32
    %dma_wait3A_105 = tpu.memref_slice %arg8[%dma_wait3A_103, %dma_wait3A_104] : memref<64x128xf32, #tpu.memory_space<vmem>> -> memref<16x128xf32, #tpu.memory_space<vmem>>
    %dma_wait3A_106 = arith.constant 0 : i32
    %dma_wait3A_107 = arith.constant 0 : i32
    %dma_wait3A_108 = tpu.memref_slice %arg19[%dma_wait3A_106, %dma_wait3A_107] : memref<10240x128xf32, #tpu.memory_space<vmem_shared>> -> memref<10240x128xf32, #tpu.memory_space<vmem_shared>>
    tpu.wait_indirect_dma semaphore(%arg16 : memref<!tpu.dma_semaphore, #tpu.memory_space<semaphore_mem>>) src(%dma_wait3A_105 : memref<16x128xf32, #tpu.memory_space<vmem>>) dst(%dma_wait3A_108 : memref<10240x128xf32, #tpu.memory_space<vmem_shared>>)
    %dma_wait3A_109 = arith.constant 16 : i32
    %dma_wait3A_110 = arith.constant 0 : i32
    %dma_wait3A_111 = tpu.memref_slice %arg8[%dma_wait3A_109, %dma_wait3A_110] : memref<64x128xf32, #tpu.memory_space<vmem>> -> memref<16x128xf32, #tpu.memory_space<vmem>>
    %dma_wait3A_112 = arith.constant 0 : i32
    %dma_wait3A_113 = arith.constant 0 : i32
    %dma_wait3A_114 = tpu.memref_slice %arg19[%dma_wait3A_112, %dma_wait3A_113] : memref<10240x128xf32, #tpu.memory_space<vmem_shared>> -> memref<10240x128xf32, #tpu.memory_space<vmem_shared>>
    tpu.wait_indirect_dma semaphore(%arg16 : memref<!tpu.dma_semaphore, #tpu.memory_space<semaphore_mem>>) src(%dma_wait3A_111 : memref<16x128xf32, #tpu.memory_space<vmem>>) dst(%dma_wait3A_114 : memref<10240x128xf32, #tpu.memory_space<vmem_shared>>)
    %dma_wait3A_115 = arith.constant 32 : i32
    %dma_wait3A_116 = arith.constant 0 : i32
    %dma_wait3A_117 = tpu.memref_slice %arg8[%dma_wait3A_115, %dma_wait3A_116] : memref<64x128xf32, #tpu.memory_space<vmem>> -> memref<16x128xf32, #tpu.memory_space<vmem>>
    %dma_wait3A_118 = arith.constant 0 : i32
    %dma_wait3A_119 = arith.constant 0 : i32
    %dma_wait3A_120 = tpu.memref_slice %arg19[%dma_wait3A_118, %dma_wait3A_119] : memref<10240x128xf32, #tpu.memory_space<vmem_shared>> -> memref<10240x128xf32, #tpu.memory_space<vmem_shared>>
    tpu.wait_indirect_dma semaphore(%arg16 : memref<!tpu.dma_semaphore, #tpu.memory_space<semaphore_mem>>) src(%dma_wait3A_117 : memref<16x128xf32, #tpu.memory_space<vmem>>) dst(%dma_wait3A_120 : memref<10240x128xf32, #tpu.memory_space<vmem_shared>>)
    %dma_wait3A_121 = arith.constant 48 : i32
    %dma_wait3A_122 = arith.constant 0 : i32
    %dma_wait3A_123 = tpu.memref_slice %arg8[%dma_wait3A_121, %dma_wait3A_122] : memref<64x128xf32, #tpu.memory_space<vmem>> -> memref<16x128xf32, #tpu.memory_space<vmem>>
    %dma_wait3A_124 = arith.constant 0 : i32
    %dma_wait3A_125 = arith.constant 0 : i32
    %dma_wait3A_126 = tpu.memref_slice %arg19[%dma_wait3A_124, %dma_wait3A_125] : memref<10240x128xf32, #tpu.memory_space<vmem_shared>> -> memref<10240x128xf32, #tpu.memory_space<vmem_shared>>
    tpu.wait_indirect_dma semaphore(%arg16 : memref<!tpu.dma_semaphore, #tpu.memory_space<semaphore_mem>>) src(%dma_wait3A_123 : memref<16x128xf32, #tpu.memory_space<vmem>>) dst(%dma_wait3A_126 : memref<10240x128xf32, #tpu.memory_space<vmem_shared>>)
    %get3A_127 = arith.constant 0 : index
    %get3A_128 = tpu.vector_load %arg6[%get3A_127] {strides = array<i32>} : memref<2560xi32, #tpu.memory_space<vmem>>, vector<16xi32>,
    %get3A_129 = vector.shape_cast %get3A_128 : vector<16xi32> to vector<16xi32>
    %dma_wait3A_130 = arith.constant 0 : i32
    %dma_wait3A_131 = arith.constant 0 : i32
    %dma_wait3A_132 = tpu.memref_slice %arg9[%dma_wait3A_130, %dma_wait3A_131] : memref<64x128xf32, #tpu.memory_space<vmem>> -> memref<16x128xf32, #tpu.memory_space<vmem>>
    %dma_wait3A_133 = arith.constant 0 : i32
    %dma_wait3A_134 = arith.constant 0 : i32
    %dma_wait3A_135 = tpu.memref_slice %arg19[%dma_wait3A_133, %dma_wait3A_134] : memref<10240x128xf32, #tpu.memory_space<vmem_shared>> -> memref<10240x128xf32, #tpu.memory_space<vmem_shared>>
    tpu.wait_indirect_dma semaphore(%arg17 : memref<!tpu.dma_semaphore, #tpu.memory_space<semaphore_mem>>) src(%dma_wait3A_132 : memref<16x128xf32, #tpu.memory_space<vmem>>) dst(%dma_wait3A_135 : memref<10240x128xf32, #tpu.memory_space<vmem_shared>>)
    %dma_wait3A_136 = arith.constant 16 : i32
    %dma_wait3A_137 = arith.constant 0 : i32
    %dma_wait3A_138 = tpu.memref_slice %arg9[%dma_wait3A_136, %dma_wait3A_137] : memref<64x128xf32, #tpu.memory_space<vmem>> -> memref<16x128xf32, #tpu.memory_space<vmem>>
    %dma_wait3A_139 = arith.constant 0 : i32
    %dma_wait3A_140 = arith.constant 0 : i32
    %dma_wait3A_141 = tpu.memref_slice %arg19[%dma_wait3A_139, %dma_wait3A_140] : memref<10240x128xf32, #tpu.memory_space<vmem_shared>> -> memref<10240x128xf32, #tpu.memory_space<vmem_shared>>
    tpu.wait_indirect_dma semaphore(%arg17 : memref<!tpu.dma_semaphore, #tpu.memory_space<semaphore_mem>>) src(%dma_wait3A_138 : memref<16x128xf32, #tpu.memory_space<vmem>>) dst(%dma_wait3A_141 : memref<10240x128xf32, #tpu.memory_space<vmem_shared>>)
    %dma_wait3A_142 = arith.constant 32 : i32
    %dma_wait3A_143 = arith.constant 0 : i32
    %dma_wait3A_144 = tpu.memref_slice %arg9[%dma_wait3A_142, %dma_wait3A_143] : memref<64x128xf32, #tpu.memory_space<vmem>> -> memref<16x128xf32, #tpu.memory_space<vmem>>
    %dma_wait3A_145 = arith.constant 0 : i32
    %dma_wait3A_146 = arith.constant 0 : i32
    %dma_wait3A_147 = tpu.memref_slice %arg19[%dma_wait3A_145, %dma_wait3A_146] : memref<10240x128xf32, #tpu.memory_space<vmem_shared>> -> memref<10240x128xf32, #tpu.memory_space<vmem_shared>>
    tpu.wait_indirect_dma semaphore(%arg17 : memref<!tpu.dma_semaphore, #tpu.memory_space<semaphore_mem>>) src(%dma_wait3A_144 : memref<16x128xf32, #tpu.memory_space<vmem>>) dst(%dma_wait3A_147 : memref<10240x128xf32, #tpu.memory_space<vmem_shared>>)
    %dma_wait3A_148 = arith.constant 48 : i32
    %dma_wait3A_149 = arith.constant 0 : i32
    %dma_wait3A_150 = tpu.memref_slice %arg9[%dma_wait3A_148, %dma_wait3A_149] : memref<64x128xf32, #tpu.memory_space<vmem>> -> memref<16x128xf32, #tpu.memory_space<vmem>>
    %dma_wait3A_151 = arith.constant 0 : i32
    %dma_wait3A_152 = arith.constant 0 : i32
    %dma_wait3A_153 = tpu.memref_slice %arg19[%dma_wait3A_151, %dma_wait3A_152] : memref<10240x128xf32, #tpu.memory_space<vmem_shared>> -> memref<10240x128xf32, #tpu.memory_space<vmem_shared>>
    tpu.wait_indirect_dma semaphore(%arg17 : memref<!tpu.dma_semaphore, #tpu.memory_space<semaphore_mem>>) src(%dma_wait3A_150 : memref<16x128xf32, #tpu.memory_space<vmem>>) dst(%dma_wait3A_153 : memref<10240x128xf32, #tpu.memory_space<vmem_shared>>)
    %get3A_154 = arith.constant 0 : index
    %get3A_155 = tpu.vector_load %arg6[%get3A_154] {strides = array<i32>} : memref<2560xi32, #tpu.memory_space<vmem>>, vector<16xi32>,
    %get3A_156 = vector.shape_cast %get3A_155 : vector<16xi32> to vector<16xi32>
    %dma_wait3A_157 = arith.constant 0 : i32
    %dma_wait3A_158 = arith.constant 0 : i32
    %dma_wait3A_159 = tpu.memref_slice %arg10[%dma_wait3A_157, %dma_wait3A_158] : memref<64x128xf32, #tpu.memory_space<vmem>> -> memref<16x128xf32, #tpu.memory_space<vmem>>
    %dma_wait3A_160 = arith.constant 0 : i32
    %dma_wait3A_161 = arith.constant 0 : i32
    %dma_wait3A_162 = tpu.memref_slice %arg19[%dma_wait3A_160, %dma_wait3A_161] : memref<10240x128xf32, #tpu.memory_space<vmem_shared>> -> memref<10240x128xf32, #tpu.memory_space<vmem_shared>>
    tpu.wait_indirect_dma semaphore(%arg18 : memref<!tpu.dma_semaphore, #tpu.memory_space<semaphore_mem>>) src(%dma_wait3A_159 : memref<16x128xf32, #tpu.memory_space<vmem>>) dst(%dma_wait3A_162 : memref<10240x128xf32, #tpu.memory_space<vmem_shared>>)
    %dma_wait3A_163 = arith.constant 16 : i32
    %dma_wait3A_164 = arith.constant 0 : i32
    %dma_wait3A_165 = tpu.memref_slice %arg10[%dma_wait3A_163, %dma_wait3A_164] : memref<64x128xf32, #tpu.memory_space<vmem>> -> memref<16x128xf32, #tpu.memory_space<vmem>>
    %dma_wait3A_166 = arith.constant 0 : i32
    %dma_wait3A_167 = arith.constant 0 : i32
    %dma_wait3A_168 = tpu.memref_slice %arg19[%dma_wait3A_166, %dma_wait3A_167] : memref<10240x128xf32, #tpu.memory_space<vmem_shared>> -> memref<10240x128xf32, #tpu.memory_space<vmem_shared>>
    tpu.wait_indirect_dma semaphore(%arg18 : memref<!tpu.dma_semaphore, #tpu.memory_space<semaphore_mem>>) src(%dma_wait3A_165 : memref<16x128xf32, #tpu.memory_space<vmem>>) dst(%dma_wait3A_168 : memref<10240x128xf32, #tpu.memory_space<vmem_shared>>)
    %dma_wait3A_169 = arith.constant 32 : i32
    %dma_wait3A_170 = arith.constant 0 : i32
    %dma_wait3A_171 = tpu.memref_slice %arg10[%dma_wait3A_169, %dma_wait3A_170] : memref<64x128xf32, #tpu.memory_space<vmem>> -> memref<16x128xf32, #tpu.memory_space<vmem>>
    %dma_wait3A_172 = arith.constant 0 : i32
    %dma_wait3A_173 = arith.constant 0 : i32
    %dma_wait3A_174 = tpu.memref_slice %arg19[%dma_wait3A_172, %dma_wait3A_173] : memref<10240x128xf32, #tpu.memory_space<vmem_shared>> -> memref<10240x128xf32, #tpu.memory_space<vmem_shared>>
    tpu.wait_indirect_dma semaphore(%arg18 : memref<!tpu.dma_semaphore, #tpu.memory_space<semaphore_mem>>) src(%dma_wait3A_171 : memref<16x128xf32, #tpu.memory_space<vmem>>) dst(%dma_wait3A_174 : memref<10240x128xf32, #tpu.memory_space<vmem_shared>>)
    %dma_wait3A_175 = arith.constant 48 : i32
    %dma_wait3A_176 = arith.constant 0 : i32
    %dma_wait3A_177 = tpu.memref_slice %arg10[%dma_wait3A_175, %dma_wait3A_176] : memref<64x128xf32, #tpu.memory_space<vmem>> -> memref<16x128xf32, #tpu.memory_space<vmem>>
    %dma_wait3A_178 = arith.constant 0 : i32
    %dma_wait3A_179 = arith.constant 0 : i32
    %dma_wait3A_180 = tpu.memref_slice %arg19[%dma_wait3A_178, %dma_wait3A_179] : memref<10240x128xf32, #tpu.memory_space<vmem_shared>> -> memref<10240x128xf32, #tpu.memory_space<vmem_shared>>
    tpu.wait_indirect_dma semaphore(%arg18 : memref<!tpu.dma_semaphore, #tpu.memory_space<semaphore_mem>>) src(%dma_wait3A_177 : memref<16x128xf32, #tpu.memory_space<vmem>>) dst(%dma_wait3A_180 : memref<10240x128xf32, #tpu.memory_space<vmem_shared>>)
    %mul3A_181 = arith.constant 10240 : i32
    %mul3A_182 = arith.muli %add3A, %mul3A_181 : i32
    %add3A_183 = arith.constant 2560 : i32
    %add3A_184 = arith.addi %mul3A_182, %add3A_183 : i32
    %run_scoped3A_185 = arith.constant 0 : i32
    "tpu.region"() ({
      %run_scoped3A_603 = tpu.sem_alloc : memref<!tpu.dma_semaphore, #tpu.memory_space<semaphore_mem>>
      %dma_start3A_604 = tpu.memref_slice %arg2[%run_scoped3A_185, %add3A_184] : memref<2x327680xi32, #tpu.memory_space<hbm>> -> memref<1x2560xi32, #tpu.memory_space<hbm>>
      %dma_start3A_605 = tpu.memref_squeeze %dma_start3A_604 : memref<1x2560xi32, #tpu.memory_space<hbm>> -> memref<2560xi32, #tpu.memory_space<hbm>>
      %dma_start3A_606 = tpu.memref_slice %arg2[%run_scoped3A_185, %add3A_184] : memref<2x327680xi32, #tpu.memory_space<hbm>> -> memref<1x2560xi32, #tpu.memory_space<hbm>>
      %dma_start3A_607 = tpu.memref_squeeze %dma_start3A_606 : memref<1x2560xi32, #tpu.memory_space<hbm>> -> memref<2560xi32, #tpu.memory_space<hbm>>
      tpu.enqueue_dma source(%dma_start3A_607 : memref<2560xi32, #tpu.memory_space<hbm>>) target(%arg5 : memref<2560xi32, #tpu.memory_space<vmem>>) target_semaphore(%run_scoped3A_603 : memref<!tpu.dma_semaphore, #tpu.memory_space<semaphore_mem>>)
      %dma_wait3A_608 = tpu.memref_slice %arg2[%run_scoped3A_185, %add3A_184] : memref<2x327680xi32, #tpu.memory_space<hbm>> -> memref<1x2560xi32, #tpu.memory_space<hbm>>
      %dma_wait3A_609 = tpu.memref_squeeze %dma_wait3A_608 : memref<1x2560xi32, #tpu.memory_space<hbm>> -> memref<2560xi32, #tpu.memory_space<hbm>>
      %dma_wait3A_610 = tpu.memref_slice %arg2[%run_scoped3A_185, %add3A_184] : memref<2x327680xi32, #tpu.memory_space<hbm>> -> memref<1x2560xi32, #tpu.memory_space<hbm>>
      %dma_wait3A_611 = tpu.memref_squeeze %dma_wait3A_610 : memref<1x2560xi32, #tpu.memory_space<hbm>> -> memref<2560xi32, #tpu.memory_space<hbm>>
      tpu.wait_dma2 semaphore(%run_scoped3A_603 : memref<!tpu.dma_semaphore, #tpu.memory_space<semaphore_mem>>) src(%dma_wait3A_611 : memref<2560xi32, #tpu.memory_space<hbm>>) dst(%arg5 : memref<2560xi32, #tpu.memory_space<vmem>>)
      tpu.yield
    }) : () -> ()
    %mul3A_186 = arith.constant 10240 : i32
    %mul3A_187 = arith.muli %add3A, %mul3A_186 : i32
    %add3A_188 = arith.constant 2560 : i32
    %add3A_189 = arith.addi %mul3A_187, %add3A_188 : i32
    %run_scoped3A_190 = arith.constant 1 : i32
    "tpu.region"() ({
      %run_scoped3A_603 = tpu.sem_alloc : memref<!tpu.dma_semaphore, #tpu.memory_space<semaphore_mem>>
      %dma_start3A_604 = tpu.memref_slice %arg2[%run_scoped3A_190, %add3A_189] : memref<2x327680xi32, #tpu.memory_space<hbm>> -> memref<1x2560xi32, #tpu.memory_space<hbm>>
      %dma_start3A_605 = tpu.memref_squeeze %dma_start3A_604 : memref<1x2560xi32, #tpu.memory_space<hbm>> -> memref<2560xi32, #tpu.memory_space<hbm>>
      %dma_start3A_606 = tpu.memref_slice %arg2[%run_scoped3A_190, %add3A_189] : memref<2x327680xi32, #tpu.memory_space<hbm>> -> memref<1x2560xi32, #tpu.memory_space<hbm>>
      %dma_start3A_607 = tpu.memref_squeeze %dma_start3A_606 : memref<1x2560xi32, #tpu.memory_space<hbm>> -> memref<2560xi32, #tpu.memory_space<hbm>>
      tpu.enqueue_dma source(%dma_start3A_607 : memref<2560xi32, #tpu.memory_space<hbm>>) target(%arg6 : memref<2560xi32, #tpu.memory_space<vmem>>) target_semaphore(%run_scoped3A_603 : memref<!tpu.dma_semaphore, #tpu.memory_space<semaphore_mem>>)
      %dma_wait3A_608 = tpu.memref_slice %arg2[%run_scoped3A_190, %add3A_189] : memref<2x327680xi32, #tpu.memory_space<hbm>> -> memref<1x2560xi32, #tpu.memory_space<hbm>>
      %dma_wait3A_609 = tpu.memref_squeeze %dma_wait3A_608 : memref<1x2560xi32, #tpu.memory_space<hbm>> -> memref<2560xi32, #tpu.memory_space<hbm>>
      %dma_wait3A_610 = tpu.memref_slice %arg2[%run_scoped3A_190, %add3A_189] : memref<2x327680xi32, #tpu.memory_space<hbm>> -> memref<1x2560xi32, #tpu.memory_space<hbm>>
      %dma_wait3A_611 = tpu.memref_squeeze %dma_wait3A_610 : memref<1x2560xi32, #tpu.memory_space<hbm>> -> memref<2560xi32, #tpu.memory_space<hbm>>
      tpu.wait_dma2 semaphore(%run_scoped3A_603 : memref<!tpu.dma_semaphore, #tpu.memory_space<semaphore_mem>>) src(%dma_wait3A_611 : memref<2560xi32, #tpu.memory_space<hbm>>) dst(%arg6 : memref<2560xi32, #tpu.memory_space<vmem>>)
      tpu.yield
    }) : () -> ()
    %dma_start3A_191 = arith.constant 0 : i32
    %dma_start3A_192 = tpu.memref_slice %arg5[%dma_start3A_191] : memref<2560xi32, #tpu.memory_space<vmem>> -> memref<64xi32, #tpu.memory_space<vmem>>
    %dma_start3A_193 = arith.constant 0 : i32
    %dma_start3A_194 = arith.constant 0 : i32
    %dma_start3A_195 = tpu.memref_slice %arg3[%dma_start3A_193, %dma_start3A_194] : memref<10000x128xf32, #tpu.memory_space<hbm>> -> memref<10000x128xf32, #tpu.memory_space<hbm>>
    tpu.enqueue_indirect_dma source(%dma_start3A_195 : memref<10000x128xf32, #tpu.memory_space<hbm>>) target(%arg7 : memref<64x128xf32, #tpu.memory_space<vmem>>) offsets(%dma_start3A_192 : memref<64xi32, #tpu.memory_space<vmem>>) semaphore(%arg11 : memref<!tpu.dma_semaphore, #tpu.memory_space<semaphore_mem>>)
    %dma_start3A_196 = arith.constant 64 : i32
    %dma_start3A_197 = tpu.memref_slice %arg5[%dma_start3A_196] : memref<2560xi32, #tpu.memory_space<vmem>> -> memref<64xi32, #tpu.memory_space<vmem>>
    %dma_start3A_198 = arith.constant 0 : i32
    %dma_start3A_199 = arith.constant 0 : i32
    %dma_start3A_200 = tpu.memref_slice %arg3[%dma_start3A_198, %dma_start3A_199] : memref<10000x128xf32, #tpu.memory_space<hbm>> -> memref<10000x128xf32, #tpu.memory_space<hbm>>
    tpu.enqueue_indirect_dma source(%dma_start3A_200 : memref<10000x128xf32, #tpu.memory_space<hbm>>) target(%arg8 : memref<64x128xf32, #tpu.memory_space<vmem>>) offsets(%dma_start3A_197 : memref<64xi32, #tpu.memory_space<vmem>>) semaphore(%arg12 : memref<!tpu.dma_semaphore, #tpu.memory_space<semaphore_mem>>)
    %dma_start3A_201 = arith.constant 128 : i32
    %dma_start3A_202 = tpu.memref_slice %arg5[%dma_start3A_201] : memref<2560xi32, #tpu.memory_space<vmem>> -> memref<64xi32, #tpu.memory_space<vmem>>
    %dma_start3A_203 = arith.constant 0 : i32
    %dma_start3A_204 = arith.constant 0 : i32
    %dma_start3A_205 = tpu.memref_slice %arg3[%dma_start3A_203, %dma_start3A_204] : memref<10000x128xf32, #tpu.memory_space<hbm>> -> memref<10000x128xf32, #tpu.memory_space<hbm>>
    tpu.enqueue_indirect_dma source(%dma_start3A_205 : memref<10000x128xf32, #tpu.memory_space<hbm>>) target(%arg9 : memref<64x128xf32, #tpu.memory_space<vmem>>) offsets(%dma_start3A_202 : memref<64xi32, #tpu.memory_space<vmem>>) semaphore(%arg13 : memref<!tpu.dma_semaphore, #tpu.memory_space<semaphore_mem>>)
    %scan3A_206 = arith.constant 0 : i32
    %scan3A_207 = arith.constant 0 : i32
    %scan3A_208 = arith.constant 10 : i32
    %scan3A_209 = arith.addi %scan3A_207, %scan3A_208 : i32
    %scan3A_210 = arith.constant 1 : i32
    scf.for %scan3A_603 = %scan3A_207 to %scan3A_209 step %scan3A_210  : i32 {
      %mul3A_604 = arith.constant 4 : i32
      %mul3A_605 = arith.muli %mul3A_604, %scan3A_603 : i32
      %add3A_606 = arith.constant 0 : i32
      %add3A_607 = arith.addi %mul3A_605, %add3A_606 : i32
      %add3A_608 = arith.constant 4 : i32
      %add3A_609 = arith.addi %add3A_607, %add3A_608 : i32
      %sub3A = arith.constant 1 : i32
      %sub3A_610 = arith.subi %add3A_609, %sub3A : i32
      %lt3A = arith.constant 40 : i32
      %lt3A_611 = arith.cmpi slt, %sub3A_610, %lt3A : i32
      %convert_element_type3A = arith.extui %lt3A_611 : i1 to i32
      %cond3A = arith.constant 0 : i32
      %cond3A_612 = arith.cmpi ne, %convert_element_type3A, %cond3A : i32
      scf.if %cond3A_612 {
        %ge3A = arith.constant 1 : i32
        %ge3A_878 = arith.cmpi sge, %add3A_607, %ge3A : i32
        %convert_element_type3A_879 = arith.extui %ge3A_878 : i1 to i32
        %cond3A_880 = arith.constant 0 : i32
        %cond3A_881 = arith.cmpi ne, %convert_element_type3A_879, %cond3A_880 : i32
        scf.if %cond3A_881 {
          %get3A_892 = arith.constant 0 : index
          %get3A_893 = tpu.vector_load %arg6[%get3A_892] {strides = array<i32>} : memref<2560xi32, #tpu.memory_space<vmem>>, vector<16xi32>,
          %get3A_894 = vector.shape_cast %get3A_893 : vector<16xi32> to vector<16xi32>
          %dma_wait3A_895 = arith.constant 0 : i32
          %dma_wait3A_896 = arith.constant 0 : i32
          %dma_wait3A_897 = tpu.memref_slice %arg10[%dma_wait3A_895, %dma_wait3A_896] : memref<64x128xf32, #tpu.memory_space<vmem>> -> memref<16x128xf32, #tpu.memory_space<vmem>>
          %dma_wait3A_898 = arith.constant 0 : i32
          %dma_wait3A_899 = arith.constant 0 : i32
          %dma_wait3A_900 = tpu.memref_slice %arg19[%dma_wait3A_898, %dma_wait3A_899] : memref<10240x128xf32, #tpu.memory_space<vmem_shared>> -> memref<10240x128xf32, #tpu.memory_space<vmem_shared>>
          tpu.wait_indirect_dma semaphore(%arg18 : memref<!tpu.dma_semaphore, #tpu.memory_space<semaphore_mem>>) src(%dma_wait3A_897 : memref<16x128xf32, #tpu.memory_space<vmem>>) dst(%dma_wait3A_900 : memref<10240x128xf32, #tpu.memory_space<vmem_shared>>)
          %dma_wait3A_901 = arith.constant 16 : i32
          %dma_wait3A_902 = arith.constant 0 : i32
          %dma_wait3A_903 = tpu.memref_slice %arg10[%dma_wait3A_901, %dma_wait3A_902] : memref<64x128xf32, #tpu.memory_space<vmem>> -> memref<16x128xf32, #tpu.memory_space<vmem>>
          %dma_wait3A_904 = arith.constant 0 : i32
          %dma_wait3A_905 = arith.constant 0 : i32
          %dma_wait3A_906 = tpu.memref_slice %arg19[%dma_wait3A_904, %dma_wait3A_905] : memref<10240x128xf32, #tpu.memory_space<vmem_shared>> -> memref<10240x128xf32, #tpu.memory_space<vmem_shared>>
          tpu.wait_indirect_dma semaphore(%arg18 : memref<!tpu.dma_semaphore, #tpu.memory_space<semaphore_mem>>) src(%dma_wait3A_903 : memref<16x128xf32, #tpu.memory_space<vmem>>) dst(%dma_wait3A_906 : memref<10240x128xf32, #tpu.memory_space<vmem_shared>>)
          %dma_wait3A_907 = arith.constant 32 : i32
          %dma_wait3A_908 = arith.constant 0 : i32
          %dma_wait3A_909 = tpu.memref_slice %arg10[%dma_wait3A_907, %dma_wait3A_908] : memref<64x128xf32, #tpu.memory_space<vmem>> -> memref<16x128xf32, #tpu.memory_space<vmem>>
          %dma_wait3A_910 = arith.constant 0 : i32
          %dma_wait3A_911 = arith.constant 0 : i32
          %dma_wait3A_912 = tpu.memref_slice %arg19[%dma_wait3A_910, %dma_wait3A_911] : memref<10240x128xf32, #tpu.memory_space<vmem_shared>> -> memref<10240x128xf32, #tpu.memory_space<vmem_shared>>
          tpu.wait_indirect_dma semaphore(%arg18 : memref<!tpu.dma_semaphore, #tpu.memory_space<semaphore_mem>>) src(%dma_wait3A_909 : memref<16x128xf32, #tpu.memory_space<vmem>>) dst(%dma_wait3A_912 : memref<10240x128xf32, #tpu.memory_space<vmem_shared>>)
          %dma_wait3A_913 = arith.constant 48 : i32
          %dma_wait3A_914 = arith.constant 0 : i32
          %dma_wait3A_915 = tpu.memref_slice %arg10[%dma_wait3A_913, %dma_wait3A_914] : memref<64x128xf32, #tpu.memory_space<vmem>> -> memref<16x128xf32, #tpu.memory_space<vmem>>
          %dma_wait3A_916 = arith.constant 0 : i32
          %dma_wait3A_917 = arith.constant 0 : i32
          %dma_wait3A_918 = tpu.memref_slice %arg19[%dma_wait3A_916, %dma_wait3A_917] : memref<10240x128xf32, #tpu.memory_space<vmem_shared>> -> memref<10240x128xf32, #tpu.memory_space<vmem_shared>>
          tpu.wait_indirect_dma semaphore(%arg18 : memref<!tpu.dma_semaphore, #tpu.memory_space<semaphore_mem>>) src(%dma_wait3A_915 : memref<16x128xf32, #tpu.memory_space<vmem>>) dst(%dma_wait3A_918 : memref<10240x128xf32, #tpu.memory_space<vmem_shared>>)
        } else {
        }
        %add3A_882 = arith.constant 4 : i32
        %add3A_883 = arith.addi %add3A_607, %add3A_882 : i32
        %sub3A_884 = arith.constant 1 : i32
        %sub3A_885 = arith.subi %add3A_883, %sub3A_884 : i32
        %mul3A_886 = arith.constant 64 : i32
        %mul3A_887 = arith.muli %sub3A_885, %mul3A_886 : i32
        %dma_start3A_888 = tpu.memref_slice %arg5[%mul3A_887] : memref<2560xi32, #tpu.memory_space<vmem>> -> memref<64xi32, #tpu.memory_space<vmem>>
        %dma_start3A_889 = arith.constant 0 : i32
        %dma_start3A_890 = arith.constant 0 : i32
        %dma_start3A_891 = tpu.memref_slice %arg3[%dma_start3A_889, %dma_start3A_890] : memref<10000x128xf32, #tpu.memory_space<hbm>> -> memref<10000x128xf32, #tpu.memory_space<hbm>>
        tpu.enqueue_indirect_dma source(%dma_start3A_891 : memref<10000x128xf32, #tpu.memory_space<hbm>>) target(%arg10 : memref<64x128xf32, #tpu.memory_space<vmem>>) offsets(%dma_start3A_888 : memref<64xi32, #tpu.memory_space<vmem>>) semaphore(%arg14 : memref<!tpu.dma_semaphore, #tpu.memory_space<semaphore_mem>>)
      } else {
      }
      %mul3A_613 = arith.constant 64 : i32
      %mul3A_614 = arith.muli %add3A_607, %mul3A_613 : i32
      %dma_wait3A_615 = tpu.memref_slice %arg5[%mul3A_614] : memref<2560xi32, #tpu.memory_space<vmem>> -> memref<64xi32, #tpu.memory_space<vmem>>
      %dma_wait3A_616 = arith.constant 0 : i32
      %dma_wait3A_617 = arith.constant 0 : i32
      %dma_wait3A_618 = tpu.memref_slice %arg3[%dma_wait3A_616, %dma_wait3A_617] : memref<10000x128xf32, #tpu.memory_space<hbm>> -> memref<10000x128xf32, #tpu.memory_space<hbm>>
      tpu.wait_indirect_dma semaphore(%arg11 : memref<!tpu.dma_semaphore, #tpu.memory_space<semaphore_mem>>) src(%dma_wait3A_618 : memref<10000x128xf32, #tpu.memory_space<hbm>>) dst(%arg7 : memref<64x128xf32, #tpu.memory_space<vmem>>)
      %mul3A_619 = arith.constant 64 : i32
      %mul3A_620 = arith.muli %add3A_607, %mul3A_619 : i32
      %add3A_621 = arith.constant 0 : i32
      %add3A_622 = arith.addi %mul3A_620, %add3A_621 : i32
      %get3A_623 = arith.index_cast %add3A_622 : i32 to index
      %get3A_624 = tpu.vector_load %arg6[%get3A_623] {strides = array<i32>} : memref<2560xi32, #tpu.memory_space<vmem>>, vector<16xi32>,
      %get3A_625 = vector.shape_cast %get3A_624 : vector<16xi32> to vector<16xi32>
      %dma_start3A_626 = arith.constant 0 : i32
      %dma_start3A_627 = arith.constant 0 : i32
      %dma_start3A_628 = tpu.memref_slice %arg7[%dma_start3A_626, %dma_start3A_627] : memref<64x128xf32, #tpu.memory_space<vmem>> -> memref<16x128xf32, #tpu.memory_space<vmem>>
      %dma_start3A_629 = arith.constant 0 : i32
      %dma_start3A_630 = arith.constant 0 : i32
      %dma_start3A_631 = tpu.memref_slice %arg19[%dma_start3A_629, %dma_start3A_630] : memref<10240x128xf32, #tpu.memory_space<vmem_shared>> -> memref<10240x128xf32, #tpu.memory_space<vmem_shared>>
      tpu.enqueue_indirect_dma source(%dma_start3A_628 : memref<16x128xf32, #tpu.memory_space<vmem>>) target(%dma_start3A_631 : memref<10240x128xf32, #tpu.memory_space<vmem_shared>>) offsets(%get3A_625 : vector<16xi32>) semaphore(%arg15 : memref<!tpu.dma_semaphore, #tpu.memory_space<semaphore_mem>>) {add = true}
      %mul3A_632 = arith.constant 64 : i32
      %mul3A_633 = arith.muli %add3A_607, %mul3A_632 : i32
      %add3A_634 = arith.constant 16 : i32
      %add3A_635 = arith.addi %mul3A_633, %add3A_634 : i32
      %get3A_636 = arith.index_cast %add3A_635 : i32 to index
      %get3A_637 = tpu.vector_load %arg6[%get3A_636] {strides = array<i32>} : memref<2560xi32, #tpu.memory_space<vmem>>, vector<16xi32>,
      %get3A_638 = vector.shape_cast %get3A_637 : vector<16xi32> to vector<16xi32>
      %dma_start3A_639 = arith.constant 16 : i32
      %dma_start3A_640 = arith.constant 0 : i32
      %dma_start3A_641 = tpu.memref_slice %arg7[%dma_start3A_639, %dma_start3A_640] : memref<64x128xf32, #tpu.memory_space<vmem>> -> memref<16x128xf32, #tpu.memory_space<vmem>>
      %dma_start3A_642 = arith.constant 0 : i32
      %dma_start3A_643 = arith.constant 0 : i32
      %dma_start3A_644 = tpu.memref_slice %arg19[%dma_start3A_642, %dma_start3A_643] : memref<10240x128xf32, #tpu.memory_space<vmem_shared>> -> memref<10240x128xf32, #tpu.memory_space<vmem_shared>>
      tpu.enqueue_indirect_dma source(%dma_start3A_641 : memref<16x128xf32, #tpu.memory_space<vmem>>) target(%dma_start3A_644 : memref<10240x128xf32, #tpu.memory_space<vmem_shared>>) offsets(%get3A_638 : vector<16xi32>) semaphore(%arg15 : memref<!tpu.dma_semaphore, #tpu.memory_space<semaphore_mem>>) {add = true}
      %mul3A_645 = arith.constant 64 : i32
      %mul3A_646 = arith.muli %add3A_607, %mul3A_645 : i32
      %add3A_647 = arith.constant 32 : i32
      %add3A_648 = arith.addi %mul3A_646, %add3A_647 : i32
      %get3A_649 = arith.index_cast %add3A_648 : i32 to index
      %get3A_650 = tpu.vector_load %arg6[%get3A_649] {strides = array<i32>} : memref<2560xi32, #tpu.memory_space<vmem>>, vector<16xi32>,
      %get3A_651 = vector.shape_cast %get3A_650 : vector<16xi32> to vector<16xi32>
      %dma_start3A_652 = arith.constant 32 : i32
      %dma_start3A_653 = arith.constant 0 : i32
      %dma_start3A_654 = tpu.memref_slice %arg7[%dma_start3A_652, %dma_start3A_653] : memref<64x128xf32, #tpu.memory_space<vmem>> -> memref<16x128xf32, #tpu.memory_space<vmem>>
      %dma_start3A_655 = arith.constant 0 : i32
      %dma_start3A_656 = arith.constant 0 : i32
      %dma_start3A_657 = tpu.memref_slice %arg19[%dma_start3A_655, %dma_start3A_656] : memref<10240x128xf32, #tpu.memory_space<vmem_shared>> -> memref<10240x128xf32, #tpu.memory_space<vmem_shared>>
      tpu.enqueue_indirect_dma source(%dma_start3A_654 : memref<16x128xf32, #tpu.memory_space<vmem>>) target(%dma_start3A_657 : memref<10240x128xf32, #tpu.memory_space<vmem_shared>>) offsets(%get3A_651 : vector<16xi32>) semaphore(%arg15 : memref<!tpu.dma_semaphore, #tpu.memory_space<semaphore_mem>>) {add = true}
      %mul3A_658 = arith.constant 64 : i32
      %mul3A_659 = arith.muli %add3A_607, %mul3A_658 : i32
      %add3A_660 = arith.constant 48 : i32
      %add3A_661 = arith.addi %mul3A_659, %add3A_660 : i32
      %get3A_662 = arith.index_cast %add3A_661 : i32 to index
      %get3A_663 = tpu.vector_load %arg6[%get3A_662] {strides = array<i32>} : memref<2560xi32, #tpu.memory_space<vmem>>, vector<16xi32>,
      %get3A_664 = vector.shape_cast %get3A_663 : vector<16xi32> to vector<16xi32>
      %dma_start3A_665 = arith.constant 48 : i32
      %dma_start3A_666 = arith.constant 0 : i32
      %dma_start3A_667 = tpu.memref_slice %arg7[%dma_start3A_665, %dma_start3A_666] : memref<64x128xf32, #tpu.memory_space<vmem>> -> memref<16x128xf32, #tpu.memory_space<vmem>>
      %dma_start3A_668 = arith.constant 0 : i32
      %dma_start3A_669 = arith.constant 0 : i32
      %dma_start3A_670 = tpu.memref_slice %arg19[%dma_start3A_668, %dma_start3A_669] : memref<10240x128xf32, #tpu.memory_space<vmem_shared>> -> memref<10240x128xf32, #tpu.memory_space<vmem_shared>>
      tpu.enqueue_indirect_dma source(%dma_start3A_667 : memref<16x128xf32, #tpu.memory_space<vmem>>) target(%dma_start3A_670 : memref<10240x128xf32, #tpu.memory_space<vmem_shared>>) offsets(%get3A_664 : vector<16xi32>) semaphore(%arg15 : memref<!tpu.dma_semaphore, #tpu.memory_space<semaphore_mem>>) {add = true}
      %add3A_671 = arith.constant 1 : i32
      %add3A_672 = arith.addi %mul3A_605, %add3A_671 : i32
      %add3A_673 = arith.constant 4 : i32
      %add3A_674 = arith.addi %add3A_672, %add3A_673 : i32
      %sub3A_675 = arith.constant 1 : i32
      %sub3A_676 = arith.subi %add3A_674, %sub3A_675 : i32
      %lt3A_677 = arith.constant 40 : i32
      %lt3A_678 = arith.cmpi slt, %sub3A_676, %lt3A_677 : i32
      %convert_element_type3A_679 = arith.extui %lt3A_678 : i1 to i32
      %cond3A_680 = arith.constant 0 : i32
      %cond3A_681 = arith.cmpi ne, %convert_element_type3A_679, %cond3A_680 : i32
      scf.if %cond3A_681 {
        %ge3A = arith.constant 1 : i32
        %ge3A_878 = arith.cmpi sge, %add3A_672, %ge3A : i32
        %convert_element_type3A_879 = arith.extui %ge3A_878 : i1 to i32
        %cond3A_880 = arith.constant 0 : i32
        %cond3A_881 = arith.cmpi ne, %convert_element_type3A_879, %cond3A_880 : i32
        scf.if %cond3A_881 {
          %get3A_892 = arith.constant 0 : index
          %get3A_893 = tpu.vector_load %arg6[%get3A_892] {strides = array<i32>} : memref<2560xi32, #tpu.memory_space<vmem>>, vector<16xi32>,
          %get3A_894 = vector.shape_cast %get3A_893 : vector<16xi32> to vector<16xi32>
          %dma_wait3A_895 = arith.constant 0 : i32
          %dma_wait3A_896 = arith.constant 0 : i32
          %dma_wait3A_897 = tpu.memref_slice %arg7[%dma_wait3A_895, %dma_wait3A_896] : memref<64x128xf32, #tpu.memory_space<vmem>> -> memref<16x128xf32, #tpu.memory_space<vmem>>
          %dma_wait3A_898 = arith.constant 0 : i32
          %dma_wait3A_899 = arith.constant 0 : i32
          %dma_wait3A_900 = tpu.memref_slice %arg19[%dma_wait3A_898, %dma_wait3A_899] : memref<10240x128xf32, #tpu.memory_space<vmem_shared>> -> memref<10240x128xf32, #tpu.memory_space<vmem_shared>>
          tpu.wait_indirect_dma semaphore(%arg15 : memref<!tpu.dma_semaphore, #tpu.memory_space<semaphore_mem>>) src(%dma_wait3A_897 : memref<16x128xf32, #tpu.memory_space<vmem>>) dst(%dma_wait3A_900 : memref<10240x128xf32, #tpu.memory_space<vmem_shared>>)
          %dma_wait3A_901 = arith.constant 16 : i32
          %dma_wait3A_902 = arith.constant 0 : i32
          %dma_wait3A_903 = tpu.memref_slice %arg7[%dma_wait3A_901, %dma_wait3A_902] : memref<64x128xf32, #tpu.memory_space<vmem>> -> memref<16x128xf32, #tpu.memory_space<vmem>>
          %dma_wait3A_904 = arith.constant 0 : i32
          %dma_wait3A_905 = arith.constant 0 : i32
          %dma_wait3A_906 = tpu.memref_slice %arg19[%dma_wait3A_904, %dma_wait3A_905] : memref<10240x128xf32, #tpu.memory_space<vmem_shared>> -> memref<10240x128xf32, #tpu.memory_space<vmem_shared>>
          tpu.wait_indirect_dma semaphore(%arg15 : memref<!tpu.dma_semaphore, #tpu.memory_space<semaphore_mem>>) src(%dma_wait3A_903 : memref<16x128xf32, #tpu.memory_space<vmem>>) dst(%dma_wait3A_906 : memref<10240x128xf32, #tpu.memory_space<vmem_shared>>)
          %dma_wait3A_907 = arith.constant 32 : i32
          %dma_wait3A_908 = arith.constant 0 : i32
          %dma_wait3A_909 = tpu.memref_slice %arg7[%dma_wait3A_907, %dma_wait3A_908] : memref<64x128xf32, #tpu.memory_space<vmem>> -> memref<16x128xf32, #tpu.memory_space<vmem>>
          %dma_wait3A_910 = arith.constant 0 : i32
          %dma_wait3A_911 = arith.constant 0 : i32
          %dma_wait3A_912 = tpu.memref_slice %arg19[%dma_wait3A_910, %dma_wait3A_911] : memref<10240x128xf32, #tpu.memory_space<vmem_shared>> -> memref<10240x128xf32, #tpu.memory_space<vmem_shared>>
          tpu.wait_indirect_dma semaphore(%arg15 : memref<!tpu.dma_semaphore, #tpu.memory_space<semaphore_mem>>) src(%dma_wait3A_909 : memref<16x128xf32, #tpu.memory_space<vmem>>) dst(%dma_wait3A_912 : memref<10240x128xf32, #tpu.memory_space<vmem_shared>>)
          %dma_wait3A_913 = arith.constant 48 : i32
          %dma_wait3A_914 = arith.constant 0 : i32
          %dma_wait3A_915 = tpu.memref_slice %arg7[%dma_wait3A_913, %dma_wait3A_914] : memref<64x128xf32, #tpu.memory_space<vmem>> -> memref<16x128xf32, #tpu.memory_space<vmem>>
          %dma_wait3A_916 = arith.constant 0 : i32
          %dma_wait3A_917 = arith.constant 0 : i32
          %dma_wait3A_918 = tpu.memref_slice %arg19[%dma_wait3A_916, %dma_wait3A_917] : memref<10240x128xf32, #tpu.memory_space<vmem_shared>> -> memref<10240x128xf32, #tpu.memory_space<vmem_shared>>
          tpu.wait_indirect_dma semaphore(%arg15 : memref<!tpu.dma_semaphore, #tpu.memory_space<semaphore_mem>>) src(%dma_wait3A_915 : memref<16x128xf32, #tpu.memory_space<vmem>>) dst(%dma_wait3A_918 : memref<10240x128xf32, #tpu.memory_space<vmem_shared>>)
        } else {
        }
        %add3A_882 = arith.constant 4 : i32
        %add3A_883 = arith.addi %add3A_672, %add3A_882 : i32
        %sub3A_884 = arith.constant 1 : i32
        %sub3A_885 = arith.subi %add3A_883, %sub3A_884 : i32
        %mul3A_886 = arith.constant 64 : i32
        %mul3A_887 = arith.muli %sub3A_885, %mul3A_886 : i32
        %dma_start3A_888 = tpu.memref_slice %arg5[%mul3A_887] : memref<2560xi32, #tpu.memory_space<vmem>> -> memref<64xi32, #tpu.memory_space<vmem>>
        %dma_start3A_889 = arith.constant 0 : i32
        %dma_start3A_890 = arith.constant 0 : i32
        %dma_start3A_891 = tpu.memref_slice %arg3[%dma_start3A_889, %dma_start3A_890] : memref<10000x128xf32, #tpu.memory_space<hbm>> -> memref<10000x128xf32, #tpu.memory_space<hbm>>
        tpu.enqueue_indirect_dma source(%dma_start3A_891 : memref<10000x128xf32, #tpu.memory_space<hbm>>) target(%arg7 : memref<64x128xf32, #tpu.memory_space<vmem>>) offsets(%dma_start3A_888 : memref<64xi32, #tpu.memory_space<vmem>>) semaphore(%arg11 : memref<!tpu.dma_semaphore, #tpu.memory_space<semaphore_mem>>)
      } else {
      }
      %mul3A_682 = arith.constant 64 : i32
      %mul3A_683 = arith.muli %add3A_672, %mul3A_682 : i32
      %dma_wait3A_684 = tpu.memref_slice %arg5[%mul3A_683] : memref<2560xi32, #tpu.memory_space<vmem>> -> memref<64xi32, #tpu.memory_space<vmem>>
      %dma_wait3A_685 = arith.constant 0 : i32
      %dma_wait3A_686 = arith.constant 0 : i32
      %dma_wait3A_687 = tpu.memref_slice %arg3[%dma_wait3A_685, %dma_wait3A_686] : memref<10000x128xf32, #tpu.memory_space<hbm>> -> memref<10000x128xf32, #tpu.memory_space<hbm>>
      tpu.wait_indirect_dma semaphore(%arg12 : memref<!tpu.dma_semaphore, #tpu.memory_space<semaphore_mem>>) src(%dma_wait3A_687 : memref<10000x128xf32, #tpu.memory_space<hbm>>) dst(%arg8 : memref<64x128xf32, #tpu.memory_space<vmem>>)
      %mul3A_688 = arith.constant 64 : i32
      %mul3A_689 = arith.muli %add3A_672, %mul3A_688 : i32
      %add3A_690 = arith.constant 0 : i32
      %add3A_691 = arith.addi %mul3A_689, %add3A_690 : i32
      %get3A_692 = arith.index_cast %add3A_691 : i32 to index
      %get3A_693 = tpu.vector_load %arg6[%get3A_692] {strides = array<i32>} : memref<2560xi32, #tpu.memory_space<vmem>>, vector<16xi32>,
      %get3A_694 = vector.shape_cast %get3A_693 : vector<16xi32> to vector<16xi32>
      %dma_start3A_695 = arith.constant 0 : i32
      %dma_start3A_696 = arith.constant 0 : i32
      %dma_start3A_697 = tpu.memref_slice %arg8[%dma_start3A_695, %dma_start3A_696] : memref<64x128xf32, #tpu.memory_space<vmem>> -> memref<16x128xf32, #tpu.memory_space<vmem>>
      %dma_start3A_698 = arith.constant 0 : i32
      %dma_start3A_699 = arith.constant 0 : i32
      %dma_start3A_700 = tpu.memref_slice %arg19[%dma_start3A_698, %dma_start3A_699] : memref<10240x128xf32, #tpu.memory_space<vmem_shared>> -> memref<10240x128xf32, #tpu.memory_space<vmem_shared>>
      tpu.enqueue_indirect_dma source(%dma_start3A_697 : memref<16x128xf32, #tpu.memory_space<vmem>>) target(%dma_start3A_700 : memref<10240x128xf32, #tpu.memory_space<vmem_shared>>) offsets(%get3A_694 : vector<16xi32>) semaphore(%arg16 : memref<!tpu.dma_semaphore, #tpu.memory_space<semaphore_mem>>) {add = true}
      %mul3A_701 = arith.constant 64 : i32
      %mul3A_702 = arith.muli %add3A_672, %mul3A_701 : i32
      %add3A_703 = arith.constant 16 : i32
      %add3A_704 = arith.addi %mul3A_702, %add3A_703 : i32
      %get3A_705 = arith.index_cast %add3A_704 : i32 to index
      %get3A_706 = tpu.vector_load %arg6[%get3A_705] {strides = array<i32>} : memref<2560xi32, #tpu.memory_space<vmem>>, vector<16xi32>,
      %get3A_707 = vector.shape_cast %get3A_706 : vector<16xi32> to vector<16xi32>
      %dma_start3A_708 = arith.constant 16 : i32
      %dma_start3A_709 = arith.constant 0 : i32
      %dma_start3A_710 = tpu.memref_slice %arg8[%dma_start3A_708, %dma_start3A_709] : memref<64x128xf32, #tpu.memory_space<vmem>> -> memref<16x128xf32, #tpu.memory_space<vmem>>
      %dma_start3A_711 = arith.constant 0 : i32
      %dma_start3A_712 = arith.constant 0 : i32
      %dma_start3A_713 = tpu.memref_slice %arg19[%dma_start3A_711, %dma_start3A_712] : memref<10240x128xf32, #tpu.memory_space<vmem_shared>> -> memref<10240x128xf32, #tpu.memory_space<vmem_shared>>
      tpu.enqueue_indirect_dma source(%dma_start3A_710 : memref<16x128xf32, #tpu.memory_space<vmem>>) target(%dma_start3A_713 : memref<10240x128xf32, #tpu.memory_space<vmem_shared>>) offsets(%get3A_707 : vector<16xi32>) semaphore(%arg16 : memref<!tpu.dma_semaphore, #tpu.memory_space<semaphore_mem>>) {add = true}
      %mul3A_714 = arith.constant 64 : i32
      %mul3A_715 = arith.muli %add3A_672, %mul3A_714 : i32
      %add3A_716 = arith.constant 32 : i32
      %add3A_717 = arith.addi %mul3A_715, %add3A_716 : i32
      %get3A_718 = arith.index_cast %add3A_717 : i32 to index
      %get3A_719 = tpu.vector_load %arg6[%get3A_718] {strides = array<i32>} : memref<2560xi32, #tpu.memory_space<vmem>>, vector<16xi32>,
      %get3A_720 = vector.shape_cast %get3A_719 : vector<16xi32> to vector<16xi32>
      %dma_start3A_721 = arith.constant 32 : i32
      %dma_start3A_722 = arith.constant 0 : i32
      %dma_start3A_723 = tpu.memref_slice %arg8[%dma_start3A_721, %dma_start3A_722] : memref<64x128xf32, #tpu.memory_space<vmem>> -> memref<16x128xf32, #tpu.memory_space<vmem>>
      %dma_start3A_724 = arith.constant 0 : i32
      %dma_start3A_725 = arith.constant 0 : i32
      %dma_start3A_726 = tpu.memref_slice %arg19[%dma_start3A_724, %dma_start3A_725] : memref<10240x128xf32, #tpu.memory_space<vmem_shared>> -> memref<10240x128xf32, #tpu.memory_space<vmem_shared>>
      tpu.enqueue_indirect_dma source(%dma_start3A_723 : memref<16x128xf32, #tpu.memory_space<vmem>>) target(%dma_start3A_726 : memref<10240x128xf32, #tpu.memory_space<vmem_shared>>) offsets(%get3A_720 : vector<16xi32>) semaphore(%arg16 : memref<!tpu.dma_semaphore, #tpu.memory_space<semaphore_mem>>) {add = true}
      %mul3A_727 = arith.constant 64 : i32
      %mul3A_728 = arith.muli %add3A_672, %mul3A_727 : i32
      %add3A_729 = arith.constant 48 : i32
      %add3A_730 = arith.addi %mul3A_728, %add3A_729 : i32
      %get3A_731 = arith.index_cast %add3A_730 : i32 to index
      %get3A_732 = tpu.vector_load %arg6[%get3A_731] {strides = array<i32>} : memref<2560xi32, #tpu.memory_space<vmem>>, vector<16xi32>,
      %get3A_733 = vector.shape_cast %get3A_732 : vector<16xi32> to vector<16xi32>
      %dma_start3A_734 = arith.constant 48 : i32
      %dma_start3A_735 = arith.constant 0 : i32
      %dma_start3A_736 = tpu.memref_slice %arg8[%dma_start3A_734, %dma_start3A_735] : memref<64x128xf32, #tpu.memory_space<vmem>> -> memref<16x128xf32, #tpu.memory_space<vmem>>
      %dma_start3A_737 = arith.constant 0 : i32
      %dma_start3A_738 = arith.constant 0 : i32
      %dma_start3A_739 = tpu.memref_slice %arg19[%dma_start3A_737, %dma_start3A_738] : memref<10240x128xf32, #tpu.memory_space<vmem_shared>> -> memref<10240x128xf32, #tpu.memory_space<vmem_shared>>
      tpu.enqueue_indirect_dma source(%dma_start3A_736 : memref<16x128xf32, #tpu.memory_space<vmem>>) target(%dma_start3A_739 : memref<10240x128xf32, #tpu.memory_space<vmem_shared>>) offsets(%get3A_733 : vector<16xi32>) semaphore(%arg16 : memref<!tpu.dma_semaphore, #tpu.memory_space<semaphore_mem>>) {add = true}
      %add3A_740 = arith.constant 2 : i32
      %add3A_741 = arith.addi %mul3A_605, %add3A_740 : i32
      %add3A_742 = arith.constant 4 : i32
      %add3A_743 = arith.addi %add3A_741, %add3A_742 : i32
      %sub3A_744 = arith.constant 1 : i32
      %sub3A_745 = arith.subi %add3A_743, %sub3A_744 : i32
      %lt3A_746 = arith.constant 40 : i32
      %lt3A_747 = arith.cmpi slt, %sub3A_745, %lt3A_746 : i32
      %convert_element_type3A_748 = arith.extui %lt3A_747 : i1 to i32
      %cond3A_749 = arith.constant 0 : i32
      %cond3A_750 = arith.cmpi ne, %convert_element_type3A_748, %cond3A_749 : i32
      scf.if %cond3A_750 {
        %ge3A = arith.constant 1 : i32
        %ge3A_878 = arith.cmpi sge, %add3A_741, %ge3A : i32
        %convert_element_type3A_879 = arith.extui %ge3A_878 : i1 to i32
        %cond3A_880 = arith.constant 0 : i32
        %cond3A_881 = arith.cmpi ne, %convert_element_type3A_879, %cond3A_880 : i32
        scf.if %cond3A_881 {
          %get3A_892 = arith.constant 0 : index
          %get3A_893 = tpu.vector_load %arg6[%get3A_892] {strides = array<i32>} : memref<2560xi32, #tpu.memory_space<vmem>>, vector<16xi32>,
          %get3A_894 = vector.shape_cast %get3A_893 : vector<16xi32> to vector<16xi32>
          %dma_wait3A_895 = arith.constant 0 : i32
          %dma_wait3A_896 = arith.constant 0 : i32
          %dma_wait3A_897 = tpu.memref_slice %arg8[%dma_wait3A_895, %dma_wait3A_896] : memref<64x128xf32, #tpu.memory_space<vmem>> -> memref<16x128xf32, #tpu.memory_space<vmem>>
          %dma_wait3A_898 = arith.constant 0 : i32
          %dma_wait3A_899 = arith.constant 0 : i32
          %dma_wait3A_900 = tpu.memref_slice %arg19[%dma_wait3A_898, %dma_wait3A_899] : memref<10240x128xf32, #tpu.memory_space<vmem_shared>> -> memref<10240x128xf32, #tpu.memory_space<vmem_shared>>
          tpu.wait_indirect_dma semaphore(%arg16 : memref<!tpu.dma_semaphore, #tpu.memory_space<semaphore_mem>>) src(%dma_wait3A_897 : memref<16x128xf32, #tpu.memory_space<vmem>>) dst(%dma_wait3A_900 : memref<10240x128xf32, #tpu.memory_space<vmem_shared>>)
          %dma_wait3A_901 = arith.constant 16 : i32
          %dma_wait3A_902 = arith.constant 0 : i32
          %dma_wait3A_903 = tpu.memref_slice %arg8[%dma_wait3A_901, %dma_wait3A_902] : memref<64x128xf32, #tpu.memory_space<vmem>> -> memref<16x128xf32, #tpu.memory_space<vmem>>
          %dma_wait3A_904 = arith.constant 0 : i32
          %dma_wait3A_905 = arith.constant 0 : i32
          %dma_wait3A_906 = tpu.memref_slice %arg19[%dma_wait3A_904, %dma_wait3A_905] : memref<10240x128xf32, #tpu.memory_space<vmem_shared>> -> memref<10240x128xf32, #tpu.memory_space<vmem_shared>>
          tpu.wait_indirect_dma semaphore(%arg16 : memref<!tpu.dma_semaphore, #tpu.memory_space<semaphore_mem>>) src(%dma_wait3A_903 : memref<16x128xf32, #tpu.memory_space<vmem>>) dst(%dma_wait3A_906 : memref<10240x128xf32, #tpu.memory_space<vmem_shared>>)
          %dma_wait3A_907 = arith.constant 32 : i32
          %dma_wait3A_908 = arith.constant 0 : i32
          %dma_wait3A_909 = tpu.memref_slice %arg8[%dma_wait3A_907, %dma_wait3A_908] : memref<64x128xf32, #tpu.memory_space<vmem>> -> memref<16x128xf32, #tpu.memory_space<vmem>>
          %dma_wait3A_910 = arith.constant 0 : i32
          %dma_wait3A_911 = arith.constant 0 : i32
          %dma_wait3A_912 = tpu.memref_slice %arg19[%dma_wait3A_910, %dma_wait3A_911] : memref<10240x128xf32, #tpu.memory_space<vmem_shared>> -> memref<10240x128xf32, #tpu.memory_space<vmem_shared>>
          tpu.wait_indirect_dma semaphore(%arg16 : memref<!tpu.dma_semaphore, #tpu.memory_space<semaphore_mem>>) src(%dma_wait3A_909 : memref<16x128xf32, #tpu.memory_space<vmem>>) dst(%dma_wait3A_912 : memref<10240x128xf32, #tpu.memory_space<vmem_shared>>)
          %dma_wait3A_913 = arith.constant 48 : i32
          %dma_wait3A_914 = arith.constant 0 : i32
          %dma_wait3A_915 = tpu.memref_slice %arg8[%dma_wait3A_913, %dma_wait3A_914] : memref<64x128xf32, #tpu.memory_space<vmem>> -> memref<16x128xf32, #tpu.memory_space<vmem>>
          %dma_wait3A_916 = arith.constant 0 : i32
          %dma_wait3A_917 = arith.constant 0 : i32
          %dma_wait3A_918 = tpu.memref_slice %arg19[%dma_wait3A_916, %dma_wait3A_917] : memref<10240x128xf32, #tpu.memory_space<vmem_shared>> -> memref<10240x128xf32, #tpu.memory_space<vmem_shared>>
          tpu.wait_indirect_dma semaphore(%arg16 : memref<!tpu.dma_semaphore, #tpu.memory_space<semaphore_mem>>) src(%dma_wait3A_915 : memref<16x128xf32, #tpu.memory_space<vmem>>) dst(%dma_wait3A_918 : memref<10240x128xf32, #tpu.memory_space<vmem_shared>>)
        } else {
        }
        %add3A_882 = arith.constant 4 : i32
        %add3A_883 = arith.addi %add3A_741, %add3A_882 : i32
        %sub3A_884 = arith.constant 1 : i32
        %sub3A_885 = arith.subi %add3A_883, %sub3A_884 : i32
        %mul3A_886 = arith.constant 64 : i32
        %mul3A_887 = arith.muli %sub3A_885, %mul3A_886 : i32
        %dma_start3A_888 = tpu.memref_slice %arg5[%mul3A_887] : memref<2560xi32, #tpu.memory_space<vmem>> -> memref<64xi32, #tpu.memory_space<vmem>>
        %dma_start3A_889 = arith.constant 0 : i32
        %dma_start3A_890 = arith.constant 0 : i32
        %dma_start3A_891 = tpu.memref_slice %arg3[%dma_start3A_889, %dma_start3A_890] : memref<10000x128xf32, #tpu.memory_space<hbm>> -> memref<10000x128xf32, #tpu.memory_space<hbm>>
        tpu.enqueue_indirect_dma source(%dma_start3A_891 : memref<10000x128xf32, #tpu.memory_space<hbm>>) target(%arg8 : memref<64x128xf32, #tpu.memory_space<vmem>>) offsets(%dma_start3A_888 : memref<64xi32, #tpu.memory_space<vmem>>) semaphore(%arg12 : memref<!tpu.dma_semaphore, #tpu.memory_space<semaphore_mem>>)
      } else {
      }
      %mul3A_751 = arith.constant 64 : i32
      %mul3A_752 = arith.muli %add3A_741, %mul3A_751 : i32
      %dma_wait3A_753 = tpu.memref_slice %arg5[%mul3A_752] : memref<2560xi32, #tpu.memory_space<vmem>> -> memref<64xi32, #tpu.memory_space<vmem>>
      %dma_wait3A_754 = arith.constant 0 : i32
      %dma_wait3A_755 = arith.constant 0 : i32
      %dma_wait3A_756 = tpu.memref_slice %arg3[%dma_wait3A_754, %dma_wait3A_755] : memref<10000x128xf32, #tpu.memory_space<hbm>> -> memref<10000x128xf32, #tpu.memory_space<hbm>>
      tpu.wait_indirect_dma semaphore(%arg13 : memref<!tpu.dma_semaphore, #tpu.memory_space<semaphore_mem>>) src(%dma_wait3A_756 : memref<10000x128xf32, #tpu.memory_space<hbm>>) dst(%arg9 : memref<64x128xf32, #tpu.memory_space<vmem>>)
      %mul3A_757 = arith.constant 64 : i32
      %mul3A_758 = arith.muli %add3A_741, %mul3A_757 : i32
      %add3A_759 = arith.constant 0 : i32
      %add3A_760 = arith.addi %mul3A_758, %add3A_759 : i32
      %get3A_761 = arith.index_cast %add3A_760 : i32 to index
      %get3A_762 = tpu.vector_load %arg6[%get3A_761] {strides = array<i32>} : memref<2560xi32, #tpu.memory_space<vmem>>, vector<16xi32>,
      %get3A_763 = vector.shape_cast %get3A_762 : vector<16xi32> to vector<16xi32>
      %dma_start3A_764 = arith.constant 0 : i32
      %dma_start3A_765 = arith.constant 0 : i32
      %dma_start3A_766 = tpu.memref_slice %arg9[%dma_start3A_764, %dma_start3A_765] : memref<64x128xf32, #tpu.memory_space<vmem>> -> memref<16x128xf32, #tpu.memory_space<vmem>>
      %dma_start3A_767 = arith.constant 0 : i32
      %dma_start3A_768 = arith.constant 0 : i32
      %dma_start3A_769 = tpu.memref_slice %arg19[%dma_start3A_767, %dma_start3A_768] : memref<10240x128xf32, #tpu.memory_space<vmem_shared>> -> memref<10240x128xf32, #tpu.memory_space<vmem_shared>>
      tpu.enqueue_indirect_dma source(%dma_start3A_766 : memref<16x128xf32, #tpu.memory_space<vmem>>) target(%dma_start3A_769 : memref<10240x128xf32, #tpu.memory_space<vmem_shared>>) offsets(%get3A_763 : vector<16xi32>) semaphore(%arg17 : memref<!tpu.dma_semaphore, #tpu.memory_space<semaphore_mem>>) {add = true}
      %mul3A_770 = arith.constant 64 : i32
      %mul3A_771 = arith.muli %add3A_741, %mul3A_770 : i32
      %add3A_772 = arith.constant 16 : i32
      %add3A_773 = arith.addi %mul3A_771, %add3A_772 : i32
      %get3A_774 = arith.index_cast %add3A_773 : i32 to index
      %get3A_775 = tpu.vector_load %arg6[%get3A_774] {strides = array<i32>} : memref<2560xi32, #tpu.memory_space<vmem>>, vector<16xi32>,
      %get3A_776 = vector.shape_cast %get3A_775 : vector<16xi32> to vector<16xi32>
      %dma_start3A_777 = arith.constant 16 : i32
      %dma_start3A_778 = arith.constant 0 : i32
      %dma_start3A_779 = tpu.memref_slice %arg9[%dma_start3A_777, %dma_start3A_778] : memref<64x128xf32, #tpu.memory_space<vmem>> -> memref<16x128xf32, #tpu.memory_space<vmem>>
      %dma_start3A_780 = arith.constant 0 : i32
      %dma_start3A_781 = arith.constant 0 : i32
      %dma_start3A_782 = tpu.memref_slice %arg19[%dma_start3A_780, %dma_start3A_781] : memref<10240x128xf32, #tpu.memory_space<vmem_shared>> -> memref<10240x128xf32, #tpu.memory_space<vmem_shared>>
      tpu.enqueue_indirect_dma source(%dma_start3A_779 : memref<16x128xf32, #tpu.memory_space<vmem>>) target(%dma_start3A_782 : memref<10240x128xf32, #tpu.memory_space<vmem_shared>>) offsets(%get3A_776 : vector<16xi32>) semaphore(%arg17 : memref<!tpu.dma_semaphore, #tpu.memory_space<semaphore_mem>>) {add = true}
      %mul3A_783 = arith.constant 64 : i32
      %mul3A_784 = arith.muli %add3A_741, %mul3A_783 : i32
      %add3A_785 = arith.constant 32 : i32
      %add3A_786 = arith.addi %mul3A_784, %add3A_785 : i32
      %get3A_787 = arith.index_cast %add3A_786 : i32 to index
      %get3A_788 = tpu.vector_load %arg6[%get3A_787] {strides = array<i32>} : memref<2560xi32, #tpu.memory_space<vmem>>, vector<16xi32>,
      %get3A_789 = vector.shape_cast %get3A_788 : vector<16xi32> to vector<16xi32>
      %dma_start3A_790 = arith.constant 32 : i32
      %dma_start3A_791 = arith.constant 0 : i32
      %dma_start3A_792 = tpu.memref_slice %arg9[%dma_start3A_790, %dma_start3A_791] : memref<64x128xf32, #tpu.memory_space<vmem>> -> memref<16x128xf32, #tpu.memory_space<vmem>>
      %dma_start3A_793 = arith.constant 0 : i32
      %dma_start3A_794 = arith.constant 0 : i32
      %dma_start3A_795 = tpu.memref_slice %arg19[%dma_start3A_793, %dma_start3A_794] : memref<10240x128xf32, #tpu.memory_space<vmem_shared>> -> memref<10240x128xf32, #tpu.memory_space<vmem_shared>>
      tpu.enqueue_indirect_dma source(%dma_start3A_792 : memref<16x128xf32, #tpu.memory_space<vmem>>) target(%dma_start3A_795 : memref<10240x128xf32, #tpu.memory_space<vmem_shared>>) offsets(%get3A_789 : vector<16xi32>) semaphore(%arg17 : memref<!tpu.dma_semaphore, #tpu.memory_space<semaphore_mem>>) {add = true}
      %mul3A_796 = arith.constant 64 : i32
      %mul3A_797 = arith.muli %add3A_741, %mul3A_796 : i32
      %add3A_798 = arith.constant 48 : i32
      %add3A_799 = arith.addi %mul3A_797, %add3A_798 : i32
      %get3A_800 = arith.index_cast %add3A_799 : i32 to index
      %get3A_801 = tpu.vector_load %arg6[%get3A_800] {strides = array<i32>} : memref<2560xi32, #tpu.memory_space<vmem>>, vector<16xi32>,
      %get3A_802 = vector.shape_cast %get3A_801 : vector<16xi32> to vector<16xi32>
      %dma_start3A_803 = arith.constant 48 : i32
      %dma_start3A_804 = arith.constant 0 : i32
      %dma_start3A_805 = tpu.memref_slice %arg9[%dma_start3A_803, %dma_start3A_804] : memref<64x128xf32, #tpu.memory_space<vmem>> -> memref<16x128xf32, #tpu.memory_space<vmem>>
      %dma_start3A_806 = arith.constant 0 : i32
      %dma_start3A_807 = arith.constant 0 : i32
      %dma_start3A_808 = tpu.memref_slice %arg19[%dma_start3A_806, %dma_start3A_807] : memref<10240x128xf32, #tpu.memory_space<vmem_shared>> -> memref<10240x128xf32, #tpu.memory_space<vmem_shared>>
      tpu.enqueue_indirect_dma source(%dma_start3A_805 : memref<16x128xf32, #tpu.memory_space<vmem>>) target(%dma_start3A_808 : memref<10240x128xf32, #tpu.memory_space<vmem_shared>>) offsets(%get3A_802 : vector<16xi32>) semaphore(%arg17 : memref<!tpu.dma_semaphore, #tpu.memory_space<semaphore_mem>>) {add = true}
      %add3A_809 = arith.constant 3 : i32
      %add3A_810 = arith.addi %mul3A_605, %add3A_809 : i32
      %add3A_811 = arith.constant 4 : i32
      %add3A_812 = arith.addi %add3A_810, %add3A_811 : i32
      %sub3A_813 = arith.constant 1 : i32
      %sub3A_814 = arith.subi %add3A_812, %sub3A_813 : i32
      %lt3A_815 = arith.constant 40 : i32
      %lt3A_816 = arith.cmpi slt, %sub3A_814, %lt3A_815 : i32
      %convert_element_type3A_817 = arith.extui %lt3A_816 : i1 to i32
      %cond3A_818 = arith.constant 0 : i32
      %cond3A_819 = arith.cmpi ne, %convert_element_type3A_817, %cond3A_818 : i32
      scf.if %cond3A_819 {
        %ge3A = arith.constant 1 : i32
        %ge3A_878 = arith.cmpi sge, %add3A_810, %ge3A : i32
        %convert_element_type3A_879 = arith.extui %ge3A_878 : i1 to i32
        %cond3A_880 = arith.constant 0 : i32
        %cond3A_881 = arith.cmpi ne, %convert_element_type3A_879, %cond3A_880 : i32
        scf.if %cond3A_881 {
          %get3A_892 = arith.constant 0 : index
          %get3A_893 = tpu.vector_load %arg6[%get3A_892] {strides = array<i32>} : memref<2560xi32, #tpu.memory_space<vmem>>, vector<16xi32>,
          %get3A_894 = vector.shape_cast %get3A_893 : vector<16xi32> to vector<16xi32>
          %dma_wait3A_895 = arith.constant 0 : i32
          %dma_wait3A_896 = arith.constant 0 : i32
          %dma_wait3A_897 = tpu.memref_slice %arg9[%dma_wait3A_895, %dma_wait3A_896] : memref<64x128xf32, #tpu.memory_space<vmem>> -> memref<16x128xf32, #tpu.memory_space<vmem>>
          %dma_wait3A_898 = arith.constant 0 : i32
          %dma_wait3A_899 = arith.constant 0 : i32
          %dma_wait3A_900 = tpu.memref_slice %arg19[%dma_wait3A_898, %dma_wait3A_899] : memref<10240x128xf32, #tpu.memory_space<vmem_shared>> -> memref<10240x128xf32, #tpu.memory_space<vmem_shared>>
          tpu.wait_indirect_dma semaphore(%arg17 : memref<!tpu.dma_semaphore, #tpu.memory_space<semaphore_mem>>) src(%dma_wait3A_897 : memref<16x128xf32, #tpu.memory_space<vmem>>) dst(%dma_wait3A_900 : memref<10240x128xf32, #tpu.memory_space<vmem_shared>>)
          %dma_wait3A_901 = arith.constant 16 : i32
          %dma_wait3A_902 = arith.constant 0 : i32
          %dma_wait3A_903 = tpu.memref_slice %arg9[%dma_wait3A_901, %dma_wait3A_902] : memref<64x128xf32, #tpu.memory_space<vmem>> -> memref<16x128xf32, #tpu.memory_space<vmem>>
          %dma_wait3A_904 = arith.constant 0 : i32
          %dma_wait3A_905 = arith.constant 0 : i32
          %dma_wait3A_906 = tpu.memref_slice %arg19[%dma_wait3A_904, %dma_wait3A_905] : memref<10240x128xf32, #tpu.memory_space<vmem_shared>> -> memref<10240x128xf32, #tpu.memory_space<vmem_shared>>
          tpu.wait_indirect_dma semaphore(%arg17 : memref<!tpu.dma_semaphore, #tpu.memory_space<semaphore_mem>>) src(%dma_wait3A_903 : memref<16x128xf32, #tpu.memory_space<vmem>>) dst(%dma_wait3A_906 : memref<10240x128xf32, #tpu.memory_space<vmem_shared>>)
          %dma_wait3A_907 = arith.constant 32 : i32
          %dma_wait3A_908 = arith.constant 0 : i32
          %dma_wait3A_909 = tpu.memref_slice %arg9[%dma_wait3A_907, %dma_wait3A_908] : memref<64x128xf32, #tpu.memory_space<vmem>> -> memref<16x128xf32, #tpu.memory_space<vmem>>
          %dma_wait3A_910 = arith.constant 0 : i32
          %dma_wait3A_911 = arith.constant 0 : i32
          %dma_wait3A_912 = tpu.memref_slice %arg19[%dma_wait3A_910, %dma_wait3A_911] : memref<10240x128xf32, #tpu.memory_space<vmem_shared>> -> memref<10240x128xf32, #tpu.memory_space<vmem_shared>>
          tpu.wait_indirect_dma semaphore(%arg17 : memref<!tpu.dma_semaphore, #tpu.memory_space<semaphore_mem>>) src(%dma_wait3A_909 : memref<16x128xf32, #tpu.memory_space<vmem>>) dst(%dma_wait3A_912 : memref<10240x128xf32, #tpu.memory_space<vmem_shared>>)
          %dma_wait3A_913 = arith.constant 48 : i32
          %dma_wait3A_914 = arith.constant 0 : i32
          %dma_wait3A_915 = tpu.memref_slice %arg9[%dma_wait3A_913, %dma_wait3A_914] : memref<64x128xf32, #tpu.memory_space<vmem>> -> memref<16x128xf32, #tpu.memory_space<vmem>>
          %dma_wait3A_916 = arith.constant 0 : i32
          %dma_wait3A_917 = arith.constant 0 : i32
          %dma_wait3A_918 = tpu.memref_slice %arg19[%dma_wait3A_916, %dma_wait3A_917] : memref<10240x128xf32, #tpu.memory_space<vmem_shared>> -> memref<10240x128xf32, #tpu.memory_space<vmem_shared>>
          tpu.wait_indirect_dma semaphore(%arg17 : memref<!tpu.dma_semaphore, #tpu.memory_space<semaphore_mem>>) src(%dma_wait3A_915 : memref<16x128xf32, #tpu.memory_space<vmem>>) dst(%dma_wait3A_918 : memref<10240x128xf32, #tpu.memory_space<vmem_shared>>)
        } else {
        }
        %add3A_882 = arith.constant 4 : i32
        %add3A_883 = arith.addi %add3A_810, %add3A_882 : i32
        %sub3A_884 = arith.constant 1 : i32
        %sub3A_885 = arith.subi %add3A_883, %sub3A_884 : i32
        %mul3A_886 = arith.constant 64 : i32
        %mul3A_887 = arith.muli %sub3A_885, %mul3A_886 : i32
        %dma_start3A_888 = tpu.memref_slice %arg5[%mul3A_887] : memref<2560xi32, #tpu.memory_space<vmem>> -> memref<64xi32, #tpu.memory_space<vmem>>
        %dma_start3A_889 = arith.constant 0 : i32
        %dma_start3A_890 = arith.constant 0 : i32
        %dma_start3A_891 = tpu.memref_slice %arg3[%dma_start3A_889, %dma_start3A_890] : memref<10000x128xf32, #tpu.memory_space<hbm>> -> memref<10000x128xf32, #tpu.memory_space<hbm>>
        tpu.enqueue_indirect_dma source(%dma_start3A_891 : memref<10000x128xf32, #tpu.memory_space<hbm>>) target(%arg9 : memref<64x128xf32, #tpu.memory_space<vmem>>) offsets(%dma_start3A_888 : memref<64xi32, #tpu.memory_space<vmem>>) semaphore(%arg13 : memref<!tpu.dma_semaphore, #tpu.memory_space<semaphore_mem>>)
      } else {
      }
      %mul3A_820 = arith.constant 64 : i32
      %mul3A_821 = arith.muli %add3A_810, %mul3A_820 : i32
      %dma_wait3A_822 = tpu.memref_slice %arg5[%mul3A_821] : memref<2560xi32, #tpu.memory_space<vmem>> -> memref<64xi32, #tpu.memory_space<vmem>>
      %dma_wait3A_823 = arith.constant 0 : i32
      %dma_wait3A_824 = arith.constant 0 : i32
      %dma_wait3A_825 = tpu.memref_slice %arg3[%dma_wait3A_823, %dma_wait3A_824] : memref<10000x128xf32, #tpu.memory_space<hbm>> -> memref<10000x128xf32, #tpu.memory_space<hbm>>
      tpu.wait_indirect_dma semaphore(%arg14 : memref<!tpu.dma_semaphore, #tpu.memory_space<semaphore_mem>>) src(%dma_wait3A_825 : memref<10000x128xf32, #tpu.memory_space<hbm>>) dst(%arg10 : memref<64x128xf32, #tpu.memory_space<vmem>>)
      %mul3A_826 = arith.constant 64 : i32
      %mul3A_827 = arith.muli %add3A_810, %mul3A_826 : i32
      %add3A_828 = arith.constant 0 : i32
      %add3A_829 = arith.addi %mul3A_827, %add3A_828 : i32
      %get3A_830 = arith.index_cast %add3A_829 : i32 to index
      %get3A_831 = tpu.vector_load %arg6[%get3A_830] {strides = array<i32>} : memref<2560xi32, #tpu.memory_space<vmem>>, vector<16xi32>,
      %get3A_832 = vector.shape_cast %get3A_831 : vector<16xi32> to vector<16xi32>
      %dma_start3A_833 = arith.constant 0 : i32
      %dma_start3A_834 = arith.constant 0 : i32
      %dma_start3A_835 = tpu.memref_slice %arg10[%dma_start3A_833, %dma_start3A_834] : memref<64x128xf32, #tpu.memory_space<vmem>> -> memref<16x128xf32, #tpu.memory_space<vmem>>
      %dma_start3A_836 = arith.constant 0 : i32
      %dma_start3A_837 = arith.constant 0 : i32
      %dma_start3A_838 = tpu.memref_slice %arg19[%dma_start3A_836, %dma_start3A_837] : memref<10240x128xf32, #tpu.memory_space<vmem_shared>> -> memref<10240x128xf32, #tpu.memory_space<vmem_shared>>
      tpu.enqueue_indirect_dma source(%dma_start3A_835 : memref<16x128xf32, #tpu.memory_space<vmem>>) target(%dma_start3A_838 : memref<10240x128xf32, #tpu.memory_space<vmem_shared>>) offsets(%get3A_832 : vector<16xi32>) semaphore(%arg18 : memref<!tpu.dma_semaphore, #tpu.memory_space<semaphore_mem>>) {add = true}
      %mul3A_839 = arith.constant 64 : i32
      %mul3A_840 = arith.muli %add3A_810, %mul3A_839 : i32
      %add3A_841 = arith.constant 16 : i32
      %add3A_842 = arith.addi %mul3A_840, %add3A_841 : i32
      %get3A_843 = arith.index_cast %add3A_842 : i32 to index
      %get3A_844 = tpu.vector_load %arg6[%get3A_843] {strides = array<i32>} : memref<2560xi32, #tpu.memory_space<vmem>>, vector<16xi32>,
      %get3A_845 = vector.shape_cast %get3A_844 : vector<16xi32> to vector<16xi32>
      %dma_start3A_846 = arith.constant 16 : i32
      %dma_start3A_847 = arith.constant 0 : i32
      %dma_start3A_848 = tpu.memref_slice %arg10[%dma_start3A_846, %dma_start3A_847] : memref<64x128xf32, #tpu.memory_space<vmem>> -> memref<16x128xf32, #tpu.memory_space<vmem>>
      %dma_start3A_849 = arith.constant 0 : i32
      %dma_start3A_850 = arith.constant 0 : i32
      %dma_start3A_851 = tpu.memref_slice %arg19[%dma_start3A_849, %dma_start3A_850] : memref<10240x128xf32, #tpu.memory_space<vmem_shared>> -> memref<10240x128xf32, #tpu.memory_space<vmem_shared>>
      tpu.enqueue_indirect_dma source(%dma_start3A_848 : memref<16x128xf32, #tpu.memory_space<vmem>>) target(%dma_start3A_851 : memref<10240x128xf32, #tpu.memory_space<vmem_shared>>) offsets(%get3A_845 : vector<16xi32>) semaphore(%arg18 : memref<!tpu.dma_semaphore, #tpu.memory_space<semaphore_mem>>) {add = true}
      %mul3A_852 = arith.constant 64 : i32
      %mul3A_853 = arith.muli %add3A_810, %mul3A_852 : i32
      %add3A_854 = arith.constant 32 : i32
      %add3A_855 = arith.addi %mul3A_853, %add3A_854 : i32
      %get3A_856 = arith.index_cast %add3A_855 : i32 to index
      %get3A_857 = tpu.vector_load %arg6[%get3A_856] {strides = array<i32>} : memref<2560xi32, #tpu.memory_space<vmem>>, vector<16xi32>,
      %get3A_858 = vector.shape_cast %get3A_857 : vector<16xi32> to vector<16xi32>
      %dma_start3A_859 = arith.constant 32 : i32
      %dma_start3A_860 = arith.constant 0 : i32
      %dma_start3A_861 = tpu.memref_slice %arg10[%dma_start3A_859, %dma_start3A_860] : memref<64x128xf32, #tpu.memory_space<vmem>> -> memref<16x128xf32, #tpu.memory_space<vmem>>
      %dma_start3A_862 = arith.constant 0 : i32
      %dma_start3A_863 = arith.constant 0 : i32
      %dma_start3A_864 = tpu.memref_slice %arg19[%dma_start3A_862, %dma_start3A_863] : memref<10240x128xf32, #tpu.memory_space<vmem_shared>> -> memref<10240x128xf32, #tpu.memory_space<vmem_shared>>
      tpu.enqueue_indirect_dma source(%dma_start3A_861 : memref<16x128xf32, #tpu.memory_space<vmem>>) target(%dma_start3A_864 : memref<10240x128xf32, #tpu.memory_space<vmem_shared>>) offsets(%get3A_858 : vector<16xi32>) semaphore(%arg18 : memref<!tpu.dma_semaphore, #tpu.memory_space<semaphore_mem>>) {add = true}
      %mul3A_865 = arith.constant 64 : i32
      %mul3A_866 = arith.muli %add3A_810, %mul3A_865 : i32
      %add3A_867 = arith.constant 48 : i32
      %add3A_868 = arith.addi %mul3A_866, %add3A_867 : i32
      %get3A_869 = arith.index_cast %add3A_868 : i32 to index
      %get3A_870 = tpu.vector_load %arg6[%get3A_869] {strides = array<i32>} : memref<2560xi32, #tpu.memory_space<vmem>>, vector<16xi32>,
      %get3A_871 = vector.shape_cast %get3A_870 : vector<16xi32> to vector<16xi32>
      %dma_start3A_872 = arith.constant 48 : i32
      %dma_start3A_873 = arith.constant 0 : i32
      %dma_start3A_874 = tpu.memref_slice %arg10[%dma_start3A_872, %dma_start3A_873] : memref<64x128xf32, #tpu.memory_space<vmem>> -> memref<16x128xf32, #tpu.memory_space<vmem>>
      %dma_start3A_875 = arith.constant 0 : i32
      %dma_start3A_876 = arith.constant 0 : i32
      %dma_start3A_877 = tpu.memref_slice %arg19[%dma_start3A_875, %dma_start3A_876] : memref<10240x128xf32, #tpu.memory_space<vmem_shared>> -> memref<10240x128xf32, #tpu.memory_space<vmem_shared>>
      tpu.enqueue_indirect_dma source(%dma_start3A_874 : memref<16x128xf32, #tpu.memory_space<vmem>>) target(%dma_start3A_877 : memref<10240x128xf32, #tpu.memory_space<vmem_shared>>) offsets(%get3A_871 : vector<16xi32>) semaphore(%arg18 : memref<!tpu.dma_semaphore, #tpu.memory_space<semaphore_mem>>) {add = true}
    }
    %scan3A_211 = arith.constant 10 : i32
    %get3A_212 = arith.constant 0 : index
    %get3A_213 = tpu.vector_load %arg6[%get3A_212] {strides = array<i32>} : memref<2560xi32, #tpu.memory_space<vmem>>, vector<16xi32>,
    %get3A_214 = vector.shape_cast %get3A_213 : vector<16xi32> to vector<16xi32>
    %dma_wait3A_215 = arith.constant 0 : i32
    %dma_wait3A_216 = arith.constant 0 : i32
    %dma_wait3A_217 = tpu.memref_slice %arg7[%dma_wait3A_215, %dma_wait3A_216] : memref<64x128xf32, #tpu.memory_space<vmem>> -> memref<16x128xf32, #tpu.memory_space<vmem>>
    %dma_wait3A_218 = arith.constant 0 : i32
    %dma_wait3A_219 = arith.constant 0 : i32
    %dma_wait3A_220 = tpu.memref_slice %arg19[%dma_wait3A_218, %dma_wait3A_219] : memref<10240x128xf32, #tpu.memory_space<vmem_shared>> -> memref<10240x128xf32, #tpu.memory_space<vmem_shared>>
    tpu.wait_indirect_dma semaphore(%arg15 : memref<!tpu.dma_semaphore, #tpu.memory_space<semaphore_mem>>) src(%dma_wait3A_217 : memref<16x128xf32, #tpu.memory_space<vmem>>) dst(%dma_wait3A_220 : memref<10240x128xf32, #tpu.memory_space<vmem_shared>>)
    %dma_wait3A_221 = arith.constant 16 : i32
    %dma_wait3A_222 = arith.constant 0 : i32
    %dma_wait3A_223 = tpu.memref_slice %arg7[%dma_wait3A_221, %dma_wait3A_222] : memref<64x128xf32, #tpu.memory_space<vmem>> -> memref<16x128xf32, #tpu.memory_space<vmem>>
    %dma_wait3A_224 = arith.constant 0 : i32
    %dma_wait3A_225 = arith.constant 0 : i32
    %dma_wait3A_226 = tpu.memref_slice %arg19[%dma_wait3A_224, %dma_wait3A_225] : memref<10240x128xf32, #tpu.memory_space<vmem_shared>> -> memref<10240x128xf32, #tpu.memory_space<vmem_shared>>
    tpu.wait_indirect_dma semaphore(%arg15 : memref<!tpu.dma_semaphore, #tpu.memory_space<semaphore_mem>>) src(%dma_wait3A_223 : memref<16x128xf32, #tpu.memory_space<vmem>>) dst(%dma_wait3A_226 : memref<10240x128xf32, #tpu.memory_space<vmem_shared>>)
    %dma_wait3A_227 = arith.constant 32 : i32
    %dma_wait3A_228 = arith.constant 0 : i32
    %dma_wait3A_229 = tpu.memref_slice %arg7[%dma_wait3A_227, %dma_wait3A_228] : memref<64x128xf32, #tpu.memory_space<vmem>> -> memref<16x128xf32, #tpu.memory_space<vmem>>
    %dma_wait3A_230 = arith.constant 0 : i32
    %dma_wait3A_231 = arith.constant 0 : i32
    %dma_wait3A_232 = tpu.memref_slice %arg19[%dma_wait3A_230, %dma_wait3A_231] : memref<10240x128xf32, #tpu.memory_space<vmem_shared>> -> memref<10240x128xf32, #tpu.memory_space<vmem_shared>>
    tpu.wait_indirect_dma semaphore(%arg15 : memref<!tpu.dma_semaphore, #tpu.memory_space<semaphore_mem>>) src(%dma_wait3A_229 : memref<16x128xf32, #tpu.memory_space<vmem>>) dst(%dma_wait3A_232 : memref<10240x128xf32, #tpu.memory_space<vmem_shared>>)
    %dma_wait3A_233 = arith.constant 48 : i32
    %dma_wait3A_234 = arith.constant 0 : i32
    %dma_wait3A_235 = tpu.memref_slice %arg7[%dma_wait3A_233, %dma_wait3A_234] : memref<64x128xf32, #tpu.memory_space<vmem>> -> memref<16x128xf32, #tpu.memory_space<vmem>>
    %dma_wait3A_236 = arith.constant 0 : i32
    %dma_wait3A_237 = arith.constant 0 : i32
    %dma_wait3A_238 = tpu.memref_slice %arg19[%dma_wait3A_236, %dma_wait3A_237] : memref<10240x128xf32, #tpu.memory_space<vmem_shared>> -> memref<10240x128xf32, #tpu.memory_space<vmem_shared>>
    tpu.wait_indirect_dma semaphore(%arg15 : memref<!tpu.dma_semaphore, #tpu.memory_space<semaphore_mem>>) src(%dma_wait3A_235 : memref<16x128xf32, #tpu.memory_space<vmem>>) dst(%dma_wait3A_238 : memref<10240x128xf32, #tpu.memory_space<vmem_shared>>)
    %get3A_239 = arith.constant 0 : index
    %get3A_240 = tpu.vector_load %arg6[%get3A_239] {strides = array<i32>} : memref<2560xi32, #tpu.memory_space<vmem>>, vector<16xi32>,
    %get3A_241 = vector.shape_cast %get3A_240 : vector<16xi32> to vector<16xi32>
    %dma_wait3A_242 = arith.constant 0 : i32
    %dma_wait3A_243 = arith.constant 0 : i32
    %dma_wait3A_244 = tpu.memref_slice %arg8[%dma_wait3A_242, %dma_wait3A_243] : memref<64x128xf32, #tpu.memory_space<vmem>> -> memref<16x128xf32, #tpu.memory_space<vmem>>
    %dma_wait3A_245 = arith.constant 0 : i32
    %dma_wait3A_246 = arith.constant 0 : i32
    %dma_wait3A_247 = tpu.memref_slice %arg19[%dma_wait3A_245, %dma_wait3A_246] : memref<10240x128xf32, #tpu.memory_space<vmem_shared>> -> memref<10240x128xf32, #tpu.memory_space<vmem_shared>>
    tpu.wait_indirect_dma semaphore(%arg16 : memref<!tpu.dma_semaphore, #tpu.memory_space<semaphore_mem>>) src(%dma_wait3A_244 : memref<16x128xf32, #tpu.memory_space<vmem>>) dst(%dma_wait3A_247 : memref<10240x128xf32, #tpu.memory_space<vmem_shared>>)
    %dma_wait3A_248 = arith.constant 16 : i32
    %dma_wait3A_249 = arith.constant 0 : i32
    %dma_wait3A_250 = tpu.memref_slice %arg8[%dma_wait3A_248, %dma_wait3A_249] : memref<64x128xf32, #tpu.memory_space<vmem>> -> memref<16x128xf32, #tpu.memory_space<vmem>>
    %dma_wait3A_251 = arith.constant 0 : i32
    %dma_wait3A_252 = arith.constant 0 : i32
    %dma_wait3A_253 = tpu.memref_slice %arg19[%dma_wait3A_251, %dma_wait3A_252] : memref<10240x128xf32, #tpu.memory_space<vmem_shared>> -> memref<10240x128xf32, #tpu.memory_space<vmem_shared>>
    tpu.wait_indirect_dma semaphore(%arg16 : memref<!tpu.dma_semaphore, #tpu.memory_space<semaphore_mem>>) src(%dma_wait3A_250 : memref<16x128xf32, #tpu.memory_space<vmem>>) dst(%dma_wait3A_253 : memref<10240x128xf32, #tpu.memory_space<vmem_shared>>)
    %dma_wait3A_254 = arith.constant 32 : i32
    %dma_wait3A_255 = arith.constant 0 : i32
    %dma_wait3A_256 = tpu.memref_slice %arg8[%dma_wait3A_254, %dma_wait3A_255] : memref<64x128xf32, #tpu.memory_space<vmem>> -> memref<16x128xf32, #tpu.memory_space<vmem>>
    %dma_wait3A_257 = arith.constant 0 : i32
    %dma_wait3A_258 = arith.constant 0 : i32
    %dma_wait3A_259 = tpu.memref_slice %arg19[%dma_wait3A_257, %dma_wait3A_258] : memref<10240x128xf32, #tpu.memory_space<vmem_shared>> -> memref<10240x128xf32, #tpu.memory_space<vmem_shared>>
    tpu.wait_indirect_dma semaphore(%arg16 : memref<!tpu.dma_semaphore, #tpu.memory_space<semaphore_mem>>) src(%dma_wait3A_256 : memref<16x128xf32, #tpu.memory_space<vmem>>) dst(%dma_wait3A_259 : memref<10240x128xf32, #tpu.memory_space<vmem_shared>>)
    %dma_wait3A_260 = arith.constant 48 : i32
    %dma_wait3A_261 = arith.constant 0 : i32
    %dma_wait3A_262 = tpu.memref_slice %arg8[%dma_wait3A_260, %dma_wait3A_261] : memref<64x128xf32, #tpu.memory_space<vmem>> -> memref<16x128xf32, #tpu.memory_space<vmem>>
    %dma_wait3A_263 = arith.constant 0 : i32
    %dma_wait3A_264 = arith.constant 0 : i32
    %dma_wait3A_265 = tpu.memref_slice %arg19[%dma_wait3A_263, %dma_wait3A_264] : memref<10240x128xf32, #tpu.memory_space<vmem_shared>> -> memref<10240x128xf32, #tpu.memory_space<vmem_shared>>
    tpu.wait_indirect_dma semaphore(%arg16 : memref<!tpu.dma_semaphore, #tpu.memory_space<semaphore_mem>>) src(%dma_wait3A_262 : memref<16x128xf32, #tpu.memory_space<vmem>>) dst(%dma_wait3A_265 : memref<10240x128xf32, #tpu.memory_space<vmem_shared>>)
    %get3A_266 = arith.constant 0 : index
    %get3A_267 = tpu.vector_load %arg6[%get3A_266] {strides = array<i32>} : memref<2560xi32, #tpu.memory_space<vmem>>, vector<16xi32>,
    %get3A_268 = vector.shape_cast %get3A_267 : vector<16xi32> to vector<16xi32>
    %dma_wait3A_269 = arith.constant 0 : i32
    %dma_wait3A_270 = arith.constant 0 : i32
    %dma_wait3A_271 = tpu.memref_slice %arg9[%dma_wait3A_269, %dma_wait3A_270] : memref<64x128xf32, #tpu.memory_space<vmem>> -> memref<16x128xf32, #tpu.memory_space<vmem>>
    %dma_wait3A_272 = arith.constant 0 : i32
    %dma_wait3A_273 = arith.constant 0 : i32
    %dma_wait3A_274 = tpu.memref_slice %arg19[%dma_wait3A_272, %dma_wait3A_273] : memref<10240x128xf32, #tpu.memory_space<vmem_shared>> -> memref<10240x128xf32, #tpu.memory_space<vmem_shared>>
    tpu.wait_indirect_dma semaphore(%arg17 : memref<!tpu.dma_semaphore, #tpu.memory_space<semaphore_mem>>) src(%dma_wait3A_271 : memref<16x128xf32, #tpu.memory_space<vmem>>) dst(%dma_wait3A_274 : memref<10240x128xf32, #tpu.memory_space<vmem_shared>>)
    %dma_wait3A_275 = arith.constant 16 : i32
    %dma_wait3A_276 = arith.constant 0 : i32
    %dma_wait3A_277 = tpu.memref_slice %arg9[%dma_wait3A_275, %dma_wait3A_276] : memref<64x128xf32, #tpu.memory_space<vmem>> -> memref<16x128xf32, #tpu.memory_space<vmem>>
    %dma_wait3A_278 = arith.constant 0 : i32
    %dma_wait3A_279 = arith.constant 0 : i32
    %dma_wait3A_280 = tpu.memref_slice %arg19[%dma_wait3A_278, %dma_wait3A_279] : memref<10240x128xf32, #tpu.memory_space<vmem_shared>> -> memref<10240x128xf32, #tpu.memory_space<vmem_shared>>
    tpu.wait_indirect_dma semaphore(%arg17 : memref<!tpu.dma_semaphore, #tpu.memory_space<semaphore_mem>>) src(%dma_wait3A_277 : memref<16x128xf32, #tpu.memory_space<vmem>>) dst(%dma_wait3A_280 : memref<10240x128xf32, #tpu.memory_space<vmem_shared>>)
    %dma_wait3A_281 = arith.constant 32 : i32
    %dma_wait3A_282 = arith.constant 0 : i32
    %dma_wait3A_283 = tpu.memref_slice %arg9[%dma_wait3A_281, %dma_wait3A_282] : memref<64x128xf32, #tpu.memory_space<vmem>> -> memref<16x128xf32, #tpu.memory_space<vmem>>
    %dma_wait3A_284 = arith.constant 0 : i32
    %dma_wait3A_285 = arith.constant 0 : i32
    %dma_wait3A_286 = tpu.memref_slice %arg19[%dma_wait3A_284, %dma_wait3A_285] : memref<10240x128xf32, #tpu.memory_space<vmem_shared>> -> memref<10240x128xf32, #tpu.memory_space<vmem_shared>>
    tpu.wait_indirect_dma semaphore(%arg17 : memref<!tpu.dma_semaphore, #tpu.memory_space<semaphore_mem>>) src(%dma_wait3A_283 : memref<16x128xf32, #tpu.memory_space<vmem>>) dst(%dma_wait3A_286 : memref<10240x128xf32, #tpu.memory_space<vmem_shared>>)
    %dma_wait3A_287 = arith.constant 48 : i32
    %dma_wait3A_288 = arith.constant 0 : i32
    %dma_wait3A_289 = tpu.memref_slice %arg9[%dma_wait3A_287, %dma_wait3A_288] : memref<64x128xf32, #tpu.memory_space<vmem>> -> memref<16x128xf32, #tpu.memory_space<vmem>>
    %dma_wait3A_290 = arith.constant 0 : i32
    %dma_wait3A_291 = arith.constant 0 : i32
    %dma_wait3A_292 = tpu.memref_slice %arg19[%dma_wait3A_290, %dma_wait3A_291] : memref<10240x128xf32, #tpu.memory_space<vmem_shared>> -> memref<10240x128xf32, #tpu.memory_space<vmem_shared>>
    tpu.wait_indirect_dma semaphore(%arg17 : memref<!tpu.dma_semaphore, #tpu.memory_space<semaphore_mem>>) src(%dma_wait3A_289 : memref<16x128xf32, #tpu.memory_space<vmem>>) dst(%dma_wait3A_292 : memref<10240x128xf32, #tpu.memory_space<vmem_shared>>)
    %get3A_293 = arith.constant 0 : index
    %get3A_294 = tpu.vector_load %arg6[%get3A_293] {strides = array<i32>} : memref<2560xi32, #tpu.memory_space<vmem>>, vector<16xi32>,
    %get3A_295 = vector.shape_cast %get3A_294 : vector<16xi32> to vector<16xi32>
    %dma_wait3A_296 = arith.constant 0 : i32
    %dma_wait3A_297 = arith.constant 0 : i32
    %dma_wait3A_298 = tpu.memref_slice %arg10[%dma_wait3A_296, %dma_wait3A_297] : memref<64x128xf32, #tpu.memory_space<vmem>> -> memref<16x128xf32, #tpu.memory_space<vmem>>
    %dma_wait3A_299 = arith.constant 0 : i32
    %dma_wait3A_300 = arith.constant 0 : i32
    %dma_wait3A_301 = tpu.memref_slice %arg19[%dma_wait3A_299, %dma_wait3A_300] : memref<10240x128xf32, #tpu.memory_space<vmem_shared>> -> memref<10240x128xf32, #tpu.memory_space<vmem_shared>>
    tpu.wait_indirect_dma semaphore(%arg18 : memref<!tpu.dma_semaphore, #tpu.memory_space<semaphore_mem>>) src(%dma_wait3A_298 : memref<16x128xf32, #tpu.memory_space<vmem>>) dst(%dma_wait3A_301 : memref<10240x128xf32, #tpu.memory_space<vmem_shared>>)
    %dma_wait3A_302 = arith.constant 16 : i32
    %dma_wait3A_303 = arith.constant 0 : i32
    %dma_wait3A_304 = tpu.memref_slice %arg10[%dma_wait3A_302, %dma_wait3A_303] : memref<64x128xf32, #tpu.memory_space<vmem>> -> memref<16x128xf32, #tpu.memory_space<vmem>>
    %dma_wait3A_305 = arith.constant 0 : i32
    %dma_wait3A_306 = arith.constant 0 : i32
    %dma_wait3A_307 = tpu.memref_slice %arg19[%dma_wait3A_305, %dma_wait3A_306] : memref<10240x128xf32, #tpu.memory_space<vmem_shared>> -> memref<10240x128xf32, #tpu.memory_space<vmem_shared>>
    tpu.wait_indirect_dma semaphore(%arg18 : memref<!tpu.dma_semaphore, #tpu.memory_space<semaphore_mem>>) src(%dma_wait3A_304 : memref<16x128xf32, #tpu.memory_space<vmem>>) dst(%dma_wait3A_307 : memref<10240x128xf32, #tpu.memory_space<vmem_shared>>)
    %dma_wait3A_308 = arith.constant 32 : i32
    %dma_wait3A_309 = arith.constant 0 : i32
    %dma_wait3A_310 = tpu.memref_slice %arg10[%dma_wait3A_308, %dma_wait3A_309] : memref<64x128xf32, #tpu.memory_space<vmem>> -> memref<16x128xf32, #tpu.memory_space<vmem>>
    %dma_wait3A_311 = arith.constant 0 : i32
    %dma_wait3A_312 = arith.constant 0 : i32
    %dma_wait3A_313 = tpu.memref_slice %arg19[%dma_wait3A_311, %dma_wait3A_312] : memref<10240x128xf32, #tpu.memory_space<vmem_shared>> -> memref<10240x128xf32, #tpu.memory_space<vmem_shared>>
    tpu.wait_indirect_dma semaphore(%arg18 : memref<!tpu.dma_semaphore, #tpu.memory_space<semaphore_mem>>) src(%dma_wait3A_310 : memref<16x128xf32, #tpu.memory_space<vmem>>) dst(%dma_wait3A_313 : memref<10240x128xf32, #tpu.memory_space<vmem_shared>>)
    %dma_wait3A_314 = arith.constant 48 : i32
    %dma_wait3A_315 = arith.constant 0 : i32
    %dma_wait3A_316 = tpu.memref_slice %arg10[%dma_wait3A_314, %dma_wait3A_315] : memref<64x128xf32, #tpu.memory_space<vmem>> -> memref<16x128xf32, #tpu.memory_space<vmem>>
    %dma_wait3A_317 = arith.constant 0 : i32
    %dma_wait3A_318 = arith.constant 0 : i32
    %dma_wait3A_319 = tpu.memref_slice %arg19[%dma_wait3A_317, %dma_wait3A_318] : memref<10240x128xf32, #tpu.memory_space<vmem_shared>> -> memref<10240x128xf32, #tpu.memory_space<vmem_shared>>
    tpu.wait_indirect_dma semaphore(%arg18 : memref<!tpu.dma_semaphore, #tpu.memory_space<semaphore_mem>>) src(%dma_wait3A_316 : memref<16x128xf32, #tpu.memory_space<vmem>>) dst(%dma_wait3A_319 : memref<10240x128xf32, #tpu.memory_space<vmem_shared>>)
    %mul3A_320 = arith.constant 10240 : i32
    %mul3A_321 = arith.muli %add3A, %mul3A_320 : i32
    %add3A_322 = arith.constant 5120 : i32
    %add3A_323 = arith.addi %mul3A_321, %add3A_322 : i32
    %run_scoped3A_324 = arith.constant 0 : i32
    "tpu.region"() ({
      %run_scoped3A_603 = tpu.sem_alloc : memref<!tpu.dma_semaphore, #tpu.memory_space<semaphore_mem>>
      %dma_start3A_604 = tpu.memref_slice %arg2[%run_scoped3A_324, %add3A_323] : memref<2x327680xi32, #tpu.memory_space<hbm>> -> memref<1x2560xi32, #tpu.memory_space<hbm>>
      %dma_start3A_605 = tpu.memref_squeeze %dma_start3A_604 : memref<1x2560xi32, #tpu.memory_space<hbm>> -> memref<2560xi32, #tpu.memory_space<hbm>>
      %dma_start3A_606 = tpu.memref_slice %arg2[%run_scoped3A_324, %add3A_323] : memref<2x327680xi32, #tpu.memory_space<hbm>> -> memref<1x2560xi32, #tpu.memory_space<hbm>>
      %dma_start3A_607 = tpu.memref_squeeze %dma_start3A_606 : memref<1x2560xi32, #tpu.memory_space<hbm>> -> memref<2560xi32, #tpu.memory_space<hbm>>
      tpu.enqueue_dma source(%dma_start3A_607 : memref<2560xi32, #tpu.memory_space<hbm>>) target(%arg5 : memref<2560xi32, #tpu.memory_space<vmem>>) target_semaphore(%run_scoped3A_603 : memref<!tpu.dma_semaphore, #tpu.memory_space<semaphore_mem>>)
      %dma_wait3A_608 = tpu.memref_slice %arg2[%run_scoped3A_324, %add3A_323] : memref<2x327680xi32, #tpu.memory_space<hbm>> -> memref<1x2560xi32, #tpu.memory_space<hbm>>
      %dma_wait3A_609 = tpu.memref_squeeze %dma_wait3A_608 : memref<1x2560xi32, #tpu.memory_space<hbm>> -> memref<2560xi32, #tpu.memory_space<hbm>>
      %dma_wait3A_610 = tpu.memref_slice %arg2[%run_scoped3A_324, %add3A_323] : memref<2x327680xi32, #tpu.memory_space<hbm>> -> memref<1x2560xi32, #tpu.memory_space<hbm>>
      %dma_wait3A_611 = tpu.memref_squeeze %dma_wait3A_610 : memref<1x2560xi32, #tpu.memory_space<hbm>> -> memref<2560xi32, #tpu.memory_space<hbm>>
      tpu.wait_dma2 semaphore(%run_scoped3A_603 : memref<!tpu.dma_semaphore, #tpu.memory_space<semaphore_mem>>) src(%dma_wait3A_611 : memref<2560xi32, #tpu.memory_space<hbm>>) dst(%arg5 : memref<2560xi32, #tpu.memory_space<vmem>>)
      tpu.yield
    }) : () -> ()
    %mul3A_325 = arith.constant 10240 : i32
    %mul3A_326 = arith.muli %add3A, %mul3A_325 : i32
    %add3A_327 = arith.constant 5120 : i32
    %add3A_328 = arith.addi %mul3A_326, %add3A_327 : i32
    %run_scoped3A_329 = arith.constant 1 : i32
    "tpu.region"() ({
      %run_scoped3A_603 = tpu.sem_alloc : memref<!tpu.dma_semaphore, #tpu.memory_space<semaphore_mem>>
      %dma_start3A_604 = tpu.memref_slice %arg2[%run_scoped3A_329, %add3A_328] : memref<2x327680xi32, #tpu.memory_space<hbm>> -> memref<1x2560xi32, #tpu.memory_space<hbm>>
      %dma_start3A_605 = tpu.memref_squeeze %dma_start3A_604 : memref<1x2560xi32, #tpu.memory_space<hbm>> -> memref<2560xi32, #tpu.memory_space<hbm>>
      %dma_start3A_606 = tpu.memref_slice %arg2[%run_scoped3A_329, %add3A_328] : memref<2x327680xi32, #tpu.memory_space<hbm>> -> memref<1x2560xi32, #tpu.memory_space<hbm>>
      %dma_start3A_607 = tpu.memref_squeeze %dma_start3A_606 : memref<1x2560xi32, #tpu.memory_space<hbm>> -> memref<2560xi32, #tpu.memory_space<hbm>>
      tpu.enqueue_dma source(%dma_start3A_607 : memref<2560xi32, #tpu.memory_space<hbm>>) target(%arg6 : memref<2560xi32, #tpu.memory_space<vmem>>) target_semaphore(%run_scoped3A_603 : memref<!tpu.dma_semaphore, #tpu.memory_space<semaphore_mem>>)
      %dma_wait3A_608 = tpu.memref_slice %arg2[%run_scoped3A_329, %add3A_328] : memref<2x327680xi32, #tpu.memory_space<hbm>> -> memref<1x2560xi32, #tpu.memory_space<hbm>>
      %dma_wait3A_609 = tpu.memref_squeeze %dma_wait3A_608 : memref<1x2560xi32, #tpu.memory_space<hbm>> -> memref<2560xi32, #tpu.memory_space<hbm>>
      %dma_wait3A_610 = tpu.memref_slice %arg2[%run_scoped3A_329, %add3A_328] : memref<2x327680xi32, #tpu.memory_space<hbm>> -> memref<1x2560xi32, #tpu.memory_space<hbm>>
      %dma_wait3A_611 = tpu.memref_squeeze %dma_wait3A_610 : memref<1x2560xi32, #tpu.memory_space<hbm>> -> memref<2560xi32, #tpu.memory_space<hbm>>
      tpu.wait_dma2 semaphore(%run_scoped3A_603 : memref<!tpu.dma_semaphore, #tpu.memory_space<semaphore_mem>>) src(%dma_wait3A_611 : memref<2560xi32, #tpu.memory_space<hbm>>) dst(%arg6 : memref<2560xi32, #tpu.memory_space<vmem>>)
      tpu.yield
    }) : () -> ()
    %dma_start3A_330 = arith.constant 0 : i32
    %dma_start3A_331 = tpu.memref_slice %arg5[%dma_start3A_330] : memref<2560xi32, #tpu.memory_space<vmem>> -> memref<64xi32, #tpu.memory_space<vmem>>
    %dma_start3A_332 = arith.constant 0 : i32
    %dma_start3A_333 = arith.constant 0 : i32
    %dma_start3A_334 = tpu.memref_slice %arg3[%dma_start3A_332, %dma_start3A_333] : memref<10000x128xf32, #tpu.memory_space<hbm>> -> memref<10000x128xf32, #tpu.memory_space<hbm>>
    tpu.enqueue_indirect_dma source(%dma_start3A_334 : memref<10000x128xf32, #tpu.memory_space<hbm>>) target(%arg7 : memref<64x128xf32, #tpu.memory_space<vmem>>) offsets(%dma_start3A_331 : memref<64xi32, #tpu.memory_space<vmem>>) semaphore(%arg11 : memref<!tpu.dma_semaphore, #tpu.memory_space<semaphore_mem>>)
    %dma_start3A_335 = arith.constant 64 : i32
    %dma_start3A_336 = tpu.memref_slice %arg5[%dma_start3A_335] : memref<2560xi32, #tpu.memory_space<vmem>> -> memref<64xi32, #tpu.memory_space<vmem>>
    %dma_start3A_337 = arith.constant 0 : i32
    %dma_start3A_338 = arith.constant 0 : i32
    %dma_start3A_339 = tpu.memref_slice %arg3[%dma_start3A_337, %dma_start3A_338] : memref<10000x128xf32, #tpu.memory_space<hbm>> -> memref<10000x128xf32, #tpu.memory_space<hbm>>
    tpu.enqueue_indirect_dma source(%dma_start3A_339 : memref<10000x128xf32, #tpu.memory_space<hbm>>) target(%arg8 : memref<64x128xf32, #tpu.memory_space<vmem>>) offsets(%dma_start3A_336 : memref<64xi32, #tpu.memory_space<vmem>>) semaphore(%arg12 : memref<!tpu.dma_semaphore, #tpu.memory_space<semaphore_mem>>)
    %dma_start3A_340 = arith.constant 128 : i32
    %dma_start3A_341 = tpu.memref_slice %arg5[%dma_start3A_340] : memref<2560xi32, #tpu.memory_space<vmem>> -> memref<64xi32, #tpu.memory_space<vmem>>
    %dma_start3A_342 = arith.constant 0 : i32
    %dma_start3A_343 = arith.constant 0 : i32
    %dma_start3A_344 = tpu.memref_slice %arg3[%dma_start3A_342, %dma_start3A_343] : memref<10000x128xf32, #tpu.memory_space<hbm>> -> memref<10000x128xf32, #tpu.memory_space<hbm>>
    tpu.enqueue_indirect_dma source(%dma_start3A_344 : memref<10000x128xf32, #tpu.memory_space<hbm>>) target(%arg9 : memref<64x128xf32, #tpu.memory_space<vmem>>) offsets(%dma_start3A_341 : memref<64xi32, #tpu.memory_space<vmem>>) semaphore(%arg13 : memref<!tpu.dma_semaphore, #tpu.memory_space<semaphore_mem>>)
    %scan3A_345 = arith.constant 0 : i32
    %scan3A_346 = arith.constant 0 : i32
    %scan3A_347 = arith.constant 10 : i32
    %scan3A_348 = arith.addi %scan3A_346, %scan3A_347 : i32
    %scan3A_349 = arith.constant 1 : i32
    scf.for %scan3A_603 = %scan3A_346 to %scan3A_348 step %scan3A_349  : i32 {
      %mul3A_604 = arith.constant 4 : i32
      %mul3A_605 = arith.muli %mul3A_604, %scan3A_603 : i32
      %add3A_606 = arith.constant 0 : i32
      %add3A_607 = arith.addi %mul3A_605, %add3A_606 : i32
      %add3A_608 = arith.constant 4 : i32
      %add3A_609 = arith.addi %add3A_607, %add3A_608 : i32
      %sub3A = arith.constant 1 : i32
      %sub3A_610 = arith.subi %add3A_609, %sub3A : i32
      %lt3A = arith.constant 40 : i32
      %lt3A_611 = arith.cmpi slt, %sub3A_610, %lt3A : i32
      %convert_element_type3A = arith.extui %lt3A_611 : i1 to i32
      %cond3A = arith.constant 0 : i32
      %cond3A_612 = arith.cmpi ne, %convert_element_type3A, %cond3A : i32
      scf.if %cond3A_612 {
        %ge3A = arith.constant 1 : i32
        %ge3A_878 = arith.cmpi sge, %add3A_607, %ge3A : i32
        %convert_element_type3A_879 = arith.extui %ge3A_878 : i1 to i32
        %cond3A_880 = arith.constant 0 : i32
        %cond3A_881 = arith.cmpi ne, %convert_element_type3A_879, %cond3A_880 : i32
        scf.if %cond3A_881 {
          %get3A_892 = arith.constant 0 : index
          %get3A_893 = tpu.vector_load %arg6[%get3A_892] {strides = array<i32>} : memref<2560xi32, #tpu.memory_space<vmem>>, vector<16xi32>,
          %get3A_894 = vector.shape_cast %get3A_893 : vector<16xi32> to vector<16xi32>
          %dma_wait3A_895 = arith.constant 0 : i32
          %dma_wait3A_896 = arith.constant 0 : i32
          %dma_wait3A_897 = tpu.memref_slice %arg10[%dma_wait3A_895, %dma_wait3A_896] : memref<64x128xf32, #tpu.memory_space<vmem>> -> memref<16x128xf32, #tpu.memory_space<vmem>>
          %dma_wait3A_898 = arith.constant 0 : i32
          %dma_wait3A_899 = arith.constant 0 : i32
          %dma_wait3A_900 = tpu.memref_slice %arg19[%dma_wait3A_898, %dma_wait3A_899] : memref<10240x128xf32, #tpu.memory_space<vmem_shared>> -> memref<10240x128xf32, #tpu.memory_space<vmem_shared>>
          tpu.wait_indirect_dma semaphore(%arg18 : memref<!tpu.dma_semaphore, #tpu.memory_space<semaphore_mem>>) src(%dma_wait3A_897 : memref<16x128xf32, #tpu.memory_space<vmem>>) dst(%dma_wait3A_900 : memref<10240x128xf32, #tpu.memory_space<vmem_shared>>)
          %dma_wait3A_901 = arith.constant 16 : i32
          %dma_wait3A_902 = arith.constant 0 : i32
          %dma_wait3A_903 = tpu.memref_slice %arg10[%dma_wait3A_901, %dma_wait3A_902] : memref<64x128xf32, #tpu.memory_space<vmem>> -> memref<16x128xf32, #tpu.memory_space<vmem>>
          %dma_wait3A_904 = arith.constant 0 : i32
          %dma_wait3A_905 = arith.constant 0 : i32
          %dma_wait3A_906 = tpu.memref_slice %arg19[%dma_wait3A_904, %dma_wait3A_905] : memref<10240x128xf32, #tpu.memory_space<vmem_shared>> -> memref<10240x128xf32, #tpu.memory_space<vmem_shared>>
          tpu.wait_indirect_dma semaphore(%arg18 : memref<!tpu.dma_semaphore, #tpu.memory_space<semaphore_mem>>) src(%dma_wait3A_903 : memref<16x128xf32, #tpu.memory_space<vmem>>) dst(%dma_wait3A_906 : memref<10240x128xf32, #tpu.memory_space<vmem_shared>>)
          %dma_wait3A_907 = arith.constant 32 : i32
          %dma_wait3A_908 = arith.constant 0 : i32
          %dma_wait3A_909 = tpu.memref_slice %arg10[%dma_wait3A_907, %dma_wait3A_908] : memref<64x128xf32, #tpu.memory_space<vmem>> -> memref<16x128xf32, #tpu.memory_space<vmem>>
          %dma_wait3A_910 = arith.constant 0 : i32
          %dma_wait3A_911 = arith.constant 0 : i32
          %dma_wait3A_912 = tpu.memref_slice %arg19[%dma_wait3A_910, %dma_wait3A_911] : memref<10240x128xf32, #tpu.memory_space<vmem_shared>> -> memref<10240x128xf32, #tpu.memory_space<vmem_shared>>
          tpu.wait_indirect_dma semaphore(%arg18 : memref<!tpu.dma_semaphore, #tpu.memory_space<semaphore_mem>>) src(%dma_wait3A_909 : memref<16x128xf32, #tpu.memory_space<vmem>>) dst(%dma_wait3A_912 : memref<10240x128xf32, #tpu.memory_space<vmem_shared>>)
          %dma_wait3A_913 = arith.constant 48 : i32
          %dma_wait3A_914 = arith.constant 0 : i32
          %dma_wait3A_915 = tpu.memref_slice %arg10[%dma_wait3A_913, %dma_wait3A_914] : memref<64x128xf32, #tpu.memory_space<vmem>> -> memref<16x128xf32, #tpu.memory_space<vmem>>
          %dma_wait3A_916 = arith.constant 0 : i32
          %dma_wait3A_917 = arith.constant 0 : i32
          %dma_wait3A_918 = tpu.memref_slice %arg19[%dma_wait3A_916, %dma_wait3A_917] : memref<10240x128xf32, #tpu.memory_space<vmem_shared>> -> memref<10240x128xf32, #tpu.memory_space<vmem_shared>>
          tpu.wait_indirect_dma semaphore(%arg18 : memref<!tpu.dma_semaphore, #tpu.memory_space<semaphore_mem>>) src(%dma_wait3A_915 : memref<16x128xf32, #tpu.memory_space<vmem>>) dst(%dma_wait3A_918 : memref<10240x128xf32, #tpu.memory_space<vmem_shared>>)
        } else {
        }
        %add3A_882 = arith.constant 4 : i32
        %add3A_883 = arith.addi %add3A_607, %add3A_882 : i32
        %sub3A_884 = arith.constant 1 : i32
        %sub3A_885 = arith.subi %add3A_883, %sub3A_884 : i32
        %mul3A_886 = arith.constant 64 : i32
        %mul3A_887 = arith.muli %sub3A_885, %mul3A_886 : i32
        %dma_start3A_888 = tpu.memref_slice %arg5[%mul3A_887] : memref<2560xi32, #tpu.memory_space<vmem>> -> memref<64xi32, #tpu.memory_space<vmem>>
        %dma_start3A_889 = arith.constant 0 : i32
        %dma_start3A_890 = arith.constant 0 : i32
        %dma_start3A_891 = tpu.memref_slice %arg3[%dma_start3A_889, %dma_start3A_890] : memref<10000x128xf32, #tpu.memory_space<hbm>> -> memref<10000x128xf32, #tpu.memory_space<hbm>>
        tpu.enqueue_indirect_dma source(%dma_start3A_891 : memref<10000x128xf32, #tpu.memory_space<hbm>>) target(%arg10 : memref<64x128xf32, #tpu.memory_space<vmem>>) offsets(%dma_start3A_888 : memref<64xi32, #tpu.memory_space<vmem>>) semaphore(%arg14 : memref<!tpu.dma_semaphore, #tpu.memory_space<semaphore_mem>>)
      } else {
      }
      %mul3A_613 = arith.constant 64 : i32
      %mul3A_614 = arith.muli %add3A_607, %mul3A_613 : i32
      %dma_wait3A_615 = tpu.memref_slice %arg5[%mul3A_614] : memref<2560xi32, #tpu.memory_space<vmem>> -> memref<64xi32, #tpu.memory_space<vmem>>
      %dma_wait3A_616 = arith.constant 0 : i32
      %dma_wait3A_617 = arith.constant 0 : i32
      %dma_wait3A_618 = tpu.memref_slice %arg3[%dma_wait3A_616, %dma_wait3A_617] : memref<10000x128xf32, #tpu.memory_space<hbm>> -> memref<10000x128xf32, #tpu.memory_space<hbm>>
      tpu.wait_indirect_dma semaphore(%arg11 : memref<!tpu.dma_semaphore, #tpu.memory_space<semaphore_mem>>) src(%dma_wait3A_618 : memref<10000x128xf32, #tpu.memory_space<hbm>>) dst(%arg7 : memref<64x128xf32, #tpu.memory_space<vmem>>)
      %mul3A_619 = arith.constant 64 : i32
      %mul3A_620 = arith.muli %add3A_607, %mul3A_619 : i32
      %add3A_621 = arith.constant 0 : i32
      %add3A_622 = arith.addi %mul3A_620, %add3A_621 : i32
      %get3A_623 = arith.index_cast %add3A_622 : i32 to index
      %get3A_624 = tpu.vector_load %arg6[%get3A_623] {strides = array<i32>} : memref<2560xi32, #tpu.memory_space<vmem>>, vector<16xi32>,
      %get3A_625 = vector.shape_cast %get3A_624 : vector<16xi32> to vector<16xi32>
      %dma_start3A_626 = arith.constant 0 : i32
      %dma_start3A_627 = arith.constant 0 : i32
      %dma_start3A_628 = tpu.memref_slice %arg7[%dma_start3A_626, %dma_start3A_627] : memref<64x128xf32, #tpu.memory_space<vmem>> -> memref<16x128xf32, #tpu.memory_space<vmem>>
      %dma_start3A_629 = arith.constant 0 : i32
      %dma_start3A_630 = arith.constant 0 : i32
      %dma_start3A_631 = tpu.memref_slice %arg19[%dma_start3A_629, %dma_start3A_630] : memref<10240x128xf32, #tpu.memory_space<vmem_shared>> -> memref<10240x128xf32, #tpu.memory_space<vmem_shared>>
      tpu.enqueue_indirect_dma source(%dma_start3A_628 : memref<16x128xf32, #tpu.memory_space<vmem>>) target(%dma_start3A_631 : memref<10240x128xf32, #tpu.memory_space<vmem_shared>>) offsets(%get3A_625 : vector<16xi32>) semaphore(%arg15 : memref<!tpu.dma_semaphore, #tpu.memory_space<semaphore_mem>>) {add = true}
      %mul3A_632 = arith.constant 64 : i32
      %mul3A_633 = arith.muli %add3A_607, %mul3A_632 : i32
      %add3A_634 = arith.constant 16 : i32
      %add3A_635 = arith.addi %mul3A_633, %add3A_634 : i32
      %get3A_636 = arith.index_cast %add3A_635 : i32 to index
      %get3A_637 = tpu.vector_load %arg6[%get3A_636] {strides = array<i32>} : memref<2560xi32, #tpu.memory_space<vmem>>, vector<16xi32>,
      %get3A_638 = vector.shape_cast %get3A_637 : vector<16xi32> to vector<16xi32>
      %dma_start3A_639 = arith.constant 16 : i32
      %dma_start3A_640 = arith.constant 0 : i32
      %dma_start3A_641 = tpu.memref_slice %arg7[%dma_start3A_639, %dma_start3A_640] : memref<64x128xf32, #tpu.memory_space<vmem>> -> memref<16x128xf32, #tpu.memory_space<vmem>>
      %dma_start3A_642 = arith.constant 0 : i32
      %dma_start3A_643 = arith.constant 0 : i32
      %dma_start3A_644 = tpu.memref_slice %arg19[%dma_start3A_642, %dma_start3A_643] : memref<10240x128xf32, #tpu.memory_space<vmem_shared>> -> memref<10240x128xf32, #tpu.memory_space<vmem_shared>>
      tpu.enqueue_indirect_dma source(%dma_start3A_641 : memref<16x128xf32, #tpu.memory_space<vmem>>) target(%dma_start3A_644 : memref<10240x128xf32, #tpu.memory_space<vmem_shared>>) offsets(%get3A_638 : vector<16xi32>) semaphore(%arg15 : memref<!tpu.dma_semaphore, #tpu.memory_space<semaphore_mem>>) {add = true}
      %mul3A_645 = arith.constant 64 : i32
      %mul3A_646 = arith.muli %add3A_607, %mul3A_645 : i32
      %add3A_647 = arith.constant 32 : i32
      %add3A_648 = arith.addi %mul3A_646, %add3A_647 : i32
      %get3A_649 = arith.index_cast %add3A_648 : i32 to index
      %get3A_650 = tpu.vector_load %arg6[%get3A_649] {strides = array<i32>} : memref<2560xi32, #tpu.memory_space<vmem>>, vector<16xi32>,
      %get3A_651 = vector.shape_cast %get3A_650 : vector<16xi32> to vector<16xi32>
      %dma_start3A_652 = arith.constant 32 : i32
      %dma_start3A_653 = arith.constant 0 : i32
      %dma_start3A_654 = tpu.memref_slice %arg7[%dma_start3A_652, %dma_start3A_653] : memref<64x128xf32, #tpu.memory_space<vmem>> -> memref<16x128xf32, #tpu.memory_space<vmem>>
      %dma_start3A_655 = arith.constant 0 : i32
      %dma_start3A_656 = arith.constant 0 : i32
      %dma_start3A_657 = tpu.memref_slice %arg19[%dma_start3A_655, %dma_start3A_656] : memref<10240x128xf32, #tpu.memory_space<vmem_shared>> -> memref<10240x128xf32, #tpu.memory_space<vmem_shared>>
      tpu.enqueue_indirect_dma source(%dma_start3A_654 : memref<16x128xf32, #tpu.memory_space<vmem>>) target(%dma_start3A_657 : memref<10240x128xf32, #tpu.memory_space<vmem_shared>>) offsets(%get3A_651 : vector<16xi32>) semaphore(%arg15 : memref<!tpu.dma_semaphore, #tpu.memory_space<semaphore_mem>>) {add = true}
      %mul3A_658 = arith.constant 64 : i32
      %mul3A_659 = arith.muli %add3A_607, %mul3A_658 : i32
      %add3A_660 = arith.constant 48 : i32
      %add3A_661 = arith.addi %mul3A_659, %add3A_660 : i32
      %get3A_662 = arith.index_cast %add3A_661 : i32 to index
      %get3A_663 = tpu.vector_load %arg6[%get3A_662] {strides = array<i32>} : memref<2560xi32, #tpu.memory_space<vmem>>, vector<16xi32>,
      %get3A_664 = vector.shape_cast %get3A_663 : vector<16xi32> to vector<16xi32>
      %dma_start3A_665 = arith.constant 48 : i32
      %dma_start3A_666 = arith.constant 0 : i32
      %dma_start3A_667 = tpu.memref_slice %arg7[%dma_start3A_665, %dma_start3A_666] : memref<64x128xf32, #tpu.memory_space<vmem>> -> memref<16x128xf32, #tpu.memory_space<vmem>>
      %dma_start3A_668 = arith.constant 0 : i32
      %dma_start3A_669 = arith.constant 0 : i32
      %dma_start3A_670 = tpu.memref_slice %arg19[%dma_start3A_668, %dma_start3A_669] : memref<10240x128xf32, #tpu.memory_space<vmem_shared>> -> memref<10240x128xf32, #tpu.memory_space<vmem_shared>>
      tpu.enqueue_indirect_dma source(%dma_start3A_667 : memref<16x128xf32, #tpu.memory_space<vmem>>) target(%dma_start3A_670 : memref<10240x128xf32, #tpu.memory_space<vmem_shared>>) offsets(%get3A_664 : vector<16xi32>) semaphore(%arg15 : memref<!tpu.dma_semaphore, #tpu.memory_space<semaphore_mem>>) {add = true}
      %add3A_671 = arith.constant 1 : i32
      %add3A_672 = arith.addi %mul3A_605, %add3A_671 : i32
      %add3A_673 = arith.constant 4 : i32
      %add3A_674 = arith.addi %add3A_672, %add3A_673 : i32
      %sub3A_675 = arith.constant 1 : i32
      %sub3A_676 = arith.subi %add3A_674, %sub3A_675 : i32
      %lt3A_677 = arith.constant 40 : i32
      %lt3A_678 = arith.cmpi slt, %sub3A_676, %lt3A_677 : i32
      %convert_element_type3A_679 = arith.extui %lt3A_678 : i1 to i32
      %cond3A_680 = arith.constant 0 : i32
      %cond3A_681 = arith.cmpi ne, %convert_element_type3A_679, %cond3A_680 : i32
      scf.if %cond3A_681 {
        %ge3A = arith.constant 1 : i32
        %ge3A_878 = arith.cmpi sge, %add3A_672, %ge3A : i32
        %convert_element_type3A_879 = arith.extui %ge3A_878 : i1 to i32
        %cond3A_880 = arith.constant 0 : i32
        %cond3A_881 = arith.cmpi ne, %convert_element_type3A_879, %cond3A_880 : i32
        scf.if %cond3A_881 {
          %get3A_892 = arith.constant 0 : index
          %get3A_893 = tpu.vector_load %arg6[%get3A_892] {strides = array<i32>} : memref<2560xi32, #tpu.memory_space<vmem>>, vector<16xi32>,
          %get3A_894 = vector.shape_cast %get3A_893 : vector<16xi32> to vector<16xi32>
          %dma_wait3A_895 = arith.constant 0 : i32
          %dma_wait3A_896 = arith.constant 0 : i32
          %dma_wait3A_897 = tpu.memref_slice %arg7[%dma_wait3A_895, %dma_wait3A_896] : memref<64x128xf32, #tpu.memory_space<vmem>> -> memref<16x128xf32, #tpu.memory_space<vmem>>
          %dma_wait3A_898 = arith.constant 0 : i32
          %dma_wait3A_899 = arith.constant 0 : i32
          %dma_wait3A_900 = tpu.memref_slice %arg19[%dma_wait3A_898, %dma_wait3A_899] : memref<10240x128xf32, #tpu.memory_space<vmem_shared>> -> memref<10240x128xf32, #tpu.memory_space<vmem_shared>>
          tpu.wait_indirect_dma semaphore(%arg15 : memref<!tpu.dma_semaphore, #tpu.memory_space<semaphore_mem>>) src(%dma_wait3A_897 : memref<16x128xf32, #tpu.memory_space<vmem>>) dst(%dma_wait3A_900 : memref<10240x128xf32, #tpu.memory_space<vmem_shared>>)
          %dma_wait3A_901 = arith.constant 16 : i32
          %dma_wait3A_902 = arith.constant 0 : i32
          %dma_wait3A_903 = tpu.memref_slice %arg7[%dma_wait3A_901, %dma_wait3A_902] : memref<64x128xf32, #tpu.memory_space<vmem>> -> memref<16x128xf32, #tpu.memory_space<vmem>>
          %dma_wait3A_904 = arith.constant 0 : i32
          %dma_wait3A_905 = arith.constant 0 : i32
          %dma_wait3A_906 = tpu.memref_slice %arg19[%dma_wait3A_904, %dma_wait3A_905] : memref<10240x128xf32, #tpu.memory_space<vmem_shared>> -> memref<10240x128xf32, #tpu.memory_space<vmem_shared>>
          tpu.wait_indirect_dma semaphore(%arg15 : memref<!tpu.dma_semaphore, #tpu.memory_space<semaphore_mem>>) src(%dma_wait3A_903 : memref<16x128xf32, #tpu.memory_space<vmem>>) dst(%dma_wait3A_906 : memref<10240x128xf32, #tpu.memory_space<vmem_shared>>)
          %dma_wait3A_907 = arith.constant 32 : i32
          %dma_wait3A_908 = arith.constant 0 : i32
          %dma_wait3A_909 = tpu.memref_slice %arg7[%dma_wait3A_907, %dma_wait3A_908] : memref<64x128xf32, #tpu.memory_space<vmem>> -> memref<16x128xf32, #tpu.memory_space<vmem>>
          %dma_wait3A_910 = arith.constant 0 : i32
          %dma_wait3A_911 = arith.constant 0 : i32
          %dma_wait3A_912 = tpu.memref_slice %arg19[%dma_wait3A_910, %dma_wait3A_911] : memref<10240x128xf32, #tpu.memory_space<vmem_shared>> -> memref<10240x128xf32, #tpu.memory_space<vmem_shared>>
          tpu.wait_indirect_dma semaphore(%arg15 : memref<!tpu.dma_semaphore, #tpu.memory_space<semaphore_mem>>) src(%dma_wait3A_909 : memref<16x128xf32, #tpu.memory_space<vmem>>) dst(%dma_wait3A_912 : memref<10240x128xf32, #tpu.memory_space<vmem_shared>>)
          %dma_wait3A_913 = arith.constant 48 : i32
          %dma_wait3A_914 = arith.constant 0 : i32
          %dma_wait3A_915 = tpu.memref_slice %arg7[%dma_wait3A_913, %dma_wait3A_914] : memref<64x128xf32, #tpu.memory_space<vmem>> -> memref<16x128xf32, #tpu.memory_space<vmem>>
          %dma_wait3A_916 = arith.constant 0 : i32
          %dma_wait3A_917 = arith.constant 0 : i32
          %dma_wait3A_918 = tpu.memref_slice %arg19[%dma_wait3A_916, %dma_wait3A_917] : memref<10240x128xf32, #tpu.memory_space<vmem_shared>> -> memref<10240x128xf32, #tpu.memory_space<vmem_shared>>
          tpu.wait_indirect_dma semaphore(%arg15 : memref<!tpu.dma_semaphore, #tpu.memory_space<semaphore_mem>>) src(%dma_wait3A_915 : memref<16x128xf32, #tpu.memory_space<vmem>>) dst(%dma_wait3A_918 : memref<10240x128xf32, #tpu.memory_space<vmem_shared>>)
        } else {
        }
        %add3A_882 = arith.constant 4 : i32
        %add3A_883 = arith.addi %add3A_672, %add3A_882 : i32
        %sub3A_884 = arith.constant 1 : i32
        %sub3A_885 = arith.subi %add3A_883, %sub3A_884 : i32
        %mul3A_886 = arith.constant 64 : i32
        %mul3A_887 = arith.muli %sub3A_885, %mul3A_886 : i32
        %dma_start3A_888 = tpu.memref_slice %arg5[%mul3A_887] : memref<2560xi32, #tpu.memory_space<vmem>> -> memref<64xi32, #tpu.memory_space<vmem>>
        %dma_start3A_889 = arith.constant 0 : i32
        %dma_start3A_890 = arith.constant 0 : i32
        %dma_start3A_891 = tpu.memref_slice %arg3[%dma_start3A_889, %dma_start3A_890] : memref<10000x128xf32, #tpu.memory_space<hbm>> -> memref<10000x128xf32, #tpu.memory_space<hbm>>
        tpu.enqueue_indirect_dma source(%dma_start3A_891 : memref<10000x128xf32, #tpu.memory_space<hbm>>) target(%arg7 : memref<64x128xf32, #tpu.memory_space<vmem>>) offsets(%dma_start3A_888 : memref<64xi32, #tpu.memory_space<vmem>>) semaphore(%arg11 : memref<!tpu.dma_semaphore, #tpu.memory_space<semaphore_mem>>)
      } else {
      }
      %mul3A_682 = arith.constant 64 : i32
      %mul3A_683 = arith.muli %add3A_672, %mul3A_682 : i32
      %dma_wait3A_684 = tpu.memref_slice %arg5[%mul3A_683] : memref<2560xi32, #tpu.memory_space<vmem>> -> memref<64xi32, #tpu.memory_space<vmem>>
      %dma_wait3A_685 = arith.constant 0 : i32
      %dma_wait3A_686 = arith.constant 0 : i32
      %dma_wait3A_687 = tpu.memref_slice %arg3[%dma_wait3A_685, %dma_wait3A_686] : memref<10000x128xf32, #tpu.memory_space<hbm>> -> memref<10000x128xf32, #tpu.memory_space<hbm>>
      tpu.wait_indirect_dma semaphore(%arg12 : memref<!tpu.dma_semaphore, #tpu.memory_space<semaphore_mem>>) src(%dma_wait3A_687 : memref<10000x128xf32, #tpu.memory_space<hbm>>) dst(%arg8 : memref<64x128xf32, #tpu.memory_space<vmem>>)
      %mul3A_688 = arith.constant 64 : i32
      %mul3A_689 = arith.muli %add3A_672, %mul3A_688 : i32
      %add3A_690 = arith.constant 0 : i32
      %add3A_691 = arith.addi %mul3A_689, %add3A_690 : i32
      %get3A_692 = arith.index_cast %add3A_691 : i32 to index
      %get3A_693 = tpu.vector_load %arg6[%get3A_692] {strides = array<i32>} : memref<2560xi32, #tpu.memory_space<vmem>>, vector<16xi32>,
      %get3A_694 = vector.shape_cast %get3A_693 : vector<16xi32> to vector<16xi32>
      %dma_start3A_695 = arith.constant 0 : i32
      %dma_start3A_696 = arith.constant 0 : i32
      %dma_start3A_697 = tpu.memref_slice %arg8[%dma_start3A_695, %dma_start3A_696] : memref<64x128xf32, #tpu.memory_space<vmem>> -> memref<16x128xf32, #tpu.memory_space<vmem>>
      %dma_start3A_698 = arith.constant 0 : i32
      %dma_start3A_699 = arith.constant 0 : i32
      %dma_start3A_700 = tpu.memref_slice %arg19[%dma_start3A_698, %dma_start3A_699] : memref<10240x128xf32, #tpu.memory_space<vmem_shared>> -> memref<10240x128xf32, #tpu.memory_space<vmem_shared>>
      tpu.enqueue_indirect_dma source(%dma_start3A_697 : memref<16x128xf32, #tpu.memory_space<vmem>>) target(%dma_start3A_700 : memref<10240x128xf32, #tpu.memory_space<vmem_shared>>) offsets(%get3A_694 : vector<16xi32>) semaphore(%arg16 : memref<!tpu.dma_semaphore, #tpu.memory_space<semaphore_mem>>) {add = true}
      %mul3A_701 = arith.constant 64 : i32
      %mul3A_702 = arith.muli %add3A_672, %mul3A_701 : i32
      %add3A_703 = arith.constant 16 : i32
      %add3A_704 = arith.addi %mul3A_702, %add3A_703 : i32
      %get3A_705 = arith.index_cast %add3A_704 : i32 to index
      %get3A_706 = tpu.vector_load %arg6[%get3A_705] {strides = array<i32>} : memref<2560xi32, #tpu.memory_space<vmem>>, vector<16xi32>,
      %get3A_707 = vector.shape_cast %get3A_706 : vector<16xi32> to vector<16xi32>
      %dma_start3A_708 = arith.constant 16 : i32
      %dma_start3A_709 = arith.constant 0 : i32
      %dma_start3A_710 = tpu.memref_slice %arg8[%dma_start3A_708, %dma_start3A_709] : memref<64x128xf32, #tpu.memory_space<vmem>> -> memref<16x128xf32, #tpu.memory_space<vmem>>
      %dma_start3A_711 = arith.constant 0 : i32
      %dma_start3A_712 = arith.constant 0 : i32
      %dma_start3A_713 = tpu.memref_slice %arg19[%dma_start3A_711, %dma_start3A_712] : memref<10240x128xf32, #tpu.memory_space<vmem_shared>> -> memref<10240x128xf32, #tpu.memory_space<vmem_shared>>
      tpu.enqueue_indirect_dma source(%dma_start3A_710 : memref<16x128xf32, #tpu.memory_space<vmem>>) target(%dma_start3A_713 : memref<10240x128xf32, #tpu.memory_space<vmem_shared>>) offsets(%get3A_707 : vector<16xi32>) semaphore(%arg16 : memref<!tpu.dma_semaphore, #tpu.memory_space<semaphore_mem>>) {add = true}
      %mul3A_714 = arith.constant 64 : i32
      %mul3A_715 = arith.muli %add3A_672, %mul3A_714 : i32
      %add3A_716 = arith.constant 32 : i32
      %add3A_717 = arith.addi %mul3A_715, %add3A_716 : i32
      %get3A_718 = arith.index_cast %add3A_717 : i32 to index
      %get3A_719 = tpu.vector_load %arg6[%get3A_718] {strides = array<i32>} : memref<2560xi32, #tpu.memory_space<vmem>>, vector<16xi32>,
      %get3A_720 = vector.shape_cast %get3A_719 : vector<16xi32> to vector<16xi32>
      %dma_start3A_721 = arith.constant 32 : i32
      %dma_start3A_722 = arith.constant 0 : i32
      %dma_start3A_723 = tpu.memref_slice %arg8[%dma_start3A_721, %dma_start3A_722] : memref<64x128xf32, #tpu.memory_space<vmem>> -> memref<16x128xf32, #tpu.memory_space<vmem>>
      %dma_start3A_724 = arith.constant 0 : i32
      %dma_start3A_725 = arith.constant 0 : i32
      %dma_start3A_726 = tpu.memref_slice %arg19[%dma_start3A_724, %dma_start3A_725] : memref<10240x128xf32, #tpu.memory_space<vmem_shared>> -> memref<10240x128xf32, #tpu.memory_space<vmem_shared>>
      tpu.enqueue_indirect_dma source(%dma_start3A_723 : memref<16x128xf32, #tpu.memory_space<vmem>>) target(%dma_start3A_726 : memref<10240x128xf32, #tpu.memory_space<vmem_shared>>) offsets(%get3A_720 : vector<16xi32>) semaphore(%arg16 : memref<!tpu.dma_semaphore, #tpu.memory_space<semaphore_mem>>) {add = true}
      %mul3A_727 = arith.constant 64 : i32
      %mul3A_728 = arith.muli %add3A_672, %mul3A_727 : i32
      %add3A_729 = arith.constant 48 : i32
      %add3A_730 = arith.addi %mul3A_728, %add3A_729 : i32
      %get3A_731 = arith.index_cast %add3A_730 : i32 to index
      %get3A_732 = tpu.vector_load %arg6[%get3A_731] {strides = array<i32>} : memref<2560xi32, #tpu.memory_space<vmem>>, vector<16xi32>,
      %get3A_733 = vector.shape_cast %get3A_732 : vector<16xi32> to vector<16xi32>
      %dma_start3A_734 = arith.constant 48 : i32
      %dma_start3A_735 = arith.constant 0 : i32
      %dma_start3A_736 = tpu.memref_slice %arg8[%dma_start3A_734, %dma_start3A_735] : memref<64x128xf32, #tpu.memory_space<vmem>> -> memref<16x128xf32, #tpu.memory_space<vmem>>
      %dma_start3A_737 = arith.constant 0 : i32
      %dma_start3A_738 = arith.constant 0 : i32
      %dma_start3A_739 = tpu.memref_slice %arg19[%dma_start3A_737, %dma_start3A_738] : memref<10240x128xf32, #tpu.memory_space<vmem_shared>> -> memref<10240x128xf32, #tpu.memory_space<vmem_shared>>
      tpu.enqueue_indirect_dma source(%dma_start3A_736 : memref<16x128xf32, #tpu.memory_space<vmem>>) target(%dma_start3A_739 : memref<10240x128xf32, #tpu.memory_space<vmem_shared>>) offsets(%get3A_733 : vector<16xi32>) semaphore(%arg16 : memref<!tpu.dma_semaphore, #tpu.memory_space<semaphore_mem>>) {add = true}
      %add3A_740 = arith.constant 2 : i32
      %add3A_741 = arith.addi %mul3A_605, %add3A_740 : i32
      %add3A_742 = arith.constant 4 : i32
      %add3A_743 = arith.addi %add3A_741, %add3A_742 : i32
      %sub3A_744 = arith.constant 1 : i32
      %sub3A_745 = arith.subi %add3A_743, %sub3A_744 : i32
      %lt3A_746 = arith.constant 40 : i32
      %lt3A_747 = arith.cmpi slt, %sub3A_745, %lt3A_746 : i32
      %convert_element_type3A_748 = arith.extui %lt3A_747 : i1 to i32
      %cond3A_749 = arith.constant 0 : i32
      %cond3A_750 = arith.cmpi ne, %convert_element_type3A_748, %cond3A_749 : i32
      scf.if %cond3A_750 {
        %ge3A = arith.constant 1 : i32
        %ge3A_878 = arith.cmpi sge, %add3A_741, %ge3A : i32
        %convert_element_type3A_879 = arith.extui %ge3A_878 : i1 to i32
        %cond3A_880 = arith.constant 0 : i32
        %cond3A_881 = arith.cmpi ne, %convert_element_type3A_879, %cond3A_880 : i32
        scf.if %cond3A_881 {
          %get3A_892 = arith.constant 0 : index
          %get3A_893 = tpu.vector_load %arg6[%get3A_892] {strides = array<i32>} : memref<2560xi32, #tpu.memory_space<vmem>>, vector<16xi32>,
          %get3A_894 = vector.shape_cast %get3A_893 : vector<16xi32> to vector<16xi32>
          %dma_wait3A_895 = arith.constant 0 : i32
          %dma_wait3A_896 = arith.constant 0 : i32
          %dma_wait3A_897 = tpu.memref_slice %arg8[%dma_wait3A_895, %dma_wait3A_896] : memref<64x128xf32, #tpu.memory_space<vmem>> -> memref<16x128xf32, #tpu.memory_space<vmem>>
          %dma_wait3A_898 = arith.constant 0 : i32
          %dma_wait3A_899 = arith.constant 0 : i32
          %dma_wait3A_900 = tpu.memref_slice %arg19[%dma_wait3A_898, %dma_wait3A_899] : memref<10240x128xf32, #tpu.memory_space<vmem_shared>> -> memref<10240x128xf32, #tpu.memory_space<vmem_shared>>
          tpu.wait_indirect_dma semaphore(%arg16 : memref<!tpu.dma_semaphore, #tpu.memory_space<semaphore_mem>>) src(%dma_wait3A_897 : memref<16x128xf32, #tpu.memory_space<vmem>>) dst(%dma_wait3A_900 : memref<10240x128xf32, #tpu.memory_space<vmem_shared>>)
          %dma_wait3A_901 = arith.constant 16 : i32
          %dma_wait3A_902 = arith.constant 0 : i32
          %dma_wait3A_903 = tpu.memref_slice %arg8[%dma_wait3A_901, %dma_wait3A_902] : memref<64x128xf32, #tpu.memory_space<vmem>> -> memref<16x128xf32, #tpu.memory_space<vmem>>
          %dma_wait3A_904 = arith.constant 0 : i32
          %dma_wait3A_905 = arith.constant 0 : i32
          %dma_wait3A_906 = tpu.memref_slice %arg19[%dma_wait3A_904, %dma_wait3A_905] : memref<10240x128xf32, #tpu.memory_space<vmem_shared>> -> memref<10240x128xf32, #tpu.memory_space<vmem_shared>>
          tpu.wait_indirect_dma semaphore(%arg16 : memref<!tpu.dma_semaphore, #tpu.memory_space<semaphore_mem>>) src(%dma_wait3A_903 : memref<16x128xf32, #tpu.memory_space<vmem>>) dst(%dma_wait3A_906 : memref<10240x128xf32, #tpu.memory_space<vmem_shared>>)
          %dma_wait3A_907 = arith.constant 32 : i32
          %dma_wait3A_908 = arith.constant 0 : i32
          %dma_wait3A_909 = tpu.memref_slice %arg8[%dma_wait3A_907, %dma_wait3A_908] : memref<64x128xf32, #tpu.memory_space<vmem>> -> memref<16x128xf32, #tpu.memory_space<vmem>>
          %dma_wait3A_910 = arith.constant 0 : i32
          %dma_wait3A_911 = arith.constant 0 : i32
          %dma_wait3A_912 = tpu.memref_slice %arg19[%dma_wait3A_910, %dma_wait3A_911] : memref<10240x128xf32, #tpu.memory_space<vmem_shared>> -> memref<10240x128xf32, #tpu.memory_space<vmem_shared>>
          tpu.wait_indirect_dma semaphore(%arg16 : memref<!tpu.dma_semaphore, #tpu.memory_space<semaphore_mem>>) src(%dma_wait3A_909 : memref<16x128xf32, #tpu.memory_space<vmem>>) dst(%dma_wait3A_912 : memref<10240x128xf32, #tpu.memory_space<vmem_shared>>)
          %dma_wait3A_913 = arith.constant 48 : i32
          %dma_wait3A_914 = arith.constant 0 : i32
          %dma_wait3A_915 = tpu.memref_slice %arg8[%dma_wait3A_913, %dma_wait3A_914] : memref<64x128xf32, #tpu.memory_space<vmem>> -> memref<16x128xf32, #tpu.memory_space<vmem>>
          %dma_wait3A_916 = arith.constant 0 : i32
          %dma_wait3A_917 = arith.constant 0 : i32
          %dma_wait3A_918 = tpu.memref_slice %arg19[%dma_wait3A_916, %dma_wait3A_917] : memref<10240x128xf32, #tpu.memory_space<vmem_shared>> -> memref<10240x128xf32, #tpu.memory_space<vmem_shared>>
          tpu.wait_indirect_dma semaphore(%arg16 : memref<!tpu.dma_semaphore, #tpu.memory_space<semaphore_mem>>) src(%dma_wait3A_915 : memref<16x128xf32, #tpu.memory_space<vmem>>) dst(%dma_wait3A_918 : memref<10240x128xf32, #tpu.memory_space<vmem_shared>>)
        } else {
        }
        %add3A_882 = arith.constant 4 : i32
        %add3A_883 = arith.addi %add3A_741, %add3A_882 : i32
        %sub3A_884 = arith.constant 1 : i32
        %sub3A_885 = arith.subi %add3A_883, %sub3A_884 : i32
        %mul3A_886 = arith.constant 64 : i32
        %mul3A_887 = arith.muli %sub3A_885, %mul3A_886 : i32
        %dma_start3A_888 = tpu.memref_slice %arg5[%mul3A_887] : memref<2560xi32, #tpu.memory_space<vmem>> -> memref<64xi32, #tpu.memory_space<vmem>>
        %dma_start3A_889 = arith.constant 0 : i32
        %dma_start3A_890 = arith.constant 0 : i32
        %dma_start3A_891 = tpu.memref_slice %arg3[%dma_start3A_889, %dma_start3A_890] : memref<10000x128xf32, #tpu.memory_space<hbm>> -> memref<10000x128xf32, #tpu.memory_space<hbm>>
        tpu.enqueue_indirect_dma source(%dma_start3A_891 : memref<10000x128xf32, #tpu.memory_space<hbm>>) target(%arg8 : memref<64x128xf32, #tpu.memory_space<vmem>>) offsets(%dma_start3A_888 : memref<64xi32, #tpu.memory_space<vmem>>) semaphore(%arg12 : memref<!tpu.dma_semaphore, #tpu.memory_space<semaphore_mem>>)
      } else {
      }
      %mul3A_751 = arith.constant 64 : i32
      %mul3A_752 = arith.muli %add3A_741, %mul3A_751 : i32
      %dma_wait3A_753 = tpu.memref_slice %arg5[%mul3A_752] : memref<2560xi32, #tpu.memory_space<vmem>> -> memref<64xi32, #tpu.memory_space<vmem>>
      %dma_wait3A_754 = arith.constant 0 : i32
      %dma_wait3A_755 = arith.constant 0 : i32
      %dma_wait3A_756 = tpu.memref_slice %arg3[%dma_wait3A_754, %dma_wait3A_755] : memref<10000x128xf32, #tpu.memory_space<hbm>> -> memref<10000x128xf32, #tpu.memory_space<hbm>>
      tpu.wait_indirect_dma semaphore(%arg13 : memref<!tpu.dma_semaphore, #tpu.memory_space<semaphore_mem>>) src(%dma_wait3A_756 : memref<10000x128xf32, #tpu.memory_space<hbm>>) dst(%arg9 : memref<64x128xf32, #tpu.memory_space<vmem>>)
      %mul3A_757 = arith.constant 64 : i32
      %mul3A_758 = arith.muli %add3A_741, %mul3A_757 : i32
      %add3A_759 = arith.constant 0 : i32
      %add3A_760 = arith.addi %mul3A_758, %add3A_759 : i32
      %get3A_761 = arith.index_cast %add3A_760 : i32 to index
      %get3A_762 = tpu.vector_load %arg6[%get3A_761] {strides = array<i32>} : memref<2560xi32, #tpu.memory_space<vmem>>, vector<16xi32>,
      %get3A_763 = vector.shape_cast %get3A_762 : vector<16xi32> to vector<16xi32>
      %dma_start3A_764 = arith.constant 0 : i32
      %dma_start3A_765 = arith.constant 0 : i32
      %dma_start3A_766 = tpu.memref_slice %arg9[%dma_start3A_764, %dma_start3A_765] : memref<64x128xf32, #tpu.memory_space<vmem>> -> memref<16x128xf32, #tpu.memory_space<vmem>>
      %dma_start3A_767 = arith.constant 0 : i32
      %dma_start3A_768 = arith.constant 0 : i32
      %dma_start3A_769 = tpu.memref_slice %arg19[%dma_start3A_767, %dma_start3A_768] : memref<10240x128xf32, #tpu.memory_space<vmem_shared>> -> memref<10240x128xf32, #tpu.memory_space<vmem_shared>>
      tpu.enqueue_indirect_dma source(%dma_start3A_766 : memref<16x128xf32, #tpu.memory_space<vmem>>) target(%dma_start3A_769 : memref<10240x128xf32, #tpu.memory_space<vmem_shared>>) offsets(%get3A_763 : vector<16xi32>) semaphore(%arg17 : memref<!tpu.dma_semaphore, #tpu.memory_space<semaphore_mem>>) {add = true}
      %mul3A_770 = arith.constant 64 : i32
      %mul3A_771 = arith.muli %add3A_741, %mul3A_770 : i32
      %add3A_772 = arith.constant 16 : i32
      %add3A_773 = arith.addi %mul3A_771, %add3A_772 : i32
      %get3A_774 = arith.index_cast %add3A_773 : i32 to index
      %get3A_775 = tpu.vector_load %arg6[%get3A_774] {strides = array<i32>} : memref<2560xi32, #tpu.memory_space<vmem>>, vector<16xi32>,
      %get3A_776 = vector.shape_cast %get3A_775 : vector<16xi32> to vector<16xi32>
      %dma_start3A_777 = arith.constant 16 : i32
      %dma_start3A_778 = arith.constant 0 : i32
      %dma_start3A_779 = tpu.memref_slice %arg9[%dma_start3A_777, %dma_start3A_778] : memref<64x128xf32, #tpu.memory_space<vmem>> -> memref<16x128xf32, #tpu.memory_space<vmem>>
      %dma_start3A_780 = arith.constant 0 : i32
      %dma_start3A_781 = arith.constant 0 : i32
      %dma_start3A_782 = tpu.memref_slice %arg19[%dma_start3A_780, %dma_start3A_781] : memref<10240x128xf32, #tpu.memory_space<vmem_shared>> -> memref<10240x128xf32, #tpu.memory_space<vmem_shared>>
      tpu.enqueue_indirect_dma source(%dma_start3A_779 : memref<16x128xf32, #tpu.memory_space<vmem>>) target(%dma_start3A_782 : memref<10240x128xf32, #tpu.memory_space<vmem_shared>>) offsets(%get3A_776 : vector<16xi32>) semaphore(%arg17 : memref<!tpu.dma_semaphore, #tpu.memory_space<semaphore_mem>>) {add = true}
      %mul3A_783 = arith.constant 64 : i32
      %mul3A_784 = arith.muli %add3A_741, %mul3A_783 : i32
      %add3A_785 = arith.constant 32 : i32
      %add3A_786 = arith.addi %mul3A_784, %add3A_785 : i32
      %get3A_787 = arith.index_cast %add3A_786 : i32 to index
      %get3A_788 = tpu.vector_load %arg6[%get3A_787] {strides = array<i32>} : memref<2560xi32, #tpu.memory_space<vmem>>, vector<16xi32>,
      %get3A_789 = vector.shape_cast %get3A_788 : vector<16xi32> to vector<16xi32>
      %dma_start3A_790 = arith.constant 32 : i32
      %dma_start3A_791 = arith.constant 0 : i32
      %dma_start3A_792 = tpu.memref_slice %arg9[%dma_start3A_790, %dma_start3A_791] : memref<64x128xf32, #tpu.memory_space<vmem>> -> memref<16x128xf32, #tpu.memory_space<vmem>>
      %dma_start3A_793 = arith.constant 0 : i32
      %dma_start3A_794 = arith.constant 0 : i32
      %dma_start3A_795 = tpu.memref_slice %arg19[%dma_start3A_793, %dma_start3A_794] : memref<10240x128xf32, #tpu.memory_space<vmem_shared>> -> memref<10240x128xf32, #tpu.memory_space<vmem_shared>>
      tpu.enqueue_indirect_dma source(%dma_start3A_792 : memref<16x128xf32, #tpu.memory_space<vmem>>) target(%dma_start3A_795 : memref<10240x128xf32, #tpu.memory_space<vmem_shared>>) offsets(%get3A_789 : vector<16xi32>) semaphore(%arg17 : memref<!tpu.dma_semaphore, #tpu.memory_space<semaphore_mem>>) {add = true}
      %mul3A_796 = arith.constant 64 : i32
      %mul3A_797 = arith.muli %add3A_741, %mul3A_796 : i32
      %add3A_798 = arith.constant 48 : i32
      %add3A_799 = arith.addi %mul3A_797, %add3A_798 : i32
      %get3A_800 = arith.index_cast %add3A_799 : i32 to index
      %get3A_801 = tpu.vector_load %arg6[%get3A_800] {strides = array<i32>} : memref<2560xi32, #tpu.memory_space<vmem>>, vector<16xi32>,
      %get3A_802 = vector.shape_cast %get3A_801 : vector<16xi32> to vector<16xi32>
      %dma_start3A_803 = arith.constant 48 : i32
      %dma_start3A_804 = arith.constant 0 : i32
      %dma_start3A_805 = tpu.memref_slice %arg9[%dma_start3A_803, %dma_start3A_804] : memref<64x128xf32, #tpu.memory_space<vmem>> -> memref<16x128xf32, #tpu.memory_space<vmem>>
      %dma_start3A_806 = arith.constant 0 : i32
      %dma_start3A_807 = arith.constant 0 : i32
      %dma_start3A_808 = tpu.memref_slice %arg19[%dma_start3A_806, %dma_start3A_807] : memref<10240x128xf32, #tpu.memory_space<vmem_shared>> -> memref<10240x128xf32, #tpu.memory_space<vmem_shared>>
      tpu.enqueue_indirect_dma source(%dma_start3A_805 : memref<16x128xf32, #tpu.memory_space<vmem>>) target(%dma_start3A_808 : memref<10240x128xf32, #tpu.memory_space<vmem_shared>>) offsets(%get3A_802 : vector<16xi32>) semaphore(%arg17 : memref<!tpu.dma_semaphore, #tpu.memory_space<semaphore_mem>>) {add = true}
      %add3A_809 = arith.constant 3 : i32
      %add3A_810 = arith.addi %mul3A_605, %add3A_809 : i32
      %add3A_811 = arith.constant 4 : i32
      %add3A_812 = arith.addi %add3A_810, %add3A_811 : i32
      %sub3A_813 = arith.constant 1 : i32
      %sub3A_814 = arith.subi %add3A_812, %sub3A_813 : i32
      %lt3A_815 = arith.constant 40 : i32
      %lt3A_816 = arith.cmpi slt, %sub3A_814, %lt3A_815 : i32
      %convert_element_type3A_817 = arith.extui %lt3A_816 : i1 to i32
      %cond3A_818 = arith.constant 0 : i32
      %cond3A_819 = arith.cmpi ne, %convert_element_type3A_817, %cond3A_818 : i32
      scf.if %cond3A_819 {
        %ge3A = arith.constant 1 : i32
        %ge3A_878 = arith.cmpi sge, %add3A_810, %ge3A : i32
        %convert_element_type3A_879 = arith.extui %ge3A_878 : i1 to i32
        %cond3A_880 = arith.constant 0 : i32
        %cond3A_881 = arith.cmpi ne, %convert_element_type3A_879, %cond3A_880 : i32
        scf.if %cond3A_881 {
          %get3A_892 = arith.constant 0 : index
          %get3A_893 = tpu.vector_load %arg6[%get3A_892] {strides = array<i32>} : memref<2560xi32, #tpu.memory_space<vmem>>, vector<16xi32>,
          %get3A_894 = vector.shape_cast %get3A_893 : vector<16xi32> to vector<16xi32>
          %dma_wait3A_895 = arith.constant 0 : i32
          %dma_wait3A_896 = arith.constant 0 : i32
          %dma_wait3A_897 = tpu.memref_slice %arg9[%dma_wait3A_895, %dma_wait3A_896] : memref<64x128xf32, #tpu.memory_space<vmem>> -> memref<16x128xf32, #tpu.memory_space<vmem>>
          %dma_wait3A_898 = arith.constant 0 : i32
          %dma_wait3A_899 = arith.constant 0 : i32
          %dma_wait3A_900 = tpu.memref_slice %arg19[%dma_wait3A_898, %dma_wait3A_899] : memref<10240x128xf32, #tpu.memory_space<vmem_shared>> -> memref<10240x128xf32, #tpu.memory_space<vmem_shared>>
          tpu.wait_indirect_dma semaphore(%arg17 : memref<!tpu.dma_semaphore, #tpu.memory_space<semaphore_mem>>) src(%dma_wait3A_897 : memref<16x128xf32, #tpu.memory_space<vmem>>) dst(%dma_wait3A_900 : memref<10240x128xf32, #tpu.memory_space<vmem_shared>>)
          %dma_wait3A_901 = arith.constant 16 : i32
          %dma_wait3A_902 = arith.constant 0 : i32
          %dma_wait3A_903 = tpu.memref_slice %arg9[%dma_wait3A_901, %dma_wait3A_902] : memref<64x128xf32, #tpu.memory_space<vmem>> -> memref<16x128xf32, #tpu.memory_space<vmem>>
          %dma_wait3A_904 = arith.constant 0 : i32
          %dma_wait3A_905 = arith.constant 0 : i32
          %dma_wait3A_906 = tpu.memref_slice %arg19[%dma_wait3A_904, %dma_wait3A_905] : memref<10240x128xf32, #tpu.memory_space<vmem_shared>> -> memref<10240x128xf32, #tpu.memory_space<vmem_shared>>
          tpu.wait_indirect_dma semaphore(%arg17 : memref<!tpu.dma_semaphore, #tpu.memory_space<semaphore_mem>>) src(%dma_wait3A_903 : memref<16x128xf32, #tpu.memory_space<vmem>>) dst(%dma_wait3A_906 : memref<10240x128xf32, #tpu.memory_space<vmem_shared>>)
          %dma_wait3A_907 = arith.constant 32 : i32
          %dma_wait3A_908 = arith.constant 0 : i32
          %dma_wait3A_909 = tpu.memref_slice %arg9[%dma_wait3A_907, %dma_wait3A_908] : memref<64x128xf32, #tpu.memory_space<vmem>> -> memref<16x128xf32, #tpu.memory_space<vmem>>
          %dma_wait3A_910 = arith.constant 0 : i32
          %dma_wait3A_911 = arith.constant 0 : i32
          %dma_wait3A_912 = tpu.memref_slice %arg19[%dma_wait3A_910, %dma_wait3A_911] : memref<10240x128xf32, #tpu.memory_space<vmem_shared>> -> memref<10240x128xf32, #tpu.memory_space<vmem_shared>>
          tpu.wait_indirect_dma semaphore(%arg17 : memref<!tpu.dma_semaphore, #tpu.memory_space<semaphore_mem>>) src(%dma_wait3A_909 : memref<16x128xf32, #tpu.memory_space<vmem>>) dst(%dma_wait3A_912 : memref<10240x128xf32, #tpu.memory_space<vmem_shared>>)
          %dma_wait3A_913 = arith.constant 48 : i32
          %dma_wait3A_914 = arith.constant 0 : i32
          %dma_wait3A_915 = tpu.memref_slice %arg9[%dma_wait3A_913, %dma_wait3A_914] : memref<64x128xf32, #tpu.memory_space<vmem>> -> memref<16x128xf32, #tpu.memory_space<vmem>>
          %dma_wait3A_916 = arith.constant 0 : i32
          %dma_wait3A_917 = arith.constant 0 : i32
          %dma_wait3A_918 = tpu.memref_slice %arg19[%dma_wait3A_916, %dma_wait3A_917] : memref<10240x128xf32, #tpu.memory_space<vmem_shared>> -> memref<10240x128xf32, #tpu.memory_space<vmem_shared>>
          tpu.wait_indirect_dma semaphore(%arg17 : memref<!tpu.dma_semaphore, #tpu.memory_space<semaphore_mem>>) src(%dma_wait3A_915 : memref<16x128xf32, #tpu.memory_space<vmem>>) dst(%dma_wait3A_918 : memref<10240x128xf32, #tpu.memory_space<vmem_shared>>)
        } else {
        }
        %add3A_882 = arith.constant 4 : i32
        %add3A_883 = arith.addi %add3A_810, %add3A_882 : i32
        %sub3A_884 = arith.constant 1 : i32
        %sub3A_885 = arith.subi %add3A_883, %sub3A_884 : i32
        %mul3A_886 = arith.constant 64 : i32
        %mul3A_887 = arith.muli %sub3A_885, %mul3A_886 : i32
        %dma_start3A_888 = tpu.memref_slice %arg5[%mul3A_887] : memref<2560xi32, #tpu.memory_space<vmem>> -> memref<64xi32, #tpu.memory_space<vmem>>
        %dma_start3A_889 = arith.constant 0 : i32
        %dma_start3A_890 = arith.constant 0 : i32
        %dma_start3A_891 = tpu.memref_slice %arg3[%dma_start3A_889, %dma_start3A_890] : memref<10000x128xf32, #tpu.memory_space<hbm>> -> memref<10000x128xf32, #tpu.memory_space<hbm>>
        tpu.enqueue_indirect_dma source(%dma_start3A_891 : memref<10000x128xf32, #tpu.memory_space<hbm>>) target(%arg9 : memref<64x128xf32, #tpu.memory_space<vmem>>) offsets(%dma_start3A_888 : memref<64xi32, #tpu.memory_space<vmem>>) semaphore(%arg13 : memref<!tpu.dma_semaphore, #tpu.memory_space<semaphore_mem>>)
      } else {
      }
      %mul3A_820 = arith.constant 64 : i32
      %mul3A_821 = arith.muli %add3A_810, %mul3A_820 : i32
      %dma_wait3A_822 = tpu.memref_slice %arg5[%mul3A_821] : memref<2560xi32, #tpu.memory_space<vmem>> -> memref<64xi32, #tpu.memory_space<vmem>>
      %dma_wait3A_823 = arith.constant 0 : i32
      %dma_wait3A_824 = arith.constant 0 : i32
      %dma_wait3A_825 = tpu.memref_slice %arg3[%dma_wait3A_823, %dma_wait3A_824] : memref<10000x128xf32, #tpu.memory_space<hbm>> -> memref<10000x128xf32, #tpu.memory_space<hbm>>
      tpu.wait_indirect_dma semaphore(%arg14 : memref<!tpu.dma_semaphore, #tpu.memory_space<semaphore_mem>>) src(%dma_wait3A_825 : memref<10000x128xf32, #tpu.memory_space<hbm>>) dst(%arg10 : memref<64x128xf32, #tpu.memory_space<vmem>>)
      %mul3A_826 = arith.constant 64 : i32
      %mul3A_827 = arith.muli %add3A_810, %mul3A_826 : i32
      %add3A_828 = arith.constant 0 : i32
      %add3A_829 = arith.addi %mul3A_827, %add3A_828 : i32
      %get3A_830 = arith.index_cast %add3A_829 : i32 to index
      %get3A_831 = tpu.vector_load %arg6[%get3A_830] {strides = array<i32>} : memref<2560xi32, #tpu.memory_space<vmem>>, vector<16xi32>,
      %get3A_832 = vector.shape_cast %get3A_831 : vector<16xi32> to vector<16xi32>
      %dma_start3A_833 = arith.constant 0 : i32
      %dma_start3A_834 = arith.constant 0 : i32
      %dma_start3A_835 = tpu.memref_slice %arg10[%dma_start3A_833, %dma_start3A_834] : memref<64x128xf32, #tpu.memory_space<vmem>> -> memref<16x128xf32, #tpu.memory_space<vmem>>
      %dma_start3A_836 = arith.constant 0 : i32
      %dma_start3A_837 = arith.constant 0 : i32
      %dma_start3A_838 = tpu.memref_slice %arg19[%dma_start3A_836, %dma_start3A_837] : memref<10240x128xf32, #tpu.memory_space<vmem_shared>> -> memref<10240x128xf32, #tpu.memory_space<vmem_shared>>
      tpu.enqueue_indirect_dma source(%dma_start3A_835 : memref<16x128xf32, #tpu.memory_space<vmem>>) target(%dma_start3A_838 : memref<10240x128xf32, #tpu.memory_space<vmem_shared>>) offsets(%get3A_832 : vector<16xi32>) semaphore(%arg18 : memref<!tpu.dma_semaphore, #tpu.memory_space<semaphore_mem>>) {add = true}
      %mul3A_839 = arith.constant 64 : i32
      %mul3A_840 = arith.muli %add3A_810, %mul3A_839 : i32
      %add3A_841 = arith.constant 16 : i32
      %add3A_842 = arith.addi %mul3A_840, %add3A_841 : i32
      %get3A_843 = arith.index_cast %add3A_842 : i32 to index
      %get3A_844 = tpu.vector_load %arg6[%get3A_843] {strides = array<i32>} : memref<2560xi32, #tpu.memory_space<vmem>>, vector<16xi32>,
      %get3A_845 = vector.shape_cast %get3A_844 : vector<16xi32> to vector<16xi32>
      %dma_start3A_846 = arith.constant 16 : i32
      %dma_start3A_847 = arith.constant 0 : i32
      %dma_start3A_848 = tpu.memref_slice %arg10[%dma_start3A_846, %dma_start3A_847] : memref<64x128xf32, #tpu.memory_space<vmem>> -> memref<16x128xf32, #tpu.memory_space<vmem>>
      %dma_start3A_849 = arith.constant 0 : i32
      %dma_start3A_850 = arith.constant 0 : i32
      %dma_start3A_851 = tpu.memref_slice %arg19[%dma_start3A_849, %dma_start3A_850] : memref<10240x128xf32, #tpu.memory_space<vmem_shared>> -> memref<10240x128xf32, #tpu.memory_space<vmem_shared>>
      tpu.enqueue_indirect_dma source(%dma_start3A_848 : memref<16x128xf32, #tpu.memory_space<vmem>>) target(%dma_start3A_851 : memref<10240x128xf32, #tpu.memory_space<vmem_shared>>) offsets(%get3A_845 : vector<16xi32>) semaphore(%arg18 : memref<!tpu.dma_semaphore, #tpu.memory_space<semaphore_mem>>) {add = true}
      %mul3A_852 = arith.constant 64 : i32
      %mul3A_853 = arith.muli %add3A_810, %mul3A_852 : i32
      %add3A_854 = arith.constant 32 : i32
      %add3A_855 = arith.addi %mul3A_853, %add3A_854 : i32
      %get3A_856 = arith.index_cast %add3A_855 : i32 to index
      %get3A_857 = tpu.vector_load %arg6[%get3A_856] {strides = array<i32>} : memref<2560xi32, #tpu.memory_space<vmem>>, vector<16xi32>,
      %get3A_858 = vector.shape_cast %get3A_857 : vector<16xi32> to vector<16xi32>
      %dma_start3A_859 = arith.constant 32 : i32
      %dma_start3A_860 = arith.constant 0 : i32
      %dma_start3A_861 = tpu.memref_slice %arg10[%dma_start3A_859, %dma_start3A_860] : memref<64x128xf32, #tpu.memory_space<vmem>> -> memref<16x128xf32, #tpu.memory_space<vmem>>
      %dma_start3A_862 = arith.constant 0 : i32
      %dma_start3A_863 = arith.constant 0 : i32
      %dma_start3A_864 = tpu.memref_slice %arg19[%dma_start3A_862, %dma_start3A_863] : memref<10240x128xf32, #tpu.memory_space<vmem_shared>> -> memref<10240x128xf32, #tpu.memory_space<vmem_shared>>
      tpu.enqueue_indirect_dma source(%dma_start3A_861 : memref<16x128xf32, #tpu.memory_space<vmem>>) target(%dma_start3A_864 : memref<10240x128xf32, #tpu.memory_space<vmem_shared>>) offsets(%get3A_858 : vector<16xi32>) semaphore(%arg18 : memref<!tpu.dma_semaphore, #tpu.memory_space<semaphore_mem>>) {add = true}
      %mul3A_865 = arith.constant 64 : i32
      %mul3A_866 = arith.muli %add3A_810, %mul3A_865 : i32
      %add3A_867 = arith.constant 48 : i32
      %add3A_868 = arith.addi %mul3A_866, %add3A_867 : i32
      %get3A_869 = arith.index_cast %add3A_868 : i32 to index
      %get3A_870 = tpu.vector_load %arg6[%get3A_869] {strides = array<i32>} : memref<2560xi32, #tpu.memory_space<vmem>>, vector<16xi32>,
      %get3A_871 = vector.shape_cast %get3A_870 : vector<16xi32> to vector<16xi32>
      %dma_start3A_872 = arith.constant 48 : i32
      %dma_start3A_873 = arith.constant 0 : i32
      %dma_start3A_874 = tpu.memref_slice %arg10[%dma_start3A_872, %dma_start3A_873] : memref<64x128xf32, #tpu.memory_space<vmem>> -> memref<16x128xf32, #tpu.memory_space<vmem>>
      %dma_start3A_875 = arith.constant 0 : i32
      %dma_start3A_876 = arith.constant 0 : i32
      %dma_start3A_877 = tpu.memref_slice %arg19[%dma_start3A_875, %dma_start3A_876] : memref<10240x128xf32, #tpu.memory_space<vmem_shared>> -> memref<10240x128xf32, #tpu.memory_space<vmem_shared>>
      tpu.enqueue_indirect_dma source(%dma_start3A_874 : memref<16x128xf32, #tpu.memory_space<vmem>>) target(%dma_start3A_877 : memref<10240x128xf32, #tpu.memory_space<vmem_shared>>) offsets(%get3A_871 : vector<16xi32>) semaphore(%arg18 : memref<!tpu.dma_semaphore, #tpu.memory_space<semaphore_mem>>) {add = true}
    }
    %scan3A_350 = arith.constant 10 : i32
    %get3A_351 = arith.constant 0 : index
    %get3A_352 = tpu.vector_load %arg6[%get3A_351] {strides = array<i32>} : memref<2560xi32, #tpu.memory_space<vmem>>, vector<16xi32>,
    %get3A_353 = vector.shape_cast %get3A_352 : vector<16xi32> to vector<16xi32>
    %dma_wait3A_354 = arith.constant 0 : i32
    %dma_wait3A_355 = arith.constant 0 : i32
    %dma_wait3A_356 = tpu.memref_slice %arg7[%dma_wait3A_354, %dma_wait3A_355] : memref<64x128xf32, #tpu.memory_space<vmem>> -> memref<16x128xf32, #tpu.memory_space<vmem>>
    %dma_wait3A_357 = arith.constant 0 : i32
    %dma_wait3A_358 = arith.constant 0 : i32
    %dma_wait3A_359 = tpu.memref_slice %arg19[%dma_wait3A_357, %dma_wait3A_358] : memref<10240x128xf32, #tpu.memory_space<vmem_shared>> -> memref<10240x128xf32, #tpu.memory_space<vmem_shared>>
    tpu.wait_indirect_dma semaphore(%arg15 : memref<!tpu.dma_semaphore, #tpu.memory_space<semaphore_mem>>) src(%dma_wait3A_356 : memref<16x128xf32, #tpu.memory_space<vmem>>) dst(%dma_wait3A_359 : memref<10240x128xf32, #tpu.memory_space<vmem_shared>>)
    %dma_wait3A_360 = arith.constant 16 : i32
    %dma_wait3A_361 = arith.constant 0 : i32
    %dma_wait3A_362 = tpu.memref_slice %arg7[%dma_wait3A_360, %dma_wait3A_361] : memref<64x128xf32, #tpu.memory_space<vmem>> -> memref<16x128xf32, #tpu.memory_space<vmem>>
    %dma_wait3A_363 = arith.constant 0 : i32
    %dma_wait3A_364 = arith.constant 0 : i32
    %dma_wait3A_365 = tpu.memref_slice %arg19[%dma_wait3A_363, %dma_wait3A_364] : memref<10240x128xf32, #tpu.memory_space<vmem_shared>> -> memref<10240x128xf32, #tpu.memory_space<vmem_shared>>
    tpu.wait_indirect_dma semaphore(%arg15 : memref<!tpu.dma_semaphore, #tpu.memory_space<semaphore_mem>>) src(%dma_wait3A_362 : memref<16x128xf32, #tpu.memory_space<vmem>>) dst(%dma_wait3A_365 : memref<10240x128xf32, #tpu.memory_space<vmem_shared>>)
    %dma_wait3A_366 = arith.constant 32 : i32
    %dma_wait3A_367 = arith.constant 0 : i32
    %dma_wait3A_368 = tpu.memref_slice %arg7[%dma_wait3A_366, %dma_wait3A_367] : memref<64x128xf32, #tpu.memory_space<vmem>> -> memref<16x128xf32, #tpu.memory_space<vmem>>
    %dma_wait3A_369 = arith.constant 0 : i32
    %dma_wait3A_370 = arith.constant 0 : i32
    %dma_wait3A_371 = tpu.memref_slice %arg19[%dma_wait3A_369, %dma_wait3A_370] : memref<10240x128xf32, #tpu.memory_space<vmem_shared>> -> memref<10240x128xf32, #tpu.memory_space<vmem_shared>>
    tpu.wait_indirect_dma semaphore(%arg15 : memref<!tpu.dma_semaphore, #tpu.memory_space<semaphore_mem>>) src(%dma_wait3A_368 : memref<16x128xf32, #tpu.memory_space<vmem>>) dst(%dma_wait3A_371 : memref<10240x128xf32, #tpu.memory_space<vmem_shared>>)
    %dma_wait3A_372 = arith.constant 48 : i32
    %dma_wait3A_373 = arith.constant 0 : i32
    %dma_wait3A_374 = tpu.memref_slice %arg7[%dma_wait3A_372, %dma_wait3A_373] : memref<64x128xf32, #tpu.memory_space<vmem>> -> memref<16x128xf32, #tpu.memory_space<vmem>>
    %dma_wait3A_375 = arith.constant 0 : i32
    %dma_wait3A_376 = arith.constant 0 : i32
    %dma_wait3A_377 = tpu.memref_slice %arg19[%dma_wait3A_375, %dma_wait3A_376] : memref<10240x128xf32, #tpu.memory_space<vmem_shared>> -> memref<10240x128xf32, #tpu.memory_space<vmem_shared>>
    tpu.wait_indirect_dma semaphore(%arg15 : memref<!tpu.dma_semaphore, #tpu.memory_space<semaphore_mem>>) src(%dma_wait3A_374 : memref<16x128xf32, #tpu.memory_space<vmem>>) dst(%dma_wait3A_377 : memref<10240x128xf32, #tpu.memory_space<vmem_shared>>)
    %get3A_378 = arith.constant 0 : index
    %get3A_379 = tpu.vector_load %arg6[%get3A_378] {strides = array<i32>} : memref<2560xi32, #tpu.memory_space<vmem>>, vector<16xi32>,
    %get3A_380 = vector.shape_cast %get3A_379 : vector<16xi32> to vector<16xi32>
    %dma_wait3A_381 = arith.constant 0 : i32
    %dma_wait3A_382 = arith.constant 0 : i32
    %dma_wait3A_383 = tpu.memref_slice %arg8[%dma_wait3A_381, %dma_wait3A_382] : memref<64x128xf32, #tpu.memory_space<vmem>> -> memref<16x128xf32, #tpu.memory_space<vmem>>
    %dma_wait3A_384 = arith.constant 0 : i32
    %dma_wait3A_385 = arith.constant 0 : i32
    %dma_wait3A_386 = tpu.memref_slice %arg19[%dma_wait3A_384, %dma_wait3A_385] : memref<10240x128xf32, #tpu.memory_space<vmem_shared>> -> memref<10240x128xf32, #tpu.memory_space<vmem_shared>>
    tpu.wait_indirect_dma semaphore(%arg16 : memref<!tpu.dma_semaphore, #tpu.memory_space<semaphore_mem>>) src(%dma_wait3A_383 : memref<16x128xf32, #tpu.memory_space<vmem>>) dst(%dma_wait3A_386 : memref<10240x128xf32, #tpu.memory_space<vmem_shared>>)
    %dma_wait3A_387 = arith.constant 16 : i32
    %dma_wait3A_388 = arith.constant 0 : i32
    %dma_wait3A_389 = tpu.memref_slice %arg8[%dma_wait3A_387, %dma_wait3A_388] : memref<64x128xf32, #tpu.memory_space<vmem>> -> memref<16x128xf32, #tpu.memory_space<vmem>>
    %dma_wait3A_390 = arith.constant 0 : i32
    %dma_wait3A_391 = arith.constant 0 : i32
    %dma_wait3A_392 = tpu.memref_slice %arg19[%dma_wait3A_390, %dma_wait3A_391] : memref<10240x128xf32, #tpu.memory_space<vmem_shared>> -> memref<10240x128xf32, #tpu.memory_space<vmem_shared>>
    tpu.wait_indirect_dma semaphore(%arg16 : memref<!tpu.dma_semaphore, #tpu.memory_space<semaphore_mem>>) src(%dma_wait3A_389 : memref<16x128xf32, #tpu.memory_space<vmem>>) dst(%dma_wait3A_392 : memref<10240x128xf32, #tpu.memory_space<vmem_shared>>)
    %dma_wait3A_393 = arith.constant 32 : i32
    %dma_wait3A_394 = arith.constant 0 : i32
    %dma_wait3A_395 = tpu.memref_slice %arg8[%dma_wait3A_393, %dma_wait3A_394] : memref<64x128xf32, #tpu.memory_space<vmem>> -> memref<16x128xf32, #tpu.memory_space<vmem>>
    %dma_wait3A_396 = arith.constant 0 : i32
    %dma_wait3A_397 = arith.constant 0 : i32
    %dma_wait3A_398 = tpu.memref_slice %arg19[%dma_wait3A_396, %dma_wait3A_397] : memref<10240x128xf32, #tpu.memory_space<vmem_shared>> -> memref<10240x128xf32, #tpu.memory_space<vmem_shared>>
    tpu.wait_indirect_dma semaphore(%arg16 : memref<!tpu.dma_semaphore, #tpu.memory_space<semaphore_mem>>) src(%dma_wait3A_395 : memref<16x128xf32, #tpu.memory_space<vmem>>) dst(%dma_wait3A_398 : memref<10240x128xf32, #tpu.memory_space<vmem_shared>>)
    %dma_wait3A_399 = arith.constant 48 : i32
    %dma_wait3A_400 = arith.constant 0 : i32
    %dma_wait3A_401 = tpu.memref_slice %arg8[%dma_wait3A_399, %dma_wait3A_400] : memref<64x128xf32, #tpu.memory_space<vmem>> -> memref<16x128xf32, #tpu.memory_space<vmem>>
    %dma_wait3A_402 = arith.constant 0 : i32
    %dma_wait3A_403 = arith.constant 0 : i32
    %dma_wait3A_404 = tpu.memref_slice %arg19[%dma_wait3A_402, %dma_wait3A_403] : memref<10240x128xf32, #tpu.memory_space<vmem_shared>> -> memref<10240x128xf32, #tpu.memory_space<vmem_shared>>
    tpu.wait_indirect_dma semaphore(%arg16 : memref<!tpu.dma_semaphore, #tpu.memory_space<semaphore_mem>>) src(%dma_wait3A_401 : memref<16x128xf32, #tpu.memory_space<vmem>>) dst(%dma_wait3A_404 : memref<10240x128xf32, #tpu.memory_space<vmem_shared>>)
    %get3A_405 = arith.constant 0 : index
    %get3A_406 = tpu.vector_load %arg6[%get3A_405] {strides = array<i32>} : memref<2560xi32, #tpu.memory_space<vmem>>, vector<16xi32>,
    %get3A_407 = vector.shape_cast %get3A_406 : vector<16xi32> to vector<16xi32>
    %dma_wait3A_408 = arith.constant 0 : i32
    %dma_wait3A_409 = arith.constant 0 : i32
    %dma_wait3A_410 = tpu.memref_slice %arg9[%dma_wait3A_408, %dma_wait3A_409] : memref<64x128xf32, #tpu.memory_space<vmem>> -> memref<16x128xf32, #tpu.memory_space<vmem>>
    %dma_wait3A_411 = arith.constant 0 : i32
    %dma_wait3A_412 = arith.constant 0 : i32
    %dma_wait3A_413 = tpu.memref_slice %arg19[%dma_wait3A_411, %dma_wait3A_412] : memref<10240x128xf32, #tpu.memory_space<vmem_shared>> -> memref<10240x128xf32, #tpu.memory_space<vmem_shared>>
    tpu.wait_indirect_dma semaphore(%arg17 : memref<!tpu.dma_semaphore, #tpu.memory_space<semaphore_mem>>) src(%dma_wait3A_410 : memref<16x128xf32, #tpu.memory_space<vmem>>) dst(%dma_wait3A_413 : memref<10240x128xf32, #tpu.memory_space<vmem_shared>>)
    %dma_wait3A_414 = arith.constant 16 : i32
    %dma_wait3A_415 = arith.constant 0 : i32
    %dma_wait3A_416 = tpu.memref_slice %arg9[%dma_wait3A_414, %dma_wait3A_415] : memref<64x128xf32, #tpu.memory_space<vmem>> -> memref<16x128xf32, #tpu.memory_space<vmem>>
    %dma_wait3A_417 = arith.constant 0 : i32
    %dma_wait3A_418 = arith.constant 0 : i32
    %dma_wait3A_419 = tpu.memref_slice %arg19[%dma_wait3A_417, %dma_wait3A_418] : memref<10240x128xf32, #tpu.memory_space<vmem_shared>> -> memref<10240x128xf32, #tpu.memory_space<vmem_shared>>
    tpu.wait_indirect_dma semaphore(%arg17 : memref<!tpu.dma_semaphore, #tpu.memory_space<semaphore_mem>>) src(%dma_wait3A_416 : memref<16x128xf32, #tpu.memory_space<vmem>>) dst(%dma_wait3A_419 : memref<10240x128xf32, #tpu.memory_space<vmem_shared>>)
    %dma_wait3A_420 = arith.constant 32 : i32
    %dma_wait3A_421 = arith.constant 0 : i32
    %dma_wait3A_422 = tpu.memref_slice %arg9[%dma_wait3A_420, %dma_wait3A_421] : memref<64x128xf32, #tpu.memory_space<vmem>> -> memref<16x128xf32, #tpu.memory_space<vmem>>
    %dma_wait3A_423 = arith.constant 0 : i32
    %dma_wait3A_424 = arith.constant 0 : i32
    %dma_wait3A_425 = tpu.memref_slice %arg19[%dma_wait3A_423, %dma_wait3A_424] : memref<10240x128xf32, #tpu.memory_space<vmem_shared>> -> memref<10240x128xf32, #tpu.memory_space<vmem_shared>>
    tpu.wait_indirect_dma semaphore(%arg17 : memref<!tpu.dma_semaphore, #tpu.memory_space<semaphore_mem>>) src(%dma_wait3A_422 : memref<16x128xf32, #tpu.memory_space<vmem>>) dst(%dma_wait3A_425 : memref<10240x128xf32, #tpu.memory_space<vmem_shared>>)
    %dma_wait3A_426 = arith.constant 48 : i32
    %dma_wait3A_427 = arith.constant 0 : i32
    %dma_wait3A_428 = tpu.memref_slice %arg9[%dma_wait3A_426, %dma_wait3A_427] : memref<64x128xf32, #tpu.memory_space<vmem>> -> memref<16x128xf32, #tpu.memory_space<vmem>>
    %dma_wait3A_429 = arith.constant 0 : i32
    %dma_wait3A_430 = arith.constant 0 : i32
    %dma_wait3A_431 = tpu.memref_slice %arg19[%dma_wait3A_429, %dma_wait3A_430] : memref<10240x128xf32, #tpu.memory_space<vmem_shared>> -> memref<10240x128xf32, #tpu.memory_space<vmem_shared>>
    tpu.wait_indirect_dma semaphore(%arg17 : memref<!tpu.dma_semaphore, #tpu.memory_space<semaphore_mem>>) src(%dma_wait3A_428 : memref<16x128xf32, #tpu.memory_space<vmem>>) dst(%dma_wait3A_431 : memref<10240x128xf32, #tpu.memory_space<vmem_shared>>)
    %get3A_432 = arith.constant 0 : index
    %get3A_433 = tpu.vector_load %arg6[%get3A_432] {strides = array<i32>} : memref<2560xi32, #tpu.memory_space<vmem>>, vector<16xi32>,
    %get3A_434 = vector.shape_cast %get3A_433 : vector<16xi32> to vector<16xi32>
    %dma_wait3A_435 = arith.constant 0 : i32
    %dma_wait3A_436 = arith.constant 0 : i32
    %dma_wait3A_437 = tpu.memref_slice %arg10[%dma_wait3A_435, %dma_wait3A_436] : memref<64x128xf32, #tpu.memory_space<vmem>> -> memref<16x128xf32, #tpu.memory_space<vmem>>
    %dma_wait3A_438 = arith.constant 0 : i32
    %dma_wait3A_439 = arith.constant 0 : i32
    %dma_wait3A_440 = tpu.memref_slice %arg19[%dma_wait3A_438, %dma_wait3A_439] : memref<10240x128xf32, #tpu.memory_space<vmem_shared>> -> memref<10240x128xf32, #tpu.memory_space<vmem_shared>>
    tpu.wait_indirect_dma semaphore(%arg18 : memref<!tpu.dma_semaphore, #tpu.memory_space<semaphore_mem>>) src(%dma_wait3A_437 : memref<16x128xf32, #tpu.memory_space<vmem>>) dst(%dma_wait3A_440 : memref<10240x128xf32, #tpu.memory_space<vmem_shared>>)
    %dma_wait3A_441 = arith.constant 16 : i32
    %dma_wait3A_442 = arith.constant 0 : i32
    %dma_wait3A_443 = tpu.memref_slice %arg10[%dma_wait3A_441, %dma_wait3A_442] : memref<64x128xf32, #tpu.memory_space<vmem>> -> memref<16x128xf32, #tpu.memory_space<vmem>>
    %dma_wait3A_444 = arith.constant 0 : i32
    %dma_wait3A_445 = arith.constant 0 : i32
    %dma_wait3A_446 = tpu.memref_slice %arg19[%dma_wait3A_444, %dma_wait3A_445] : memref<10240x128xf32, #tpu.memory_space<vmem_shared>> -> memref<10240x128xf32, #tpu.memory_space<vmem_shared>>
    tpu.wait_indirect_dma semaphore(%arg18 : memref<!tpu.dma_semaphore, #tpu.memory_space<semaphore_mem>>) src(%dma_wait3A_443 : memref<16x128xf32, #tpu.memory_space<vmem>>) dst(%dma_wait3A_446 : memref<10240x128xf32, #tpu.memory_space<vmem_shared>>)
    %dma_wait3A_447 = arith.constant 32 : i32
    %dma_wait3A_448 = arith.constant 0 : i32
    %dma_wait3A_449 = tpu.memref_slice %arg10[%dma_wait3A_447, %dma_wait3A_448] : memref<64x128xf32, #tpu.memory_space<vmem>> -> memref<16x128xf32, #tpu.memory_space<vmem>>
    %dma_wait3A_450 = arith.constant 0 : i32
    %dma_wait3A_451 = arith.constant 0 : i32
    %dma_wait3A_452 = tpu.memref_slice %arg19[%dma_wait3A_450, %dma_wait3A_451] : memref<10240x128xf32, #tpu.memory_space<vmem_shared>> -> memref<10240x128xf32, #tpu.memory_space<vmem_shared>>
    tpu.wait_indirect_dma semaphore(%arg18 : memref<!tpu.dma_semaphore, #tpu.memory_space<semaphore_mem>>) src(%dma_wait3A_449 : memref<16x128xf32, #tpu.memory_space<vmem>>) dst(%dma_wait3A_452 : memref<10240x128xf32, #tpu.memory_space<vmem_shared>>)
    %dma_wait3A_453 = arith.constant 48 : i32
    %dma_wait3A_454 = arith.constant 0 : i32
    %dma_wait3A_455 = tpu.memref_slice %arg10[%dma_wait3A_453, %dma_wait3A_454] : memref<64x128xf32, #tpu.memory_space<vmem>> -> memref<16x128xf32, #tpu.memory_space<vmem>>
    %dma_wait3A_456 = arith.constant 0 : i32
    %dma_wait3A_457 = arith.constant 0 : i32
    %dma_wait3A_458 = tpu.memref_slice %arg19[%dma_wait3A_456, %dma_wait3A_457] : memref<10240x128xf32, #tpu.memory_space<vmem_shared>> -> memref<10240x128xf32, #tpu.memory_space<vmem_shared>>
    tpu.wait_indirect_dma semaphore(%arg18 : memref<!tpu.dma_semaphore, #tpu.memory_space<semaphore_mem>>) src(%dma_wait3A_455 : memref<16x128xf32, #tpu.memory_space<vmem>>) dst(%dma_wait3A_458 : memref<10240x128xf32, #tpu.memory_space<vmem_shared>>)
    %mul3A_459 = arith.constant 10240 : i32
    %mul3A_460 = arith.muli %add3A, %mul3A_459 : i32
    %add3A_461 = arith.constant 7680 : i32
    %add3A_462 = arith.addi %mul3A_460, %add3A_461 : i32
    %run_scoped3A_463 = arith.constant 0 : i32
    "tpu.region"() ({
      %run_scoped3A_603 = tpu.sem_alloc : memref<!tpu.dma_semaphore, #tpu.memory_space<semaphore_mem>>
      %dma_start3A_604 = tpu.memref_slice %arg2[%run_scoped3A_463, %add3A_462] : memref<2x327680xi32, #tpu.memory_space<hbm>> -> memref<1x2560xi32, #tpu.memory_space<hbm>>
      %dma_start3A_605 = tpu.memref_squeeze %dma_start3A_604 : memref<1x2560xi32, #tpu.memory_space<hbm>> -> memref<2560xi32, #tpu.memory_space<hbm>>
      %dma_start3A_606 = tpu.memref_slice %arg2[%run_scoped3A_463, %add3A_462] : memref<2x327680xi32, #tpu.memory_space<hbm>> -> memref<1x2560xi32, #tpu.memory_space<hbm>>
      %dma_start3A_607 = tpu.memref_squeeze %dma_start3A_606 : memref<1x2560xi32, #tpu.memory_space<hbm>> -> memref<2560xi32, #tpu.memory_space<hbm>>
      tpu.enqueue_dma source(%dma_start3A_607 : memref<2560xi32, #tpu.memory_space<hbm>>) target(%arg5 : memref<2560xi32, #tpu.memory_space<vmem>>) target_semaphore(%run_scoped3A_603 : memref<!tpu.dma_semaphore, #tpu.memory_space<semaphore_mem>>)
      %dma_wait3A_608 = tpu.memref_slice %arg2[%run_scoped3A_463, %add3A_462] : memref<2x327680xi32, #tpu.memory_space<hbm>> -> memref<1x2560xi32, #tpu.memory_space<hbm>>
      %dma_wait3A_609 = tpu.memref_squeeze %dma_wait3A_608 : memref<1x2560xi32, #tpu.memory_space<hbm>> -> memref<2560xi32, #tpu.memory_space<hbm>>
      %dma_wait3A_610 = tpu.memref_slice %arg2[%run_scoped3A_463, %add3A_462] : memref<2x327680xi32, #tpu.memory_space<hbm>> -> memref<1x2560xi32, #tpu.memory_space<hbm>>
      %dma_wait3A_611 = tpu.memref_squeeze %dma_wait3A_610 : memref<1x2560xi32, #tpu.memory_space<hbm>> -> memref<2560xi32, #tpu.memory_space<hbm>>
      tpu.wait_dma2 semaphore(%run_scoped3A_603 : memref<!tpu.dma_semaphore, #tpu.memory_space<semaphore_mem>>) src(%dma_wait3A_611 : memref<2560xi32, #tpu.memory_space<hbm>>) dst(%arg5 : memref<2560xi32, #tpu.memory_space<vmem>>)
      tpu.yield
    }) : () -> ()
    %mul3A_464 = arith.constant 10240 : i32
    %mul3A_465 = arith.muli %add3A, %mul3A_464 : i32
    %add3A_466 = arith.constant 7680 : i32
    %add3A_467 = arith.addi %mul3A_465, %add3A_466 : i32
    %run_scoped3A_468 = arith.constant 1 : i32
    "tpu.region"() ({
      %run_scoped3A_603 = tpu.sem_alloc : memref<!tpu.dma_semaphore, #tpu.memory_space<semaphore_mem>>
      %dma_start3A_604 = tpu.memref_slice %arg2[%run_scoped3A_468, %add3A_467] : memref<2x327680xi32, #tpu.memory_space<hbm>> -> memref<1x2560xi32, #tpu.memory_space<hbm>>
      %dma_start3A_605 = tpu.memref_squeeze %dma_start3A_604 : memref<1x2560xi32, #tpu.memory_space<hbm>> -> memref<2560xi32, #tpu.memory_space<hbm>>
      %dma_start3A_606 = tpu.memref_slice %arg2[%run_scoped3A_468, %add3A_467] : memref<2x327680xi32, #tpu.memory_space<hbm>> -> memref<1x2560xi32, #tpu.memory_space<hbm>>
      %dma_start3A_607 = tpu.memref_squeeze %dma_start3A_606 : memref<1x2560xi32, #tpu.memory_space<hbm>> -> memref<2560xi32, #tpu.memory_space<hbm>>
      tpu.enqueue_dma source(%dma_start3A_607 : memref<2560xi32, #tpu.memory_space<hbm>>) target(%arg6 : memref<2560xi32, #tpu.memory_space<vmem>>) target_semaphore(%run_scoped3A_603 : memref<!tpu.dma_semaphore, #tpu.memory_space<semaphore_mem>>)
      %dma_wait3A_608 = tpu.memref_slice %arg2[%run_scoped3A_468, %add3A_467] : memref<2x327680xi32, #tpu.memory_space<hbm>> -> memref<1x2560xi32, #tpu.memory_space<hbm>>
      %dma_wait3A_609 = tpu.memref_squeeze %dma_wait3A_608 : memref<1x2560xi32, #tpu.memory_space<hbm>> -> memref<2560xi32, #tpu.memory_space<hbm>>
      %dma_wait3A_610 = tpu.memref_slice %arg2[%run_scoped3A_468, %add3A_467] : memref<2x327680xi32, #tpu.memory_space<hbm>> -> memref<1x2560xi32, #tpu.memory_space<hbm>>
      %dma_wait3A_611 = tpu.memref_squeeze %dma_wait3A_610 : memref<1x2560xi32, #tpu.memory_space<hbm>> -> memref<2560xi32, #tpu.memory_space<hbm>>
      tpu.wait_dma2 semaphore(%run_scoped3A_603 : memref<!tpu.dma_semaphore, #tpu.memory_space<semaphore_mem>>) src(%dma_wait3A_611 : memref<2560xi32, #tpu.memory_space<hbm>>) dst(%arg6 : memref<2560xi32, #tpu.memory_space<vmem>>)
      tpu.yield
    }) : () -> ()
    %dma_start3A_469 = arith.constant 0 : i32
    %dma_start3A_470 = tpu.memref_slice %arg5[%dma_start3A_469] : memref<2560xi32, #tpu.memory_space<vmem>> -> memref<64xi32, #tpu.memory_space<vmem>>
    %dma_start3A_471 = arith.constant 0 : i32
    %dma_start3A_472 = arith.constant 0 : i32
    %dma_start3A_473 = tpu.memref_slice %arg3[%dma_start3A_471, %dma_start3A_472] : memref<10000x128xf32, #tpu.memory_space<hbm>> -> memref<10000x128xf32, #tpu.memory_space<hbm>>
    tpu.enqueue_indirect_dma source(%dma_start3A_473 : memref<10000x128xf32, #tpu.memory_space<hbm>>) target(%arg7 : memref<64x128xf32, #tpu.memory_space<vmem>>) offsets(%dma_start3A_470 : memref<64xi32, #tpu.memory_space<vmem>>) semaphore(%arg11 : memref<!tpu.dma_semaphore, #tpu.memory_space<semaphore_mem>>)
    %dma_start3A_474 = arith.constant 64 : i32
    %dma_start3A_475 = tpu.memref_slice %arg5[%dma_start3A_474] : memref<2560xi32, #tpu.memory_space<vmem>> -> memref<64xi32, #tpu.memory_space<vmem>>
    %dma_start3A_476 = arith.constant 0 : i32
    %dma_start3A_477 = arith.constant 0 : i32
    %dma_start3A_478 = tpu.memref_slice %arg3[%dma_start3A_476, %dma_start3A_477] : memref<10000x128xf32, #tpu.memory_space<hbm>> -> memref<10000x128xf32, #tpu.memory_space<hbm>>
    tpu.enqueue_indirect_dma source(%dma_start3A_478 : memref<10000x128xf32, #tpu.memory_space<hbm>>) target(%arg8 : memref<64x128xf32, #tpu.memory_space<vmem>>) offsets(%dma_start3A_475 : memref<64xi32, #tpu.memory_space<vmem>>) semaphore(%arg12 : memref<!tpu.dma_semaphore, #tpu.memory_space<semaphore_mem>>)
    %dma_start3A_479 = arith.constant 128 : i32
    %dma_start3A_480 = tpu.memref_slice %arg5[%dma_start3A_479] : memref<2560xi32, #tpu.memory_space<vmem>> -> memref<64xi32, #tpu.memory_space<vmem>>
    %dma_start3A_481 = arith.constant 0 : i32
    %dma_start3A_482 = arith.constant 0 : i32
    %dma_start3A_483 = tpu.memref_slice %arg3[%dma_start3A_481, %dma_start3A_482] : memref<10000x128xf32, #tpu.memory_space<hbm>> -> memref<10000x128xf32, #tpu.memory_space<hbm>>
    tpu.enqueue_indirect_dma source(%dma_start3A_483 : memref<10000x128xf32, #tpu.memory_space<hbm>>) target(%arg9 : memref<64x128xf32, #tpu.memory_space<vmem>>) offsets(%dma_start3A_480 : memref<64xi32, #tpu.memory_space<vmem>>) semaphore(%arg13 : memref<!tpu.dma_semaphore, #tpu.memory_space<semaphore_mem>>)
    %scan3A_484 = arith.constant 0 : i32
    %scan3A_485 = arith.constant 0 : i32
    %scan3A_486 = arith.constant 10 : i32
    %scan3A_487 = arith.addi %scan3A_485, %scan3A_486 : i32
    %scan3A_488 = arith.constant 1 : i32
    scf.for %scan3A_603 = %scan3A_485 to %scan3A_487 step %scan3A_488  : i32 {
      %mul3A_604 = arith.constant 4 : i32
      %mul3A_605 = arith.muli %mul3A_604, %scan3A_603 : i32
      %add3A_606 = arith.constant 0 : i32
      %add3A_607 = arith.addi %mul3A_605, %add3A_606 : i32
      %add3A_608 = arith.constant 4 : i32
      %add3A_609 = arith.addi %add3A_607, %add3A_608 : i32
      %sub3A = arith.constant 1 : i32
      %sub3A_610 = arith.subi %add3A_609, %sub3A : i32
      %lt3A = arith.constant 40 : i32
      %lt3A_611 = arith.cmpi slt, %sub3A_610, %lt3A : i32
      %convert_element_type3A = arith.extui %lt3A_611 : i1 to i32
      %cond3A = arith.constant 0 : i32
      %cond3A_612 = arith.cmpi ne, %convert_element_type3A, %cond3A : i32
      scf.if %cond3A_612 {
        %ge3A = arith.constant 1 : i32
        %ge3A_878 = arith.cmpi sge, %add3A_607, %ge3A : i32
        %convert_element_type3A_879 = arith.extui %ge3A_878 : i1 to i32
        %cond3A_880 = arith.constant 0 : i32
        %cond3A_881 = arith.cmpi ne, %convert_element_type3A_879, %cond3A_880 : i32
        scf.if %cond3A_881 {
          %get3A_892 = arith.constant 0 : index
          %get3A_893 = tpu.vector_load %arg6[%get3A_892] {strides = array<i32>} : memref<2560xi32, #tpu.memory_space<vmem>>, vector<16xi32>,
          %get3A_894 = vector.shape_cast %get3A_893 : vector<16xi32> to vector<16xi32>
          %dma_wait3A_895 = arith.constant 0 : i32
          %dma_wait3A_896 = arith.constant 0 : i32
          %dma_wait3A_897 = tpu.memref_slice %arg10[%dma_wait3A_895, %dma_wait3A_896] : memref<64x128xf32, #tpu.memory_space<vmem>> -> memref<16x128xf32, #tpu.memory_space<vmem>>
          %dma_wait3A_898 = arith.constant 0 : i32
          %dma_wait3A_899 = arith.constant 0 : i32
          %dma_wait3A_900 = tpu.memref_slice %arg19[%dma_wait3A_898, %dma_wait3A_899] : memref<10240x128xf32, #tpu.memory_space<vmem_shared>> -> memref<10240x128xf32, #tpu.memory_space<vmem_shared>>
          tpu.wait_indirect_dma semaphore(%arg18 : memref<!tpu.dma_semaphore, #tpu.memory_space<semaphore_mem>>) src(%dma_wait3A_897 : memref<16x128xf32, #tpu.memory_space<vmem>>) dst(%dma_wait3A_900 : memref<10240x128xf32, #tpu.memory_space<vmem_shared>>)
          %dma_wait3A_901 = arith.constant 16 : i32
          %dma_wait3A_902 = arith.constant 0 : i32
          %dma_wait3A_903 = tpu.memref_slice %arg10[%dma_wait3A_901, %dma_wait3A_902] : memref<64x128xf32, #tpu.memory_space<vmem>> -> memref<16x128xf32, #tpu.memory_space<vmem>>
          %dma_wait3A_904 = arith.constant 0 : i32
          %dma_wait3A_905 = arith.constant 0 : i32
          %dma_wait3A_906 = tpu.memref_slice %arg19[%dma_wait3A_904, %dma_wait3A_905] : memref<10240x128xf32, #tpu.memory_space<vmem_shared>> -> memref<10240x128xf32, #tpu.memory_space<vmem_shared>>
          tpu.wait_indirect_dma semaphore(%arg18 : memref<!tpu.dma_semaphore, #tpu.memory_space<semaphore_mem>>) src(%dma_wait3A_903 : memref<16x128xf32, #tpu.memory_space<vmem>>) dst(%dma_wait3A_906 : memref<10240x128xf32, #tpu.memory_space<vmem_shared>>)
          %dma_wait3A_907 = arith.constant 32 : i32
          %dma_wait3A_908 = arith.constant 0 : i32
          %dma_wait3A_909 = tpu.memref_slice %arg10[%dma_wait3A_907, %dma_wait3A_908] : memref<64x128xf32, #tpu.memory_space<vmem>> -> memref<16x128xf32, #tpu.memory_space<vmem>>
          %dma_wait3A_910 = arith.constant 0 : i32
          %dma_wait3A_911 = arith.constant 0 : i32
          %dma_wait3A_912 = tpu.memref_slice %arg19[%dma_wait3A_910, %dma_wait3A_911] : memref<10240x128xf32, #tpu.memory_space<vmem_shared>> -> memref<10240x128xf32, #tpu.memory_space<vmem_shared>>
          tpu.wait_indirect_dma semaphore(%arg18 : memref<!tpu.dma_semaphore, #tpu.memory_space<semaphore_mem>>) src(%dma_wait3A_909 : memref<16x128xf32, #tpu.memory_space<vmem>>) dst(%dma_wait3A_912 : memref<10240x128xf32, #tpu.memory_space<vmem_shared>>)
          %dma_wait3A_913 = arith.constant 48 : i32
          %dma_wait3A_914 = arith.constant 0 : i32
          %dma_wait3A_915 = tpu.memref_slice %arg10[%dma_wait3A_913, %dma_wait3A_914] : memref<64x128xf32, #tpu.memory_space<vmem>> -> memref<16x128xf32, #tpu.memory_space<vmem>>
          %dma_wait3A_916 = arith.constant 0 : i32
          %dma_wait3A_917 = arith.constant 0 : i32
          %dma_wait3A_918 = tpu.memref_slice %arg19[%dma_wait3A_916, %dma_wait3A_917] : memref<10240x128xf32, #tpu.memory_space<vmem_shared>> -> memref<10240x128xf32, #tpu.memory_space<vmem_shared>>
          tpu.wait_indirect_dma semaphore(%arg18 : memref<!tpu.dma_semaphore, #tpu.memory_space<semaphore_mem>>) src(%dma_wait3A_915 : memref<16x128xf32, #tpu.memory_space<vmem>>) dst(%dma_wait3A_918 : memref<10240x128xf32, #tpu.memory_space<vmem_shared>>)
        } else {
        }
        %add3A_882 = arith.constant 4 : i32
        %add3A_883 = arith.addi %add3A_607, %add3A_882 : i32
        %sub3A_884 = arith.constant 1 : i32
        %sub3A_885 = arith.subi %add3A_883, %sub3A_884 : i32
        %mul3A_886 = arith.constant 64 : i32
        %mul3A_887 = arith.muli %sub3A_885, %mul3A_886 : i32
        %dma_start3A_888 = tpu.memref_slice %arg5[%mul3A_887] : memref<2560xi32, #tpu.memory_space<vmem>> -> memref<64xi32, #tpu.memory_space<vmem>>
        %dma_start3A_889 = arith.constant 0 : i32
        %dma_start3A_890 = arith.constant 0 : i32
        %dma_start3A_891 = tpu.memref_slice %arg3[%dma_start3A_889, %dma_start3A_890] : memref<10000x128xf32, #tpu.memory_space<hbm>> -> memref<10000x128xf32, #tpu.memory_space<hbm>>
        tpu.enqueue_indirect_dma source(%dma_start3A_891 : memref<10000x128xf32, #tpu.memory_space<hbm>>) target(%arg10 : memref<64x128xf32, #tpu.memory_space<vmem>>) offsets(%dma_start3A_888 : memref<64xi32, #tpu.memory_space<vmem>>) semaphore(%arg14 : memref<!tpu.dma_semaphore, #tpu.memory_space<semaphore_mem>>)
      } else {
      }
      %mul3A_613 = arith.constant 64 : i32
      %mul3A_614 = arith.muli %add3A_607, %mul3A_613 : i32
      %dma_wait3A_615 = tpu.memref_slice %arg5[%mul3A_614] : memref<2560xi32, #tpu.memory_space<vmem>> -> memref<64xi32, #tpu.memory_space<vmem>>
      %dma_wait3A_616 = arith.constant 0 : i32
      %dma_wait3A_617 = arith.constant 0 : i32
      %dma_wait3A_618 = tpu.memref_slice %arg3[%dma_wait3A_616, %dma_wait3A_617] : memref<10000x128xf32, #tpu.memory_space<hbm>> -> memref<10000x128xf32, #tpu.memory_space<hbm>>
      tpu.wait_indirect_dma semaphore(%arg11 : memref<!tpu.dma_semaphore, #tpu.memory_space<semaphore_mem>>) src(%dma_wait3A_618 : memref<10000x128xf32, #tpu.memory_space<hbm>>) dst(%arg7 : memref<64x128xf32, #tpu.memory_space<vmem>>)
      %mul3A_619 = arith.constant 64 : i32
      %mul3A_620 = arith.muli %add3A_607, %mul3A_619 : i32
      %add3A_621 = arith.constant 0 : i32
      %add3A_622 = arith.addi %mul3A_620, %add3A_621 : i32
      %get3A_623 = arith.index_cast %add3A_622 : i32 to index
      %get3A_624 = tpu.vector_load %arg6[%get3A_623] {strides = array<i32>} : memref<2560xi32, #tpu.memory_space<vmem>>, vector<16xi32>,
      %get3A_625 = vector.shape_cast %get3A_624 : vector<16xi32> to vector<16xi32>
      %dma_start3A_626 = arith.constant 0 : i32
      %dma_start3A_627 = arith.constant 0 : i32
      %dma_start3A_628 = tpu.memref_slice %arg7[%dma_start3A_626, %dma_start3A_627] : memref<64x128xf32, #tpu.memory_space<vmem>> -> memref<16x128xf32, #tpu.memory_space<vmem>>
      %dma_start3A_629 = arith.constant 0 : i32
      %dma_start3A_630 = arith.constant 0 : i32
      %dma_start3A_631 = tpu.memref_slice %arg19[%dma_start3A_629, %dma_start3A_630] : memref<10240x128xf32, #tpu.memory_space<vmem_shared>> -> memref<10240x128xf32, #tpu.memory_space<vmem_shared>>
      tpu.enqueue_indirect_dma source(%dma_start3A_628 : memref<16x128xf32, #tpu.memory_space<vmem>>) target(%dma_start3A_631 : memref<10240x128xf32, #tpu.memory_space<vmem_shared>>) offsets(%get3A_625 : vector<16xi32>) semaphore(%arg15 : memref<!tpu.dma_semaphore, #tpu.memory_space<semaphore_mem>>) {add = true}
      %mul3A_632 = arith.constant 64 : i32
      %mul3A_633 = arith.muli %add3A_607, %mul3A_632 : i32
      %add3A_634 = arith.constant 16 : i32
      %add3A_635 = arith.addi %mul3A_633, %add3A_634 : i32
      %get3A_636 = arith.index_cast %add3A_635 : i32 to index
      %get3A_637 = tpu.vector_load %arg6[%get3A_636] {strides = array<i32>} : memref<2560xi32, #tpu.memory_space<vmem>>, vector<16xi32>,
      %get3A_638 = vector.shape_cast %get3A_637 : vector<16xi32> to vector<16xi32>
      %dma_start3A_639 = arith.constant 16 : i32
      %dma_start3A_640 = arith.constant 0 : i32
      %dma_start3A_641 = tpu.memref_slice %arg7[%dma_start3A_639, %dma_start3A_640] : memref<64x128xf32, #tpu.memory_space<vmem>> -> memref<16x128xf32, #tpu.memory_space<vmem>>
      %dma_start3A_642 = arith.constant 0 : i32
      %dma_start3A_643 = arith.constant 0 : i32
      %dma_start3A_644 = tpu.memref_slice %arg19[%dma_start3A_642, %dma_start3A_643] : memref<10240x128xf32, #tpu.memory_space<vmem_shared>> -> memref<10240x128xf32, #tpu.memory_space<vmem_shared>>
      tpu.enqueue_indirect_dma source(%dma_start3A_641 : memref<16x128xf32, #tpu.memory_space<vmem>>) target(%dma_start3A_644 : memref<10240x128xf32, #tpu.memory_space<vmem_shared>>) offsets(%get3A_638 : vector<16xi32>) semaphore(%arg15 : memref<!tpu.dma_semaphore, #tpu.memory_space<semaphore_mem>>) {add = true}
      %mul3A_645 = arith.constant 64 : i32
      %mul3A_646 = arith.muli %add3A_607, %mul3A_645 : i32
      %add3A_647 = arith.constant 32 : i32
      %add3A_648 = arith.addi %mul3A_646, %add3A_647 : i32
      %get3A_649 = arith.index_cast %add3A_648 : i32 to index
      %get3A_650 = tpu.vector_load %arg6[%get3A_649] {strides = array<i32>} : memref<2560xi32, #tpu.memory_space<vmem>>, vector<16xi32>,
      %get3A_651 = vector.shape_cast %get3A_650 : vector<16xi32> to vector<16xi32>
      %dma_start3A_652 = arith.constant 32 : i32
      %dma_start3A_653 = arith.constant 0 : i32
      %dma_start3A_654 = tpu.memref_slice %arg7[%dma_start3A_652, %dma_start3A_653] : memref<64x128xf32, #tpu.memory_space<vmem>> -> memref<16x128xf32, #tpu.memory_space<vmem>>
      %dma_start3A_655 = arith.constant 0 : i32
      %dma_start3A_656 = arith.constant 0 : i32
      %dma_start3A_657 = tpu.memref_slice %arg19[%dma_start3A_655, %dma_start3A_656] : memref<10240x128xf32, #tpu.memory_space<vmem_shared>> -> memref<10240x128xf32, #tpu.memory_space<vmem_shared>>
      tpu.enqueue_indirect_dma source(%dma_start3A_654 : memref<16x128xf32, #tpu.memory_space<vmem>>) target(%dma_start3A_657 : memref<10240x128xf32, #tpu.memory_space<vmem_shared>>) offsets(%get3A_651 : vector<16xi32>) semaphore(%arg15 : memref<!tpu.dma_semaphore, #tpu.memory_space<semaphore_mem>>) {add = true}
      %mul3A_658 = arith.constant 64 : i32
      %mul3A_659 = arith.muli %add3A_607, %mul3A_658 : i32
      %add3A_660 = arith.constant 48 : i32
      %add3A_661 = arith.addi %mul3A_659, %add3A_660 : i32
      %get3A_662 = arith.index_cast %add3A_661 : i32 to index
      %get3A_663 = tpu.vector_load %arg6[%get3A_662] {strides = array<i32>} : memref<2560xi32, #tpu.memory_space<vmem>>, vector<16xi32>,
      %get3A_664 = vector.shape_cast %get3A_663 : vector<16xi32> to vector<16xi32>
      %dma_start3A_665 = arith.constant 48 : i32
      %dma_start3A_666 = arith.constant 0 : i32
      %dma_start3A_667 = tpu.memref_slice %arg7[%dma_start3A_665, %dma_start3A_666] : memref<64x128xf32, #tpu.memory_space<vmem>> -> memref<16x128xf32, #tpu.memory_space<vmem>>
      %dma_start3A_668 = arith.constant 0 : i32
      %dma_start3A_669 = arith.constant 0 : i32
      %dma_start3A_670 = tpu.memref_slice %arg19[%dma_start3A_668, %dma_start3A_669] : memref<10240x128xf32, #tpu.memory_space<vmem_shared>> -> memref<10240x128xf32, #tpu.memory_space<vmem_shared>>
      tpu.enqueue_indirect_dma source(%dma_start3A_667 : memref<16x128xf32, #tpu.memory_space<vmem>>) target(%dma_start3A_670 : memref<10240x128xf32, #tpu.memory_space<vmem_shared>>) offsets(%get3A_664 : vector<16xi32>) semaphore(%arg15 : memref<!tpu.dma_semaphore, #tpu.memory_space<semaphore_mem>>) {add = true}
      %add3A_671 = arith.constant 1 : i32
      %add3A_672 = arith.addi %mul3A_605, %add3A_671 : i32
      %add3A_673 = arith.constant 4 : i32
      %add3A_674 = arith.addi %add3A_672, %add3A_673 : i32
      %sub3A_675 = arith.constant 1 : i32
      %sub3A_676 = arith.subi %add3A_674, %sub3A_675 : i32
      %lt3A_677 = arith.constant 40 : i32
      %lt3A_678 = arith.cmpi slt, %sub3A_676, %lt3A_677 : i32
      %convert_element_type3A_679 = arith.extui %lt3A_678 : i1 to i32
      %cond3A_680 = arith.constant 0 : i32
      %cond3A_681 = arith.cmpi ne, %convert_element_type3A_679, %cond3A_680 : i32
      scf.if %cond3A_681 {
        %ge3A = arith.constant 1 : i32
        %ge3A_878 = arith.cmpi sge, %add3A_672, %ge3A : i32
        %convert_element_type3A_879 = arith.extui %ge3A_878 : i1 to i32
        %cond3A_880 = arith.constant 0 : i32
        %cond3A_881 = arith.cmpi ne, %convert_element_type3A_879, %cond3A_880 : i32
        scf.if %cond3A_881 {
          %get3A_892 = arith.constant 0 : index
          %get3A_893 = tpu.vector_load %arg6[%get3A_892] {strides = array<i32>} : memref<2560xi32, #tpu.memory_space<vmem>>, vector<16xi32>,
          %get3A_894 = vector.shape_cast %get3A_893 : vector<16xi32> to vector<16xi32>
          %dma_wait3A_895 = arith.constant 0 : i32
          %dma_wait3A_896 = arith.constant 0 : i32
          %dma_wait3A_897 = tpu.memref_slice %arg7[%dma_wait3A_895, %dma_wait3A_896] : memref<64x128xf32, #tpu.memory_space<vmem>> -> memref<16x128xf32, #tpu.memory_space<vmem>>
          %dma_wait3A_898 = arith.constant 0 : i32
          %dma_wait3A_899 = arith.constant 0 : i32
          %dma_wait3A_900 = tpu.memref_slice %arg19[%dma_wait3A_898, %dma_wait3A_899] : memref<10240x128xf32, #tpu.memory_space<vmem_shared>> -> memref<10240x128xf32, #tpu.memory_space<vmem_shared>>
          tpu.wait_indirect_dma semaphore(%arg15 : memref<!tpu.dma_semaphore, #tpu.memory_space<semaphore_mem>>) src(%dma_wait3A_897 : memref<16x128xf32, #tpu.memory_space<vmem>>) dst(%dma_wait3A_900 : memref<10240x128xf32, #tpu.memory_space<vmem_shared>>)
          %dma_wait3A_901 = arith.constant 16 : i32
          %dma_wait3A_902 = arith.constant 0 : i32
          %dma_wait3A_903 = tpu.memref_slice %arg7[%dma_wait3A_901, %dma_wait3A_902] : memref<64x128xf32, #tpu.memory_space<vmem>> -> memref<16x128xf32, #tpu.memory_space<vmem>>
          %dma_wait3A_904 = arith.constant 0 : i32
          %dma_wait3A_905 = arith.constant 0 : i32
          %dma_wait3A_906 = tpu.memref_slice %arg19[%dma_wait3A_904, %dma_wait3A_905] : memref<10240x128xf32, #tpu.memory_space<vmem_shared>> -> memref<10240x128xf32, #tpu.memory_space<vmem_shared>>
          tpu.wait_indirect_dma semaphore(%arg15 : memref<!tpu.dma_semaphore, #tpu.memory_space<semaphore_mem>>) src(%dma_wait3A_903 : memref<16x128xf32, #tpu.memory_space<vmem>>) dst(%dma_wait3A_906 : memref<10240x128xf32, #tpu.memory_space<vmem_shared>>)
          %dma_wait3A_907 = arith.constant 32 : i32
          %dma_wait3A_908 = arith.constant 0 : i32
          %dma_wait3A_909 = tpu.memref_slice %arg7[%dma_wait3A_907, %dma_wait3A_908] : memref<64x128xf32, #tpu.memory_space<vmem>> -> memref<16x128xf32, #tpu.memory_space<vmem>>
          %dma_wait3A_910 = arith.constant 0 : i32
          %dma_wait3A_911 = arith.constant 0 : i32
          %dma_wait3A_912 = tpu.memref_slice %arg19[%dma_wait3A_910, %dma_wait3A_911] : memref<10240x128xf32, #tpu.memory_space<vmem_shared>> -> memref<10240x128xf32, #tpu.memory_space<vmem_shared>>
          tpu.wait_indirect_dma semaphore(%arg15 : memref<!tpu.dma_semaphore, #tpu.memory_space<semaphore_mem>>) src(%dma_wait3A_909 : memref<16x128xf32, #tpu.memory_space<vmem>>) dst(%dma_wait3A_912 : memref<10240x128xf32, #tpu.memory_space<vmem_shared>>)
          %dma_wait3A_913 = arith.constant 48 : i32
          %dma_wait3A_914 = arith.constant 0 : i32
          %dma_wait3A_915 = tpu.memref_slice %arg7[%dma_wait3A_913, %dma_wait3A_914] : memref<64x128xf32, #tpu.memory_space<vmem>> -> memref<16x128xf32, #tpu.memory_space<vmem>>
          %dma_wait3A_916 = arith.constant 0 : i32
          %dma_wait3A_917 = arith.constant 0 : i32
          %dma_wait3A_918 = tpu.memref_slice %arg19[%dma_wait3A_916, %dma_wait3A_917] : memref<10240x128xf32, #tpu.memory_space<vmem_shared>> -> memref<10240x128xf32, #tpu.memory_space<vmem_shared>>
          tpu.wait_indirect_dma semaphore(%arg15 : memref<!tpu.dma_semaphore, #tpu.memory_space<semaphore_mem>>) src(%dma_wait3A_915 : memref<16x128xf32, #tpu.memory_space<vmem>>) dst(%dma_wait3A_918 : memref<10240x128xf32, #tpu.memory_space<vmem_shared>>)
        } else {
        }
        %add3A_882 = arith.constant 4 : i32
        %add3A_883 = arith.addi %add3A_672, %add3A_882 : i32
        %sub3A_884 = arith.constant 1 : i32
        %sub3A_885 = arith.subi %add3A_883, %sub3A_884 : i32
        %mul3A_886 = arith.constant 64 : i32
        %mul3A_887 = arith.muli %sub3A_885, %mul3A_886 : i32
        %dma_start3A_888 = tpu.memref_slice %arg5[%mul3A_887] : memref<2560xi32, #tpu.memory_space<vmem>> -> memref<64xi32, #tpu.memory_space<vmem>>
        %dma_start3A_889 = arith.constant 0 : i32
        %dma_start3A_890 = arith.constant 0 : i32
        %dma_start3A_891 = tpu.memref_slice %arg3[%dma_start3A_889, %dma_start3A_890] : memref<10000x128xf32, #tpu.memory_space<hbm>> -> memref<10000x128xf32, #tpu.memory_space<hbm>>
        tpu.enqueue_indirect_dma source(%dma_start3A_891 : memref<10000x128xf32, #tpu.memory_space<hbm>>) target(%arg7 : memref<64x128xf32, #tpu.memory_space<vmem>>) offsets(%dma_start3A_888 : memref<64xi32, #tpu.memory_space<vmem>>) semaphore(%arg11 : memref<!tpu.dma_semaphore, #tpu.memory_space<semaphore_mem>>)
      } else {
      }
      %mul3A_682 = arith.constant 64 : i32
      %mul3A_683 = arith.muli %add3A_672, %mul3A_682 : i32
      %dma_wait3A_684 = tpu.memref_slice %arg5[%mul3A_683] : memref<2560xi32, #tpu.memory_space<vmem>> -> memref<64xi32, #tpu.memory_space<vmem>>
      %dma_wait3A_685 = arith.constant 0 : i32
      %dma_wait3A_686 = arith.constant 0 : i32
      %dma_wait3A_687 = tpu.memref_slice %arg3[%dma_wait3A_685, %dma_wait3A_686] : memref<10000x128xf32, #tpu.memory_space<hbm>> -> memref<10000x128xf32, #tpu.memory_space<hbm>>
      tpu.wait_indirect_dma semaphore(%arg12 : memref<!tpu.dma_semaphore, #tpu.memory_space<semaphore_mem>>) src(%dma_wait3A_687 : memref<10000x128xf32, #tpu.memory_space<hbm>>) dst(%arg8 : memref<64x128xf32, #tpu.memory_space<vmem>>)
      %mul3A_688 = arith.constant 64 : i32
      %mul3A_689 = arith.muli %add3A_672, %mul3A_688 : i32
      %add3A_690 = arith.constant 0 : i32
      %add3A_691 = arith.addi %mul3A_689, %add3A_690 : i32
      %get3A_692 = arith.index_cast %add3A_691 : i32 to index
      %get3A_693 = tpu.vector_load %arg6[%get3A_692] {strides = array<i32>} : memref<2560xi32, #tpu.memory_space<vmem>>, vector<16xi32>,
      %get3A_694 = vector.shape_cast %get3A_693 : vector<16xi32> to vector<16xi32>
      %dma_start3A_695 = arith.constant 0 : i32
      %dma_start3A_696 = arith.constant 0 : i32
      %dma_start3A_697 = tpu.memref_slice %arg8[%dma_start3A_695, %dma_start3A_696] : memref<64x128xf32, #tpu.memory_space<vmem>> -> memref<16x128xf32, #tpu.memory_space<vmem>>
      %dma_start3A_698 = arith.constant 0 : i32
      %dma_start3A_699 = arith.constant 0 : i32
      %dma_start3A_700 = tpu.memref_slice %arg19[%dma_start3A_698, %dma_start3A_699] : memref<10240x128xf32, #tpu.memory_space<vmem_shared>> -> memref<10240x128xf32, #tpu.memory_space<vmem_shared>>
      tpu.enqueue_indirect_dma source(%dma_start3A_697 : memref<16x128xf32, #tpu.memory_space<vmem>>) target(%dma_start3A_700 : memref<10240x128xf32, #tpu.memory_space<vmem_shared>>) offsets(%get3A_694 : vector<16xi32>) semaphore(%arg16 : memref<!tpu.dma_semaphore, #tpu.memory_space<semaphore_mem>>) {add = true}
      %mul3A_701 = arith.constant 64 : i32
      %mul3A_702 = arith.muli %add3A_672, %mul3A_701 : i32
      %add3A_703 = arith.constant 16 : i32
      %add3A_704 = arith.addi %mul3A_702, %add3A_703 : i32
      %get3A_705 = arith.index_cast %add3A_704 : i32 to index
      %get3A_706 = tpu.vector_load %arg6[%get3A_705] {strides = array<i32>} : memref<2560xi32, #tpu.memory_space<vmem>>, vector<16xi32>,
      %get3A_707 = vector.shape_cast %get3A_706 : vector<16xi32> to vector<16xi32>
      %dma_start3A_708 = arith.constant 16 : i32
      %dma_start3A_709 = arith.constant 0 : i32
      %dma_start3A_710 = tpu.memref_slice %arg8[%dma_start3A_708, %dma_start3A_709] : memref<64x128xf32, #tpu.memory_space<vmem>> -> memref<16x128xf32, #tpu.memory_space<vmem>>
      %dma_start3A_711 = arith.constant 0 : i32
      %dma_start3A_712 = arith.constant 0 : i32
      %dma_start3A_713 = tpu.memref_slice %arg19[%dma_start3A_711, %dma_start3A_712] : memref<10240x128xf32, #tpu.memory_space<vmem_shared>> -> memref<10240x128xf32, #tpu.memory_space<vmem_shared>>
      tpu.enqueue_indirect_dma source(%dma_start3A_710 : memref<16x128xf32, #tpu.memory_space<vmem>>) target(%dma_start3A_713 : memref<10240x128xf32, #tpu.memory_space<vmem_shared>>) offsets(%get3A_707 : vector<16xi32>) semaphore(%arg16 : memref<!tpu.dma_semaphore, #tpu.memory_space<semaphore_mem>>) {add = true}
      %mul3A_714 = arith.constant 64 : i32
      %mul3A_715 = arith.muli %add3A_672, %mul3A_714 : i32
      %add3A_716 = arith.constant 32 : i32
      %add3A_717 = arith.addi %mul3A_715, %add3A_716 : i32
      %get3A_718 = arith.index_cast %add3A_717 : i32 to index
      %get3A_719 = tpu.vector_load %arg6[%get3A_718] {strides = array<i32>} : memref<2560xi32, #tpu.memory_space<vmem>>, vector<16xi32>,
      %get3A_720 = vector.shape_cast %get3A_719 : vector<16xi32> to vector<16xi32>
      %dma_start3A_721 = arith.constant 32 : i32
      %dma_start3A_722 = arith.constant 0 : i32
      %dma_start3A_723 = tpu.memref_slice %arg8[%dma_start3A_721, %dma_start3A_722] : memref<64x128xf32, #tpu.memory_space<vmem>> -> memref<16x128xf32, #tpu.memory_space<vmem>>
      %dma_start3A_724 = arith.constant 0 : i32
      %dma_start3A_725 = arith.constant 0 : i32
      %dma_start3A_726 = tpu.memref_slice %arg19[%dma_start3A_724, %dma_start3A_725] : memref<10240x128xf32, #tpu.memory_space<vmem_shared>> -> memref<10240x128xf32, #tpu.memory_space<vmem_shared>>
      tpu.enqueue_indirect_dma source(%dma_start3A_723 : memref<16x128xf32, #tpu.memory_space<vmem>>) target(%dma_start3A_726 : memref<10240x128xf32, #tpu.memory_space<vmem_shared>>) offsets(%get3A_720 : vector<16xi32>) semaphore(%arg16 : memref<!tpu.dma_semaphore, #tpu.memory_space<semaphore_mem>>) {add = true}
      %mul3A_727 = arith.constant 64 : i32
      %mul3A_728 = arith.muli %add3A_672, %mul3A_727 : i32
      %add3A_729 = arith.constant 48 : i32
      %add3A_730 = arith.addi %mul3A_728, %add3A_729 : i32
      %get3A_731 = arith.index_cast %add3A_730 : i32 to index
      %get3A_732 = tpu.vector_load %arg6[%get3A_731] {strides = array<i32>} : memref<2560xi32, #tpu.memory_space<vmem>>, vector<16xi32>,
      %get3A_733 = vector.shape_cast %get3A_732 : vector<16xi32> to vector<16xi32>
      %dma_start3A_734 = arith.constant 48 : i32
      %dma_start3A_735 = arith.constant 0 : i32
      %dma_start3A_736 = tpu.memref_slice %arg8[%dma_start3A_734, %dma_start3A_735] : memref<64x128xf32, #tpu.memory_space<vmem>> -> memref<16x128xf32, #tpu.memory_space<vmem>>
      %dma_start3A_737 = arith.constant 0 : i32
      %dma_start3A_738 = arith.constant 0 : i32
      %dma_start3A_739 = tpu.memref_slice %arg19[%dma_start3A_737, %dma_start3A_738] : memref<10240x128xf32, #tpu.memory_space<vmem_shared>> -> memref<10240x128xf32, #tpu.memory_space<vmem_shared>>
      tpu.enqueue_indirect_dma source(%dma_start3A_736 : memref<16x128xf32, #tpu.memory_space<vmem>>) target(%dma_start3A_739 : memref<10240x128xf32, #tpu.memory_space<vmem_shared>>) offsets(%get3A_733 : vector<16xi32>) semaphore(%arg16 : memref<!tpu.dma_semaphore, #tpu.memory_space<semaphore_mem>>) {add = true}
      %add3A_740 = arith.constant 2 : i32
      %add3A_741 = arith.addi %mul3A_605, %add3A_740 : i32
      %add3A_742 = arith.constant 4 : i32
      %add3A_743 = arith.addi %add3A_741, %add3A_742 : i32
      %sub3A_744 = arith.constant 1 : i32
      %sub3A_745 = arith.subi %add3A_743, %sub3A_744 : i32
      %lt3A_746 = arith.constant 40 : i32
      %lt3A_747 = arith.cmpi slt, %sub3A_745, %lt3A_746 : i32
      %convert_element_type3A_748 = arith.extui %lt3A_747 : i1 to i32
      %cond3A_749 = arith.constant 0 : i32
      %cond3A_750 = arith.cmpi ne, %convert_element_type3A_748, %cond3A_749 : i32
      scf.if %cond3A_750 {
        %ge3A = arith.constant 1 : i32
        %ge3A_878 = arith.cmpi sge, %add3A_741, %ge3A : i32
        %convert_element_type3A_879 = arith.extui %ge3A_878 : i1 to i32
        %cond3A_880 = arith.constant 0 : i32
        %cond3A_881 = arith.cmpi ne, %convert_element_type3A_879, %cond3A_880 : i32
        scf.if %cond3A_881 {
          %get3A_892 = arith.constant 0 : index
          %get3A_893 = tpu.vector_load %arg6[%get3A_892] {strides = array<i32>} : memref<2560xi32, #tpu.memory_space<vmem>>, vector<16xi32>,
          %get3A_894 = vector.shape_cast %get3A_893 : vector<16xi32> to vector<16xi32>
          %dma_wait3A_895 = arith.constant 0 : i32
          %dma_wait3A_896 = arith.constant 0 : i32
          %dma_wait3A_897 = tpu.memref_slice %arg8[%dma_wait3A_895, %dma_wait3A_896] : memref<64x128xf32, #tpu.memory_space<vmem>> -> memref<16x128xf32, #tpu.memory_space<vmem>>
          %dma_wait3A_898 = arith.constant 0 : i32
          %dma_wait3A_899 = arith.constant 0 : i32
          %dma_wait3A_900 = tpu.memref_slice %arg19[%dma_wait3A_898, %dma_wait3A_899] : memref<10240x128xf32, #tpu.memory_space<vmem_shared>> -> memref<10240x128xf32, #tpu.memory_space<vmem_shared>>
          tpu.wait_indirect_dma semaphore(%arg16 : memref<!tpu.dma_semaphore, #tpu.memory_space<semaphore_mem>>) src(%dma_wait3A_897 : memref<16x128xf32, #tpu.memory_space<vmem>>) dst(%dma_wait3A_900 : memref<10240x128xf32, #tpu.memory_space<vmem_shared>>)
          %dma_wait3A_901 = arith.constant 16 : i32
          %dma_wait3A_902 = arith.constant 0 : i32
          %dma_wait3A_903 = tpu.memref_slice %arg8[%dma_wait3A_901, %dma_wait3A_902] : memref<64x128xf32, #tpu.memory_space<vmem>> -> memref<16x128xf32, #tpu.memory_space<vmem>>
          %dma_wait3A_904 = arith.constant 0 : i32
          %dma_wait3A_905 = arith.constant 0 : i32
          %dma_wait3A_906 = tpu.memref_slice %arg19[%dma_wait3A_904, %dma_wait3A_905] : memref<10240x128xf32, #tpu.memory_space<vmem_shared>> -> memref<10240x128xf32, #tpu.memory_space<vmem_shared>>
          tpu.wait_indirect_dma semaphore(%arg16 : memref<!tpu.dma_semaphore, #tpu.memory_space<semaphore_mem>>) src(%dma_wait3A_903 : memref<16x128xf32, #tpu.memory_space<vmem>>) dst(%dma_wait3A_906 : memref<10240x128xf32, #tpu.memory_space<vmem_shared>>)
          %dma_wait3A_907 = arith.constant 32 : i32
          %dma_wait3A_908 = arith.constant 0 : i32
          %dma_wait3A_909 = tpu.memref_slice %arg8[%dma_wait3A_907, %dma_wait3A_908] : memref<64x128xf32, #tpu.memory_space<vmem>> -> memref<16x128xf32, #tpu.memory_space<vmem>>
          %dma_wait3A_910 = arith.constant 0 : i32
          %dma_wait3A_911 = arith.constant 0 : i32
          %dma_wait3A_912 = tpu.memref_slice %arg19[%dma_wait3A_910, %dma_wait3A_911] : memref<10240x128xf32, #tpu.memory_space<vmem_shared>> -> memref<10240x128xf32, #tpu.memory_space<vmem_shared>>
          tpu.wait_indirect_dma semaphore(%arg16 : memref<!tpu.dma_semaphore, #tpu.memory_space<semaphore_mem>>) src(%dma_wait3A_909 : memref<16x128xf32, #tpu.memory_space<vmem>>) dst(%dma_wait3A_912 : memref<10240x128xf32, #tpu.memory_space<vmem_shared>>)
          %dma_wait3A_913 = arith.constant 48 : i32
          %dma_wait3A_914 = arith.constant 0 : i32
          %dma_wait3A_915 = tpu.memref_slice %arg8[%dma_wait3A_913, %dma_wait3A_914] : memref<64x128xf32, #tpu.memory_space<vmem>> -> memref<16x128xf32, #tpu.memory_space<vmem>>
          %dma_wait3A_916 = arith.constant 0 : i32
          %dma_wait3A_917 = arith.constant 0 : i32
          %dma_wait3A_918 = tpu.memref_slice %arg19[%dma_wait3A_916, %dma_wait3A_917] : memref<10240x128xf32, #tpu.memory_space<vmem_shared>> -> memref<10240x128xf32, #tpu.memory_space<vmem_shared>>
          tpu.wait_indirect_dma semaphore(%arg16 : memref<!tpu.dma_semaphore, #tpu.memory_space<semaphore_mem>>) src(%dma_wait3A_915 : memref<16x128xf32, #tpu.memory_space<vmem>>) dst(%dma_wait3A_918 : memref<10240x128xf32, #tpu.memory_space<vmem_shared>>)
        } else {
        }
        %add3A_882 = arith.constant 4 : i32
        %add3A_883 = arith.addi %add3A_741, %add3A_882 : i32
        %sub3A_884 = arith.constant 1 : i32
        %sub3A_885 = arith.subi %add3A_883, %sub3A_884 : i32
        %mul3A_886 = arith.constant 64 : i32
        %mul3A_887 = arith.muli %sub3A_885, %mul3A_886 : i32
        %dma_start3A_888 = tpu.memref_slice %arg5[%mul3A_887] : memref<2560xi32, #tpu.memory_space<vmem>> -> memref<64xi32, #tpu.memory_space<vmem>>
        %dma_start3A_889 = arith.constant 0 : i32
        %dma_start3A_890 = arith.constant 0 : i32
        %dma_start3A_891 = tpu.memref_slice %arg3[%dma_start3A_889, %dma_start3A_890] : memref<10000x128xf32, #tpu.memory_space<hbm>> -> memref<10000x128xf32, #tpu.memory_space<hbm>>
        tpu.enqueue_indirect_dma source(%dma_start3A_891 : memref<10000x128xf32, #tpu.memory_space<hbm>>) target(%arg8 : memref<64x128xf32, #tpu.memory_space<vmem>>) offsets(%dma_start3A_888 : memref<64xi32, #tpu.memory_space<vmem>>) semaphore(%arg12 : memref<!tpu.dma_semaphore, #tpu.memory_space<semaphore_mem>>)
      } else {
      }
      %mul3A_751 = arith.constant 64 : i32
      %mul3A_752 = arith.muli %add3A_741, %mul3A_751 : i32
      %dma_wait3A_753 = tpu.memref_slice %arg5[%mul3A_752] : memref<2560xi32, #tpu.memory_space<vmem>> -> memref<64xi32, #tpu.memory_space<vmem>>
      %dma_wait3A_754 = arith.constant 0 : i32
      %dma_wait3A_755 = arith.constant 0 : i32
      %dma_wait3A_756 = tpu.memref_slice %arg3[%dma_wait3A_754, %dma_wait3A_755] : memref<10000x128xf32, #tpu.memory_space<hbm>> -> memref<10000x128xf32, #tpu.memory_space<hbm>>
      tpu.wait_indirect_dma semaphore(%arg13 : memref<!tpu.dma_semaphore, #tpu.memory_space<semaphore_mem>>) src(%dma_wait3A_756 : memref<10000x128xf32, #tpu.memory_space<hbm>>) dst(%arg9 : memref<64x128xf32, #tpu.memory_space<vmem>>)
      %mul3A_757 = arith.constant 64 : i32
      %mul3A_758 = arith.muli %add3A_741, %mul3A_757 : i32
      %add3A_759 = arith.constant 0 : i32
      %add3A_760 = arith.addi %mul3A_758, %add3A_759 : i32
      %get3A_761 = arith.index_cast %add3A_760 : i32 to index
      %get3A_762 = tpu.vector_load %arg6[%get3A_761] {strides = array<i32>} : memref<2560xi32, #tpu.memory_space<vmem>>, vector<16xi32>,
      %get3A_763 = vector.shape_cast %get3A_762 : vector<16xi32> to vector<16xi32>
      %dma_start3A_764 = arith.constant 0 : i32
      %dma_start3A_765 = arith.constant 0 : i32
      %dma_start3A_766 = tpu.memref_slice %arg9[%dma_start3A_764, %dma_start3A_765] : memref<64x128xf32, #tpu.memory_space<vmem>> -> memref<16x128xf32, #tpu.memory_space<vmem>>
      %dma_start3A_767 = arith.constant 0 : i32
      %dma_start3A_768 = arith.constant 0 : i32
      %dma_start3A_769 = tpu.memref_slice %arg19[%dma_start3A_767, %dma_start3A_768] : memref<10240x128xf32, #tpu.memory_space<vmem_shared>> -> memref<10240x128xf32, #tpu.memory_space<vmem_shared>>
      tpu.enqueue_indirect_dma source(%dma_start3A_766 : memref<16x128xf32, #tpu.memory_space<vmem>>) target(%dma_start3A_769 : memref<10240x128xf32, #tpu.memory_space<vmem_shared>>) offsets(%get3A_763 : vector<16xi32>) semaphore(%arg17 : memref<!tpu.dma_semaphore, #tpu.memory_space<semaphore_mem>>) {add = true}
      %mul3A_770 = arith.constant 64 : i32
      %mul3A_771 = arith.muli %add3A_741, %mul3A_770 : i32
      %add3A_772 = arith.constant 16 : i32
      %add3A_773 = arith.addi %mul3A_771, %add3A_772 : i32
      %get3A_774 = arith.index_cast %add3A_773 : i32 to index
      %get3A_775 = tpu.vector_load %arg6[%get3A_774] {strides = array<i32>} : memref<2560xi32, #tpu.memory_space<vmem>>, vector<16xi32>,
      %get3A_776 = vector.shape_cast %get3A_775 : vector<16xi32> to vector<16xi32>
      %dma_start3A_777 = arith.constant 16 : i32
      %dma_start3A_778 = arith.constant 0 : i32
      %dma_start3A_779 = tpu.memref_slice %arg9[%dma_start3A_777, %dma_start3A_778] : memref<64x128xf32, #tpu.memory_space<vmem>> -> memref<16x128xf32, #tpu.memory_space<vmem>>
      %dma_start3A_780 = arith.constant 0 : i32
      %dma_start3A_781 = arith.constant 0 : i32
      %dma_start3A_782 = tpu.memref_slice %arg19[%dma_start3A_780, %dma_start3A_781] : memref<10240x128xf32, #tpu.memory_space<vmem_shared>> -> memref<10240x128xf32, #tpu.memory_space<vmem_shared>>
      tpu.enqueue_indirect_dma source(%dma_start3A_779 : memref<16x128xf32, #tpu.memory_space<vmem>>) target(%dma_start3A_782 : memref<10240x128xf32, #tpu.memory_space<vmem_shared>>) offsets(%get3A_776 : vector<16xi32>) semaphore(%arg17 : memref<!tpu.dma_semaphore, #tpu.memory_space<semaphore_mem>>) {add = true}
      %mul3A_783 = arith.constant 64 : i32
      %mul3A_784 = arith.muli %add3A_741, %mul3A_783 : i32
      %add3A_785 = arith.constant 32 : i32
      %add3A_786 = arith.addi %mul3A_784, %add3A_785 : i32
      %get3A_787 = arith.index_cast %add3A_786 : i32 to index
      %get3A_788 = tpu.vector_load %arg6[%get3A_787] {strides = array<i32>} : memref<2560xi32, #tpu.memory_space<vmem>>, vector<16xi32>,
      %get3A_789 = vector.shape_cast %get3A_788 : vector<16xi32> to vector<16xi32>
      %dma_start3A_790 = arith.constant 32 : i32
      %dma_start3A_791 = arith.constant 0 : i32
      %dma_start3A_792 = tpu.memref_slice %arg9[%dma_start3A_790, %dma_start3A_791] : memref<64x128xf32, #tpu.memory_space<vmem>> -> memref<16x128xf32, #tpu.memory_space<vmem>>
      %dma_start3A_793 = arith.constant 0 : i32
      %dma_start3A_794 = arith.constant 0 : i32
      %dma_start3A_795 = tpu.memref_slice %arg19[%dma_start3A_793, %dma_start3A_794] : memref<10240x128xf32, #tpu.memory_space<vmem_shared>> -> memref<10240x128xf32, #tpu.memory_space<vmem_shared>>
      tpu.enqueue_indirect_dma source(%dma_start3A_792 : memref<16x128xf32, #tpu.memory_space<vmem>>) target(%dma_start3A_795 : memref<10240x128xf32, #tpu.memory_space<vmem_shared>>) offsets(%get3A_789 : vector<16xi32>) semaphore(%arg17 : memref<!tpu.dma_semaphore, #tpu.memory_space<semaphore_mem>>) {add = true}
      %mul3A_796 = arith.constant 64 : i32
      %mul3A_797 = arith.muli %add3A_741, %mul3A_796 : i32
      %add3A_798 = arith.constant 48 : i32
      %add3A_799 = arith.addi %mul3A_797, %add3A_798 : i32
      %get3A_800 = arith.index_cast %add3A_799 : i32 to index
      %get3A_801 = tpu.vector_load %arg6[%get3A_800] {strides = array<i32>} : memref<2560xi32, #tpu.memory_space<vmem>>, vector<16xi32>,
      %get3A_802 = vector.shape_cast %get3A_801 : vector<16xi32> to vector<16xi32>
      %dma_start3A_803 = arith.constant 48 : i32
      %dma_start3A_804 = arith.constant 0 : i32
      %dma_start3A_805 = tpu.memref_slice %arg9[%dma_start3A_803, %dma_start3A_804] : memref<64x128xf32, #tpu.memory_space<vmem>> -> memref<16x128xf32, #tpu.memory_space<vmem>>
      %dma_start3A_806 = arith.constant 0 : i32
      %dma_start3A_807 = arith.constant 0 : i32
      %dma_start3A_808 = tpu.memref_slice %arg19[%dma_start3A_806, %dma_start3A_807] : memref<10240x128xf32, #tpu.memory_space<vmem_shared>> -> memref<10240x128xf32, #tpu.memory_space<vmem_shared>>
      tpu.enqueue_indirect_dma source(%dma_start3A_805 : memref<16x128xf32, #tpu.memory_space<vmem>>) target(%dma_start3A_808 : memref<10240x128xf32, #tpu.memory_space<vmem_shared>>) offsets(%get3A_802 : vector<16xi32>) semaphore(%arg17 : memref<!tpu.dma_semaphore, #tpu.memory_space<semaphore_mem>>) {add = true}
      %add3A_809 = arith.constant 3 : i32
      %add3A_810 = arith.addi %mul3A_605, %add3A_809 : i32
      %add3A_811 = arith.constant 4 : i32
      %add3A_812 = arith.addi %add3A_810, %add3A_811 : i32
      %sub3A_813 = arith.constant 1 : i32
      %sub3A_814 = arith.subi %add3A_812, %sub3A_813 : i32
      %lt3A_815 = arith.constant 40 : i32
      %lt3A_816 = arith.cmpi slt, %sub3A_814, %lt3A_815 : i32
      %convert_element_type3A_817 = arith.extui %lt3A_816 : i1 to i32
      %cond3A_818 = arith.constant 0 : i32
      %cond3A_819 = arith.cmpi ne, %convert_element_type3A_817, %cond3A_818 : i32
      scf.if %cond3A_819 {
        %ge3A = arith.constant 1 : i32
        %ge3A_878 = arith.cmpi sge, %add3A_810, %ge3A : i32
        %convert_element_type3A_879 = arith.extui %ge3A_878 : i1 to i32
        %cond3A_880 = arith.constant 0 : i32
        %cond3A_881 = arith.cmpi ne, %convert_element_type3A_879, %cond3A_880 : i32
        scf.if %cond3A_881 {
          %get3A_892 = arith.constant 0 : index
          %get3A_893 = tpu.vector_load %arg6[%get3A_892] {strides = array<i32>} : memref<2560xi32, #tpu.memory_space<vmem>>, vector<16xi32>,
          %get3A_894 = vector.shape_cast %get3A_893 : vector<16xi32> to vector<16xi32>
          %dma_wait3A_895 = arith.constant 0 : i32
          %dma_wait3A_896 = arith.constant 0 : i32
          %dma_wait3A_897 = tpu.memref_slice %arg9[%dma_wait3A_895, %dma_wait3A_896] : memref<64x128xf32, #tpu.memory_space<vmem>> -> memref<16x128xf32, #tpu.memory_space<vmem>>
          %dma_wait3A_898 = arith.constant 0 : i32
          %dma_wait3A_899 = arith.constant 0 : i32
          %dma_wait3A_900 = tpu.memref_slice %arg19[%dma_wait3A_898, %dma_wait3A_899] : memref<10240x128xf32, #tpu.memory_space<vmem_shared>> -> memref<10240x128xf32, #tpu.memory_space<vmem_shared>>
          tpu.wait_indirect_dma semaphore(%arg17 : memref<!tpu.dma_semaphore, #tpu.memory_space<semaphore_mem>>) src(%dma_wait3A_897 : memref<16x128xf32, #tpu.memory_space<vmem>>) dst(%dma_wait3A_900 : memref<10240x128xf32, #tpu.memory_space<vmem_shared>>)
          %dma_wait3A_901 = arith.constant 16 : i32
          %dma_wait3A_902 = arith.constant 0 : i32
          %dma_wait3A_903 = tpu.memref_slice %arg9[%dma_wait3A_901, %dma_wait3A_902] : memref<64x128xf32, #tpu.memory_space<vmem>> -> memref<16x128xf32, #tpu.memory_space<vmem>>
          %dma_wait3A_904 = arith.constant 0 : i32
          %dma_wait3A_905 = arith.constant 0 : i32
          %dma_wait3A_906 = tpu.memref_slice %arg19[%dma_wait3A_904, %dma_wait3A_905] : memref<10240x128xf32, #tpu.memory_space<vmem_shared>> -> memref<10240x128xf32, #tpu.memory_space<vmem_shared>>
          tpu.wait_indirect_dma semaphore(%arg17 : memref<!tpu.dma_semaphore, #tpu.memory_space<semaphore_mem>>) src(%dma_wait3A_903 : memref<16x128xf32, #tpu.memory_space<vmem>>) dst(%dma_wait3A_906 : memref<10240x128xf32, #tpu.memory_space<vmem_shared>>)
          %dma_wait3A_907 = arith.constant 32 : i32
          %dma_wait3A_908 = arith.constant 0 : i32
          %dma_wait3A_909 = tpu.memref_slice %arg9[%dma_wait3A_907, %dma_wait3A_908] : memref<64x128xf32, #tpu.memory_space<vmem>> -> memref<16x128xf32, #tpu.memory_space<vmem>>
          %dma_wait3A_910 = arith.constant 0 : i32
          %dma_wait3A_911 = arith.constant 0 : i32
          %dma_wait3A_912 = tpu.memref_slice %arg19[%dma_wait3A_910, %dma_wait3A_911] : memref<10240x128xf32, #tpu.memory_space<vmem_shared>> -> memref<10240x128xf32, #tpu.memory_space<vmem_shared>>
          tpu.wait_indirect_dma semaphore(%arg17 : memref<!tpu.dma_semaphore, #tpu.memory_space<semaphore_mem>>) src(%dma_wait3A_909 : memref<16x128xf32, #tpu.memory_space<vmem>>) dst(%dma_wait3A_912 : memref<10240x128xf32, #tpu.memory_space<vmem_shared>>)
          %dma_wait3A_913 = arith.constant 48 : i32
          %dma_wait3A_914 = arith.constant 0 : i32
          %dma_wait3A_915 = tpu.memref_slice %arg9[%dma_wait3A_913, %dma_wait3A_914] : memref<64x128xf32, #tpu.memory_space<vmem>> -> memref<16x128xf32, #tpu.memory_space<vmem>>
          %dma_wait3A_916 = arith.constant 0 : i32
          %dma_wait3A_917 = arith.constant 0 : i32
          %dma_wait3A_918 = tpu.memref_slice %arg19[%dma_wait3A_916, %dma_wait3A_917] : memref<10240x128xf32, #tpu.memory_space<vmem_shared>> -> memref<10240x128xf32, #tpu.memory_space<vmem_shared>>
          tpu.wait_indirect_dma semaphore(%arg17 : memref<!tpu.dma_semaphore, #tpu.memory_space<semaphore_mem>>) src(%dma_wait3A_915 : memref<16x128xf32, #tpu.memory_space<vmem>>) dst(%dma_wait3A_918 : memref<10240x128xf32, #tpu.memory_space<vmem_shared>>)
        } else {
        }
        %add3A_882 = arith.constant 4 : i32
        %add3A_883 = arith.addi %add3A_810, %add3A_882 : i32
        %sub3A_884 = arith.constant 1 : i32
        %sub3A_885 = arith.subi %add3A_883, %sub3A_884 : i32
        %mul3A_886 = arith.constant 64 : i32
        %mul3A_887 = arith.muli %sub3A_885, %mul3A_886 : i32
        %dma_start3A_888 = tpu.memref_slice %arg5[%mul3A_887] : memref<2560xi32, #tpu.memory_space<vmem>> -> memref<64xi32, #tpu.memory_space<vmem>>
        %dma_start3A_889 = arith.constant 0 : i32
        %dma_start3A_890 = arith.constant 0 : i32
        %dma_start3A_891 = tpu.memref_slice %arg3[%dma_start3A_889, %dma_start3A_890] : memref<10000x128xf32, #tpu.memory_space<hbm>> -> memref<10000x128xf32, #tpu.memory_space<hbm>>
        tpu.enqueue_indirect_dma source(%dma_start3A_891 : memref<10000x128xf32, #tpu.memory_space<hbm>>) target(%arg9 : memref<64x128xf32, #tpu.memory_space<vmem>>) offsets(%dma_start3A_888 : memref<64xi32, #tpu.memory_space<vmem>>) semaphore(%arg13 : memref<!tpu.dma_semaphore, #tpu.memory_space<semaphore_mem>>)
      } else {
      }
      %mul3A_820 = arith.constant 64 : i32
      %mul3A_821 = arith.muli %add3A_810, %mul3A_820 : i32
      %dma_wait3A_822 = tpu.memref_slice %arg5[%mul3A_821] : memref<2560xi32, #tpu.memory_space<vmem>> -> memref<64xi32, #tpu.memory_space<vmem>>
      %dma_wait3A_823 = arith.constant 0 : i32
      %dma_wait3A_824 = arith.constant 0 : i32
      %dma_wait3A_825 = tpu.memref_slice %arg3[%dma_wait3A_823, %dma_wait3A_824] : memref<10000x128xf32, #tpu.memory_space<hbm>> -> memref<10000x128xf32, #tpu.memory_space<hbm>>
      tpu.wait_indirect_dma semaphore(%arg14 : memref<!tpu.dma_semaphore, #tpu.memory_space<semaphore_mem>>) src(%dma_wait3A_825 : memref<10000x128xf32, #tpu.memory_space<hbm>>) dst(%arg10 : memref<64x128xf32, #tpu.memory_space<vmem>>)
      %mul3A_826 = arith.constant 64 : i32
      %mul3A_827 = arith.muli %add3A_810, %mul3A_826 : i32
      %add3A_828 = arith.constant 0 : i32
      %add3A_829 = arith.addi %mul3A_827, %add3A_828 : i32
      %get3A_830 = arith.index_cast %add3A_829 : i32 to index
      %get3A_831 = tpu.vector_load %arg6[%get3A_830] {strides = array<i32>} : memref<2560xi32, #tpu.memory_space<vmem>>, vector<16xi32>,
      %get3A_832 = vector.shape_cast %get3A_831 : vector<16xi32> to vector<16xi32>
      %dma_start3A_833 = arith.constant 0 : i32
      %dma_start3A_834 = arith.constant 0 : i32
      %dma_start3A_835 = tpu.memref_slice %arg10[%dma_start3A_833, %dma_start3A_834] : memref<64x128xf32, #tpu.memory_space<vmem>> -> memref<16x128xf32, #tpu.memory_space<vmem>>
      %dma_start3A_836 = arith.constant 0 : i32
      %dma_start3A_837 = arith.constant 0 : i32
      %dma_start3A_838 = tpu.memref_slice %arg19[%dma_start3A_836, %dma_start3A_837] : memref<10240x128xf32, #tpu.memory_space<vmem_shared>> -> memref<10240x128xf32, #tpu.memory_space<vmem_shared>>
      tpu.enqueue_indirect_dma source(%dma_start3A_835 : memref<16x128xf32, #tpu.memory_space<vmem>>) target(%dma_start3A_838 : memref<10240x128xf32, #tpu.memory_space<vmem_shared>>) offsets(%get3A_832 : vector<16xi32>) semaphore(%arg18 : memref<!tpu.dma_semaphore, #tpu.memory_space<semaphore_mem>>) {add = true}
      %mul3A_839 = arith.constant 64 : i32
      %mul3A_840 = arith.muli %add3A_810, %mul3A_839 : i32
      %add3A_841 = arith.constant 16 : i32
      %add3A_842 = arith.addi %mul3A_840, %add3A_841 : i32
      %get3A_843 = arith.index_cast %add3A_842 : i32 to index
      %get3A_844 = tpu.vector_load %arg6[%get3A_843] {strides = array<i32>} : memref<2560xi32, #tpu.memory_space<vmem>>, vector<16xi32>,
      %get3A_845 = vector.shape_cast %get3A_844 : vector<16xi32> to vector<16xi32>
      %dma_start3A_846 = arith.constant 16 : i32
      %dma_start3A_847 = arith.constant 0 : i32
      %dma_start3A_848 = tpu.memref_slice %arg10[%dma_start3A_846, %dma_start3A_847] : memref<64x128xf32, #tpu.memory_space<vmem>> -> memref<16x128xf32, #tpu.memory_space<vmem>>
      %dma_start3A_849 = arith.constant 0 : i32
      %dma_start3A_850 = arith.constant 0 : i32
      %dma_start3A_851 = tpu.memref_slice %arg19[%dma_start3A_849, %dma_start3A_850] : memref<10240x128xf32, #tpu.memory_space<vmem_shared>> -> memref<10240x128xf32, #tpu.memory_space<vmem_shared>>
      tpu.enqueue_indirect_dma source(%dma_start3A_848 : memref<16x128xf32, #tpu.memory_space<vmem>>) target(%dma_start3A_851 : memref<10240x128xf32, #tpu.memory_space<vmem_shared>>) offsets(%get3A_845 : vector<16xi32>) semaphore(%arg18 : memref<!tpu.dma_semaphore, #tpu.memory_space<semaphore_mem>>) {add = true}
      %mul3A_852 = arith.constant 64 : i32
      %mul3A_853 = arith.muli %add3A_810, %mul3A_852 : i32
      %add3A_854 = arith.constant 32 : i32
      %add3A_855 = arith.addi %mul3A_853, %add3A_854 : i32
      %get3A_856 = arith.index_cast %add3A_855 : i32 to index
      %get3A_857 = tpu.vector_load %arg6[%get3A_856] {strides = array<i32>} : memref<2560xi32, #tpu.memory_space<vmem>>, vector<16xi32>,
      %get3A_858 = vector.shape_cast %get3A_857 : vector<16xi32> to vector<16xi32>
      %dma_start3A_859 = arith.constant 32 : i32
      %dma_start3A_860 = arith.constant 0 : i32
      %dma_start3A_861 = tpu.memref_slice %arg10[%dma_start3A_859, %dma_start3A_860] : memref<64x128xf32, #tpu.memory_space<vmem>> -> memref<16x128xf32, #tpu.memory_space<vmem>>
      %dma_start3A_862 = arith.constant 0 : i32
      %dma_start3A_863 = arith.constant 0 : i32
      %dma_start3A_864 = tpu.memref_slice %arg19[%dma_start3A_862, %dma_start3A_863] : memref<10240x128xf32, #tpu.memory_space<vmem_shared>> -> memref<10240x128xf32, #tpu.memory_space<vmem_shared>>
      tpu.enqueue_indirect_dma source(%dma_start3A_861 : memref<16x128xf32, #tpu.memory_space<vmem>>) target(%dma_start3A_864 : memref<10240x128xf32, #tpu.memory_space<vmem_shared>>) offsets(%get3A_858 : vector<16xi32>) semaphore(%arg18 : memref<!tpu.dma_semaphore, #tpu.memory_space<semaphore_mem>>) {add = true}
      %mul3A_865 = arith.constant 64 : i32
      %mul3A_866 = arith.muli %add3A_810, %mul3A_865 : i32
      %add3A_867 = arith.constant 48 : i32
      %add3A_868 = arith.addi %mul3A_866, %add3A_867 : i32
      %get3A_869 = arith.index_cast %add3A_868 : i32 to index
      %get3A_870 = tpu.vector_load %arg6[%get3A_869] {strides = array<i32>} : memref<2560xi32, #tpu.memory_space<vmem>>, vector<16xi32>,
      %get3A_871 = vector.shape_cast %get3A_870 : vector<16xi32> to vector<16xi32>
      %dma_start3A_872 = arith.constant 48 : i32
      %dma_start3A_873 = arith.constant 0 : i32
      %dma_start3A_874 = tpu.memref_slice %arg10[%dma_start3A_872, %dma_start3A_873] : memref<64x128xf32, #tpu.memory_space<vmem>> -> memref<16x128xf32, #tpu.memory_space<vmem>>
      %dma_start3A_875 = arith.constant 0 : i32
      %dma_start3A_876 = arith.constant 0 : i32
      %dma_start3A_877 = tpu.memref_slice %arg19[%dma_start3A_875, %dma_start3A_876] : memref<10240x128xf32, #tpu.memory_space<vmem_shared>> -> memref<10240x128xf32, #tpu.memory_space<vmem_shared>>
      tpu.enqueue_indirect_dma source(%dma_start3A_874 : memref<16x128xf32, #tpu.memory_space<vmem>>) target(%dma_start3A_877 : memref<10240x128xf32, #tpu.memory_space<vmem_shared>>) offsets(%get3A_871 : vector<16xi32>) semaphore(%arg18 : memref<!tpu.dma_semaphore, #tpu.memory_space<semaphore_mem>>) {add = true}
    }
    %scan3A_489 = arith.constant 10 : i32
    %get3A_490 = arith.constant 0 : index
    %get3A_491 = tpu.vector_load %arg6[%get3A_490] {strides = array<i32>} : memref<2560xi32, #tpu.memory_space<vmem>>, vector<16xi32>,
    %get3A_492 = vector.shape_cast %get3A_491 : vector<16xi32> to vector<16xi32>
    %dma_wait3A_493 = arith.constant 0 : i32
    %dma_wait3A_494 = arith.constant 0 : i32
    %dma_wait3A_495 = tpu.memref_slice %arg7[%dma_wait3A_493, %dma_wait3A_494] : memref<64x128xf32, #tpu.memory_space<vmem>> -> memref<16x128xf32, #tpu.memory_space<vmem>>
    %dma_wait3A_496 = arith.constant 0 : i32
    %dma_wait3A_497 = arith.constant 0 : i32
    %dma_wait3A_498 = tpu.memref_slice %arg19[%dma_wait3A_496, %dma_wait3A_497] : memref<10240x128xf32, #tpu.memory_space<vmem_shared>> -> memref<10240x128xf32, #tpu.memory_space<vmem_shared>>
    tpu.wait_indirect_dma semaphore(%arg15 : memref<!tpu.dma_semaphore, #tpu.memory_space<semaphore_mem>>) src(%dma_wait3A_495 : memref<16x128xf32, #tpu.memory_space<vmem>>) dst(%dma_wait3A_498 : memref<10240x128xf32, #tpu.memory_space<vmem_shared>>)
    %dma_wait3A_499 = arith.constant 16 : i32
    %dma_wait3A_500 = arith.constant 0 : i32
    %dma_wait3A_501 = tpu.memref_slice %arg7[%dma_wait3A_499, %dma_wait3A_500] : memref<64x128xf32, #tpu.memory_space<vmem>> -> memref<16x128xf32, #tpu.memory_space<vmem>>
    %dma_wait3A_502 = arith.constant 0 : i32
    %dma_wait3A_503 = arith.constant 0 : i32
    %dma_wait3A_504 = tpu.memref_slice %arg19[%dma_wait3A_502, %dma_wait3A_503] : memref<10240x128xf32, #tpu.memory_space<vmem_shared>> -> memref<10240x128xf32, #tpu.memory_space<vmem_shared>>
    tpu.wait_indirect_dma semaphore(%arg15 : memref<!tpu.dma_semaphore, #tpu.memory_space<semaphore_mem>>) src(%dma_wait3A_501 : memref<16x128xf32, #tpu.memory_space<vmem>>) dst(%dma_wait3A_504 : memref<10240x128xf32, #tpu.memory_space<vmem_shared>>)
    %dma_wait3A_505 = arith.constant 32 : i32
    %dma_wait3A_506 = arith.constant 0 : i32
    %dma_wait3A_507 = tpu.memref_slice %arg7[%dma_wait3A_505, %dma_wait3A_506] : memref<64x128xf32, #tpu.memory_space<vmem>> -> memref<16x128xf32, #tpu.memory_space<vmem>>
    %dma_wait3A_508 = arith.constant 0 : i32
    %dma_wait3A_509 = arith.constant 0 : i32
    %dma_wait3A_510 = tpu.memref_slice %arg19[%dma_wait3A_508, %dma_wait3A_509] : memref<10240x128xf32, #tpu.memory_space<vmem_shared>> -> memref<10240x128xf32, #tpu.memory_space<vmem_shared>>
    tpu.wait_indirect_dma semaphore(%arg15 : memref<!tpu.dma_semaphore, #tpu.memory_space<semaphore_mem>>) src(%dma_wait3A_507 : memref<16x128xf32, #tpu.memory_space<vmem>>) dst(%dma_wait3A_510 : memref<10240x128xf32, #tpu.memory_space<vmem_shared>>)
    %dma_wait3A_511 = arith.constant 48 : i32
    %dma_wait3A_512 = arith.constant 0 : i32
    %dma_wait3A_513 = tpu.memref_slice %arg7[%dma_wait3A_511, %dma_wait3A_512] : memref<64x128xf32, #tpu.memory_space<vmem>> -> memref<16x128xf32, #tpu.memory_space<vmem>>
    %dma_wait3A_514 = arith.constant 0 : i32
    %dma_wait3A_515 = arith.constant 0 : i32
    %dma_wait3A_516 = tpu.memref_slice %arg19[%dma_wait3A_514, %dma_wait3A_515] : memref<10240x128xf32, #tpu.memory_space<vmem_shared>> -> memref<10240x128xf32, #tpu.memory_space<vmem_shared>>
    tpu.wait_indirect_dma semaphore(%arg15 : memref<!tpu.dma_semaphore, #tpu.memory_space<semaphore_mem>>) src(%dma_wait3A_513 : memref<16x128xf32, #tpu.memory_space<vmem>>) dst(%dma_wait3A_516 : memref<10240x128xf32, #tpu.memory_space<vmem_shared>>)
    %get3A_517 = arith.constant 0 : index
    %get3A_518 = tpu.vector_load %arg6[%get3A_517] {strides = array<i32>} : memref<2560xi32, #tpu.memory_space<vmem>>, vector<16xi32>,
    %get3A_519 = vector.shape_cast %get3A_518 : vector<16xi32> to vector<16xi32>
    %dma_wait3A_520 = arith.constant 0 : i32
    %dma_wait3A_521 = arith.constant 0 : i32
    %dma_wait3A_522 = tpu.memref_slice %arg8[%dma_wait3A_520, %dma_wait3A_521] : memref<64x128xf32, #tpu.memory_space<vmem>> -> memref<16x128xf32, #tpu.memory_space<vmem>>
    %dma_wait3A_523 = arith.constant 0 : i32
    %dma_wait3A_524 = arith.constant 0 : i32
    %dma_wait3A_525 = tpu.memref_slice %arg19[%dma_wait3A_523, %dma_wait3A_524] : memref<10240x128xf32, #tpu.memory_space<vmem_shared>> -> memref<10240x128xf32, #tpu.memory_space<vmem_shared>>
    tpu.wait_indirect_dma semaphore(%arg16 : memref<!tpu.dma_semaphore, #tpu.memory_space<semaphore_mem>>) src(%dma_wait3A_522 : memref<16x128xf32, #tpu.memory_space<vmem>>) dst(%dma_wait3A_525 : memref<10240x128xf32, #tpu.memory_space<vmem_shared>>)
    %dma_wait3A_526 = arith.constant 16 : i32
    %dma_wait3A_527 = arith.constant 0 : i32
    %dma_wait3A_528 = tpu.memref_slice %arg8[%dma_wait3A_526, %dma_wait3A_527] : memref<64x128xf32, #tpu.memory_space<vmem>> -> memref<16x128xf32, #tpu.memory_space<vmem>>
    %dma_wait3A_529 = arith.constant 0 : i32
    %dma_wait3A_530 = arith.constant 0 : i32
    %dma_wait3A_531 = tpu.memref_slice %arg19[%dma_wait3A_529, %dma_wait3A_530] : memref<10240x128xf32, #tpu.memory_space<vmem_shared>> -> memref<10240x128xf32, #tpu.memory_space<vmem_shared>>
    tpu.wait_indirect_dma semaphore(%arg16 : memref<!tpu.dma_semaphore, #tpu.memory_space<semaphore_mem>>) src(%dma_wait3A_528 : memref<16x128xf32, #tpu.memory_space<vmem>>) dst(%dma_wait3A_531 : memref<10240x128xf32, #tpu.memory_space<vmem_shared>>)
    %dma_wait3A_532 = arith.constant 32 : i32
    %dma_wait3A_533 = arith.constant 0 : i32
    %dma_wait3A_534 = tpu.memref_slice %arg8[%dma_wait3A_532, %dma_wait3A_533] : memref<64x128xf32, #tpu.memory_space<vmem>> -> memref<16x128xf32, #tpu.memory_space<vmem>>
    %dma_wait3A_535 = arith.constant 0 : i32
    %dma_wait3A_536 = arith.constant 0 : i32
    %dma_wait3A_537 = tpu.memref_slice %arg19[%dma_wait3A_535, %dma_wait3A_536] : memref<10240x128xf32, #tpu.memory_space<vmem_shared>> -> memref<10240x128xf32, #tpu.memory_space<vmem_shared>>
    tpu.wait_indirect_dma semaphore(%arg16 : memref<!tpu.dma_semaphore, #tpu.memory_space<semaphore_mem>>) src(%dma_wait3A_534 : memref<16x128xf32, #tpu.memory_space<vmem>>) dst(%dma_wait3A_537 : memref<10240x128xf32, #tpu.memory_space<vmem_shared>>)
    %dma_wait3A_538 = arith.constant 48 : i32
    %dma_wait3A_539 = arith.constant 0 : i32
    %dma_wait3A_540 = tpu.memref_slice %arg8[%dma_wait3A_538, %dma_wait3A_539] : memref<64x128xf32, #tpu.memory_space<vmem>> -> memref<16x128xf32, #tpu.memory_space<vmem>>
    %dma_wait3A_541 = arith.constant 0 : i32
    %dma_wait3A_542 = arith.constant 0 : i32
    %dma_wait3A_543 = tpu.memref_slice %arg19[%dma_wait3A_541, %dma_wait3A_542] : memref<10240x128xf32, #tpu.memory_space<vmem_shared>> -> memref<10240x128xf32, #tpu.memory_space<vmem_shared>>
    tpu.wait_indirect_dma semaphore(%arg16 : memref<!tpu.dma_semaphore, #tpu.memory_space<semaphore_mem>>) src(%dma_wait3A_540 : memref<16x128xf32, #tpu.memory_space<vmem>>) dst(%dma_wait3A_543 : memref<10240x128xf32, #tpu.memory_space<vmem_shared>>)
    %get3A_544 = arith.constant 0 : index
    %get3A_545 = tpu.vector_load %arg6[%get3A_544] {strides = array<i32>} : memref<2560xi32, #tpu.memory_space<vmem>>, vector<16xi32>,
    %get3A_546 = vector.shape_cast %get3A_545 : vector<16xi32> to vector<16xi32>
    %dma_wait3A_547 = arith.constant 0 : i32
    %dma_wait3A_548 = arith.constant 0 : i32
    %dma_wait3A_549 = tpu.memref_slice %arg9[%dma_wait3A_547, %dma_wait3A_548] : memref<64x128xf32, #tpu.memory_space<vmem>> -> memref<16x128xf32, #tpu.memory_space<vmem>>
    %dma_wait3A_550 = arith.constant 0 : i32
    %dma_wait3A_551 = arith.constant 0 : i32
    %dma_wait3A_552 = tpu.memref_slice %arg19[%dma_wait3A_550, %dma_wait3A_551] : memref<10240x128xf32, #tpu.memory_space<vmem_shared>> -> memref<10240x128xf32, #tpu.memory_space<vmem_shared>>
    tpu.wait_indirect_dma semaphore(%arg17 : memref<!tpu.dma_semaphore, #tpu.memory_space<semaphore_mem>>) src(%dma_wait3A_549 : memref<16x128xf32, #tpu.memory_space<vmem>>) dst(%dma_wait3A_552 : memref<10240x128xf32, #tpu.memory_space<vmem_shared>>)
    %dma_wait3A_553 = arith.constant 16 : i32
    %dma_wait3A_554 = arith.constant 0 : i32
    %dma_wait3A_555 = tpu.memref_slice %arg9[%dma_wait3A_553, %dma_wait3A_554] : memref<64x128xf32, #tpu.memory_space<vmem>> -> memref<16x128xf32, #tpu.memory_space<vmem>>
    %dma_wait3A_556 = arith.constant 0 : i32
    %dma_wait3A_557 = arith.constant 0 : i32
    %dma_wait3A_558 = tpu.memref_slice %arg19[%dma_wait3A_556, %dma_wait3A_557] : memref<10240x128xf32, #tpu.memory_space<vmem_shared>> -> memref<10240x128xf32, #tpu.memory_space<vmem_shared>>
    tpu.wait_indirect_dma semaphore(%arg17 : memref<!tpu.dma_semaphore, #tpu.memory_space<semaphore_mem>>) src(%dma_wait3A_555 : memref<16x128xf32, #tpu.memory_space<vmem>>) dst(%dma_wait3A_558 : memref<10240x128xf32, #tpu.memory_space<vmem_shared>>)
    %dma_wait3A_559 = arith.constant 32 : i32
    %dma_wait3A_560 = arith.constant 0 : i32
    %dma_wait3A_561 = tpu.memref_slice %arg9[%dma_wait3A_559, %dma_wait3A_560] : memref<64x128xf32, #tpu.memory_space<vmem>> -> memref<16x128xf32, #tpu.memory_space<vmem>>
    %dma_wait3A_562 = arith.constant 0 : i32
    %dma_wait3A_563 = arith.constant 0 : i32
    %dma_wait3A_564 = tpu.memref_slice %arg19[%dma_wait3A_562, %dma_wait3A_563] : memref<10240x128xf32, #tpu.memory_space<vmem_shared>> -> memref<10240x128xf32, #tpu.memory_space<vmem_shared>>
    tpu.wait_indirect_dma semaphore(%arg17 : memref<!tpu.dma_semaphore, #tpu.memory_space<semaphore_mem>>) src(%dma_wait3A_561 : memref<16x128xf32, #tpu.memory_space<vmem>>) dst(%dma_wait3A_564 : memref<10240x128xf32, #tpu.memory_space<vmem_shared>>)
    %dma_wait3A_565 = arith.constant 48 : i32
    %dma_wait3A_566 = arith.constant 0 : i32
    %dma_wait3A_567 = tpu.memref_slice %arg9[%dma_wait3A_565, %dma_wait3A_566] : memref<64x128xf32, #tpu.memory_space<vmem>> -> memref<16x128xf32, #tpu.memory_space<vmem>>
    %dma_wait3A_568 = arith.constant 0 : i32
    %dma_wait3A_569 = arith.constant 0 : i32
    %dma_wait3A_570 = tpu.memref_slice %arg19[%dma_wait3A_568, %dma_wait3A_569] : memref<10240x128xf32, #tpu.memory_space<vmem_shared>> -> memref<10240x128xf32, #tpu.memory_space<vmem_shared>>
    tpu.wait_indirect_dma semaphore(%arg17 : memref<!tpu.dma_semaphore, #tpu.memory_space<semaphore_mem>>) src(%dma_wait3A_567 : memref<16x128xf32, #tpu.memory_space<vmem>>) dst(%dma_wait3A_570 : memref<10240x128xf32, #tpu.memory_space<vmem_shared>>)
    %get3A_571 = arith.constant 0 : index
    %get3A_572 = tpu.vector_load %arg6[%get3A_571] {strides = array<i32>} : memref<2560xi32, #tpu.memory_space<vmem>>, vector<16xi32>,
    %get3A_573 = vector.shape_cast %get3A_572 : vector<16xi32> to vector<16xi32>
    %dma_wait3A_574 = arith.constant 0 : i32
    %dma_wait3A_575 = arith.constant 0 : i32
    %dma_wait3A_576 = tpu.memref_slice %arg10[%dma_wait3A_574, %dma_wait3A_575] : memref<64x128xf32, #tpu.memory_space<vmem>> -> memref<16x128xf32, #tpu.memory_space<vmem>>
    %dma_wait3A_577 = arith.constant 0 : i32
    %dma_wait3A_578 = arith.constant 0 : i32
    %dma_wait3A_579 = tpu.memref_slice %arg19[%dma_wait3A_577, %dma_wait3A_578] : memref<10240x128xf32, #tpu.memory_space<vmem_shared>> -> memref<10240x128xf32, #tpu.memory_space<vmem_shared>>
    tpu.wait_indirect_dma semaphore(%arg18 : memref<!tpu.dma_semaphore, #tpu.memory_space<semaphore_mem>>) src(%dma_wait3A_576 : memref<16x128xf32, #tpu.memory_space<vmem>>) dst(%dma_wait3A_579 : memref<10240x128xf32, #tpu.memory_space<vmem_shared>>)
    %dma_wait3A_580 = arith.constant 16 : i32
    %dma_wait3A_581 = arith.constant 0 : i32
    %dma_wait3A_582 = tpu.memref_slice %arg10[%dma_wait3A_580, %dma_wait3A_581] : memref<64x128xf32, #tpu.memory_space<vmem>> -> memref<16x128xf32, #tpu.memory_space<vmem>>
    %dma_wait3A_583 = arith.constant 0 : i32
    %dma_wait3A_584 = arith.constant 0 : i32
    %dma_wait3A_585 = tpu.memref_slice %arg19[%dma_wait3A_583, %dma_wait3A_584] : memref<10240x128xf32, #tpu.memory_space<vmem_shared>> -> memref<10240x128xf32, #tpu.memory_space<vmem_shared>>
    tpu.wait_indirect_dma semaphore(%arg18 : memref<!tpu.dma_semaphore, #tpu.memory_space<semaphore_mem>>) src(%dma_wait3A_582 : memref<16x128xf32, #tpu.memory_space<vmem>>) dst(%dma_wait3A_585 : memref<10240x128xf32, #tpu.memory_space<vmem_shared>>)
    %dma_wait3A_586 = arith.constant 32 : i32
    %dma_wait3A_587 = arith.constant 0 : i32
    %dma_wait3A_588 = tpu.memref_slice %arg10[%dma_wait3A_586, %dma_wait3A_587] : memref<64x128xf32, #tpu.memory_space<vmem>> -> memref<16x128xf32, #tpu.memory_space<vmem>>
    %dma_wait3A_589 = arith.constant 0 : i32
    %dma_wait3A_590 = arith.constant 0 : i32
    %dma_wait3A_591 = tpu.memref_slice %arg19[%dma_wait3A_589, %dma_wait3A_590] : memref<10240x128xf32, #tpu.memory_space<vmem_shared>> -> memref<10240x128xf32, #tpu.memory_space<vmem_shared>>
    tpu.wait_indirect_dma semaphore(%arg18 : memref<!tpu.dma_semaphore, #tpu.memory_space<semaphore_mem>>) src(%dma_wait3A_588 : memref<16x128xf32, #tpu.memory_space<vmem>>) dst(%dma_wait3A_591 : memref<10240x128xf32, #tpu.memory_space<vmem_shared>>)
    %dma_wait3A_592 = arith.constant 48 : i32
    %dma_wait3A_593 = arith.constant 0 : i32
    %dma_wait3A_594 = tpu.memref_slice %arg10[%dma_wait3A_592, %dma_wait3A_593] : memref<64x128xf32, #tpu.memory_space<vmem>> -> memref<16x128xf32, #tpu.memory_space<vmem>>
    %dma_wait3A_595 = arith.constant 0 : i32
    %dma_wait3A_596 = arith.constant 0 : i32
    %dma_wait3A_597 = tpu.memref_slice %arg19[%dma_wait3A_595, %dma_wait3A_596] : memref<10240x128xf32, #tpu.memory_space<vmem_shared>> -> memref<10240x128xf32, #tpu.memory_space<vmem_shared>>
    tpu.wait_indirect_dma semaphore(%arg18 : memref<!tpu.dma_semaphore, #tpu.memory_space<semaphore_mem>>) src(%dma_wait3A_594 : memref<16x128xf32, #tpu.memory_space<vmem>>) dst(%dma_wait3A_597 : memref<10240x128xf32, #tpu.memory_space<vmem_shared>>)
    %barrier3A_598 = arith.constant 0 : index
    tpu.barrier barrier_id(%barrier3A_598)
    %mul3A_599 = arith.constant 640 : i32
    %mul3A_600 = arith.muli %arg1, %mul3A_599 : i32
    %mul3A_601 = arith.constant 640 : i32
    %mul3A_602 = arith.muli %arg1, %mul3A_601 : i32
    "tpu.region"() ({
      %run_scoped3A_603 = tpu.sem_alloc : memref<!tpu.dma_semaphore, #tpu.memory_space<semaphore_mem>>
      %dma_start3A_604 = arith.constant 0 : i32
      %dma_start3A_605 = tpu.memref_slice %arg4[%arg0, %mul3A_602, %dma_start3A_604] : memref<2x10240x128xf32, #tpu.memory_space<hbm>> -> memref<1x640x128xf32, #tpu.memory_space<hbm>>
      %dma_start3A_606 = tpu.memref_squeeze %dma_start3A_605 : memref<1x640x128xf32, #tpu.memory_space<hbm>> -> memref<640x128xf32, #tpu.memory_space<hbm>>
      %dma_start3A_607 = arith.constant 0 : i32
      %dma_start3A_608 = tpu.memref_slice %arg19[%mul3A_600, %dma_start3A_607] : memref<10240x128xf32, #tpu.memory_space<vmem_shared>> -> memref<640x128xf32, #tpu.memory_space<vmem_shared>>
      tpu.enqueue_dma source(%dma_start3A_608 : memref<640x128xf32, #tpu.memory_space<vmem_shared>>) target(%dma_start3A_606 : memref<640x128xf32, #tpu.memory_space<hbm>>) target_semaphore(%run_scoped3A_603 : memref<!tpu.dma_semaphore, #tpu.memory_space<semaphore_mem>>)
      %dma_wait3A_609 = arith.constant 0 : i32
      %dma_wait3A_610 = tpu.memref_slice %arg4[%arg0, %mul3A_602, %dma_wait3A_609] : memref<2x10240x128xf32, #tpu.memory_space<hbm>> -> memref<1x640x128xf32, #tpu.memory_space<hbm>>
      %dma_wait3A_611 = tpu.memref_squeeze %dma_wait3A_610 : memref<1x640x128xf32, #tpu.memory_space<hbm>> -> memref<640x128xf32, #tpu.memory_space<hbm>>
      %dma_wait3A_612 = arith.constant 0 : i32
      %dma_wait3A_613 = tpu.memref_slice %arg19[%mul3A_600, %dma_wait3A_612] : memref<10240x128xf32, #tpu.memory_space<vmem_shared>> -> memref<640x128xf32, #tpu.memory_space<vmem_shared>>
      tpu.wait_dma2 semaphore(%run_scoped3A_603 : memref<!tpu.dma_semaphore, #tpu.memory_space<semaphore_mem>>) src(%dma_wait3A_613 : memref<640x128xf32, #tpu.memory_space<vmem_shared>>) dst(%dma_wait3A_611 : memref<640x128xf32, #tpu.memory_space<hbm>>)
      tpu.yield
    }) : () -> ()
    return
  }
}

module attributes {stable_mosaic.version = 14 : i64} {
  func.func @_tc_body(%arg0: memref<10000x128xf32, #tpu.memory_space<vmem>>, %arg1: memref<2x10240x128xf32, #tpu.memory_space<vmem>>, %arg2: memref<128x128xf32, #tpu.memory_space<vmem>>, %arg3: memref<1x128xf32, #tpu.memory_space<vmem>>, %arg4: memref<128x128xf32, #tpu.memory_space<vmem>>, %arg5: memref<1x128xf32, #tpu.memory_space<vmem>>, %arg6: memref<1x128xf32, #tpu.memory_space<vmem>>, %arg7: memref<1x128xf32, #tpu.memory_space<vmem>>, %arg8: memref<10000x128xf32, #tpu.memory_space<vmem>>) attributes {dimension_semantics = [], scalar_prefetch = 0 : i64, scratch_operands = 0 : i64, tpu.core_type = #tpu.core_type<tc>} {
    %get3A = arith.constant 0 : index
    %get3A_0 = arith.constant 0 : index
    %get3A_1 = vector.load %arg0[%get3A, %get3A_0] : memref<10000x128xf32, #tpu.memory_space<vmem>>, vector<10000x128xf32>
    %get3A_2 = arith.constant 0 : index
    %get3A_3 = arith.constant 0 : index
    %get3A_4 = arith.constant 0 : index
    %get3A_5 = vector.load %arg1[%get3A_2, %get3A_3, %get3A_4] : memref<2x10240x128xf32, #tpu.memory_space<vmem>>, vector<1x10000x128xf32>
    %get3A_6 = vector.shape_cast %get3A_5 : vector<1x10000x128xf32> to vector<10000x128xf32>
    %add3A = arith.addf %get3A_1, %get3A_6 : vector<10000x128xf32>
    %get3A_7 = arith.constant 1 : index
    %get3A_8 = arith.constant 0 : index
    %get3A_9 = arith.constant 0 : index
    %get3A_10 = vector.load %arg1[%get3A_7, %get3A_8, %get3A_9] : memref<2x10240x128xf32, #tpu.memory_space<vmem>>, vector<1x10000x128xf32>
    %get3A_11 = vector.shape_cast %get3A_10 : vector<1x10000x128xf32> to vector<10000x128xf32>
    %add3A_12 = arith.addf %add3A, %get3A_11 : vector<10000x128xf32>
    %get3A_13 = arith.constant 0 : index
    %get3A_14 = arith.constant 0 : index
    %get3A_15 = vector.load %arg2[%get3A_13, %get3A_14] : memref<128x128xf32, #tpu.memory_space<vmem>>, vector<128x128xf32>
    %dot_general3A = arith.constant dense<0.000000e+00> : vector<10000x128xf32>
    %dot_general3A_16 = tpu.matmul %add3A_12, %get3A_15, %dot_general3A {dimension_numbers = #tpu.dot_dimension_numbers<[1], [0], [0], [1], [0, 0, 1, 1], [], []>, transpose_lhs_hint = false} : vector<10000x128xf32>, vector<128x128xf32>, vector<10000x128xf32> -> vector<10000x128xf32>
    %get3A_17 = arith.constant 0 : index
    %get3A_18 = arith.constant 0 : index
    %get3A_19 = vector.load %arg3[%get3A_17, %get3A_18] : memref<1x128xf32, #tpu.memory_space<vmem>>, vector<1x128xf32>
    %add3A_20 = vector.broadcast %get3A_19 : vector<1x128xf32> to vector<10000x128xf32>
    %add3A_21 = arith.addf %dot_general3A_16, %add3A_20 : vector<10000x128xf32>
    %max3A = arith.constant 0.000000e+00 : f32
    %max3A_22 = vector.broadcast %max3A : f32 to vector<10000x128xf32>
    %max3A_23 = arith.maximumf %add3A_21, %max3A_22 : vector<10000x128xf32>
    %get3A_24 = arith.constant 0 : index
    %get3A_25 = arith.constant 0 : index
    %get3A_26 = vector.load %arg4[%get3A_24, %get3A_25] : memref<128x128xf32, #tpu.memory_space<vmem>>, vector<128x128xf32>
    %dot_general3A_27 = arith.constant dense<0.000000e+00> : vector<10000x128xf32>
    %dot_general3A_28 = tpu.matmul %max3A_23, %get3A_26, %dot_general3A_27 {dimension_numbers = #tpu.dot_dimension_numbers<[1], [0], [0], [1], [0, 0, 1, 1], [], []>, transpose_lhs_hint = false} : vector<10000x128xf32>, vector<128x128xf32>, vector<10000x128xf32> -> vector<10000x128xf32>
    %get3A_29 = arith.constant 0 : index
    %get3A_30 = arith.constant 0 : index
    %get3A_31 = vector.load %arg5[%get3A_29, %get3A_30] : memref<1x128xf32, #tpu.memory_space<vmem>>, vector<1x128xf32>
    %add3A_32 = vector.broadcast %get3A_31 : vector<1x128xf32> to vector<10000x128xf32>
    %add3A_33 = arith.addf %dot_general3A_28, %add3A_32 : vector<10000x128xf32>
    %reduce_sum3A = arith.constant dense<0.000000e+00> : vector<128xf32>
    %reduce_sum3A_34 = vector.multi_reduction <add>, %add3A_33, %reduce_sum3A [0] : vector<10000x128xf32> to vector<128xf32>
    %broadcast_in_dim3A = vector.shape_cast %reduce_sum3A_34 : vector<128xf32> to vector<1x128xf32>
    %div3A = arith.constant 1.000000e+04 : f32
    %div3A_35 = vector.broadcast %div3A : f32 to vector<1x128xf32>
    %div3A_36 = arith.divf %broadcast_in_dim3A, %div3A_35 : vector<1x128xf32>
    %sub3A = vector.broadcast %div3A_36 : vector<1x128xf32> to vector<10000x128xf32>
    %sub3A_37 = arith.subf %add3A_33, %sub3A : vector<10000x128xf32>
    %integer_pow3A = arith.mulf %sub3A_37, %sub3A_37 : vector<10000x128xf32>
    %reduce_sum3A_38 = arith.constant dense<0.000000e+00> : vector<128xf32>
    %reduce_sum3A_39 = vector.multi_reduction <add>, %integer_pow3A, %reduce_sum3A_38 [0] : vector<10000x128xf32> to vector<128xf32>
    %broadcast_in_dim3A_40 = vector.shape_cast %reduce_sum3A_39 : vector<128xf32> to vector<1x128xf32>
    %div3A_41 = arith.constant 1.000000e+04 : f32
    %div3A_42 = vector.broadcast %div3A_41 : f32 to vector<1x128xf32>
    %div3A_43 = arith.divf %broadcast_in_dim3A_40, %div3A_42 : vector<1x128xf32>
    %sub3A_44 = vector.broadcast %div3A_36 : vector<1x128xf32> to vector<10000x128xf32>
    %sub3A_45 = arith.subf %add3A_33, %sub3A_44 : vector<10000x128xf32>
    %add3A_46 = arith.constant 9.99999974E-6 : f32
    %add3A_47 = vector.broadcast %add3A_46 : f32 to vector<1x128xf32>
    %add3A_48 = arith.addf %div3A_43, %add3A_47 : vector<1x128xf32>
    %rsqrt3A = math.rsqrt %add3A_48 : vector<1x128xf32>
    %mul3A = vector.broadcast %rsqrt3A : vector<1x128xf32> to vector<10000x128xf32>
    %mul3A_49 = arith.mulf %sub3A_45, %mul3A : vector<10000x128xf32>
    %get3A_50 = arith.constant 0 : index
    %get3A_51 = arith.constant 0 : index
    %get3A_52 = vector.load %arg6[%get3A_50, %get3A_51] : memref<1x128xf32, #tpu.memory_space<vmem>>, vector<1x128xf32>
    %mul3A_53 = vector.broadcast %get3A_52 : vector<1x128xf32> to vector<10000x128xf32>
    %mul3A_54 = arith.mulf %mul3A_49, %mul3A_53 : vector<10000x128xf32>
    %get3A_55 = arith.constant 0 : index
    %get3A_56 = arith.constant 0 : index
    %get3A_57 = vector.load %arg7[%get3A_55, %get3A_56] : memref<1x128xf32, #tpu.memory_space<vmem>>, vector<1x128xf32>
    %add3A_58 = vector.broadcast %get3A_57 : vector<1x128xf32> to vector<10000x128xf32>
    %add3A_59 = arith.addf %mul3A_54, %add3A_58 : vector<10000x128xf32>
    %add3A_60 = arith.addf %add3A_59, %get3A_1 : vector<10000x128xf32>
    %swap3A = arith.constant 0 : index
    %swap3A_61 = arith.constant 0 : index
    %swap3A_62 = vector.load %arg8[%swap3A, %swap3A_61] : memref<10000x128xf32, #tpu.memory_space<vmem>>, vector<10000x128xf32>
    tpu.vector_store %arg8[%swap3A, %swap3A_61], %add3A_60 {strides = array<i32>} : memref<10000x128xf32, #tpu.memory_space<vmem>>, vector<10000x128xf32>,
    return
  }
}

</mosaic_0001>

<sc_bundles>
// kernel: kernel.4.cloned.1.call-start
scs
__scs_entry_jumppad:
0x0: {  	(pc) =	sbr.rel $0x88, $3  }
0x1: {  	(tag) =	ssettag $0x0;
	lr =	simm.s32 $0x1  }
0x2: {  	[smem:$0x3F99] =	sst lr;
	_ =	strace $0xD0000000  }
0x3: {  	_ = 	snop  }
0x4: {  	_ = 	snop  }
0x5: {  	_ = 	snop  }
0x6: {  	_ = 	snop  }
0x7: {  	_ = 	snop  }
__scs_overlays_trampoline_lowered:
0x8: {  	[smem:$0x3FA8] =	sst s0  }
0x9: {  	[smem:$0x3FA9] =	sst s1  }
0xa: {  	[smem:$0x3FAA] =	sst s2  }
0xb: {  	[smem:$0x3FAB] =	sst s3  }
0xc: {  	[smem:$0x3FAC] =	sst s4  }
0xd: {  	[smem:$0x3FAD] =	sst s5  }
0xe: {  	[smem:$0x3FAE] =	sst s6  }
0xf: {  	[smem:$0x3FAF] =	sst s7  }
0x10: {  	[smem:$0x3FB0] =	sst s8  }
0x11: {  	[smem:$0x3FB1] =	sst s9;
	s0 =	simm.s32 @!p0 $0x0  }
0x12: {  	s1 =	sld [smem:$0x3F97];
	s0 =	simm.s32 @p0 $0x1  }
0x13: {  	[smem:$0x3FB2] =	sst s0;
	s0 =	simm.s32 @!p1 $0x0  }
0x14: {  	s2 =	sld [smem:$0x3F96];
	s0 =	simm.s32 @p1 $0x1  }
0x15: {  	[smem:$0x3FB3] =	sst s0;
	s0 =	simm.s32 @!p2 $0x0  }
0x16: {  	s3 =	sld [smem:$0x3FDB];
	s0 =	simm.s32 @p2 $0x1  }
0x17: {  	s4 =	simm.s32 $0x1BF5;
	[smem:$0x3FB5] =	sst s0  }
0x18: {  	s0 =	sld [smem:$0x3F98];
	_ =	swait.ge [sflag:s4], $0x0  }
0x19: {  	s7 =	sld [smem:$0x3F99]  }
0x1a: {  	s8 =	sadd.s32 $0xFFFFE003, lr  }
0x1b: {  	s9 =	sadd.s32 $0xFFFFFEF7, lr;
	s5 =	simm.s32 $0xFFFFFFFF;
	p2 =	slt.u32 s8, $0xFFFFF086  }
0x1c: {  	p1 =	slt.u32 s9, $0xF7A;
	s5 =	simm.s32 @!p2 $0x0  }
0x1d: {  	s5 =	simm.s32 @p1 $0x1;
	p0 =	seq.s32 s7, s2  }
0x1e: {  	s7 =	smul.u32 @!p0 $0xF7A, s2;
	p2 =	seq.s32 @!p0 s5, $0x0  }
0x1f: {  	s9 =	smul.u32 $0xF7A, s1;
	s8 =	simm.s32 @!p0 $0x1BF5;
	p2 =	por !p2, p0  }
0x20: {  	[sflag:s8] =	ssyncset.s32 @!p0 $0xFFFFF086;
	s6 =	sadd.s32 @!p0 s3, s7;
	s7 =	simm.s32 @!p0 $0x108  }
0x21: {  	s3 =	sadd.s32 s3, s9;
	s6 =	sadd.s32 @!p0 $0x88, s6;
	s7 =	simm.s32 @p2 $0x1082  }
0x22: {  	[simem:s7], [sflag:s8] =	dma.local @!p0 [hbm:s6], $0xF7A  }
0x23: {  	s9 =	sor.u32 $0xD0000000, s2;
	s6 =	simm.s32 $0x108;
	_ =	swait.ge @!p0 [sflag:s8], $0x0  }
0x24: {  	s3 =	sadd.s32 $0x88, s3;
	s6 =	simm.s32 @!p1 $0x1082;
	[sflag:s4] =	ssyncset.s32 $0xFFFFF086  }
0x25: {  	[simem:s6], [sflag:s4] =	dma.local [hbm:s3], $0xF7A  }
0x26: {  	[smem:$0x3F99] =	sst s1;
	(tag) =	ssettag s2;
	_ =	strace s9  }
0x27: {  	s1 =	sld [smem:$0x3FA9]  }
0x28: {  	s2 =	sld [smem:$0x3FAA]  }
0x29: {  	s4 =	sld [smem:$0x3FAC]  }
0x2a: {  	p0 =	seq.s32 s5, $0x0;
	s5 =	sld [smem:$0x3FAD]  }
0x2b: {  	s6 =	sld [smem:$0x3FAE]  }
0x2c: {  	s7 =	sld [smem:$0x3FAF]  }
0x2d: {  	s3 =	simm.s32 $0x108;
	s8 =	sld [smem:$0x3FB0]  }
0x2e: {  	s3 =	simm.s32 @!p0 $0x1082;
	s9 =	sld [smem:$0x3FB1]  }
0x2f: {  	lr =	sadd.s32 s0, s3;
	s0 =	sld [smem:$0x3FA8]  }
0x30: {  	s3 =	sld [smem:$0x3FAB]  }
0x31: {  	[smem:$0x3FB4] =	sst s10  }
0x32: {  	s10 =	sld [smem:$0x3FB2];
	_ =	sdelay $0x3  }
0x33: {  	p0 =	seq.s32 s10, $0x1;
	s10 =	sld [smem:$0x3FB4];
	_ =	sdelay $0x3  }
0x34: {  	[smem:$0x3FB4] =	sst s10  }
0x35: {  	s10 =	sld [smem:$0x3FB3];
	_ =	sdelay $0x3  }
0x36: {  	p1 =	seq.s32 s10, $0x1;
	s10 =	sld [smem:$0x3FB4];
	_ =	sdelay $0x3  }
0x37: {  	[smem:$0x3FB4] =	sst s10  }
0x38: {  	s10 =	sld [smem:$0x3FB5]  }
0x39: {  	_ = 	snop;
	(pc) =	sbr.ind lr, $3  }
0x3a: {  	_ = 	snop  }
0x3b: {  	_ = 	snop  }
0x3c: {  	p2 =	seq.s32 s10, $0x1;
	s10 =	sld [smem:$0x3FB4]  }
0x3d: {  	_ =	shalt  }
0x3e: {  	_ =	shalt  }
0x3f: {  	_ =	shalt  }
0x40: {  	_ =	shalt  }
0x41: {  	_ =	shalt  }
0x42: {  	_ =	shalt  }
0x43: {  	_ =	shalt  }
0x44: {  	_ =	shalt  }
0x45: {  	_ =	shalt  }
0x46: {  	_ =	shalt  }
0x47: {  	_ =	shalt  }
0x48: {  	_ =	shalt  }
0x49: {  	_ =	shalt  }
0x4a: {  	_ =	shalt  }
0x4b: {  	_ =	shalt  }
0x4c: {  	_ =	shalt  }
0x4d: {  	_ =	shalt  }
0x4e: {  	_ =	shalt  }
0x4f: {  	_ =	shalt  }
0x50: {  	_ =	shalt  }
0x51: {  	_ =	shalt  }
0x52: {  	_ =	shalt  }
0x53: {  	_ =	shalt  }
0x54: {  	_ =	shalt  }
0x55: {  	_ =	shalt  }
0x56: {  	_ =	shalt  }
0x57: {  	_ =	shalt  }
0x58: {  	_ =	shalt  }
0x59: {  	_ =	shalt  }
0x5a: {  	_ =	shalt  }
0x5b: {  	_ =	shalt  }
0x5c: {  	_ =	shalt  }
0x5d: {  	_ =	shalt  }
0x5e: {  	_ =	shalt  }
0x5f: {  	_ =	shalt  }
0x60: {  	_ =	shalt  }
0x61: {  	_ =	shalt  }
0x62: {  	_ =	shalt  }
0x63: {  	_ =	shalt  }
0x64: {  	_ =	shalt  }
0x65: {  	_ =	shalt  }
0x66: {  	_ =	shalt  }
0x67: {  	_ =	shalt  }
0x68: {  	_ =	shalt  }
0x69: {  	_ =	shalt  }
0x6a: {  	_ =	shalt  }
0x6b: {  	_ =	shalt  }
0x6c: {  	_ =	shalt  }
0x6d: {  	_ =	shalt  }
0x6e: {  	_ =	shalt  }
0x6f: {  	_ =	shalt  }
0x70: {  	_ =	shalt  }
0x71: {  	_ =	shalt  }
0x72: {  	_ =	shalt  }
0x73: {  	_ =	shalt  }
0x74: {  	_ =	shalt  }
0x75: {  	_ =	shalt  }
0x76: {  	_ =	shalt  }
0x77: {  	_ =	shalt  }
0x78: {  	_ =	shalt  }
0x79: {  	_ =	shalt  }
0x7a: {  	_ =	shalt  }
0x7b: {  	_ =	shalt  }
0x7c: {  	_ =	shalt  }
0x7d: {  	_ =	shalt  }
0x7e: {  	_ =	shalt  }
0x7f: {  	_ =	shalt  }
0x80: {  	_ =	shalt  }
0x81: {  	_ =	shalt  }
0x82: {  	_ =	shalt  }
0x83: {  	_ =	shalt  }
0x84: {  	_ =	shalt  }
0x85: {  	_ =	shalt  }
0x86: {  	_ =	shalt  }
0x87: {  	_ =	shalt  }
.Lfunc_end0:
.L_simem_size_0:
called_computation_lowered:
.L_overlay_start_0:
0x88: {  	s2 =	sld [smem:$0x3FD9]  }
0x89: {  	s3 =	sld [smem:$0x3FFE];
	_ =	sdelay $0x1  }
0x8a: {  	s1 =	srdreg.scid  }
0x8b: {  	s0 =	sand.u32 $0x1, s1  }
0x8c: {  	s17 =	sshll.u32 s0, $0xA;
	s2 =	sadd.s32 s3, s2  }
0x8d: {  	s2 =	sadd.s32 s2, s17  }
0x8e: {  	[smem:$0x3FC0] =	sst s2  }
0x8f: {  	_ = 	snop  }
0x90: {  	s2 =	sld [smem:$0x3FC9]  }
0x91: {  	s18 =	sld [smem:$0x3FD0];
	(tm) =	ssettm $0x1  }
0x92: {  	s4 =	sld [smem:$0x3FFB];
	_ =	sdelay $0x3  }
0x93: {  	_ =	strace s4  }
0x94: {  	s4 =	sld [smem:$0x3FFC];
	_ =	sdelay $0x3  }
0x95: {  	_ =	strace s4  }
0x96: {  	s4 =	sld [smem:$0x3FFD];
	_ =	sdelay $0x3  }
0x97: {  	_ =	strace s4  }
0x98: {  	_ =	strace $0x8FFFFFFF  }
0x99: {  	s19 =	sld [smem:$0x3FDB];
	_ =	sdelay $0x1  }
0x9a: {  	s5 =	simm.s32 $_scs_section_size  }
0x9b: {  	s6 =	simm.s32 $_size__tile_overlayer_lowered;
	s7 =	simm.s32 $_tile_overlayer_lowered  }
0x9c: {  	s22 =	simm.s32 $0x1BFF;
	s21 =	sshll.u32 s7, $0x1;
	s4 =	sadd.s32 s5, s19  }
0x9d: {  	s8 =	simm.s32 $0x0;
	s20 =	sshll.u32 s6, $0x1;
	s6 =	sadd.s32 s21, s4  }
0x9e: {  	[timem:s8], [sflag:s22] =	dma.local [hbm:s6], s20  }
0x9f: {  	_ =	swait.ge [sflag:s22], s20  }
0xa0: {  	s5 =	ssub.s32 $0x0, s20;
	[sflag:s22] =	ssyncset.done $0x0  }
0xa1: {  	[sflag:s22] =	ssyncadd.s32 s5;
	_ =	sdelay $0x1  }
0xa2: {  	s23 =	simm.s32 $0x1B8B  }
0xa3: {  	_ =	swait.ge [sflag:s23], $0x1  }
0xa4: {  	[sflag:s23] =	ssyncset.done $0x0  }
0xa5: {  	s25 =	simm.s32 $0x1B8E;
	s24 =	sld [smem:$0x3FFE];
	[sflag:s23] =	ssyncadd.s32 $0xFFFFFFFF  }
0xa6: {  	s26 =	simm.s32 $execute0_lowered;
	[smem:$0x3FD2] =	sst s25  }
0xa7: {  	s6 =	sshll.u32 s26, $0x1;
	_ =	strace $0x80000046;
	[dreg:$0x1] =	wrdreg $0xFFFFFFFF  }
0xa8: {  	s28 =	simm.s32 $_size_execute0_lowered;
	s4 =	sadd.s32 s4, s6;
	[dreg:$0x0] =	wrdreg $0x0  }
0xa9: {  	s6 =	sshll.u32 s28, $0x1;
	[dreg:$0x2] =	wrdreg s4  }
0xaa: {  	[dreg:$0x3] =	wrdreg s6  }
0xab: {  	[dreg:$0x4] =	wrdreg $0xC0  }
0xac: {  	_ =	task [dreg:s8], $0x5FFFF  }
0xad: {  	[dreg:$0x1] =	wrdreg $0xFFFFFFFF  }
0xae: {  	[dreg:$0x0] =	wrdreg $0x60  }
0xaf: {  	[dreg:$0x2] =	wrdreg s18  }
0xb0: {  	[dreg:$0x3] =	wrdreg s2  }
0xb1: {  	[dreg:$0x4] =	wrdreg s24  }
0xb2: {  	[dreg:$0x5] =	wrdreg $0x94000  }
0xb3: {  	[dreg:$0x6] =	wrdreg $0x9  }
0xb4: {  	_ =	task.clear_ibuf [dreg:s8], $0x7FFFF;
	_ =	strace $0x90000046  }
0xb5: {  	s29 =	simm.s32 $0x9;
	_ =	strace $0x80000048  }
0xb6: {  	_ =	swait.ge [sflag:s29], $0x1  }
0xb7: {  	[sflag:s29] =	ssyncadd.s32 $0xFFFFFFFF  }
0xb8: {  	_ =	strace $0x90000048  }
0xb9: {  	_ =	sfence  }
0xba: {  	s30 =	sld [smem:$0x0];
	_ =	sdelay $0x2  }
0xbb: {  	s31 =	sshll.u32 s1, $0xD;
	s1 =	sshrl.u32 s1, $0x2  }
0xbc: {  	s3 =	sand.u32 $0x4000, s31;
	s1 =	sadd.s32 s1, s30  }
0xbd: {  	s0 =	sor.u32 s3, s0;
	s1 =	sshll.u32 s1, $0x11  }
0xbe: {  	s0 =	sor.u32 s1, s0  }
0xbf: {  	s0 =	sadd.s32 $0x8F2B, s0  }
0xc0: {  	[sflag:s0] =	ssyncadd.remote.s32 $0x1  }
0xc1: {  	_ =	sfence.sel $0xFFFF  }
0xc2: {  	[dreg:$0x0] =	wrdreg $0xFFFFFFFF;
	(pc) =	sbr.abs _section_cstart, $3  }
0xc3: {  	[dreg:$0x1] =	wrdreg $0xFFFFFFFF  }
0xc4: {  	_ =	task.clear_ibuf [dreg:s8], $0x2FFFF;
	_ =	strace $0x9FFFFFFF  }
0xc5: {  	(tm) =	ssettm $0x7FFFFFFF  }
tec
execute0_lowered:
.L_overlay_start_1:
0x0: {  	(tag) =	ssettag $0x1  }
0x1: {  	s0 =	rddreg [dreg:$0x0]  }
0x2: {  	s1 =	rddreg [dreg:$0x1]  }
0x3: {  	s2 =	srdreg.scid;
	s5 =	rddreg [dreg:$0x2]  }
0x4: {  	s8 =	stileid.u32;
	s3 =	rddreg [dreg:$0x3]  }
0x5: {  	s7 =	simm.s32 $0x0;
	s31 =	simm.s32 $0x40;
	s6 =	smul.u32 $0x14000, s8  }
0x6: {  	s9 =	simm.s32 $0x2C00;
	s2 =	sand.u32 $0x1, s2;
	s11 =	smul.u32 $0x50000, s8  }
0x7: {  	s10 =	simm.s32 $0x2;
	[smem:$0x7FF] =	sst s7;
	s4 =	smul.u32 $0x140000, s2  }
0x8: {  	s8 =	sshll.u32 s8, $0x1;
	s7 =	simm.s32 $0x1C00;
	_ =	strace $0x80000047  }
0x9: {  	s12 =	ssub.s32 $0x2, s2;
	s4 =	sadd.s32 s6, s4;
	s6 =	sshrl.u32 s11, $0x2  }
0xa: {  	s2 =	sor.u32 s2, s8;
	s8 =	simm.s32 $0x2400;
	s24 =	sadd.s32 s6, s3  }
0xb: {  	s13 =	sshrl.u32 s12, $0x1;
	s6 =	sadd.s32 $0x2000, s24;
	[dreg:$0x5] =	wrdreg s24  }
0xc: {  	s2 =	smul.u32 $0x5000, s2;
	s14 =	sadd.s32 $0x4000, s24;
	[dreg:$0x6] =	wrdreg s6  }
0xd: {  	s11 =	simm.s32 $0x3C00;
	s15 =	sadd.s32 $0x6000, s24;
	[dreg:$0x7] =	wrdreg s14  }
0xe: {  	s4 =	sshrl.u32 s4, $0x3;
	s16 =	sadd.s32 $0x8000, s24;
	[dreg:$0x8] =	wrdreg s15  }
0xf: {  	s2 =	sshrl.u32 s2, $0x3;
	s17 =	sadd.s32 $0xA000, s24;
	[dreg:$0x9] =	wrdreg s16  }
0x10: {  	s4 =	sadd.s32 s4, s5;
	s18 =	sadd.s32 $0xC000, s24;
	[dreg:$0xa] =	wrdreg s17  }
0x11: {  	s5 =	ssub.s32 s12, s13;
	s19 =	sadd.s32 $0xE000, s24;
	[dreg:$0xb] =	wrdreg s18  }
0x12: {  	s20 =	sadd.s32 $0x10000, s24;
	s21 =	sadd.s32 $0x12000, s24;
	[dreg:$0xc] =	wrdreg s19  }
0x13: {  	s0 =	sadd.s32 s0, s2;
	s12 =	simm.s32 $0x4400;
	[dreg:$0xd] =	wrdreg s20  }
0x14: {  	s13 =	simm.s32 $0x4C00;
	[dreg:$0xe] =	wrdreg s21;
	s2 =	sadd.s32 $0x10, s0  }
0x15: {  	s22 =	sadd.s32 $0x280, s0;
	s23 =	sadd.s32 $0x290, s0;
	[dreg:$0xf] =	wrdreg s0  }
0x16: {  	s25 =	sadd.s32 $0x500, s0;
	s26 =	sadd.s32 $0x510, s0;
	[dreg:$0x10] =	wrdreg s2  }
0x17: {  	s28 =	sadd.s32 $0x780, s0;
	s0 =	sadd.s32 $0x790, s0;
	[dreg:$0x11] =	wrdreg s22  }
0x18: {  	s29 =	sadd.s32 $0x1A00, s4;
	s30 =	smax.u32 s5, $0x1;
	[dreg:$0x12] =	wrdreg s23  }
0x19: {  	s4 =	simm.s32 $0x7400;
	s6 =	simm.s32 $0x1;
	[dreg:$0x13] =	wrdreg s25  }
0x1a: {  	s14 =	simm.s32 $0x3;
	s16 =	simm.s32 $0x5C00;
	[dreg:$0x14] =	wrdreg s26  }
0x1b: {  	s17 =	simm.s32 $0x6400;
	s18 =	simm.s32 $0x6C00;
	[dreg:$0x15] =	wrdreg s28  }
0x1c: {  	s19 =	simm.s32 $0x4;
	s20 =	simm.s32 $0x7C00;
	[dreg:$0x16] =	wrdreg s0  }
0x1d: {  	s21 =	simm.s32 $0x8400;
	s15 =	simm.s32 $0x0;
	[dreg:$0x17] =	wrdreg s29  }
0x1e: {  	[dreg:$0x18] =	wrdreg s30;
	s25 =	simm.s32 $0x1400;
	s26 =	simm.s32 $0x9  }
0x1f: {  	v0 =	vimm.f32 $0.0e+00;
	vm0 =	vmmov $0xffff;
	s2 =	simm.s32 $0x3400;
	s0 =	simm.s32 $0x5400;
	s22 =	simm.s32 $0x8C00  }
.LBB2_1:
0x20: {  	s30 =	simm.s32 $0x0  }
0x21: {  	s5 =	sand.u32 $0x7E00, s30  }
0x22: {  	[dreg:$0x19] =	wrdreg s15;
	s28 =	sand.u32 $0x70, s30;
	s29 =	sshrl.u32 s5, $0x2  }
0x23: {  	s5 =	simm.s32 $0x40;
	s29 =	sor.u32 s28, s29;
	s28 =	simm.s32 $0x0  }
.LBB2_2:
0x24: {  	p0 =	sne.s32 s5, $0x7FC0  }
0x25: {  	[tilespmem:s29+$0x1400] =	vst v0;
	s28 =	sadd.s32 $0x10, s28;
	s29 =	smov.u32 s5;
	s5 =	sadd.s32 $0x40, s5  }
.Ltmp0:
0x26: {  	(pc) =	sbr.rel @p0 .LBB2_2-.Ltmp0, $4  }
0x27: {  	_ = 	snop  }
0x28: {  	s29 =	sand.u32 $0x7E00, s29  }
0x29: {  	s23 =	sand.u32 $0x70, s28;
	s29 =	sshrl.u32 s29, $0x2  }
0x2a: {  	s29 =	sor.u32 s23, s29  }
0x2b: {  	[tilespmem:s29+$0x1400] =	vst v0  }
0x2c: {  	[spmem:s24] =	stream.linear.scatter [tilespmem:s25], [sflag:$0x9], $0x2000, $0x38;
	[tilespmem:$0x1D400] =	vst v63  }
0x2d: {  	_ =	swait.ge [sflag:s26], $0x2000  }
0x2e: {  	[sflag:s26] =	ssyncset.done $0x0  }
0x2f: {  	s5 =	rddreg [dreg:$0x6];
	[sflag:s26] =	ssyncadd.s32 $0xFFFFE000  }
0x30: {  	[spmem:s5] =	stream.linear.scatter [tilespmem:s25], [sflag:$0x9], $0x2000, $0x38;
	[tilespmem:$0x1D400] =	vst v63  }
0x31: {  	_ =	swait.ge [sflag:s26], $0x2000  }
0x32: {  	[sflag:s26] =	ssyncset.done $0x0  }
0x33: {  	s30 =	rddreg [dreg:$0x7];
	[sflag:s26] =	ssyncadd.s32 $0xFFFFE000  }
0x34: {  	[spmem:s30] =	stream.linear.scatter [tilespmem:s25], [sflag:$0x9], $0x2000, $0x38;
	[tilespmem:$0x1D400] =	vst v63  }
0x35: {  	_ =	swait.ge [sflag:s26], $0x2000  }
0x36: {  	[sflag:s26] =	ssyncset.done $0x0  }
0x37: {  	s15 =	rddreg [dreg:$0x8];
	[sflag:s26] =	ssyncadd.s32 $0xFFFFE000  }
0x38: {  	[spmem:s15] =	stream.linear.scatter [tilespmem:s25], [sflag:$0x9], $0x2000, $0x38;
	[tilespmem:$0x1D400] =	vst v63  }
0x39: {  	_ =	swait.ge [sflag:s26], $0x2000  }
0x3a: {  	[sflag:s26] =	ssyncset.done $0x0  }
0x3b: {  	s23 =	rddreg [dreg:$0x9];
	[sflag:s26] =	ssyncadd.s32 $0xFFFFE000  }
0x3c: {  	[spmem:s23] =	stream.linear.scatter [tilespmem:s25], [sflag:$0x9], $0x2000, $0x38;
	[tilespmem:$0x1D400] =	vst v63  }
0x3d: {  	_ =	swait.ge [sflag:s26], $0x2000  }
0x3e: {  	[sflag:s26] =	ssyncset.done $0x0  }
0x3f: {  	s24 =	rddreg [dreg:$0xa];
	[sflag:s26] =	ssyncadd.s32 $0xFFFFE000  }
0x40: {  	[spmem:s24] =	stream.linear.scatter [tilespmem:s25], [sflag:$0x9], $0x2000, $0x38;
	[tilespmem:$0x1D400] =	vst v63  }
0x41: {  	_ =	swait.ge [sflag:s26], $0x2000  }
0x42: {  	[sflag:s26] =	ssyncset.done $0x0  }
0x43: {  	s30 =	rddreg [dreg:$0xb];
	[sflag:s26] =	ssyncadd.s32 $0xFFFFE000  }
0x44: {  	[spmem:s30] =	stream.linear.scatter [tilespmem:s25], [sflag:$0x9], $0x2000, $0x38;
	[tilespmem:$0x1D400] =	vst v63  }
0x45: {  	_ =	swait.ge [sflag:s26], $0x2000  }
0x46: {  	[sflag:s26] =	ssyncset.done $0x0  }
0x47: {  	s15 =	rddreg [dreg:$0xc];
	[sflag:s26] =	ssyncadd.s32 $0xFFFFE000  }
0x48: {  	[spmem:s15] =	stream.linear.scatter [tilespmem:s25], [sflag:$0x9], $0x2000, $0x38;
	[tilespmem:$0x1D400] =	vst v63  }
0x49: {  	_ =	swait.ge [sflag:s26], $0x2000  }
0x4a: {  	[sflag:s26] =	ssyncset.done $0x0  }
0x4b: {  	s23 =	rddreg [dreg:$0xd];
	[sflag:s26] =	ssyncadd.s32 $0xFFFFE000  }
0x4c: {  	[spmem:s23] =	stream.linear.scatter [tilespmem:s25], [sflag:$0x9], $0x2000, $0x38;
	[tilespmem:$0x1D400] =	vst v63  }
0x4d: {  	_ =	swait.ge [sflag:s26], $0x2000  }
0x4e: {  	[sflag:s26] =	ssyncset.done $0x0  }
0x4f: {  	s24 =	rddreg [dreg:$0xe];
	[sflag:s26] =	ssyncadd.s32 $0xFFFFE000  }
0x50: {  	[spmem:s24] =	stream.linear.scatter [tilespmem:s25], [sflag:$0x9], $0x2000, $0x38;
	[tilespmem:$0x1D400] =	vst v63  }
0x51: {  	_ =	swait.ge [sflag:s26], $0x2000  }
0x52: {  	[sflag:s26] =	ssyncset.done $0x0  }
0x53: {  	[sflag:s26] =	ssyncadd.s32 $0xFFFFE000  }
0x54: {  	s29 =	simm.s32 $0x0;
	[bflag:$0x0] =	sbarrier.arrive $0xFFFF  }
0x55: {  	s15 =	simm.s32 $0x80;
	s23 =	simm.s32 $0x100;
	s30 =	rddreg [dreg:$0xf]  }
0x56: {  	[tilespmem:s29], [sflag:$0x9] =	stream.strided.gather [hbm4b:s30+s15], $0xA00, s23, s15, $0x38;
	[tilespmem:$0x1D400] =	vst v63  }
0x57: {  	_ =	swait.ge [sflag:s26], $0xA00  }
0x58: {  	[sflag:s26] =	ssyncset.done $0x0  }
0x59: {  	s30 =	simm.s32 $0xA00;
	s24 =	rddreg [dreg:$0x10];
	[sflag:s26] =	ssyncadd.s32 $0xFFFFF600  }
0x5a: {  	[tilespmem:s30], [sflag:$0x9] =	stream.strided.gather [hbm4b:s24+s15], $0xA00, s23, s15, $0x38;
	[tilespmem:$0x1D400] =	vst v63  }
0x5b: {  	_ =	swait.ge [sflag:s26], $0xA00  }
0x5c: {  	[sflag:s26] =	ssyncset.done $0x0  }
0x5d: {  	[sflag:s26] =	ssyncadd.s32 $0xFFFFF600  }
0x5e: {  	[tilespmem:s25], [sflag:$0x1] =	stream.indirect.gather [hbm4b:s1+s31], $0x80, s29, s31, $0xb8;
	[tilespmem:$0x1D400] =	vst v63  }
0x5f: {  	_ = 	snop  }
0x60: {  	[tilespmem:s2], [sflag:$0x2] =	stream.indirect.gather [hbm4b:s1+s31], $0x80, s31, s31, $0xb8;
	[tilespmem:$0x1D400] =	vst v63  }
0x61: {  	s28 =	simm.s32 $0xC0  }
0x62: {  	[tilespmem:s0], [sflag:$0x3] =	stream.indirect.gather [hbm4b:s1+s31], $0x80, s15, s31, $0xb8;
	[tilespmem:$0x1D400] =	vst v63  }
.LBB2_4:
0x63: {  	p0 =	seq.s32 s29, $0x0  }
0x64: {  	s23 =	simm.s32 @!p0 $0x8  }
0x65: {  	_ =	swait.ge @!p0 [sflag:s23], $0x800  }
0x66: {  	[sflag:s23] =	ssyncset.done @!p0 $0x0  }
0x67: {  	[sflag:s23] =	ssyncadd.s32 @!p0 $0xFFFFF800  }
0x68: {  	_ =	swait.ge @!p0 [sflag:s23], $0x800  }
0x69: {  	[sflag:s23] =	ssyncset.done @!p0 $0x0  }
0x6a: {  	[sflag:s23] =	ssyncadd.s32 @!p0 $0xFFFFF800  }
0x6b: {  	_ =	swait.ge @!p0 [sflag:s23], $0x800  }
0x6c: {  	[sflag:s23] =	ssyncset.done @!p0 $0x0  }
0x6d: {  	[sflag:s23] =	ssyncadd.s32 @!p0 $0xFFFFF800  }
0x6e: {  	_ =	swait.ge @!p0 [sflag:s23], $0x800  }
0x6f: {  	s5 =	sshra.s32 s29, $0x2;
	[sflag:s23] =	ssyncset.done @!p0 $0x0  }
0x70: {  	s15 =	sadd.s32 $0xC0, s5;
	[sflag:s23] =	ssyncadd.s32 @!p0 $0xFFFFF800  }
0x71: {  	[tilespmem:s4], [sflag:$0x4] =	stream.indirect.gather [hbm4b:s1+s31], $0x80, s15, s31, $0xb8;
	[tilespmem:$0x1D400] =	vst v63  }
0x72: {  	_ =	swait.ge [sflag:s6], $0x2000  }
0x73: {  	[sflag:s6] =	ssyncset.done $0x0  }
0x74: {  	[sflag:s6] =	ssyncadd.s32 $0xFFFFE000  }
0x75: {  	v1 =	vld [tilespmem:s5+$0xA00];
	_ =	sdelay $0x7  }
0x76: {  	[spmem:s3] =	stream.indirect_vreg.scatter.add.f32 [tilespmem:s25], [sflag:$0x5], $0x80, v1, vm0, $0xb8;
	[tilespmem:$0x1D400] =	vst v63  }
0x77: {  	v1 =	vld [tilespmem:s5+$0xA10];
	_ =	sdelay $0x7  }
0x78: {  	[spmem:s3] =	stream.indirect_vreg.scatter.add.f32 [tilespmem:s7], [sflag:$0x5], $0x80, v1, vm0, $0xb8;
	[tilespmem:$0x1D400] =	vst v63  }
0x79: {  	v1 =	vld [tilespmem:s5+$0xA20];
	_ =	sdelay $0x7  }
0x7a: {  	[spmem:s3] =	stream.indirect_vreg.scatter.add.f32 [tilespmem:s8], [sflag:$0x5], $0x80, v1, vm0, $0xb8;
	[tilespmem:$0x1D400] =	vst v63  }
0x7b: {  	v1 =	vld [tilespmem:s5+$0xA30];
	_ =	sdelay $0x5  }
0x7c: {  	p0 =	seq.s32 s29, $0x2400  }
0x7d: {  	s23 =	simm.s32 @!p0 $0x5  }
0x7e: {  	[spmem:s3] =	stream.indirect_vreg.scatter.add.f32 [tilespmem:s9], [sflag:$0x5], $0x80, v1, vm0, $0xb8;
	[tilespmem:$0x1D400] =	vst v63  }
0x7f: {  	_ =	swait.ge @!p0 [sflag:s23], $0x800  }
0x80: {  	[sflag:s23] =	ssyncset.done @!p0 $0x0  }
0x81: {  	[sflag:s23] =	ssyncadd.s32 @!p0 $0xFFFFF800  }
0x82: {  	_ =	swait.ge @!p0 [sflag:s23], $0x800  }
0x83: {  	[sflag:s23] =	ssyncset.done @!p0 $0x0  }
0x84: {  	[sflag:s23] =	ssyncadd.s32 @!p0 $0xFFFFF800  }
0x85: {  	_ =	swait.ge @!p0 [sflag:s23], $0x800  }
0x86: {  	[sflag:s23] =	ssyncset.done @!p0 $0x0  }
0x87: {  	[sflag:s23] =	ssyncadd.s32 @!p0 $0xFFFFF800  }
0x88: {  	_ =	swait.ge @!p0 [sflag:s23], $0x800  }
0x89: {  	[sflag:s23] =	ssyncset.done @!p0 $0x0  }
0x8a: {  	[sflag:s23] =	ssyncadd.s32 @!p0 $0xFFFFF800;
	s23 =	sshra.s32 @!p0 s29, $0x2  }
0x8b: {  	s15 =	simm.s32 @!p0 $0x40;
	s30 =	simm.s32 @!p0 $0x1400;
	s24 =	sadd.s32 @!p0 $0x100, s23  }
0x8c: {  	[tilespmem:s30], [sflag:$0x1] =	stream.indirect.gather @!p0 [hbm4b:s1+s15], $0x80, s24, s15, $0xb8;
	[tilespmem:$0x1D400] =	vst v63  }
0x8d: {  	_ =	swait.ge [sflag:s10], $0x2000  }
0x8e: {  	[sflag:s10] =	ssyncset.done $0x0  }
0x8f: {  	[sflag:s10] =	ssyncadd.s32 $0xFFFFE000  }
0x90: {  	v1 =	vld [tilespmem:s5+$0xA40];
	_ =	sdelay $0x7  }
0x91: {  	[spmem:s3] =	stream.indirect_vreg.scatter.add.f32 [tilespmem:s2], [sflag:$0x6], $0x80, v1, vm0, $0xb8;
	[tilespmem:$0x1D400] =	vst v63  }
0x92: {  	v1 =	vld [tilespmem:s5+$0xA50];
	_ =	sdelay $0x7  }
0x93: {  	[spmem:s3] =	stream.indirect_vreg.scatter.add.f32 [tilespmem:s11], [sflag:$0x6], $0x80, v1, vm0, $0xb8;
	[tilespmem:$0x1D400] =	vst v63  }
0x94: {  	v1 =	vld [tilespmem:s5+$0xA60];
	_ =	sdelay $0x7  }
0x95: {  	[spmem:s3] =	stream.indirect_vreg.scatter.add.f32 [tilespmem:s12], [sflag:$0x6], $0x80, v1, vm0, $0xb8;
	[tilespmem:$0x1D400] =	vst v63  }
0x96: {  	v1 =	vld [tilespmem:s5+$0xA70];
	_ =	sdelay $0x6  }
0x97: {  	s24 =	simm.s32 @!p0 $0x6  }
0x98: {  	[spmem:s3] =	stream.indirect_vreg.scatter.add.f32 [tilespmem:s13], [sflag:$0x6], $0x80, v1, vm0, $0xb8;
	[tilespmem:$0x1D400] =	vst v63  }
0x99: {  	_ =	swait.ge @!p0 [sflag:s24], $0x800  }
0x9a: {  	[sflag:s24] =	ssyncset.done @!p0 $0x0  }
0x9b: {  	[sflag:s24] =	ssyncadd.s32 @!p0 $0xFFFFF800  }
0x9c: {  	_ =	swait.ge @!p0 [sflag:s24], $0x800  }
0x9d: {  	[sflag:s24] =	ssyncset.done @!p0 $0x0  }
0x9e: {  	[sflag:s24] =	ssyncadd.s32 @!p0 $0xFFFFF800  }
0x9f: {  	_ =	swait.ge @!p0 [sflag:s24], $0x800  }
0xa0: {  	[sflag:s24] =	ssyncset.done @!p0 $0x0  }
0xa1: {  	[sflag:s24] =	ssyncadd.s32 @!p0 $0xFFFFF800  }
0xa2: {  	_ =	swait.ge @!p0 [sflag:s24], $0x800  }
0xa3: {  	[sflag:s24] =	ssyncset.done @!p0 $0x0  }
0xa4: {  	s30 =	simm.s32 @!p0 $0x3400;
	[sflag:s24] =	ssyncadd.s32 @!p0 $0xFFFFF800;
	s24 =	sadd.s32 @!p0 $0x140, s23  }
0xa5: {  	[tilespmem:s30], [sflag:$0x2] =	stream.indirect.gather @!p0 [hbm4b:s1+s15], $0x80, s24, s15, $0xb8;
	[tilespmem:$0x1D400] =	vst v63  }
0xa6: {  	_ =	swait.ge [sflag:s14], $0x2000  }
0xa7: {  	[sflag:s14] =	ssyncset.done $0x0  }
0xa8: {  	[sflag:s14] =	ssyncadd.s32 $0xFFFFE000  }
0xa9: {  	v1 =	vld [tilespmem:s5+$0xA80];
	_ =	sdelay $0x7  }
0xaa: {  	[spmem:s3] =	stream.indirect_vreg.scatter.add.f32 [tilespmem:s0], [sflag:$0x7], $0x80, v1, vm0, $0xb8;
	[tilespmem:$0x1D400] =	vst v63  }
0xab: {  	v1 =	vld [tilespmem:s5+$0xA90];
	_ =	sdelay $0x7  }
0xac: {  	[spmem:s3] =	stream.indirect_vreg.scatter.add.f32 [tilespmem:s16], [sflag:$0x7], $0x80, v1, vm0, $0xb8;
	[tilespmem:$0x1D400] =	vst v63  }
0xad: {  	v1 =	vld [tilespmem:s5+$0xAA0];
	_ =	sdelay $0x7  }
0xae: {  	[spmem:s3] =	stream.indirect_vreg.scatter.add.f32 [tilespmem:s17], [sflag:$0x7], $0x80, v1, vm0, $0xb8;
	[tilespmem:$0x1D400] =	vst v63  }
0xaf: {  	v1 =	vld [tilespmem:s5+$0xAB0];
	_ =	sdelay $0x6  }
0xb0: {  	s24 =	simm.s32 @!p0 $0x7  }
0xb1: {  	[spmem:s3] =	stream.indirect_vreg.scatter.add.f32 [tilespmem:s18], [sflag:$0x7], $0x80, v1, vm0, $0xb8;
	[tilespmem:$0x1D400] =	vst v63  }
0xb2: {  	_ =	swait.ge @!p0 [sflag:s24], $0x800  }
0xb3: {  	[sflag:s24] =	ssyncset.done @!p0 $0x0  }
0xb4: {  	[sflag:s24] =	ssyncadd.s32 @!p0 $0xFFFFF800  }
0xb5: {  	_ =	swait.ge @!p0 [sflag:s24], $0x800  }
0xb6: {  	[sflag:s24] =	ssyncset.done @!p0 $0x0  }
0xb7: {  	[sflag:s24] =	ssyncadd.s32 @!p0 $0xFFFFF800  }
0xb8: {  	_ =	swait.ge @!p0 [sflag:s24], $0x800  }
0xb9: {  	[sflag:s24] =	ssyncset.done @!p0 $0x0  }
0xba: {  	[sflag:s24] =	ssyncadd.s32 @!p0 $0xFFFFF800  }
0xbb: {  	_ =	swait.ge @!p0 [sflag:s24], $0x800  }
0xbc: {  	[sflag:s24] =	ssyncset.done @!p0 $0x0  }
0xbd: {  	s23 =	sadd.s32 @!p0 $0x180, s23;
	[sflag:s24] =	ssyncadd.s32 @!p0 $0xFFFFF800;
	s24 =	simm.s32 @!p0 $0x5400  }
0xbe: {  	[tilespmem:s24], [sflag:$0x3] =	stream.indirect.gather @!p0 [hbm4b:s1+s15], $0x80, s23, s15, $0xb8;
	[tilespmem:$0x1D400] =	vst v63  }
0xbf: {  	_ =	swait.ge [sflag:s19], $0x2000  }
0xc0: {  	[sflag:s19] =	ssyncset.done $0x0  }
0xc1: {  	[sflag:s19] =	ssyncadd.s32 $0xFFFFE000  }
0xc2: {  	v1 =	vld [tilespmem:s5+$0xAC0];
	_ =	sdelay $0x6  }
0xc3: {  	s23 =	sor.u32 $0x50, s28  }
0xc4: {  	[spmem:s3] =	stream.indirect_vreg.scatter.add.f32 [tilespmem:s4], [sflag:$0x8], $0x80, v1, vm0, $0xb8;
	[tilespmem:$0x1D400] =	vst v63  }
0xc5: {  	v1 =	vld [tilespmem:s23+$0xA00];
	_ =	sdelay $0x6  }
0xc6: {  	s24 =	sor.u32 $0x60, s28  }
0xc7: {  	[spmem:s3] =	stream.indirect_vreg.scatter.add.f32 [tilespmem:s20], [sflag:$0x8], $0x80, v1, vm0, $0xb8;
	[tilespmem:$0x1D400] =	vst v63  }
0xc8: {  	v1 =	vld [tilespmem:s24+$0xA00];
	_ =	sdelay $0x6  }
0xc9: {  	s30 =	sor.u32 $0x70, s28  }
0xca: {  	[spmem:s3] =	stream.indirect_vreg.scatter.add.f32 [tilespmem:s21], [sflag:$0x8], $0x80, v1, vm0, $0xb8;
	[tilespmem:$0x1D400] =	vst v63  }
0xcb: {  	v1 =	vld [tilespmem:s30+$0xA00];
	_ =	sdelay $0x1  }
0xcc: {  	s29 =	sadd.s32 $0x400, s29  }
0xcd: {  	p0 =	sne.s32 s29, $0x2800  }
.Ltmp1:
0xce: {  	_ = 	snop;
	(pc) =	sbr.rel @p0 .LBB2_4-.Ltmp1, $3  }
0xcf: {  	_ =	sdelay $0x1  }
0xd0: {  	s28 =	sadd.s32 $0x100, s28  }
0xd1: {  	[spmem:s3] =	stream.indirect_vreg.scatter.add.f32 [tilespmem:s22], [sflag:$0x8], $0x80, v1, vm0, $0xb8;
	[tilespmem:$0x1D400] =	vst v63  }
0xd2: {  	s5 =	simm.s32 $0x5  }
0xd3: {  	_ =	swait.ge [sflag:s5], $0x800  }
0xd4: {  	[sflag:s5] =	ssyncset.done $0x0  }
0xd5: {  	[sflag:s5] =	ssyncadd.s32 $0xFFFFF800  }
0xd6: {  	_ =	swait.ge [sflag:s5], $0x800  }
0xd7: {  	[sflag:s5] =	ssyncset.done $0x0  }
0xd8: {  	[sflag:s5] =	ssyncadd.s32 $0xFFFFF800  }
0xd9: {  	_ =	swait.ge [sflag:s5], $0x800  }
0xda: {  	[sflag:s5] =	ssyncset.done $0x0  }
0xdb: {  	[sflag:s5] =	ssyncadd.s32 $0xFFFFF800  }
0xdc: {  	_ =	swait.ge [sflag:s5], $0x800  }
0xdd: {  	[sflag:s5] =	ssyncset.done $0x0  }
0xde: {  	s30 =	simm.s32 $0x6;
	[sflag:s5] =	ssyncadd.s32 $0xFFFFF800  }
0xdf: {  	_ =	swait.ge [sflag:s30], $0x800  }
0xe0: {  	[sflag:s30] =	ssyncset.done $0x0  }
0xe1: {  	[sflag:s30] =	ssyncadd.s32 $0xFFFFF800  }
0xe2: {  	_ =	swait.ge [sflag:s30], $0x800  }
0xe3: {  	[sflag:s30] =	ssyncset.done $0x0  }
0xe4: {  	[sflag:s30] =	ssyncadd.s32 $0xFFFFF800  }
0xe5: {  	_ =	swait.ge [sflag:s30], $0x800  }
0xe6: {  	[sflag:s30] =	ssyncset.done $0x0  }
0xe7: {  	[sflag:s30] =	ssyncadd.s32 $0xFFFFF800  }
0xe8: {  	_ =	swait.ge [sflag:s30], $0x800  }
0xe9: {  	[sflag:s30] =	ssyncset.done $0x0  }
0xea: {  	s15 =	simm.s32 $0x7;
	[sflag:s30] =	ssyncadd.s32 $0xFFFFF800  }
0xeb: {  	_ =	swait.ge [sflag:s15], $0x800  }
0xec: {  	[sflag:s15] =	ssyncset.done $0x0  }
0xed: {  	[sflag:s15] =	ssyncadd.s32 $0xFFFFF800  }
0xee: {  	_ =	swait.ge [sflag:s15], $0x800  }
0xef: {  	[sflag:s15] =	ssyncset.done $0x0  }
0xf0: {  	[sflag:s15] =	ssyncadd.s32 $0xFFFFF800  }
0xf1: {  	_ =	swait.ge [sflag:s15], $0x800  }
0xf2: {  	[sflag:s15] =	ssyncset.done $0x0  }
0xf3: {  	[sflag:s15] =	ssyncadd.s32 $0xFFFFF800  }
0xf4: {  	_ =	swait.ge [sflag:s15], $0x800  }
0xf5: {  	[sflag:s15] =	ssyncset.done $0x0  }
0xf6: {  	s23 =	simm.s32 $0x8;
	[sflag:s15] =	ssyncadd.s32 $0xFFFFF800  }
0xf7: {  	_ =	swait.ge [sflag:s23], $0x800  }
0xf8: {  	[sflag:s23] =	ssyncset.done $0x0  }
0xf9: {  	[sflag:s23] =	ssyncadd.s32 $0xFFFFF800  }
0xfa: {  	_ =	swait.ge [sflag:s23], $0x800  }
0xfb: {  	[sflag:s23] =	ssyncset.done $0x0  }
0xfc: {  	[sflag:s23] =	ssyncadd.s32 $0xFFFFF800  }
0xfd: {  	_ =	swait.ge [sflag:s23], $0x800  }
0xfe: {  	[sflag:s23] =	ssyncset.done $0x0  }
0xff: {  	[sflag:s23] =	ssyncadd.s32 $0xFFFFF800  }
0x100: {  	_ =	swait.ge [sflag:s23], $0x800  }
0x101: {  	s29 =	simm.s32 $0x0;
	s15 =	simm.s32 $0x80;
	[sflag:s23] =	ssyncset.done $0x0  }
0x102: {  	s24 =	rddreg [dreg:$0x11];
	[sflag:s23] =	ssyncadd.s32 $0xFFFFF800;
	s23 =	simm.s32 $0x100  }
0x103: {  	[tilespmem:s29], [sflag:$0x9] =	stream.strided.gather [hbm4b:s24+s15], $0xA00, s23, s15, $0x38;
	[tilespmem:$0x1D400] =	vst v63  }
0x104: {  	_ =	swait.ge [sflag:s26], $0xA00  }
0x105: {  	[sflag:s26] =	ssyncset.done $0x0  }
0x106: {  	s24 =	simm.s32 $0xA00;
	s30 =	rddreg [dreg:$0x12];
	[sflag:s26] =	ssyncadd.s32 $0xFFFFF600  }
0x107: {  	[tilespmem:s24], [sflag:$0x9] =	stream.strided.gather [hbm4b:s30+s15], $0xA00, s23, s15, $0x38;
	[tilespmem:$0x1D400] =	vst v63  }
0x108: {  	_ =	swait.ge [sflag:s26], $0xA00  }
0x109: {  	[sflag:s26] =	ssyncset.done $0x0  }
0x10a: {  	[sflag:s26] =	ssyncadd.s32 $0xFFFFF600  }
0x10b: {  	[tilespmem:s25], [sflag:$0x1] =	stream.indirect.gather [hbm4b:s1+s31], $0x80, s29, s31, $0xb8;
	[tilespmem:$0x1D400] =	vst v63  }
0x10c: {  	_ = 	snop  }
0x10d: {  	[tilespmem:s2], [sflag:$0x2] =	stream.indirect.gather [hbm4b:s1+s31], $0x80, s31, s31, $0xb8;
	[tilespmem:$0x1D400] =	vst v63  }
0x10e: {  	s28 =	simm.s32 $0xC0  }
0x10f: {  	[tilespmem:s0], [sflag:$0x3] =	stream.indirect.gather [hbm4b:s1+s31], $0x80, s15, s31, $0xb8;
	[tilespmem:$0x1D400] =	vst v63  }
.LBB2_6:
0x110: {  	p0 =	seq.s32 s29, $0x0  }
0x111: {  	s15 =	simm.s32 @!p0 $0x8  }
0x112: {  	_ =	swait.ge @!p0 [sflag:s15], $0x800  }
0x113: {  	[sflag:s15] =	ssyncset.done @!p0 $0x0  }
0x114: {  	[sflag:s15] =	ssyncadd.s32 @!p0 $0xFFFFF800  }
0x115: {  	_ =	swait.ge @!p0 [sflag:s15], $0x800  }
0x116: {  	[sflag:s15] =	ssyncset.done @!p0 $0x0  }
0x117: {  	[sflag:s15] =	ssyncadd.s32 @!p0 $0xFFFFF800  }
0x118: {  	_ =	swait.ge @!p0 [sflag:s15], $0x800  }
0x119: {  	[sflag:s15] =	ssyncset.done @!p0 $0x0  }
0x11a: {  	[sflag:s15] =	ssyncadd.s32 @!p0 $0xFFFFF800  }
0x11b: {  	_ =	swait.ge @!p0 [sflag:s15], $0x800  }
0x11c: {  	s5 =	sshra.s32 s29, $0x2;
	[sflag:s15] =	ssyncset.done @!p0 $0x0  }
0x11d: {  	s30 =	sadd.s32 $0xC0, s5;
	[sflag:s15] =	ssyncadd.s32 @!p0 $0xFFFFF800  }
0x11e: {  	[tilespmem:s4], [sflag:$0x4] =	stream.indirect.gather [hbm4b:s1+s31], $0x80, s30, s31, $0xb8;
	[tilespmem:$0x1D400] =	vst v63  }
0x11f: {  	_ =	swait.ge [sflag:s6], $0x2000  }
0x120: {  	[sflag:s6] =	ssyncset.done $0x0  }
0x121: {  	[sflag:s6] =	ssyncadd.s32 $0xFFFFE000  }
0x122: {  	v1 =	vld [tilespmem:s5+$0xA00];
	_ =	sdelay $0x7  }
0x123: {  	[spmem:s3] =	stream.indirect_vreg.scatter.add.f32 [tilespmem:s25], [sflag:$0x5], $0x80, v1, vm0, $0xb8;
	[tilespmem:$0x1D400] =	vst v63  }
0x124: {  	v1 =	vld [tilespmem:s5+$0xA10];
	_ =	sdelay $0x7  }
0x125: {  	[spmem:s3] =	stream.indirect_vreg.scatter.add.f32 [tilespmem:s7], [sflag:$0x5], $0x80, v1, vm0, $0xb8;
	[tilespmem:$0x1D400] =	vst v63  }
0x126: {  	v1 =	vld [tilespmem:s5+$0xA20];
	_ =	sdelay $0x7  }
0x127: {  	[spmem:s3] =	stream.indirect_vreg.scatter.add.f32 [tilespmem:s8], [sflag:$0x5], $0x80, v1, vm0, $0xb8;
	[tilespmem:$0x1D400] =	vst v63  }
0x128: {  	v1 =	vld [tilespmem:s5+$0xA30];
	_ =	sdelay $0x5  }
0x129: {  	p0 =	seq.s32 s29, $0x2400  }
0x12a: {  	s15 =	simm.s32 @!p0 $0x5  }
0x12b: {  	[spmem:s3] =	stream.indirect_vreg.scatter.add.f32 [tilespmem:s9], [sflag:$0x5], $0x80, v1, vm0, $0xb8;
	[tilespmem:$0x1D400] =	vst v63  }
0x12c: {  	_ =	swait.ge @!p0 [sflag:s15], $0x800  }
0x12d: {  	[sflag:s15] =	ssyncset.done @!p0 $0x0  }
0x12e: {  	[sflag:s15] =	ssyncadd.s32 @!p0 $0xFFFFF800  }
0x12f: {  	_ =	swait.ge @!p0 [sflag:s15], $0x800  }
0x130: {  	[sflag:s15] =	ssyncset.done @!p0 $0x0  }
0x131: {  	[sflag:s15] =	ssyncadd.s32 @!p0 $0xFFFFF800  }
0x132: {  	_ =	swait.ge @!p0 [sflag:s15], $0x800  }
0x133: {  	[sflag:s15] =	ssyncset.done @!p0 $0x0  }
0x134: {  	[sflag:s15] =	ssyncadd.s32 @!p0 $0xFFFFF800  }
0x135: {  	_ =	swait.ge @!p0 [sflag:s15], $0x800  }
0x136: {  	[sflag:s15] =	ssyncset.done @!p0 $0x0  }
0x137: {  	[sflag:s15] =	ssyncadd.s32 @!p0 $0xFFFFF800;
	s15 =	sshra.s32 @!p0 s29, $0x2  }
0x138: {  	s24 =	simm.s32 @!p0 $0x40;
	s30 =	simm.s32 @!p0 $0x1400;
	s23 =	sadd.s32 @!p0 $0x100, s15  }
0x139: {  	[tilespmem:s30], [sflag:$0x1] =	stream.indirect.gather @!p0 [hbm4b:s1+s24], $0x80, s23, s24, $0xb8;
	[tilespmem:$0x1D400] =	vst v63  }
0x13a: {  	_ =	swait.ge [sflag:s10], $0x2000  }
0x13b: {  	[sflag:s10] =	ssyncset.done $0x0  }
0x13c: {  	[sflag:s10] =	ssyncadd.s32 $0xFFFFE000  }
0x13d: {  	v1 =	vld [tilespmem:s5+$0xA40];
	_ =	sdelay $0x7  }
0x13e: {  	[spmem:s3] =	stream.indirect_vreg.scatter.add.f32 [tilespmem:s2], [sflag:$0x6], $0x80, v1, vm0, $0xb8;
	[tilespmem:$0x1D400] =	vst v63  }
0x13f: {  	v1 =	vld [tilespmem:s5+$0xA50];
	_ =	sdelay $0x7  }
0x140: {  	[spmem:s3] =	stream.indirect_vreg.scatter.add.f32 [tilespmem:s11], [sflag:$0x6], $0x80, v1, vm0, $0xb8;
	[tilespmem:$0x1D400] =	vst v63  }
0x141: {  	v1 =	vld [tilespmem:s5+$0xA60];
	_ =	sdelay $0x7  }
0x142: {  	[spmem:s3] =	stream.indirect_vreg.scatter.add.f32 [tilespmem:s12], [sflag:$0x6], $0x80, v1, vm0, $0xb8;
	[tilespmem:$0x1D400] =	vst v63  }
0x143: {  	v1 =	vld [tilespmem:s5+$0xA70];
	_ =	sdelay $0x6  }
0x144: {  	s23 =	simm.s32 @!p0 $0x6  }
0x145: {  	[spmem:s3] =	stream.indirect_vreg.scatter.add.f32 [tilespmem:s13], [sflag:$0x6], $0x80, v1, vm0, $0xb8;
	[tilespmem:$0x1D400] =	vst v63  }
0x146: {  	_ =	swait.ge @!p0 [sflag:s23], $0x800  }
0x147: {  	[sflag:s23] =	ssyncset.done @!p0 $0x0  }
0x148: {  	[sflag:s23] =	ssyncadd.s32 @!p0 $0xFFFFF800  }
0x149: {  	_ =	swait.ge @!p0 [sflag:s23], $0x800  }
0x14a: {  	[sflag:s23] =	ssyncset.done @!p0 $0x0  }
0x14b: {  	[sflag:s23] =	ssyncadd.s32 @!p0 $0xFFFFF800  }
0x14c: {  	_ =	swait.ge @!p0 [sflag:s23], $0x800  }
0x14d: {  	[sflag:s23] =	ssyncset.done @!p0 $0x0  }
0x14e: {  	[sflag:s23] =	ssyncadd.s32 @!p0 $0xFFFFF800  }
0x14f: {  	_ =	swait.ge @!p0 [sflag:s23], $0x800  }
0x150: {  	[sflag:s23] =	ssyncset.done @!p0 $0x0  }
0x151: {  	s30 =	simm.s32 @!p0 $0x3400;
	[sflag:s23] =	ssyncadd.s32 @!p0 $0xFFFFF800;
	s23 =	sadd.s32 @!p0 $0x140, s15  }
0x152: {  	[tilespmem:s30], [sflag:$0x2] =	stream.indirect.gather @!p0 [hbm4b:s1+s24], $0x80, s23, s24, $0xb8;
	[tilespmem:$0x1D400] =	vst v63  }
0x153: {  	_ =	swait.ge [sflag:s14], $0x2000  }
0x154: {  	[sflag:s14] =	ssyncset.done $0x0  }
0x155: {  	[sflag:s14] =	ssyncadd.s32 $0xFFFFE000  }
0x156: {  	v1 =	vld [tilespmem:s5+$0xA80];
	_ =	sdelay $0x7  }
0x157: {  	[spmem:s3] =	stream.indirect_vreg.scatter.add.f32 [tilespmem:s0], [sflag:$0x7], $0x80, v1, vm0, $0xb8;
	[tilespmem:$0x1D400] =	vst v63  }
0x158: {  	v1 =	vld [tilespmem:s5+$0xA90];
	_ =	sdelay $0x7  }
0x159: {  	[spmem:s3] =	stream.indirect_vreg.scatter.add.f32 [tilespmem:s16], [sflag:$0x7], $0x80, v1, vm0, $0xb8;
	[tilespmem:$0x1D400] =	vst v63  }
0x15a: {  	v1 =	vld [tilespmem:s5+$0xAA0];
	_ =	sdelay $0x7  }
0x15b: {  	[spmem:s3] =	stream.indirect_vreg.scatter.add.f32 [tilespmem:s17], [sflag:$0x7], $0x80, v1, vm0, $0xb8;
	[tilespmem:$0x1D400] =	vst v63  }
0x15c: {  	v1 =	vld [tilespmem:s5+$0xAB0];
	_ =	sdelay $0x6  }
0x15d: {  	s23 =	simm.s32 @!p0 $0x7  }
0x15e: {  	[spmem:s3] =	stream.indirect_vreg.scatter.add.f32 [tilespmem:s18], [sflag:$0x7], $0x80, v1, vm0, $0xb8;
	[tilespmem:$0x1D400] =	vst v63  }
0x15f: {  	_ =	swait.ge @!p0 [sflag:s23], $0x800  }
0x160: {  	[sflag:s23] =	ssyncset.done @!p0 $0x0  }
0x161: {  	[sflag:s23] =	ssyncadd.s32 @!p0 $0xFFFFF800  }
0x162: {  	_ =	swait.ge @!p0 [sflag:s23], $0x800  }
0x163: {  	[sflag:s23] =	ssyncset.done @!p0 $0x0  }
0x164: {  	[sflag:s23] =	ssyncadd.s32 @!p0 $0xFFFFF800  }
0x165: {  	_ =	swait.ge @!p0 [sflag:s23], $0x800  }
0x166: {  	[sflag:s23] =	ssyncset.done @!p0 $0x0  }
0x167: {  	[sflag:s23] =	ssyncadd.s32 @!p0 $0xFFFFF800  }
0x168: {  	_ =	swait.ge @!p0 [sflag:s23], $0x800  }
0x169: {  	[sflag:s23] =	ssyncset.done @!p0 $0x0  }
0x16a: {  	s15 =	sadd.s32 @!p0 $0x180, s15;
	[sflag:s23] =	ssyncadd.s32 @!p0 $0xFFFFF800;
	s23 =	simm.s32 @!p0 $0x5400  }
0x16b: {  	[tilespmem:s23], [sflag:$0x3] =	stream.indirect.gather @!p0 [hbm4b:s1+s24], $0x80, s15, s24, $0xb8;
	[tilespmem:$0x1D400] =	vst v63  }
0x16c: {  	_ =	swait.ge [sflag:s19], $0x2000  }
0x16d: {  	[sflag:s19] =	ssyncset.done $0x0  }
0x16e: {  	[sflag:s19] =	ssyncadd.s32 $0xFFFFE000  }
0x16f: {  	v1 =	vld [tilespmem:s5+$0xAC0];
	_ =	sdelay $0x6  }
0x170: {  	s23 =	sor.u32 $0x50, s28  }
0x171: {  	[spmem:s3] =	stream.indirect_vreg.scatter.add.f32 [tilespmem:s4], [sflag:$0x8], $0x80, v1, vm0, $0xb8;
	[tilespmem:$0x1D400] =	vst v63  }
0x172: {  	v1 =	vld [tilespmem:s23+$0xA00];
	_ =	sdelay $0x6  }
0x173: {  	s24 =	sor.u32 $0x60, s28  }
0x174: {  	[spmem:s3] =	stream.indirect_vreg.scatter.add.f32 [tilespmem:s20], [sflag:$0x8], $0x80, v1, vm0, $0xb8;
	[tilespmem:$0x1D400] =	vst v63  }
0x175: {  	v1 =	vld [tilespmem:s24+$0xA00];
	_ =	sdelay $0x6  }
0x176: {  	s30 =	sor.u32 $0x70, s28  }
0x177: {  	[spmem:s3] =	stream.indirect_vreg.scatter.add.f32 [tilespmem:s21], [sflag:$0x8], $0x80, v1, vm0, $0xb8;
	[tilespmem:$0x1D400] =	vst v63  }
0x178: {  	v1 =	vld [tilespmem:s30+$0xA00];
	_ =	sdelay $0x1  }
0x179: {  	s29 =	sadd.s32 $0x400, s29  }
0x17a: {  	p0 =	sne.s32 s29, $0x2800  }
.Ltmp2:
0x17b: {  	_ = 	snop;
	(pc) =	sbr.rel @p0 .LBB2_6-.Ltmp2, $3  }
0x17c: {  	_ =	sdelay $0x1  }
0x17d: {  	s28 =	sadd.s32 $0x100, s28  }
0x17e: {  	[spmem:s3] =	stream.indirect_vreg.scatter.add.f32 [tilespmem:s22], [sflag:$0x8], $0x80, v1, vm0, $0xb8;
	[tilespmem:$0x1D400] =	vst v63  }
0x17f: {  	s5 =	simm.s32 $0x5  }
0x180: {  	_ =	swait.ge [sflag:s5], $0x800  }
0x181: {  	[sflag:s5] =	ssyncset.done $0x0  }
0x182: {  	[sflag:s5] =	ssyncadd.s32 $0xFFFFF800  }
0x183: {  	_ =	swait.ge [sflag:s5], $0x800  }
0x184: {  	[sflag:s5] =	ssyncset.done $0x0  }
0x185: {  	[sflag:s5] =	ssyncadd.s32 $0xFFFFF800  }
0x186: {  	_ =	swait.ge [sflag:s5], $0x800  }
0x187: {  	[sflag:s5] =	ssyncset.done $0x0  }
0x188: {  	[sflag:s5] =	ssyncadd.s32 $0xFFFFF800  }
0x189: {  	_ =	swait.ge [sflag:s5], $0x800  }
0x18a: {  	[sflag:s5] =	ssyncset.done $0x0  }
0x18b: {  	s30 =	simm.s32 $0x6;
	[sflag:s5] =	ssyncadd.s32 $0xFFFFF800  }
0x18c: {  	_ =	swait.ge [sflag:s30], $0x800  }
0x18d: {  	[sflag:s30] =	ssyncset.done $0x0  }
0x18e: {  	[sflag:s30] =	ssyncadd.s32 $0xFFFFF800  }
0x18f: {  	_ =	swait.ge [sflag:s30], $0x800  }
0x190: {  	[sflag:s30] =	ssyncset.done $0x0  }
0x191: {  	[sflag:s30] =	ssyncadd.s32 $0xFFFFF800  }
0x192: {  	_ =	swait.ge [sflag:s30], $0x800  }
0x193: {  	[sflag:s30] =	ssyncset.done $0x0  }
0x194: {  	[sflag:s30] =	ssyncadd.s32 $0xFFFFF800  }
0x195: {  	_ =	swait.ge [sflag:s30], $0x800  }
0x196: {  	[sflag:s30] =	ssyncset.done $0x0  }
0x197: {  	s15 =	simm.s32 $0x7;
	[sflag:s30] =	ssyncadd.s32 $0xFFFFF800  }
0x198: {  	_ =	swait.ge [sflag:s15], $0x800  }
0x199: {  	[sflag:s15] =	ssyncset.done $0x0  }
0x19a: {  	[sflag:s15] =	ssyncadd.s32 $0xFFFFF800  }
0x19b: {  	_ =	swait.ge [sflag:s15], $0x800  }
0x19c: {  	[sflag:s15] =	ssyncset.done $0x0  }
0x19d: {  	[sflag:s15] =	ssyncadd.s32 $0xFFFFF800  }
0x19e: {  	_ =	swait.ge [sflag:s15], $0x800  }
0x19f: {  	[sflag:s15] =	ssyncset.done $0x0  }
0x1a0: {  	[sflag:s15] =	ssyncadd.s32 $0xFFFFF800  }
0x1a1: {  	_ =	swait.ge [sflag:s15], $0x800  }
0x1a2: {  	[sflag:s15] =	ssyncset.done $0x0  }
0x1a3: {  	s23 =	simm.s32 $0x8;
	[sflag:s15] =	ssyncadd.s32 $0xFFFFF800  }
0x1a4: {  	_ =	swait.ge [sflag:s23], $0x800  }
0x1a5: {  	[sflag:s23] =	ssyncset.done $0x0  }
0x1a6: {  	[sflag:s23] =	ssyncadd.s32 $0xFFFFF800  }
0x1a7: {  	_ =	swait.ge [sflag:s23], $0x800  }
0x1a8: {  	[sflag:s23] =	ssyncset.done $0x0  }
0x1a9: {  	[sflag:s23] =	ssyncadd.s32 $0xFFFFF800  }
0x1aa: {  	_ =	swait.ge [sflag:s23], $0x800  }
0x1ab: {  	[sflag:s23] =	ssyncset.done $0x0  }
0x1ac: {  	[sflag:s23] =	ssyncadd.s32 $0xFFFFF800  }
0x1ad: {  	_ =	swait.ge [sflag:s23], $0x800  }
0x1ae: {  	s29 =	simm.s32 $0x0;
	s15 =	simm.s32 $0x80;
	[sflag:s23] =	ssyncset.done $0x0  }
0x1af: {  	s24 =	rddreg [dreg:$0x13];
	[sflag:s23] =	ssyncadd.s32 $0xFFFFF800;
	s23 =	simm.s32 $0x100  }
0x1b0: {  	[tilespmem:s29], [sflag:$0x9] =	stream.strided.gather [hbm4b:s24+s15], $0xA00, s23, s15, $0x38;
	[tilespmem:$0x1D400] =	vst v63  }
0x1b1: {  	_ =	swait.ge [sflag:s26], $0xA00  }
0x1b2: {  	[sflag:s26] =	ssyncset.done $0x0  }
0x1b3: {  	s24 =	simm.s32 $0xA00;
	s30 =	rddreg [dreg:$0x14];
	[sflag:s26] =	ssyncadd.s32 $0xFFFFF600  }
0x1b4: {  	[tilespmem:s24], [sflag:$0x9] =	stream.strided.gather [hbm4b:s30+s15], $0xA00, s23, s15, $0x38;
	[tilespmem:$0x1D400] =	vst v63  }
0x1b5: {  	_ =	swait.ge [sflag:s26], $0xA00  }
0x1b6: {  	[sflag:s26] =	ssyncset.done $0x0  }
0x1b7: {  	[sflag:s26] =	ssyncadd.s32 $0xFFFFF600  }
0x1b8: {  	[tilespmem:s25], [sflag:$0x1] =	stream.indirect.gather [hbm4b:s1+s31], $0x80, s29, s31, $0xb8;
	[tilespmem:$0x1D400] =	vst v63  }
0x1b9: {  	_ = 	snop  }
0x1ba: {  	[tilespmem:s2], [sflag:$0x2] =	stream.indirect.gather [hbm4b:s1+s31], $0x80, s31, s31, $0xb8;
	[tilespmem:$0x1D400] =	vst v63  }
0x1bb: {  	s28 =	simm.s32 $0xC0  }
0x1bc: {  	[tilespmem:s0], [sflag:$0x3] =	stream.indirect.gather [hbm4b:s1+s31], $0x80, s15, s31, $0xb8;
	[tilespmem:$0x1D400] =	vst v63  }
.LBB2_8:
0x1bd: {  	p0 =	seq.s32 s29, $0x0  }
0x1be: {  	s15 =	simm.s32 @!p0 $0x8  }
0x1bf: {  	_ =	swait.ge @!p0 [sflag:s15], $0x800  }
0x1c0: {  	[sflag:s15] =	ssyncset.done @!p0 $0x0  }
0x1c1: {  	[sflag:s15] =	ssyncadd.s32 @!p0 $0xFFFFF800  }
0x1c2: {  	_ =	swait.ge @!p0 [sflag:s15], $0x800  }
0x1c3: {  	[sflag:s15] =	ssyncset.done @!p0 $0x0  }
0x1c4: {  	[sflag:s15] =	ssyncadd.s32 @!p0 $0xFFFFF800  }
0x1c5: {  	_ =	swait.ge @!p0 [sflag:s15], $0x800  }
0x1c6: {  	[sflag:s15] =	ssyncset.done @!p0 $0x0  }
0x1c7: {  	[sflag:s15] =	ssyncadd.s32 @!p0 $0xFFFFF800  }
0x1c8: {  	_ =	swait.ge @!p0 [sflag:s15], $0x800  }
0x1c9: {  	s5 =	sshra.s32 s29, $0x2;
	[sflag:s15] =	ssyncset.done @!p0 $0x0  }
0x1ca: {  	s30 =	sadd.s32 $0xC0, s5;
	[sflag:s15] =	ssyncadd.s32 @!p0 $0xFFFFF800  }
0x1cb: {  	[tilespmem:s4], [sflag:$0x4] =	stream.indirect.gather [hbm4b:s1+s31], $0x80, s30, s31, $0xb8;
	[tilespmem:$0x1D400] =	vst v63  }
0x1cc: {  	_ =	swait.ge [sflag:s6], $0x2000  }
0x1cd: {  	[sflag:s6] =	ssyncset.done $0x0  }
0x1ce: {  	[sflag:s6] =	ssyncadd.s32 $0xFFFFE000  }
0x1cf: {  	v1 =	vld [tilespmem:s5+$0xA00];
	_ =	sdelay $0x7  }
0x1d0: {  	[spmem:s3] =	stream.indirect_vreg.scatter.add.f32 [tilespmem:s25], [sflag:$0x5], $0x80, v1, vm0, $0xb8;
	[tilespmem:$0x1D400] =	vst v63  }
0x1d1: {  	v1 =	vld [tilespmem:s5+$0xA10];
	_ =	sdelay $0x7  }
0x1d2: {  	[spmem:s3] =	stream.indirect_vreg.scatter.add.f32 [tilespmem:s7], [sflag:$0x5], $0x80, v1, vm0, $0xb8;
	[tilespmem:$0x1D400] =	vst v63  }
0x1d3: {  	v1 =	vld [tilespmem:s5+$0xA20];
	_ =	sdelay $0x7  }
0x1d4: {  	[spmem:s3] =	stream.indirect_vreg.scatter.add.f32 [tilespmem:s8], [sflag:$0x5], $0x80, v1, vm0, $0xb8;
	[tilespmem:$0x1D400] =	vst v63  }
0x1d5: {  	v1 =	vld [tilespmem:s5+$0xA30];
	_ =	sdelay $0x5  }
0x1d6: {  	p0 =	seq.s32 s29, $0x2400  }
0x1d7: {  	s15 =	simm.s32 @!p0 $0x5  }
0x1d8: {  	[spmem:s3] =	stream.indirect_vreg.scatter.add.f32 [tilespmem:s9], [sflag:$0x5], $0x80, v1, vm0, $0xb8;
	[tilespmem:$0x1D400] =	vst v63  }
0x1d9: {  	_ =	swait.ge @!p0 [sflag:s15], $0x800  }
0x1da: {  	[sflag:s15] =	ssyncset.done @!p0 $0x0  }
0x1db: {  	[sflag:s15] =	ssyncadd.s32 @!p0 $0xFFFFF800  }
0x1dc: {  	_ =	swait.ge @!p0 [sflag:s15], $0x800  }
0x1dd: {  	[sflag:s15] =	ssyncset.done @!p0 $0x0  }
0x1de: {  	[sflag:s15] =	ssyncadd.s32 @!p0 $0xFFFFF800  }
0x1df: {  	_ =	swait.ge @!p0 [sflag:s15], $0x800  }
0x1e0: {  	[sflag:s15] =	ssyncset.done @!p0 $0x0  }
0x1e1: {  	[sflag:s15] =	ssyncadd.s32 @!p0 $0xFFFFF800  }
0x1e2: {  	_ =	swait.ge @!p0 [sflag:s15], $0x800  }
0x1e3: {  	[sflag:s15] =	ssyncset.done @!p0 $0x0  }
0x1e4: {  	[sflag:s15] =	ssyncadd.s32 @!p0 $0xFFFFF800;
	s15 =	sshra.s32 @!p0 s29, $0x2  }
0x1e5: {  	s24 =	simm.s32 @!p0 $0x40;
	s30 =	simm.s32 @!p0 $0x1400;
	s23 =	sadd.s32 @!p0 $0x100, s15  }
0x1e6: {  	[tilespmem:s30], [sflag:$0x1] =	stream.indirect.gather @!p0 [hbm4b:s1+s24], $0x80, s23, s24, $0xb8;
	[tilespmem:$0x1D400] =	vst v63  }
0x1e7: {  	_ =	swait.ge [sflag:s10], $0x2000  }
0x1e8: {  	[sflag:s10] =	ssyncset.done $0x0  }
0x1e9: {  	[sflag:s10] =	ssyncadd.s32 $0xFFFFE000  }
0x1ea: {  	v1 =	vld [tilespmem:s5+$0xA40];
	_ =	sdelay $0x7  }
0x1eb: {  	[spmem:s3] =	stream.indirect_vreg.scatter.add.f32 [tilespmem:s2], [sflag:$0x6], $0x80, v1, vm0, $0xb8;
	[tilespmem:$0x1D400] =	vst v63  }
0x1ec: {  	v1 =	vld [tilespmem:s5+$0xA50];
	_ =	sdelay $0x7  }
0x1ed: {  	[spmem:s3] =	stream.indirect_vreg.scatter.add.f32 [tilespmem:s11], [sflag:$0x6], $0x80, v1, vm0, $0xb8;
	[tilespmem:$0x1D400] =	vst v63  }
0x1ee: {  	v1 =	vld [tilespmem:s5+$0xA60];
	_ =	sdelay $0x7  }
0x1ef: {  	[spmem:s3] =	stream.indirect_vreg.scatter.add.f32 [tilespmem:s12], [sflag:$0x6], $0x80, v1, vm0, $0xb8;
	[tilespmem:$0x1D400] =	vst v63  }
0x1f0: {  	v1 =	vld [tilespmem:s5+$0xA70];
	_ =	sdelay $0x6  }
0x1f1: {  	s23 =	simm.s32 @!p0 $0x6  }
0x1f2: {  	[spmem:s3] =	stream.indirect_vreg.scatter.add.f32 [tilespmem:s13], [sflag:$0x6], $0x80, v1, vm0, $0xb8;
	[tilespmem:$0x1D400] =	vst v63  }
0x1f3: {  	_ =	swait.ge @!p0 [sflag:s23], $0x800  }
0x1f4: {  	[sflag:s23] =	ssyncset.done @!p0 $0x0  }
0x1f5: {  	[sflag:s23] =	ssyncadd.s32 @!p0 $0xFFFFF800  }
0x1f6: {  	_ =	swait.ge @!p0 [sflag:s23], $0x800  }
0x1f7: {  	[sflag:s23] =	ssyncset.done @!p0 $0x0  }
0x1f8: {  	[sflag:s23] =	ssyncadd.s32 @!p0 $0xFFFFF800  }
0x1f9: {  	_ =	swait.ge @!p0 [sflag:s23], $0x800  }
0x1fa: {  	[sflag:s23] =	ssyncset.done @!p0 $0x0  }
0x1fb: {  	[sflag:s23] =	ssyncadd.s32 @!p0 $0xFFFFF800  }
0x1fc: {  	_ =	swait.ge @!p0 [sflag:s23], $0x800  }
0x1fd: {  	[sflag:s23] =	ssyncset.done @!p0 $0x0  }
0x1fe: {  	s30 =	simm.s32 @!p0 $0x3400;
	[sflag:s23] =	ssyncadd.s32 @!p0 $0xFFFFF800;
	s23 =	sadd.s32 @!p0 $0x140, s15  }
0x1ff: {  	[tilespmem:s30], [sflag:$0x2] =	stream.indirect.gather @!p0 [hbm4b:s1+s24], $0x80, s23, s24, $0xb8;
	[tilespmem:$0x1D400] =	vst v63  }
0x200: {  	_ =	swait.ge [sflag:s14], $0x2000  }
0x201: {  	[sflag:s14] =	ssyncset.done $0x0  }
0x202: {  	[sflag:s14] =	ssyncadd.s32 $0xFFFFE000  }
0x203: {  	v1 =	vld [tilespmem:s5+$0xA80];
	_ =	sdelay $0x7  }
0x204: {  	[spmem:s3] =	stream.indirect_vreg.scatter.add.f32 [tilespmem:s0], [sflag:$0x7], $0x80, v1, vm0, $0xb8;
	[tilespmem:$0x1D400] =	vst v63  }
0x205: {  	v1 =	vld [tilespmem:s5+$0xA90];
	_ =	sdelay $0x7  }
0x206: {  	[spmem:s3] =	stream.indirect_vreg.scatter.add.f32 [tilespmem:s16], [sflag:$0x7], $0x80, v1, vm0, $0xb8;
	[tilespmem:$0x1D400] =	vst v63  }
0x207: {  	v1 =	vld [tilespmem:s5+$0xAA0];
	_ =	sdelay $0x7  }
0x208: {  	[spmem:s3] =	stream.indirect_vreg.scatter.add.f32 [tilespmem:s17], [sflag:$0x7], $0x80, v1, vm0, $0xb8;
	[tilespmem:$0x1D400] =	vst v63  }
0x209: {  	v1 =	vld [tilespmem:s5+$0xAB0];
	_ =	sdelay $0x6  }
0x20a: {  	s23 =	simm.s32 @!p0 $0x7  }
0x20b: {  	[spmem:s3] =	stream.indirect_vreg.scatter.add.f32 [tilespmem:s18], [sflag:$0x7], $0x80, v1, vm0, $0xb8;
	[tilespmem:$0x1D400] =	vst v63  }
0x20c: {  	_ =	swait.ge @!p0 [sflag:s23], $0x800  }
0x20d: {  	[sflag:s23] =	ssyncset.done @!p0 $0x0  }
0x20e: {  	[sflag:s23] =	ssyncadd.s32 @!p0 $0xFFFFF800  }
0x20f: {  	_ =	swait.ge @!p0 [sflag:s23], $0x800  }
0x210: {  	[sflag:s23] =	ssyncset.done @!p0 $0x0  }
0x211: {  	[sflag:s23] =	ssyncadd.s32 @!p0 $0xFFFFF800  }
0x212: {  	_ =	swait.ge @!p0 [sflag:s23], $0x800  }
0x213: {  	[sflag:s23] =	ssyncset.done @!p0 $0x0  }
0x214: {  	[sflag:s23] =	ssyncadd.s32 @!p0 $0xFFFFF800  }
0x215: {  	_ =	swait.ge @!p0 [sflag:s23], $0x800  }
0x216: {  	[sflag:s23] =	ssyncset.done @!p0 $0x0  }
0x217: {  	s15 =	sadd.s32 @!p0 $0x180, s15;
	[sflag:s23] =	ssyncadd.s32 @!p0 $0xFFFFF800;
	s23 =	simm.s32 @!p0 $0x5400  }
0x218: {  	[tilespmem:s23], [sflag:$0x3] =	stream.indirect.gather @!p0 [hbm4b:s1+s24], $0x80, s15, s24, $0xb8;
	[tilespmem:$0x1D400] =	vst v63  }
0x219: {  	_ =	swait.ge [sflag:s19], $0x2000  }
0x21a: {  	[sflag:s19] =	ssyncset.done $0x0  }
0x21b: {  	[sflag:s19] =	ssyncadd.s32 $0xFFFFE000  }
0x21c: {  	v1 =	vld [tilespmem:s5+$0xAC0];
	_ =	sdelay $0x6  }
0x21d: {  	s23 =	sor.u32 $0x50, s28  }
0x21e: {  	[spmem:s3] =	stream.indirect_vreg.scatter.add.f32 [tilespmem:s4], [sflag:$0x8], $0x80, v1, vm0, $0xb8;
	[tilespmem:$0x1D400] =	vst v63  }
0x21f: {  	v1 =	vld [tilespmem:s23+$0xA00];
	_ =	sdelay $0x6  }
0x220: {  	s24 =	sor.u32 $0x60, s28  }
0x221: {  	[spmem:s3] =	stream.indirect_vreg.scatter.add.f32 [tilespmem:s20], [sflag:$0x8], $0x80, v1, vm0, $0xb8;
	[tilespmem:$0x1D400] =	vst v63  }
0x222: {  	v1 =	vld [tilespmem:s24+$0xA00];
	_ =	sdelay $0x6  }
0x223: {  	s30 =	sor.u32 $0x70, s28  }
0x224: {  	[spmem:s3] =	stream.indirect_vreg.scatter.add.f32 [tilespmem:s21], [sflag:$0x8], $0x80, v1, vm0, $0xb8;
	[tilespmem:$0x1D400] =	vst v63  }
0x225: {  	v1 =	vld [tilespmem:s30+$0xA00];
	_ =	sdelay $0x1  }
0x226: {  	s29 =	sadd.s32 $0x400, s29  }
0x227: {  	p0 =	sne.s32 s29, $0x2800  }
.Ltmp3:
0x228: {  	_ = 	snop;
	(pc) =	sbr.rel @p0 .LBB2_8-.Ltmp3, $3  }
0x229: {  	_ =	sdelay $0x1  }
0x22a: {  	s28 =	sadd.s32 $0x100, s28  }
0x22b: {  	[spmem:s3] =	stream.indirect_vreg.scatter.add.f32 [tilespmem:s22], [sflag:$0x8], $0x80, v1, vm0, $0xb8;
	[tilespmem:$0x1D400] =	vst v63  }
0x22c: {  	s5 =	simm.s32 $0x5  }
0x22d: {  	_ =	swait.ge [sflag:s5], $0x800  }
0x22e: {  	[sflag:s5] =	ssyncset.done $0x0  }
0x22f: {  	[sflag:s5] =	ssyncadd.s32 $0xFFFFF800  }
0x230: {  	_ =	swait.ge [sflag:s5], $0x800  }
0x231: {  	[sflag:s5] =	ssyncset.done $0x0  }
0x232: {  	[sflag:s5] =	ssyncadd.s32 $0xFFFFF800  }
0x233: {  	_ =	swait.ge [sflag:s5], $0x800  }
0x234: {  	[sflag:s5] =	ssyncset.done $0x0  }
0x235: {  	[sflag:s5] =	ssyncadd.s32 $0xFFFFF800  }
0x236: {  	_ =	swait.ge [sflag:s5], $0x800  }
0x237: {  	[sflag:s5] =	ssyncset.done $0x0  }
0x238: {  	s30 =	simm.s32 $0x6;
	[sflag:s5] =	ssyncadd.s32 $0xFFFFF800  }
0x239: {  	_ =	swait.ge [sflag:s30], $0x800  }
0x23a: {  	[sflag:s30] =	ssyncset.done $0x0  }
0x23b: {  	[sflag:s30] =	ssyncadd.s32 $0xFFFFF800  }
0x23c: {  	_ =	swait.ge [sflag:s30], $0x800  }
0x23d: {  	[sflag:s30] =	ssyncset.done $0x0  }
0x23e: {  	[sflag:s30] =	ssyncadd.s32 $0xFFFFF800  }
0x23f: {  	_ =	swait.ge [sflag:s30], $0x800  }
0x240: {  	[sflag:s30] =	ssyncset.done $0x0  }
0x241: {  	[sflag:s30] =	ssyncadd.s32 $0xFFFFF800  }
0x242: {  	_ =	swait.ge [sflag:s30], $0x800  }
0x243: {  	[sflag:s30] =	ssyncset.done $0x0  }
0x244: {  	s15 =	simm.s32 $0x7;
	[sflag:s30] =	ssyncadd.s32 $0xFFFFF800  }
0x245: {  	_ =	swait.ge [sflag:s15], $0x800  }
0x246: {  	[sflag:s15] =	ssyncset.done $0x0  }
0x247: {  	[sflag:s15] =	ssyncadd.s32 $0xFFFFF800  }
0x248: {  	_ =	swait.ge [sflag:s15], $0x800  }
0x249: {  	[sflag:s15] =	ssyncset.done $0x0  }
0x24a: {  	[sflag:s15] =	ssyncadd.s32 $0xFFFFF800  }
0x24b: {  	_ =	swait.ge [sflag:s15], $0x800  }
0x24c: {  	[sflag:s15] =	ssyncset.done $0x0  }
0x24d: {  	[sflag:s15] =	ssyncadd.s32 $0xFFFFF800  }
0x24e: {  	_ =	swait.ge [sflag:s15], $0x800  }
0x24f: {  	[sflag:s15] =	ssyncset.done $0x0  }
0x250: {  	s23 =	simm.s32 $0x8;
	[sflag:s15] =	ssyncadd.s32 $0xFFFFF800  }
0x251: {  	_ =	swait.ge [sflag:s23], $0x800  }
0x252: {  	[sflag:s23] =	ssyncset.done $0x0  }
0x253: {  	[sflag:s23] =	ssyncadd.s32 $0xFFFFF800  }
0x254: {  	_ =	swait.ge [sflag:s23], $0x800  }
0x255: {  	[sflag:s23] =	ssyncset.done $0x0  }
0x256: {  	[sflag:s23] =	ssyncadd.s32 $0xFFFFF800  }
0x257: {  	_ =	swait.ge [sflag:s23], $0x800  }
0x258: {  	[sflag:s23] =	ssyncset.done $0x0  }
0x259: {  	[sflag:s23] =	ssyncadd.s32 $0xFFFFF800  }
0x25a: {  	_ =	swait.ge [sflag:s23], $0x800  }
0x25b: {  	s29 =	simm.s32 $0x0;
	s15 =	simm.s32 $0x80;
	[sflag:s23] =	ssyncset.done $0x0  }
0x25c: {  	s24 =	rddreg [dreg:$0x15];
	[sflag:s23] =	ssyncadd.s32 $0xFFFFF800;
	s23 =	simm.s32 $0x100  }
0x25d: {  	[tilespmem:s29], [sflag:$0x9] =	stream.strided.gather [hbm4b:s24+s15], $0xA00, s23, s15, $0x38;
	[tilespmem:$0x1D400] =	vst v63  }
0x25e: {  	_ =	swait.ge [sflag:s26], $0xA00  }
0x25f: {  	[sflag:s26] =	ssyncset.done $0x0  }
0x260: {  	s24 =	simm.s32 $0xA00;
	s30 =	rddreg [dreg:$0x16];
	[sflag:s26] =	ssyncadd.s32 $0xFFFFF600  }
0x261: {  	[tilespmem:s24], [sflag:$0x9] =	stream.strided.gather [hbm4b:s30+s15], $0xA00, s23, s15, $0x38;
	[tilespmem:$0x1D400] =	vst v63  }
0x262: {  	_ =	swait.ge [sflag:s26], $0xA00  }
0x263: {  	[sflag:s26] =	ssyncset.done $0x0  }
0x264: {  	[sflag:s26] =	ssyncadd.s32 $0xFFFFF600  }
0x265: {  	[tilespmem:s25], [sflag:$0x1] =	stream.indirect.gather [hbm4b:s1+s31], $0x80, s29, s31, $0xb8;
	[tilespmem:$0x1D400] =	vst v63  }
0x266: {  	_ = 	snop  }
0x267: {  	[tilespmem:s2], [sflag:$0x2] =	stream.indirect.gather [hbm4b:s1+s31], $0x80, s31, s31, $0xb8;
	[tilespmem:$0x1D400] =	vst v63  }
0x268: {  	s28 =	simm.s32 $0xC0  }
0x269: {  	[tilespmem:s0], [sflag:$0x3] =	stream.indirect.gather [hbm4b:s1+s31], $0x80, s15, s31, $0xb8;
	[tilespmem:$0x1D400] =	vst v63  }
.LBB2_10:
0x26a: {  	p0 =	seq.s32 s29, $0x0  }
0x26b: {  	s15 =	simm.s32 @!p0 $0x8  }
0x26c: {  	_ =	swait.ge @!p0 [sflag:s15], $0x800  }
0x26d: {  	[sflag:s15] =	ssyncset.done @!p0 $0x0  }
0x26e: {  	[sflag:s15] =	ssyncadd.s32 @!p0 $0xFFFFF800  }
0x26f: {  	_ =	swait.ge @!p0 [sflag:s15], $0x800  }
0x270: {  	[sflag:s15] =	ssyncset.done @!p0 $0x0  }
0x271: {  	[sflag:s15] =	ssyncadd.s32 @!p0 $0xFFFFF800  }
0x272: {  	_ =	swait.ge @!p0 [sflag:s15], $0x800  }
0x273: {  	[sflag:s15] =	ssyncset.done @!p0 $0x0  }
0x274: {  	[sflag:s15] =	ssyncadd.s32 @!p0 $0xFFFFF800  }
0x275: {  	_ =	swait.ge @!p0 [sflag:s15], $0x800  }
0x276: {  	s5 =	sshra.s32 s29, $0x2;
	[sflag:s15] =	ssyncset.done @!p0 $0x0  }
0x277: {  	s30 =	sadd.s32 $0xC0, s5;
	[sflag:s15] =	ssyncadd.s32 @!p0 $0xFFFFF800  }
0x278: {  	[tilespmem:s4], [sflag:$0x4] =	stream.indirect.gather [hbm4b:s1+s31], $0x80, s30, s31, $0xb8;
	[tilespmem:$0x1D400] =	vst v63  }
0x279: {  	_ =	swait.ge [sflag:s6], $0x2000  }
0x27a: {  	[sflag:s6] =	ssyncset.done $0x0  }
0x27b: {  	[sflag:s6] =	ssyncadd.s32 $0xFFFFE000  }
0x27c: {  	v1 =	vld [tilespmem:s5+$0xA00];
	_ =	sdelay $0x7  }
0x27d: {  	[spmem:s3] =	stream.indirect_vreg.scatter.add.f32 [tilespmem:s25], [sflag:$0x5], $0x80, v1, vm0, $0xb8;
	[tilespmem:$0x1D400] =	vst v63  }
0x27e: {  	v1 =	vld [tilespmem:s5+$0xA10];
	_ =	sdelay $0x7  }
0x27f: {  	[spmem:s3] =	stream.indirect_vreg.scatter.add.f32 [tilespmem:s7], [sflag:$0x5], $0x80, v1, vm0, $0xb8;
	[tilespmem:$0x1D400] =	vst v63  }
0x280: {  	v1 =	vld [tilespmem:s5+$0xA20];
	_ =	sdelay $0x7  }
0x281: {  	[spmem:s3] =	stream.indirect_vreg.scatter.add.f32 [tilespmem:s8], [sflag:$0x5], $0x80, v1, vm0, $0xb8;
	[tilespmem:$0x1D400] =	vst v63  }
0x282: {  	v1 =	vld [tilespmem:s5+$0xA30];
	_ =	sdelay $0x5  }
0x283: {  	p0 =	seq.s32 s29, $0x2400  }
0x284: {  	s15 =	simm.s32 @!p0 $0x5  }
0x285: {  	[spmem:s3] =	stream.indirect_vreg.scatter.add.f32 [tilespmem:s9], [sflag:$0x5], $0x80, v1, vm0, $0xb8;
	[tilespmem:$0x1D400] =	vst v63  }
0x286: {  	_ =	swait.ge @!p0 [sflag:s15], $0x800  }
0x287: {  	[sflag:s15] =	ssyncset.done @!p0 $0x0  }
0x288: {  	[sflag:s15] =	ssyncadd.s32 @!p0 $0xFFFFF800  }
0x289: {  	_ =	swait.ge @!p0 [sflag:s15], $0x800  }
0x28a: {  	[sflag:s15] =	ssyncset.done @!p0 $0x0  }
0x28b: {  	[sflag:s15] =	ssyncadd.s32 @!p0 $0xFFFFF800  }
0x28c: {  	_ =	swait.ge @!p0 [sflag:s15], $0x800  }
0x28d: {  	[sflag:s15] =	ssyncset.done @!p0 $0x0  }
0x28e: {  	[sflag:s15] =	ssyncadd.s32 @!p0 $0xFFFFF800  }
0x28f: {  	_ =	swait.ge @!p0 [sflag:s15], $0x800  }
0x290: {  	[sflag:s15] =	ssyncset.done @!p0 $0x0  }
0x291: {  	[sflag:s15] =	ssyncadd.s32 @!p0 $0xFFFFF800;
	s15 =	sshra.s32 @!p0 s29, $0x2  }
0x292: {  	s24 =	simm.s32 @!p0 $0x40;
	s30 =	simm.s32 @!p0 $0x1400;
	s23 =	sadd.s32 @!p0 $0x100, s15  }
0x293: {  	[tilespmem:s30], [sflag:$0x1] =	stream.indirect.gather @!p0 [hbm4b:s1+s24], $0x80, s23, s24, $0xb8;
	[tilespmem:$0x1D400] =	vst v63  }
0x294: {  	_ =	swait.ge [sflag:s10], $0x2000  }
0x295: {  	[sflag:s10] =	ssyncset.done $0x0  }
0x296: {  	[sflag:s10] =	ssyncadd.s32 $0xFFFFE000  }
0x297: {  	v1 =	vld [tilespmem:s5+$0xA40];
	_ =	sdelay $0x7  }
0x298: {  	[spmem:s3] =	stream.indirect_vreg.scatter.add.f32 [tilespmem:s2], [sflag:$0x6], $0x80, v1, vm0, $0xb8;
	[tilespmem:$0x1D400] =	vst v63  }
0x299: {  	v1 =	vld [tilespmem:s5+$0xA50];
	_ =	sdelay $0x7  }
0x29a: {  	[spmem:s3] =	stream.indirect_vreg.scatter.add.f32 [tilespmem:s11], [sflag:$0x6], $0x80, v1, vm0, $0xb8;
	[tilespmem:$0x1D400] =	vst v63  }
0x29b: {  	v1 =	vld [tilespmem:s5+$0xA60];
	_ =	sdelay $0x7  }
0x29c: {  	[spmem:s3] =	stream.indirect_vreg.scatter.add.f32 [tilespmem:s12], [sflag:$0x6], $0x80, v1, vm0, $0xb8;
	[tilespmem:$0x1D400] =	vst v63  }
0x29d: {  	v1 =	vld [tilespmem:s5+$0xA70];
	_ =	sdelay $0x6  }
0x29e: {  	s23 =	simm.s32 @!p0 $0x6  }
0x29f: {  	[spmem:s3] =	stream.indirect_vreg.scatter.add.f32 [tilespmem:s13], [sflag:$0x6], $0x80, v1, vm0, $0xb8;
	[tilespmem:$0x1D400] =	vst v63  }
0x2a0: {  	_ =	swait.ge @!p0 [sflag:s23], $0x800  }
0x2a1: {  	[sflag:s23] =	ssyncset.done @!p0 $0x0  }
0x2a2: {  	[sflag:s23] =	ssyncadd.s32 @!p0 $0xFFFFF800  }
0x2a3: {  	_ =	swait.ge @!p0 [sflag:s23], $0x800  }
0x2a4: {  	[sflag:s23] =	ssyncset.done @!p0 $0x0  }
0x2a5: {  	[sflag:s23] =	ssyncadd.s32 @!p0 $0xFFFFF800  }
0x2a6: {  	_ =	swait.ge @!p0 [sflag:s23], $0x800  }
0x2a7: {  	[sflag:s23] =	ssyncset.done @!p0 $0x0  }
0x2a8: {  	[sflag:s23] =	ssyncadd.s32 @!p0 $0xFFFFF800  }
0x2a9: {  	_ =	swait.ge @!p0 [sflag:s23], $0x800  }
0x2aa: {  	[sflag:s23] =	ssyncset.done @!p0 $0x0  }
0x2ab: {  	s30 =	simm.s32 @!p0 $0x3400;
	[sflag:s23] =	ssyncadd.s32 @!p0 $0xFFFFF800;
	s23 =	sadd.s32 @!p0 $0x140, s15  }
0x2ac: {  	[tilespmem:s30], [sflag:$0x2] =	stream.indirect.gather @!p0 [hbm4b:s1+s24], $0x80, s23, s24, $0xb8;
	[tilespmem:$0x1D400] =	vst v63  }
0x2ad: {  	_ =	swait.ge [sflag:s14], $0x2000  }
0x2ae: {  	[sflag:s14] =	ssyncset.done $0x0  }
0x2af: {  	[sflag:s14] =	ssyncadd.s32 $0xFFFFE000  }
0x2b0: {  	v1 =	vld [tilespmem:s5+$0xA80];
	_ =	sdelay $0x7  }
0x2b1: {  	[spmem:s3] =	stream.indirect_vreg.scatter.add.f32 [tilespmem:s0], [sflag:$0x7], $0x80, v1, vm0, $0xb8;
	[tilespmem:$0x1D400] =	vst v63  }
0x2b2: {  	v1 =	vld [tilespmem:s5+$0xA90];
	_ =	sdelay $0x7  }
0x2b3: {  	[spmem:s3] =	stream.indirect_vreg.scatter.add.f32 [tilespmem:s16], [sflag:$0x7], $0x80, v1, vm0, $0xb8;
	[tilespmem:$0x1D400] =	vst v63  }
0x2b4: {  	v1 =	vld [tilespmem:s5+$0xAA0];
	_ =	sdelay $0x7  }
0x2b5: {  	[spmem:s3] =	stream.indirect_vreg.scatter.add.f32 [tilespmem:s17], [sflag:$0x7], $0x80, v1, vm0, $0xb8;
	[tilespmem:$0x1D400] =	vst v63  }
0x2b6: {  	v1 =	vld [tilespmem:s5+$0xAB0];
	_ =	sdelay $0x6  }
0x2b7: {  	s23 =	simm.s32 @!p0 $0x7  }
0x2b8: {  	[spmem:s3] =	stream.indirect_vreg.scatter.add.f32 [tilespmem:s18], [sflag:$0x7], $0x80, v1, vm0, $0xb8;
	[tilespmem:$0x1D400] =	vst v63  }
0x2b9: {  	_ =	swait.ge @!p0 [sflag:s23], $0x800  }
0x2ba: {  	[sflag:s23] =	ssyncset.done @!p0 $0x0  }
0x2bb: {  	[sflag:s23] =	ssyncadd.s32 @!p0 $0xFFFFF800  }
0x2bc: {  	_ =	swait.ge @!p0 [sflag:s23], $0x800  }
0x2bd: {  	[sflag:s23] =	ssyncset.done @!p0 $0x0  }
0x2be: {  	[sflag:s23] =	ssyncadd.s32 @!p0 $0xFFFFF800  }
0x2bf: {  	_ =	swait.ge @!p0 [sflag:s23], $0x800  }
0x2c0: {  	[sflag:s23] =	ssyncset.done @!p0 $0x0  }
0x2c1: {  	[sflag:s23] =	ssyncadd.s32 @!p0 $0xFFFFF800  }
0x2c2: {  	_ =	swait.ge @!p0 [sflag:s23], $0x800  }
0x2c3: {  	[sflag:s23] =	ssyncset.done @!p0 $0x0  }
0x2c4: {  	s15 =	sadd.s32 @!p0 $0x180, s15;
	[sflag:s23] =	ssyncadd.s32 @!p0 $0xFFFFF800;
	s23 =	simm.s32 @!p0 $0x5400  }
0x2c5: {  	[tilespmem:s23], [sflag:$0x3] =	stream.indirect.gather @!p0 [hbm4b:s1+s24], $0x80, s15, s24, $0xb8;
	[tilespmem:$0x1D400] =	vst v63  }
0x2c6: {  	_ =	swait.ge [sflag:s19], $0x2000  }
0x2c7: {  	[sflag:s19] =	ssyncset.done $0x0  }
0x2c8: {  	[sflag:s19] =	ssyncadd.s32 $0xFFFFE000  }
0x2c9: {  	v1 =	vld [tilespmem:s5+$0xAC0];
	_ =	sdelay $0x6  }
0x2ca: {  	s23 =	sor.u32 $0x50, s28  }
0x2cb: {  	[spmem:s3] =	stream.indirect_vreg.scatter.add.f32 [tilespmem:s4], [sflag:$0x8], $0x80, v1, vm0, $0xb8;
	[tilespmem:$0x1D400] =	vst v63  }
0x2cc: {  	v1 =	vld [tilespmem:s23+$0xA00];
	_ =	sdelay $0x6  }
0x2cd: {  	s24 =	sor.u32 $0x60, s28  }
0x2ce: {  	[spmem:s3] =	stream.indirect_vreg.scatter.add.f32 [tilespmem:s20], [sflag:$0x8], $0x80, v1, vm0, $0xb8;
	[tilespmem:$0x1D400] =	vst v63  }
0x2cf: {  	v1 =	vld [tilespmem:s24+$0xA00];
	_ =	sdelay $0x6  }
0x2d0: {  	s30 =	sor.u32 $0x70, s28  }
0x2d1: {  	[spmem:s3] =	stream.indirect_vreg.scatter.add.f32 [tilespmem:s21], [sflag:$0x8], $0x80, v1, vm0, $0xb8;
	[tilespmem:$0x1D400] =	vst v63  }
0x2d2: {  	v1 =	vld [tilespmem:s30+$0xA00];
	_ =	sdelay $0x1  }
0x2d3: {  	s29 =	sadd.s32 $0x400, s29  }
0x2d4: {  	p0 =	sne.s32 s29, $0x2800  }
.Ltmp4:
0x2d5: {  	_ = 	snop;
	(pc) =	sbr.rel @p0 .LBB2_10-.Ltmp4, $3  }
0x2d6: {  	_ =	sdelay $0x1  }
0x2d7: {  	s28 =	sadd.s32 $0x100, s28  }
0x2d8: {  	[spmem:s3] =	stream.indirect_vreg.scatter.add.f32 [tilespmem:s22], [sflag:$0x8], $0x80, v1, vm0, $0xb8;
	[tilespmem:$0x1D400] =	vst v63  }
0x2d9: {  	s5 =	simm.s32 $0x5  }
0x2da: {  	_ =	swait.ge [sflag:s5], $0x800  }
0x2db: {  	[sflag:s5] =	ssyncset.done $0x0  }
0x2dc: {  	[sflag:s5] =	ssyncadd.s32 $0xFFFFF800  }
0x2dd: {  	_ =	swait.ge [sflag:s5], $0x800  }
0x2de: {  	[sflag:s5] =	ssyncset.done $0x0  }
0x2df: {  	[sflag:s5] =	ssyncadd.s32 $0xFFFFF800  }
0x2e0: {  	_ =	swait.ge [sflag:s5], $0x800  }
0x2e1: {  	[sflag:s5] =	ssyncset.done $0x0  }
0x2e2: {  	[sflag:s5] =	ssyncadd.s32 $0xFFFFF800  }
0x2e3: {  	_ =	swait.ge [sflag:s5], $0x800  }
0x2e4: {  	[sflag:s5] =	ssyncset.done $0x0  }
0x2e5: {  	s15 =	simm.s32 $0x6;
	[sflag:s5] =	ssyncadd.s32 $0xFFFFF800  }
0x2e6: {  	_ =	swait.ge [sflag:s15], $0x800  }
0x2e7: {  	[sflag:s15] =	ssyncset.done $0x0  }
0x2e8: {  	[sflag:s15] =	ssyncadd.s32 $0xFFFFF800  }
0x2e9: {  	_ =	swait.ge [sflag:s15], $0x800  }
0x2ea: {  	[sflag:s15] =	ssyncset.done $0x0  }
0x2eb: {  	[sflag:s15] =	ssyncadd.s32 $0xFFFFF800  }
0x2ec: {  	_ =	swait.ge [sflag:s15], $0x800  }
0x2ed: {  	[sflag:s15] =	ssyncset.done $0x0  }
0x2ee: {  	[sflag:s15] =	ssyncadd.s32 $0xFFFFF800  }
0x2ef: {  	_ =	swait.ge [sflag:s15], $0x800  }
0x2f0: {  	[sflag:s15] =	ssyncset.done $0x0  }
0x2f1: {  	s23 =	simm.s32 $0x7;
	[sflag:s15] =	ssyncadd.s32 $0xFFFFF800  }
0x2f2: {  	_ =	swait.ge [sflag:s23], $0x800  }
0x2f3: {  	[sflag:s23] =	ssyncset.done $0x0  }
0x2f4: {  	[sflag:s23] =	ssyncadd.s32 $0xFFFFF800  }
0x2f5: {  	_ =	swait.ge [sflag:s23], $0x800  }
0x2f6: {  	[sflag:s23] =	ssyncset.done $0x0  }
0x2f7: {  	[sflag:s23] =	ssyncadd.s32 $0xFFFFF800  }
0x2f8: {  	_ =	swait.ge [sflag:s23], $0x800  }
0x2f9: {  	[sflag:s23] =	ssyncset.done $0x0  }
0x2fa: {  	[sflag:s23] =	ssyncadd.s32 $0xFFFFF800  }
0x2fb: {  	_ =	swait.ge [sflag:s23], $0x800  }
0x2fc: {  	[sflag:s23] =	ssyncset.done $0x0  }
0x2fd: {  	s24 =	simm.s32 $0x8;
	[sflag:s23] =	ssyncadd.s32 $0xFFFFF800  }
0x2fe: {  	_ =	swait.ge [sflag:s24], $0x800  }
0x2ff: {  	[sflag:s24] =	ssyncset.done $0x0  }
0x300: {  	[sflag:s24] =	ssyncadd.s32 $0xFFFFF800  }
0x301: {  	_ =	swait.ge [sflag:s24], $0x800  }
0x302: {  	[sflag:s24] =	ssyncset.done $0x0  }
0x303: {  	[sflag:s24] =	ssyncadd.s32 $0xFFFFF800  }
0x304: {  	_ =	swait.ge [sflag:s24], $0x800  }
0x305: {  	[sflag:s24] =	ssyncset.done $0x0  }
0x306: {  	[sflag:s24] =	ssyncadd.s32 $0xFFFFF800  }
0x307: {  	_ =	swait.ge [sflag:s24], $0x800  }
0x308: {  	[sflag:s24] =	ssyncset.done $0x0  }
0x309: {  	[sflag:s24] =	ssyncadd.s32 $0xFFFFF800  }
0x30a: {  	s28 =	stileid.u32;
	[bflag:$0x0] =	sbarrier.arrive $0xFFFF  }
0x30b: {  	s5 =	sshll.u32 s28, $0x6;
	s24 =	rddreg [dreg:$0x5]  }
0x30c: {  	s5 =	sor.u32 $0x1C09, s5;
	s23 =	rddreg [dreg:$0x17];
	s15 =	sshrl.u32 s24, $0x3  }
0x30d: {  	[hbm:s23], [sflag:s5] =	dma.local [spmem:s15], $0x2800  }
0x30e: {  	_ =	swait.ge [sflag:s26], $0x2800  }
0x30f: {  	s29 =	rddreg [dreg:$0x19]  }
0x310: {  	s30 =	rddreg [dreg:$0x18];
	s15 =	sadd.s32 $0x1, s29  }
0x311: {  	p0 =	sne.s32 s15, s30  }
.Ltmp5:
0x312: {  	_ = 	snop;
	(pc) =	sbr.rel @p0 .LBB2_1-.Ltmp5, $3  }
0x313: {  	_ =	sdelay $0x1  }
0x314: {  	[sflag:s26] =	ssyncset.done $0x0  }
0x315: {  	[sflag:s26] =	ssyncadd.s32 $0xFFFFD800  }
0x316: {  	_ =	sfence.sel $0x180000  }
0x317: {  	[bflag:$0x0] =	sbarrier.arrive $0xFFFF  }
0x318: {  	_ =	strace $0x90000047  }
0x319: {  	s0 =	stileid.u32;
	[bflag:$0x2] =	sbarrier.arrive $0xFFFF  }
0x31a: {  	p0 =	sne.s32 s0, $0x0;
	s0 =	rddreg [dreg:$0x4]  }
0x31b: {  	s0 =	sadd.s32 @!p0 $0x100000, s0  }
0x31c: {  	[sflag:s0] =	ssyncadd.tile.s32 @!p0 $0x1;
	_ =	shalt  }
.Lfunc_end2:
_tile_overlayer_lowered:
.L_overlay_start_2:
0x31d: {  	(tag) =	ssettag $0x2  }
0x31e: {  	s0 =	rddreg [dreg:$0x0];
	s2 =	stileid.u32  }
0x31f: {  	s1 =	rddreg [dreg:$0x1];
	p0 =	sne.s32 s2, $0x0  }
0x320: {  	s3 =	rddreg [dreg:$0x2];
	[bflag:$0x3] =	sbarrier.arrive $0xFFFF;
	s2 =	simm.s32 @!p0 $0x1C09  }
0x321: {  	[timem:s3], [sflag:s2] =	dma.local @!p0 [hbm:s0], s1  }
0x322: {  	s0 =	simm.s32 @!p0 $0x9  }
0x323: {  	_ =	swait.ge @!p0 [sflag:s0], s1  }
0x324: {  	s1 =	ssub.s32 @!p0 $0x0, s1;
	[sflag:s0] =	ssyncset.done @!p0 $0x0  }
0x325: {  	[sflag:s0] =	ssyncadd.s32 @!p0 s1  }
0x326: {  	[bflag:$0x3] =	sbarrier.arrive $0xFFFF  }
0x327: {  	_ =	shalt  }

</sc_bundles>
